<compile_context>
chip_gen: v7x
topology: tpu7x:2x2x1
jax: 0.10.2.dev20260603
libtpu: 0.0.44.dev20260713+nightly
codegen_flags: <defaults>
</compile_context>

<pallas_src>
import functools

import jax
import jax.numpy as jnp
import numpy as np
from jax import lax
from jax.experimental import pallas as pl
from jax.experimental.pallas import tpu as pltpu
from jax.experimental.pallas import tpu_sc as plsc

LOCAL_REGION = 16
GRANULARITY = 1024
INIT_RATIO = 64
EXPAND_RATIO = 2
N = 8192
BT = 128

def _windows():
    base = min(N // INIT_RATIO, GRANULARITY)
    ws, cursor, out = base, base, []
    while cursor < N:
        ws = min(ws * EXPAND_RATIO, GRANULARITY)
        t = min(ws, N - cursor)
        out.append((cursor, cursor, t))
        cursor += ws
    return out

WINDOWS = _windows()
NUM_TGT = sum(t for _, _, t in WINDOWS)
NIDX = NUM_TGT * LOCAL_REGION
NC, NS = 2, 16
NW = NC * NS
IDX_PAD = ((NIDX + 8 * NW * 128 - 1) // (NW * 128 * 8)) * (NW * 128 * 8)
CHUNKS = IDX_PAD // (NW * 128)
ROWS_W = CHUNKS * 128


def _knn_body(tgt_ref, ctx_ref, buf_ref, out_ref):
    del buf_ref
    tg = tgt_ref[...]
    ct = ctx_ref[...]
    t2 = jnp.sum(tg * tg, axis=1, keepdims=True)
    c2 = jnp.sum(ct * ct, axis=0, keepdims=True)
    d2 = t2 + c2 - 2.0 * jnp.dot(tg, ct, preferred_element_type=jnp.float32)
    BTw, C = d2.shape
    col = lax.broadcasted_iota(jnp.int32, (BTw, C), 1)
    kcol = lax.broadcasted_iota(jnp.int32, (BTw, LOCAL_REGION), 1)
    d2 = jnp.maximum(d2, 0.0)
    key = (lax.bitcast_convert_type(d2, jnp.int32) & jnp.int32(-8192)) | col
    infkey = jnp.int32(0x7F800000)
    idxs = jnp.zeros((BTw, LOCAL_REGION), jnp.int32)
    for k in range(LOCAL_REGION):
        m = jnp.min(key, axis=1)
        idxs = jnp.where(kcol == k, (m & 8191)[:, None], idxs)
        if k + 1 < LOCAL_REGION:
            key = jnp.where(key == m[:, None], infkey, key)
    out_ref[...] = idxs


def _knn_window(tgt8, ctxT8, buf, C, T, t_off, b_off):
    BTw = min(256, T)
    to, bo = t_off // BTw, b_off // BTw
    return pl.pallas_call(
        _knn_body,
        grid=(T // BTw,),
        in_specs=[
            pl.BlockSpec((BTw, 8), lambda i: (to + i, 0)),
            pl.BlockSpec((8, C), lambda i: (0, 0)),
            pl.BlockSpec(memory_space=pl.ANY),
        ],
        out_specs=pl.BlockSpec((BTw, LOCAL_REGION), lambda i: (bo + i, 0)),
        out_shape=jax.ShapeDtypeStruct(buf.shape, jnp.int32),
        input_output_aliases={2: 0},
    )(tgt8, ctxT8, buf)


def _sc_gather_body(chunks, table_hbm, idx_hbm, out_hbm, idx_v, rows_v, sem):
    wid = lax.axis_index("c") * NS + lax.axis_index("s")
    pltpu.sync_copy(idx_hbm.at[wid], idx_v)
    pending = []
    for j in range(chunks):
        h = pltpu.async_copy(table_hbm.at[idx_v.at[j]],
                             rows_v.at[pl.ds(j * 128, 128)], sem)
        pending.append(h)
        if len(pending) == 8 or j == chunks - 1:
            for h2 in pending:
                h2.wait()
            pending = []
    pltpu.sync_copy(rows_v, out_hbm.at[pl.ds(wid * chunks * 128, chunks * 128)])


def _gather(table16, idx_flat):
    n = idx_flat.shape[0]
    npad = -(-n // (NW * 128)) * (NW * 128)
    chunks = npad // (NW * 128)
    idx3 = jnp.pad(idx_flat, (0, npad - n)).reshape(NW, chunks, 128)
    mesh = plsc.VectorSubcoreMesh(core_axis_name="c", subcore_axis_name="s")
    k = functools.partial(
        pl.kernel,
        mesh=mesh,
        out_type=jax.ShapeDtypeStruct((npad, 16), jnp.float32),
        scratch_types=[
            pltpu.VMEM((chunks, 128), jnp.int32),
            pltpu.VMEM((chunks * 128, 16), jnp.float32),
            pltpu.SemaphoreType.DMA,
        ],
        compiler_params=pltpu.CompilerParams(use_tc_tiling_on_sc=False),
    )(functools.partial(_sc_gather_body, chunks))
    return k(table16, idx3)


def _mlp_body(g_ref, tg_ref, ta_ref, w0, b0, w1, b1, w2, b2, w3, b3, w4, b4,
              m0w, m0b, m1w, m1b, m2mu, m2sg, bmu, bsg, out_ref):
    g = g_ref[...]
    tg = tg_ref[...]
    BTc = tg.shape[0]
    col3 = lax.broadcasted_iota(jnp.int32, (BTc, LOCAL_REGION, 16), 2)
    delta = jnp.where(col3 < 3, g - tg[:, None, :], 0.0)
    attr = jnp.where(col3 == 3, g / 255.0,
                     jnp.where((col3 > 3) & (col3 < 6), g / 511.0, 0.0))
    nsq = jnp.sum(delta * delta, axis=2, keepdims=True)
    r = jnp.sqrt(jnp.max(nsq, axis=1, keepdims=True))
    h0 = delta / (r + 1e-8) + attr
    h = h0.reshape(BTc * LOCAL_REGION, 16)
    h = jnp.maximum(jnp.dot(h, w0[...], preferred_element_type=jnp.float32) + b0[...], 0.0)
    for w, b in ((w1, b1), (w2, b2), (w3, b3), (w4, b4)):
        h = jnp.maximum(jnp.dot(h, w[...], preferred_element_type=jnp.float32) + b[...], 0.0)
    feat = jnp.max(h.reshape(BTc, LOCAL_REGION, 128), axis=1)
    h2 = jnp.maximum(jnp.dot(feat, m0w[...], preferred_element_type=jnp.float32) + m0b[...], 0.0)
    h2 = jnp.maximum(jnp.dot(h2, m1w[...], preferred_element_type=jnp.float32) + m1b[...], 0.0)
    mu = (jnp.dot(h2, m2mu[...], preferred_element_type=jnp.float32) + bmu[...] + 0.5) * 255.0
    sg = jnp.clip(jnp.exp(jnp.dot(h2, m2sg[...], preferred_element_type=jnp.float32) + bsg[...]) * 32.0,
                  1e-10, 1e10)
    ta = ta_ref[...]

    def cdf(x):
        z = (x - mu) / sg
        t = jnp.abs(z)
        p = t * (1.0 - t * (1 / 2 - t * (1 / 6 - t * (1 / 24 - t * (
            1 / 120 - t * (1 / 720 - t * (1 / 5040)))))))
        em = jnp.where(t < 0.35, -p, jnp.exp(-t) - 1.0)
        return 0.5 - 0.5 * jnp.sign(z) * em

    probs = cdf(ta + 0.5) - cdf(ta - 0.5)
    bits = jnp.clip(-jnp.log(probs + 1e-10) / np.float32(np.log(2.0)), 0.0, 50.0)
    colb = lax.broadcasted_iota(jnp.int32, (BTc, 8), 1)
    s = jnp.sum(jnp.where(colb < 3, bits, 0.0), axis=(0, 1), keepdims=True)

    @pl.when(pl.program_id(0) == 0)
    def _():
        out_ref[...] = jnp.zeros((1, 1), jnp.float32)

    out_ref[...] += s


def _mlp_bits(grouped3, tgt16, tattr8, weights):
    nt = tgt16.shape[0]
    BTc = next(b for b in (384, 256, BT) if nt % b == 0)
    nblk = nt // BTc
    full = lambda i: (0, 0)
    out = pl.pallas_call(
        _mlp_body,
        grid=(nblk,),
        in_specs=[
            pl.BlockSpec((BTc, LOCAL_REGION, 16), lambda i: (i, 0, 0)),
            pl.BlockSpec((BTc, 16), lambda i: (i, 0)),
            pl.BlockSpec((BTc, 8), lambda i: (i, 0)),
        ] + [pl.BlockSpec(w.shape, full) for w in weights],
        out_specs=pl.BlockSpec((1, 1), lambda i: (0, 0)),
        out_shape=jax.ShapeDtypeStruct((1, 1), jnp.float32),
    )(grouped3, tgt16, tattr8, *weights)
    return out[0, 0]


def kernel(batch_x, W0, b0, W1, b1, W2, b2, W3, b3, W4, b4,
           M0w, M0b, M1w, M1b, M2w, M2b):
    x = batch_x[0]
    geo = x[:, :3]
    base = WINDOWS[0][0]
    tgt8 = jnp.pad(geo[base:], ((0, 0), (0, 5)))
    tgt16 = jnp.pad(geo[base:], ((0, 0), (0, 13)))
    tattr8 = jnp.pad(x[base:, 3:], ((0, 0), (0, 5)))
    ctxT8 = jnp.pad(geo.T, ((0, 5), (0, 0)))
    table16 = jnp.pad(x, ((0, 0), (0, 10)))

    na = sum(T for _, _, T in WINDOWS[:8])
    nb = NUM_TGT - na
    buf_a = jnp.zeros((na, LOCAL_REGION), jnp.int32)
    for (C, ts, T) in WINDOWS[:8]:
        buf_a = _knn_window(tgt8, ctxT8, buf_a, C, T, ts - base, ts - base)
    buf_b = jnp.zeros((nb, LOCAL_REGION), jnp.int32)
    for (C, ts, T) in WINDOWS[8:]:
        buf_b = _knn_window(tgt8, ctxT8, buf_b, C, T, ts - base, ts - base - na)
    idx_a = buf_a.reshape(-1)
    idx_b = buf_b.reshape(-1)
    ga = _gather(table16, idx_a)[:na * LOCAL_REGION]
    gb = _gather(table16, idx_b)[:nb * LOCAL_REGION]
    ga3 = ga.reshape(na, LOCAL_REGION, 16)
    gb3 = gb.reshape(nb, LOCAL_REGION, 16)

    weights = [
        jnp.pad(W0, ((0, 10), (0, 0))), b0.reshape(1, 128),
        W1, b1.reshape(1, 128), W2, b2.reshape(1, 128),
        W3, b3.reshape(1, 128), W4, b4.reshape(1, 128),
        M0w, M0b.reshape(1, 64), M1w, M1b.reshape(1, 16),
        jnp.pad(M2w[:, :3], ((0, 0), (0, 5))),
        jnp.pad(M2w[:, 3:], ((0, 0), (0, 5))),
        jnp.pad(M2b[:3], (0, 5)).reshape(1, 8),
        jnp.pad(M2b[3:], (0, 5)).reshape(1, 8),
    ]
    return (_mlp_bits(ga3, tgt16[:na], tattr8[:na], weights)
            + _mlp_bits(gb3, tgt16[na:], tattr8[na:], weights))

# --- scband reference (transcript-rebuilt; emitter-appended) ---
"""Pipeline reference for scband-network-45191645888699 (READ-ONLY COPY).

The authoritative reference and input builder live on the scoring server;
editing this copy changes nothing except your own understanding.
"""

import jax, jax.numpy as jnp
import numpy as np

LOCAL_REGION = 16
GRANULARITY = 1024
INIT_RATIO = 64
EXPAND_RATIO = 2
B = 1
N = 8192


def setup_inputs(seed: int = 0) -> dict:
    key = jax.random.key(seed)
    ks = jax.random.split(key, 12)
    inp = {"batch_x": jax.random.uniform(ks[0], (B, N, 6), dtype=jnp.float32)}
    pt_dims = [(6, 128), (128, 128), (128, 128), (128, 128), (128, 128)]
    for i, (di, do) in enumerate(pt_dims):
        inp[f"W{i}"] = jax.random.normal(ks[1 + i], (di, do), jnp.float32) * (1.0 / np.sqrt(di))
        inp[f"b{i}"] = jnp.zeros((do,), jnp.float32)
    head_dims = [(128, 64), (64, 16), (16, 6)]
    for i, (di, do) in enumerate(head_dims):
        inp[f"M{i}w"] = jax.random.normal(ks[6 + i], (di, do), jnp.float32) * (1.0 / np.sqrt(di))
        inp[f"M{i}b"] = jnp.zeros((do,), jnp.float32)
    return inp


def _knn_idx(target, context, K):
    t2 = jnp.sum(target * target, axis=-1)
    c2 = jnp.sum(context * context, axis=-1)
    d2 = t2[:, :, None] + c2[:, None, :] - 2.0 * jnp.einsum('btd,bcd->btc', target, context)
    _, idx = jax.lax.top_k(-d2, K)
    return idx


def _knn_gather(vals, idx):
    return jax.vmap(lambda v, i: v[i])(vals, idx)


def _n_scale_ball(grouped):
    r = jnp.max(jnp.linalg.norm(grouped, axis=-1, keepdims=True), axis=2, keepdims=True)
    return grouped / (r + 1e-8)


def _forward(batch_x, Ws, bs, Ms):
    Bb, Nn, _ = batch_x.shape
    base_size = min(Nn // INIT_RATIO, GRANULARITY)
    window_size = base_size
    context_ls, target_ls = [], []
    cursor = base_size
    while cursor < Nn:
        window_size = min(window_size * EXPAND_RATIO, GRANULARITY)
        context_ls.append(batch_x[:, :cursor, :])
        target_ls.append(batch_x[:, cursor:cursor + window_size, :])
        cursor += window_size
    total_bits = jnp.float32(0.0)
    for ctx, tgt in zip(context_ls, target_ls):
        target_geo, target_attr = tgt[:, :, :3], tgt[:, :, 3:]
        context_geo, context_attr = ctx[:, :, :3], ctx[:, :, 3:]
        context_attr = jnp.concatenate([context_attr[:, :, :1] / 255.0, context_attr[:, :, 1:] / 511.0], axis=-1)
        idx = _knn_idx(target_geo, context_geo, LOCAL_REGION)
        grouped_geo = _knn_gather(context_geo, idx)
        grouped_attr = _knn_gather(context_attr, idx)
        grouped_geo = grouped_geo - target_geo[:, :, None, :]
        grouped_geo = _n_scale_ball(grouped_geo)
        h = jnp.concatenate([grouped_geo, grouped_attr], axis=-1)
        for W, b in zip(Ws, bs):
            h = jax.nn.relu(h @ W + b)
        feature = jnp.max(h, axis=2)
        (M0w, M0b), (M1w, M1b), (M2w, M2b) = Ms
        h2 = jax.nn.relu(feature @ M0w + M0b)
        h2 = jax.nn.relu(h2 @ M1w + M1b)
        mu_sigma = h2 @ M2w + M2b
        mu = (mu_sigma[:, :, :3] + 0.5) * 255.0
        sigma = jnp.clip(jnp.exp(mu_sigma[:, :, 3:]) * 32.0, 1e-10, 1e10)
        def _cdf(x):
            z = (x - mu) / sigma
            return 0.5 - 0.5 * jnp.sign(z) * jnp.expm1(-jnp.abs(z))
        probs = _cdf(target_attr + 0.5) - _cdf(target_attr - 0.5)
        bits = jnp.sum(jnp.clip(-jnp.log(probs + 1e-10) / jnp.log(2.0), 0.0, 50.0))
        total_bits = total_bits + bits
    return total_bits


def reference(batch_x, W0, b0, W1, b1, W2, b2, W3, b3, W4, b4, M0w, M0b, M1w, M1b, M2w, M2b):
    Ws = [W0, W1, W2, W3, W4]
    bs = [b0, b1, b2, b3, b4]
    Ms = [(M0w, M0b), (M1w, M1b), (M2w, M2b)]
    return _forward(batch_x, Ws, bs, Ms)

if __name__ == "__main__":
    import jax
    _d = setup_inputs()
    print(jax.jit(kernel)(*tuple(_d.values())))

</pallas_src>

<mosaic_0001>
#map = affine_map<(d0, d1) -> (0, 0)>
#map1 = affine_map<(d0, d1) -> (0, 0, 0)>
module attributes {stable_mosaic.version = 14 : i64} {
  func.func @_sc_gather_body(%arg0: i32, %arg1: i32, %arg2: memref<8192x16xf32, #tpu.memory_space<hbm>>, %arg3: memref<32x5x128xi32, #tpu.memory_space<hbm>>, %arg4: memref<20480x16xf32, #tpu.memory_space<hbm>>, %arg5: memref<5x128xi32, #tpu.memory_space<vmem>>, %arg6: memref<640x16xf32, #tpu.memory_space<vmem>>, %arg7: memref<!tpu.dma_semaphore, #tpu.memory_space<semaphore_mem>>) attributes {dimension_semantics = [#tpu.dimension_semantics<core_parallel>, #tpu.dimension_semantics<subcore_parallel>], iteration_bounds = array<i64: 2, 16>, scalar_prefetch = 0 : i64, scratch_operands = 3 : i64, tpu.core_type = #tpu.core_type<sc_vector_subcore>, window_params = [{transform_indices = #map}, {transform_indices = #map1}, {transform_indices = #map}]} {
    %mul3A = arith.constant 16 : i32
    %mul3A_0 = arith.muli %arg0, %mul3A : i32
    %add3A = arith.addi %mul3A_0, %arg1 : i32
    "tpu.region"() ({
      %run_scoped3A = tpu.sem_alloc : memref<!tpu.dma_semaphore, #tpu.memory_space<semaphore_mem>>
      %dma_start3A_103 = arith.constant 0 : i32
      %dma_start3A_104 = arith.constant 0 : i32
      %dma_start3A_105 = tpu.memref_slice %arg3[%add3A, %dma_start3A_103, %dma_start3A_104] : memref<32x5x128xi32, #tpu.memory_space<hbm>> -> memref<1x5x128xi32, #tpu.memory_space<hbm>>
      %dma_start3A_106 = tpu.memref_squeeze %dma_start3A_105 : memref<1x5x128xi32, #tpu.memory_space<hbm>> -> memref<5x128xi32, #tpu.memory_space<hbm>>
      %dma_start3A_107 = arith.constant 0 : i32
      %dma_start3A_108 = arith.constant 0 : i32
      %dma_start3A_109 = tpu.memref_slice %arg3[%add3A, %dma_start3A_107, %dma_start3A_108] : memref<32x5x128xi32, #tpu.memory_space<hbm>> -> memref<1x5x128xi32, #tpu.memory_space<hbm>>
      %dma_start3A_110 = tpu.memref_squeeze %dma_start3A_109 : memref<1x5x128xi32, #tpu.memory_space<hbm>> -> memref<5x128xi32, #tpu.memory_space<hbm>>
      tpu.enqueue_dma source(%dma_start3A_110 : memref<5x128xi32, #tpu.memory_space<hbm>>) target(%arg5 : memref<5x128xi32, #tpu.memory_space<vmem>>) target_semaphore(%run_scoped3A : memref<!tpu.dma_semaphore, #tpu.memory_space<semaphore_mem>>)
      %dma_wait3A_111 = arith.constant 0 : i32
      %dma_wait3A_112 = arith.constant 0 : i32
      %dma_wait3A_113 = tpu.memref_slice %arg3[%add3A, %dma_wait3A_111, %dma_wait3A_112] : memref<32x5x128xi32, #tpu.memory_space<hbm>> -> memref<1x5x128xi32, #tpu.memory_space<hbm>>
      %dma_wait3A_114 = tpu.memref_squeeze %dma_wait3A_113 : memref<1x5x128xi32, #tpu.memory_space<hbm>> -> memref<5x128xi32, #tpu.memory_space<hbm>>
      %dma_wait3A_115 = arith.constant 0 : i32
      %dma_wait3A_116 = arith.constant 0 : i32
      %dma_wait3A_117 = tpu.memref_slice %arg3[%add3A, %dma_wait3A_115, %dma_wait3A_116] : memref<32x5x128xi32, #tpu.memory_space<hbm>> -> memref<1x5x128xi32, #tpu.memory_space<hbm>>
      %dma_wait3A_118 = tpu.memref_squeeze %dma_wait3A_117 : memref<1x5x128xi32, #tpu.memory_space<hbm>> -> memref<5x128xi32, #tpu.memory_space<hbm>>
      tpu.wait_dma2 semaphore(%run_scoped3A : memref<!tpu.dma_semaphore, #tpu.memory_space<semaphore_mem>>) src(%dma_wait3A_118 : memref<5x128xi32, #tpu.memory_space<hbm>>) dst(%arg5 : memref<5x128xi32, #tpu.memory_space<vmem>>)
      tpu.yield
    }) : () -> ()
    %dma_start3A = arith.constant 0 : i32
    %dma_start3A_1 = arith.constant 0 : i32
    %dma_start3A_2 = arith.constant 0 : i32
    %dma_start3A_3 = tpu.memref_slice %arg6[%dma_start3A_1, %dma_start3A_2] : memref<640x16xf32, #tpu.memory_space<vmem>> -> memref<128x16xf32, #tpu.memory_space<vmem>>
    %dma_start3A_4 = arith.constant 0 : i32
    %dma_start3A_5 = tpu.memref_slice %arg5[%dma_start3A, %dma_start3A_4] : memref<5x128xi32, #tpu.memory_space<vmem>> -> memref<1x128xi32, #tpu.memory_space<vmem>>
    %dma_start3A_6 = tpu.memref_squeeze %dma_start3A_5 : memref<1x128xi32, #tpu.memory_space<vmem>> -> memref<128xi32, #tpu.memory_space<vmem>>
    %dma_start3A_7 = arith.constant 0 : i32
    %dma_start3A_8 = arith.constant 0 : i32
    %dma_start3A_9 = tpu.memref_slice %arg2[%dma_start3A_7, %dma_start3A_8] : memref<8192x16xf32, #tpu.memory_space<hbm>> -> memref<8192x16xf32, #tpu.memory_space<hbm>>
    tpu.enqueue_indirect_dma source(%dma_start3A_9 : memref<8192x16xf32, #tpu.memory_space<hbm>>) target(%dma_start3A_3 : memref<128x16xf32, #tpu.memory_space<vmem>>) offsets(%dma_start3A_6 : memref<128xi32, #tpu.memory_space<vmem>>) semaphore(%arg7 : memref<!tpu.dma_semaphore, #tpu.memory_space<semaphore_mem>>)
    %dma_start3A_10 = arith.constant 1 : i32
    %dma_start3A_11 = arith.constant 128 : i32
    %dma_start3A_12 = arith.constant 0 : i32
    %dma_start3A_13 = tpu.memref_slice %arg6[%dma_start3A_11, %dma_start3A_12] : memref<640x16xf32, #tpu.memory_space<vmem>> -> memref<128x16xf32, #tpu.memory_space<vmem>>
    %dma_start3A_14 = arith.constant 0 : i32
    %dma_start3A_15 = tpu.memref_slice %arg5[%dma_start3A_10, %dma_start3A_14] : memref<5x128xi32, #tpu.memory_space<vmem>> -> memref<1x128xi32, #tpu.memory_space<vmem>>
    %dma_start3A_16 = tpu.memref_squeeze %dma_start3A_15 : memref<1x128xi32, #tpu.memory_space<vmem>> -> memref<128xi32, #tpu.memory_space<vmem>>
    %dma_start3A_17 = arith.constant 0 : i32
    %dma_start3A_18 = arith.constant 0 : i32
    %dma_start3A_19 = tpu.memref_slice %arg2[%dma_start3A_17, %dma_start3A_18] : memref<8192x16xf32, #tpu.memory_space<hbm>> -> memref<8192x16xf32, #tpu.memory_space<hbm>>
    tpu.enqueue_indirect_dma source(%dma_start3A_19 : memref<8192x16xf32, #tpu.memory_space<hbm>>) target(%dma_start3A_13 : memref<128x16xf32, #tpu.memory_space<vmem>>) offsets(%dma_start3A_16 : memref<128xi32, #tpu.memory_space<vmem>>) semaphore(%arg7 : memref<!tpu.dma_semaphore, #tpu.memory_space<semaphore_mem>>)
    %dma_start3A_20 = arith.constant 2 : i32
    %dma_start3A_21 = arith.constant 256 : i32
    %dma_start3A_22 = arith.constant 0 : i32
    %dma_start3A_23 = tpu.memref_slice %arg6[%dma_start3A_21, %dma_start3A_22] : memref<640x16xf32, #tpu.memory_space<vmem>> -> memref<128x16xf32, #tpu.memory_space<vmem>>
    %dma_start3A_24 = arith.constant 0 : i32
    %dma_start3A_25 = tpu.memref_slice %arg5[%dma_start3A_20, %dma_start3A_24] : memref<5x128xi32, #tpu.memory_space<vmem>> -> memref<1x128xi32, #tpu.memory_space<vmem>>
    %dma_start3A_26 = tpu.memref_squeeze %dma_start3A_25 : memref<1x128xi32, #tpu.memory_space<vmem>> -> memref<128xi32, #tpu.memory_space<vmem>>
    %dma_start3A_27 = arith.constant 0 : i32
    %dma_start3A_28 = arith.constant 0 : i32
    %dma_start3A_29 = tpu.memref_slice %arg2[%dma_start3A_27, %dma_start3A_28] : memref<8192x16xf32, #tpu.memory_space<hbm>> -> memref<8192x16xf32, #tpu.memory_space<hbm>>
    tpu.enqueue_indirect_dma source(%dma_start3A_29 : memref<8192x16xf32, #tpu.memory_space<hbm>>) target(%dma_start3A_23 : memref<128x16xf32, #tpu.memory_space<vmem>>) offsets(%dma_start3A_26 : memref<128xi32, #tpu.memory_space<vmem>>) semaphore(%arg7 : memref<!tpu.dma_semaphore, #tpu.memory_space<semaphore_mem>>)
    %dma_start3A_30 = arith.constant 3 : i32
    %dma_start3A_31 = arith.constant 384 : i32
    %dma_start3A_32 = arith.constant 0 : i32
    %dma_start3A_33 = tpu.memref_slice %arg6[%dma_start3A_31, %dma_start3A_32] : memref<640x16xf32, #tpu.memory_space<vmem>> -> memref<128x16xf32, #tpu.memory_space<vmem>>
    %dma_start3A_34 = arith.constant 0 : i32
    %dma_start3A_35 = tpu.memref_slice %arg5[%dma_start3A_30, %dma_start3A_34] : memref<5x128xi32, #tpu.memory_space<vmem>> -> memref<1x128xi32, #tpu.memory_space<vmem>>
    %dma_start3A_36 = tpu.memref_squeeze %dma_start3A_35 : memref<1x128xi32, #tpu.memory_space<vmem>> -> memref<128xi32, #tpu.memory_space<vmem>>
    %dma_start3A_37 = arith.constant 0 : i32
    %dma_start3A_38 = arith.constant 0 : i32
    %dma_start3A_39 = tpu.memref_slice %arg2[%dma_start3A_37, %dma_start3A_38] : memref<8192x16xf32, #tpu.memory_space<hbm>> -> memref<8192x16xf32, #tpu.memory_space<hbm>>
    tpu.enqueue_indirect_dma source(%dma_start3A_39 : memref<8192x16xf32, #tpu.memory_space<hbm>>) target(%dma_start3A_33 : memref<128x16xf32, #tpu.memory_space<vmem>>) offsets(%dma_start3A_36 : memref<128xi32, #tpu.memory_space<vmem>>) semaphore(%arg7 : memref<!tpu.dma_semaphore, #tpu.memory_space<semaphore_mem>>)
    %dma_start3A_40 = arith.constant 4 : i32
    %dma_start3A_41 = arith.constant 512 : i32
    %dma_start3A_42 = arith.constant 0 : i32
    %dma_start3A_43 = tpu.memref_slice %arg6[%dma_start3A_41, %dma_start3A_42] : memref<640x16xf32, #tpu.memory_space<vmem>> -> memref<128x16xf32, #tpu.memory_space<vmem>>
    %dma_start3A_44 = arith.constant 0 : i32
    %dma_start3A_45 = tpu.memref_slice %arg5[%dma_start3A_40, %dma_start3A_44] : memref<5x128xi32, #tpu.memory_space<vmem>> -> memref<1x128xi32, #tpu.memory_space<vmem>>
    %dma_start3A_46 = tpu.memref_squeeze %dma_start3A_45 : memref<1x128xi32, #tpu.memory_space<vmem>> -> memref<128xi32, #tpu.memory_space<vmem>>
    %dma_start3A_47 = arith.constant 0 : i32
    %dma_start3A_48 = arith.constant 0 : i32
    %dma_start3A_49 = tpu.memref_slice %arg2[%dma_start3A_47, %dma_start3A_48] : memref<8192x16xf32, #tpu.memory_space<hbm>> -> memref<8192x16xf32, #tpu.memory_space<hbm>>
    tpu.enqueue_indirect_dma source(%dma_start3A_49 : memref<8192x16xf32, #tpu.memory_space<hbm>>) target(%dma_start3A_43 : memref<128x16xf32, #tpu.memory_space<vmem>>) offsets(%dma_start3A_46 : memref<128xi32, #tpu.memory_space<vmem>>) semaphore(%arg7 : memref<!tpu.dma_semaphore, #tpu.memory_space<semaphore_mem>>)
    %dma_wait3A = arith.constant 0 : i32
    %dma_wait3A_50 = arith.constant 0 : i32
    %dma_wait3A_51 = arith.constant 0 : i32
    %dma_wait3A_52 = tpu.memref_slice %arg6[%dma_wait3A_50, %dma_wait3A_51] : memref<640x16xf32, #tpu.memory_space<vmem>> -> memref<128x16xf32, #tpu.memory_space<vmem>>
    %dma_wait3A_53 = arith.constant 0 : i32
    %dma_wait3A_54 = tpu.memref_slice %arg5[%dma_wait3A, %dma_wait3A_53] : memref<5x128xi32, #tpu.memory_space<vmem>> -> memref<1x128xi32, #tpu.memory_space<vmem>>
    %dma_wait3A_55 = tpu.memref_squeeze %dma_wait3A_54 : memref<1x128xi32, #tpu.memory_space<vmem>> -> memref<128xi32, #tpu.memory_space<vmem>>
    %dma_wait3A_56 = arith.constant 0 : i32
    %dma_wait3A_57 = arith.constant 0 : i32
    %dma_wait3A_58 = tpu.memref_slice %arg2[%dma_wait3A_56, %dma_wait3A_57] : memref<8192x16xf32, #tpu.memory_space<hbm>> -> memref<8192x16xf32, #tpu.memory_space<hbm>>
    tpu.wait_indirect_dma semaphore(%arg7 : memref<!tpu.dma_semaphore, #tpu.memory_space<semaphore_mem>>) src(%dma_wait3A_58 : memref<8192x16xf32, #tpu.memory_space<hbm>>) dst(%dma_wait3A_52 : memref<128x16xf32, #tpu.memory_space<vmem>>)
    %dma_wait3A_59 = arith.constant 1 : i32
    %dma_wait3A_60 = arith.constant 128 : i32
    %dma_wait3A_61 = arith.constant 0 : i32
    %dma_wait3A_62 = tpu.memref_slice %arg6[%dma_wait3A_60, %dma_wait3A_61] : memref<640x16xf32, #tpu.memory_space<vmem>> -> memref<128x16xf32, #tpu.memory_space<vmem>>
    %dma_wait3A_63 = arith.constant 0 : i32
    %dma_wait3A_64 = tpu.memref_slice %arg5[%dma_wait3A_59, %dma_wait3A_63] : memref<5x128xi32, #tpu.memory_space<vmem>> -> memref<1x128xi32, #tpu.memory_space<vmem>>
    %dma_wait3A_65 = tpu.memref_squeeze %dma_wait3A_64 : memref<1x128xi32, #tpu.memory_space<vmem>> -> memref<128xi32, #tpu.memory_space<vmem>>
    %dma_wait3A_66 = arith.constant 0 : i32
    %dma_wait3A_67 = arith.constant 0 : i32
    %dma_wait3A_68 = tpu.memref_slice %arg2[%dma_wait3A_66, %dma_wait3A_67] : memref<8192x16xf32, #tpu.memory_space<hbm>> -> memref<8192x16xf32, #tpu.memory_space<hbm>>
    tpu.wait_indirect_dma semaphore(%arg7 : memref<!tpu.dma_semaphore, #tpu.memory_space<semaphore_mem>>) src(%dma_wait3A_68 : memref<8192x16xf32, #tpu.memory_space<hbm>>) dst(%dma_wait3A_62 : memref<128x16xf32, #tpu.memory_space<vmem>>)
    %dma_wait3A_69 = arith.constant 2 : i32
    %dma_wait3A_70 = arith.constant 256 : i32
    %dma_wait3A_71 = arith.constant 0 : i32
    %dma_wait3A_72 = tpu.memref_slice %arg6[%dma_wait3A_70, %dma_wait3A_71] : memref<640x16xf32, #tpu.memory_space<vmem>> -> memref<128x16xf32, #tpu.memory_space<vmem>>
    %dma_wait3A_73 = arith.constant 0 : i32
    %dma_wait3A_74 = tpu.memref_slice %arg5[%dma_wait3A_69, %dma_wait3A_73] : memref<5x128xi32, #tpu.memory_space<vmem>> -> memref<1x128xi32, #tpu.memory_space<vmem>>
    %dma_wait3A_75 = tpu.memref_squeeze %dma_wait3A_74 : memref<1x128xi32, #tpu.memory_space<vmem>> -> memref<128xi32, #tpu.memory_space<vmem>>
    %dma_wait3A_76 = arith.constant 0 : i32
    %dma_wait3A_77 = arith.constant 0 : i32
    %dma_wait3A_78 = tpu.memref_slice %arg2[%dma_wait3A_76, %dma_wait3A_77] : memref<8192x16xf32, #tpu.memory_space<hbm>> -> memref<8192x16xf32, #tpu.memory_space<hbm>>
    tpu.wait_indirect_dma semaphore(%arg7 : memref<!tpu.dma_semaphore, #tpu.memory_space<semaphore_mem>>) src(%dma_wait3A_78 : memref<8192x16xf32, #tpu.memory_space<hbm>>) dst(%dma_wait3A_72 : memref<128x16xf32, #tpu.memory_space<vmem>>)
    %dma_wait3A_79 = arith.constant 3 : i32
    %dma_wait3A_80 = arith.constant 384 : i32
    %dma_wait3A_81 = arith.constant 0 : i32
    %dma_wait3A_82 = tpu.memref_slice %arg6[%dma_wait3A_80, %dma_wait3A_81] : memref<640x16xf32, #tpu.memory_space<vmem>> -> memref<128x16xf32, #tpu.memory_space<vmem>>
    %dma_wait3A_83 = arith.constant 0 : i32
    %dma_wait3A_84 = tpu.memref_slice %arg5[%dma_wait3A_79, %dma_wait3A_83] : memref<5x128xi32, #tpu.memory_space<vmem>> -> memref<1x128xi32, #tpu.memory_space<vmem>>
    %dma_wait3A_85 = tpu.memref_squeeze %dma_wait3A_84 : memref<1x128xi32, #tpu.memory_space<vmem>> -> memref<128xi32, #tpu.memory_space<vmem>>
    %dma_wait3A_86 = arith.constant 0 : i32
    %dma_wait3A_87 = arith.constant 0 : i32
    %dma_wait3A_88 = tpu.memref_slice %arg2[%dma_wait3A_86, %dma_wait3A_87] : memref<8192x16xf32, #tpu.memory_space<hbm>> -> memref<8192x16xf32, #tpu.memory_space<hbm>>
    tpu.wait_indirect_dma semaphore(%arg7 : memref<!tpu.dma_semaphore, #tpu.memory_space<semaphore_mem>>) src(%dma_wait3A_88 : memref<8192x16xf32, #tpu.memory_space<hbm>>) dst(%dma_wait3A_82 : memref<128x16xf32, #tpu.memory_space<vmem>>)
    %dma_wait3A_89 = arith.constant 4 : i32
    %dma_wait3A_90 = arith.constant 512 : i32
    %dma_wait3A_91 = arith.constant 0 : i32
    %dma_wait3A_92 = tpu.memref_slice %arg6[%dma_wait3A_90, %dma_wait3A_91] : memref<640x16xf32, #tpu.memory_space<vmem>> -> memref<128x16xf32, #tpu.memory_space<vmem>>
    %dma_wait3A_93 = arith.constant 0 : i32
    %dma_wait3A_94 = tpu.memref_slice %arg5[%dma_wait3A_89, %dma_wait3A_93] : memref<5x128xi32, #tpu.memory_space<vmem>> -> memref<1x128xi32, #tpu.memory_space<vmem>>
    %dma_wait3A_95 = tpu.memref_squeeze %dma_wait3A_94 : memref<1x128xi32, #tpu.memory_space<vmem>> -> memref<128xi32, #tpu.memory_space<vmem>>
    %dma_wait3A_96 = arith.constant 0 : i32
    %dma_wait3A_97 = arith.constant 0 : i32
    %dma_wait3A_98 = tpu.memref_slice %arg2[%dma_wait3A_96, %dma_wait3A_97] : memref<8192x16xf32, #tpu.memory_space<hbm>> -> memref<8192x16xf32, #tpu.memory_space<hbm>>
    tpu.wait_indirect_dma semaphore(%arg7 : memref<!tpu.dma_semaphore, #tpu.memory_space<semaphore_mem>>) src(%dma_wait3A_98 : memref<8192x16xf32, #tpu.memory_space<hbm>>) dst(%dma_wait3A_92 : memref<128x16xf32, #tpu.memory_space<vmem>>)
    %mul3A_99 = arith.constant 5 : i32
    %mul3A_100 = arith.muli %add3A, %mul3A_99 : i32
    %mul3A_101 = arith.constant 128 : i32
    %mul3A_102 = arith.muli %mul3A_100, %mul3A_101 : i32
    "tpu.region"() ({
      %run_scoped3A = tpu.sem_alloc : memref<!tpu.dma_semaphore, #tpu.memory_space<semaphore_mem>>
      %dma_start3A_103 = arith.constant 0 : i32
      %dma_start3A_104 = tpu.memref_slice %arg4[%mul3A_102, %dma_start3A_103] : memref<20480x16xf32, #tpu.memory_space<hbm>> -> memref<640x16xf32, #tpu.memory_space<hbm>>
      %dma_start3A_105 = arith.constant 0 : i32
      %dma_start3A_106 = tpu.memref_slice %arg4[%mul3A_102, %dma_start3A_105] : memref<20480x16xf32, #tpu.memory_space<hbm>> -> memref<640x16xf32, #tpu.memory_space<hbm>>
      tpu.enqueue_dma source(%arg6 : memref<640x16xf32, #tpu.memory_space<vmem>>) target(%dma_start3A_106 : memref<640x16xf32, #tpu.memory_space<hbm>>) target_semaphore(%run_scoped3A : memref<!tpu.dma_semaphore, #tpu.memory_space<semaphore_mem>>)
      %dma_wait3A_107 = arith.constant 0 : i32
      %dma_wait3A_108 = tpu.memref_slice %arg4[%mul3A_102, %dma_wait3A_107] : memref<20480x16xf32, #tpu.memory_space<hbm>> -> memref<640x16xf32, #tpu.memory_space<hbm>>
      %dma_wait3A_109 = arith.constant 0 : i32
      %dma_wait3A_110 = tpu.memref_slice %arg4[%mul3A_102, %dma_wait3A_109] : memref<20480x16xf32, #tpu.memory_space<hbm>> -> memref<640x16xf32, #tpu.memory_space<hbm>>
      tpu.wait_dma2 semaphore(%run_scoped3A : memref<!tpu.dma_semaphore, #tpu.memory_space<semaphore_mem>>) src(%arg6 : memref<640x16xf32, #tpu.memory_space<vmem>>) dst(%dma_wait3A_110 : memref<640x16xf32, #tpu.memory_space<hbm>>)
      tpu.yield
    }) : () -> ()
    return
  }
}

#map = affine_map<(d0, d1) -> (0, 0)>
#map1 = affine_map<(d0, d1) -> (0, 0, 0)>
module attributes {stable_mosaic.version = 14 : i64} {
  func.func @_sc_gather_body(%arg0: i32, %arg1: i32, %arg2: memref<8192x16xf32, #tpu.memory_space<hbm>>, %arg3: memref<32x27x128xi32, #tpu.memory_space<hbm>>, %arg4: memref<110592x16xf32, #tpu.memory_space<hbm>>, %arg5: memref<27x128xi32, #tpu.memory_space<vmem>>, %arg6: memref<3456x16xf32, #tpu.memory_space<vmem>>, %arg7: memref<!tpu.dma_semaphore, #tpu.memory_space<semaphore_mem>>) attributes {dimension_semantics = [#tpu.dimension_semantics<core_parallel>, #tpu.dimension_semantics<subcore_parallel>], iteration_bounds = array<i64: 2, 16>, scalar_prefetch = 0 : i64, scratch_operands = 3 : i64, tpu.core_type = #tpu.core_type<sc_vector_subcore>, window_params = [{transform_indices = #map}, {transform_indices = #map1}, {transform_indices = #map}]} {
    %mul3A = arith.constant 16 : i32
    %mul3A_0 = arith.muli %arg0, %mul3A : i32
    %add3A = arith.addi %mul3A_0, %arg1 : i32
    "tpu.region"() ({
      %run_scoped3A = tpu.sem_alloc : memref<!tpu.dma_semaphore, #tpu.memory_space<semaphore_mem>>
      %dma_start3A_543 = arith.constant 0 : i32
      %dma_start3A_544 = arith.constant 0 : i32
      %dma_start3A_545 = tpu.memref_slice %arg3[%add3A, %dma_start3A_543, %dma_start3A_544] : memref<32x27x128xi32, #tpu.memory_space<hbm>> -> memref<1x27x128xi32, #tpu.memory_space<hbm>>
      %dma_start3A_546 = tpu.memref_squeeze %dma_start3A_545 : memref<1x27x128xi32, #tpu.memory_space<hbm>> -> memref<27x128xi32, #tpu.memory_space<hbm>>
      %dma_start3A_547 = arith.constant 0 : i32
      %dma_start3A_548 = arith.constant 0 : i32
      %dma_start3A_549 = tpu.memref_slice %arg3[%add3A, %dma_start3A_547, %dma_start3A_548] : memref<32x27x128xi32, #tpu.memory_space<hbm>> -> memref<1x27x128xi32, #tpu.memory_space<hbm>>
      %dma_start3A_550 = tpu.memref_squeeze %dma_start3A_549 : memref<1x27x128xi32, #tpu.memory_space<hbm>> -> memref<27x128xi32, #tpu.memory_space<hbm>>
      tpu.enqueue_dma source(%dma_start3A_550 : memref<27x128xi32, #tpu.memory_space<hbm>>) target(%arg5 : memref<27x128xi32, #tpu.memory_space<vmem>>) target_semaphore(%run_scoped3A : memref<!tpu.dma_semaphore, #tpu.memory_space<semaphore_mem>>)
      %dma_wait3A_551 = arith.constant 0 : i32
      %dma_wait3A_552 = arith.constant 0 : i32
      %dma_wait3A_553 = tpu.memref_slice %arg3[%add3A, %dma_wait3A_551, %dma_wait3A_552] : memref<32x27x128xi32, #tpu.memory_space<hbm>> -> memref<1x27x128xi32, #tpu.memory_space<hbm>>
      %dma_wait3A_554 = tpu.memref_squeeze %dma_wait3A_553 : memref<1x27x128xi32, #tpu.memory_space<hbm>> -> memref<27x128xi32, #tpu.memory_space<hbm>>
      %dma_wait3A_555 = arith.constant 0 : i32
      %dma_wait3A_556 = arith.constant 0 : i32
      %dma_wait3A_557 = tpu.memref_slice %arg3[%add3A, %dma_wait3A_555, %dma_wait3A_556] : memref<32x27x128xi32, #tpu.memory_space<hbm>> -> memref<1x27x128xi32, #tpu.memory_space<hbm>>
      %dma_wait3A_558 = tpu.memref_squeeze %dma_wait3A_557 : memref<1x27x128xi32, #tpu.memory_space<hbm>> -> memref<27x128xi32, #tpu.memory_space<hbm>>
      tpu.wait_dma2 semaphore(%run_scoped3A : memref<!tpu.dma_semaphore, #tpu.memory_space<semaphore_mem>>) src(%dma_wait3A_558 : memref<27x128xi32, #tpu.memory_space<hbm>>) dst(%arg5 : memref<27x128xi32, #tpu.memory_space<vmem>>)
      tpu.yield
    }) : () -> ()
    %dma_start3A = arith.constant 0 : i32
    %dma_start3A_1 = arith.constant 0 : i32
    %dma_start3A_2 = arith.constant 0 : i32
    %dma_start3A_3 = tpu.memref_slice %arg6[%dma_start3A_1, %dma_start3A_2] : memref<3456x16xf32, #tpu.memory_space<vmem>> -> memref<128x16xf32, #tpu.memory_space<vmem>>
    %dma_start3A_4 = arith.constant 0 : i32
    %dma_start3A_5 = tpu.memref_slice %arg5[%dma_start3A, %dma_start3A_4] : memref<27x128xi32, #tpu.memory_space<vmem>> -> memref<1x128xi32, #tpu.memory_space<vmem>>
    %dma_start3A_6 = tpu.memref_squeeze %dma_start3A_5 : memref<1x128xi32, #tpu.memory_space<vmem>> -> memref<128xi32, #tpu.memory_space<vmem>>
    %dma_start3A_7 = arith.constant 0 : i32
    %dma_start3A_8 = arith.constant 0 : i32
    %dma_start3A_9 = tpu.memref_slice %arg2[%dma_start3A_7, %dma_start3A_8] : memref<8192x16xf32, #tpu.memory_space<hbm>> -> memref<8192x16xf32, #tpu.memory_space<hbm>>
    tpu.enqueue_indirect_dma source(%dma_start3A_9 : memref<8192x16xf32, #tpu.memory_space<hbm>>) target(%dma_start3A_3 : memref<128x16xf32, #tpu.memory_space<vmem>>) offsets(%dma_start3A_6 : memref<128xi32, #tpu.memory_space<vmem>>) semaphore(%arg7 : memref<!tpu.dma_semaphore, #tpu.memory_space<semaphore_mem>>)
    %dma_start3A_10 = arith.constant 1 : i32
    %dma_start3A_11 = arith.constant 128 : i32
    %dma_start3A_12 = arith.constant 0 : i32
    %dma_start3A_13 = tpu.memref_slice %arg6[%dma_start3A_11, %dma_start3A_12] : memref<3456x16xf32, #tpu.memory_space<vmem>> -> memref<128x16xf32, #tpu.memory_space<vmem>>
    %dma_start3A_14 = arith.constant 0 : i32
    %dma_start3A_15 = tpu.memref_slice %arg5[%dma_start3A_10, %dma_start3A_14] : memref<27x128xi32, #tpu.memory_space<vmem>> -> memref<1x128xi32, #tpu.memory_space<vmem>>
    %dma_start3A_16 = tpu.memref_squeeze %dma_start3A_15 : memref<1x128xi32, #tpu.memory_space<vmem>> -> memref<128xi32, #tpu.memory_space<vmem>>
    %dma_start3A_17 = arith.constant 0 : i32
    %dma_start3A_18 = arith.constant 0 : i32
    %dma_start3A_19 = tpu.memref_slice %arg2[%dma_start3A_17, %dma_start3A_18] : memref<8192x16xf32, #tpu.memory_space<hbm>> -> memref<8192x16xf32, #tpu.memory_space<hbm>>
    tpu.enqueue_indirect_dma source(%dma_start3A_19 : memref<8192x16xf32, #tpu.memory_space<hbm>>) target(%dma_start3A_13 : memref<128x16xf32, #tpu.memory_space<vmem>>) offsets(%dma_start3A_16 : memref<128xi32, #tpu.memory_space<vmem>>) semaphore(%arg7 : memref<!tpu.dma_semaphore, #tpu.memory_space<semaphore_mem>>)
    %dma_start3A_20 = arith.constant 2 : i32
    %dma_start3A_21 = arith.constant 256 : i32
    %dma_start3A_22 = arith.constant 0 : i32
    %dma_start3A_23 = tpu.memref_slice %arg6[%dma_start3A_21, %dma_start3A_22] : memref<3456x16xf32, #tpu.memory_space<vmem>> -> memref<128x16xf32, #tpu.memory_space<vmem>>
    %dma_start3A_24 = arith.constant 0 : i32
    %dma_start3A_25 = tpu.memref_slice %arg5[%dma_start3A_20, %dma_start3A_24] : memref<27x128xi32, #tpu.memory_space<vmem>> -> memref<1x128xi32, #tpu.memory_space<vmem>>
    %dma_start3A_26 = tpu.memref_squeeze %dma_start3A_25 : memref<1x128xi32, #tpu.memory_space<vmem>> -> memref<128xi32, #tpu.memory_space<vmem>>
    %dma_start3A_27 = arith.constant 0 : i32
    %dma_start3A_28 = arith.constant 0 : i32
    %dma_start3A_29 = tpu.memref_slice %arg2[%dma_start3A_27, %dma_start3A_28] : memref<8192x16xf32, #tpu.memory_space<hbm>> -> memref<8192x16xf32, #tpu.memory_space<hbm>>
    tpu.enqueue_indirect_dma source(%dma_start3A_29 : memref<8192x16xf32, #tpu.memory_space<hbm>>) target(%dma_start3A_23 : memref<128x16xf32, #tpu.memory_space<vmem>>) offsets(%dma_start3A_26 : memref<128xi32, #tpu.memory_space<vmem>>) semaphore(%arg7 : memref<!tpu.dma_semaphore, #tpu.memory_space<semaphore_mem>>)
    %dma_start3A_30 = arith.constant 3 : i32
    %dma_start3A_31 = arith.constant 384 : i32
    %dma_start3A_32 = arith.constant 0 : i32
    %dma_start3A_33 = tpu.memref_slice %arg6[%dma_start3A_31, %dma_start3A_32] : memref<3456x16xf32, #tpu.memory_space<vmem>> -> memref<128x16xf32, #tpu.memory_space<vmem>>
    %dma_start3A_34 = arith.constant 0 : i32
    %dma_start3A_35 = tpu.memref_slice %arg5[%dma_start3A_30, %dma_start3A_34] : memref<27x128xi32, #tpu.memory_space<vmem>> -> memref<1x128xi32, #tpu.memory_space<vmem>>
    %dma_start3A_36 = tpu.memref_squeeze %dma_start3A_35 : memref<1x128xi32, #tpu.memory_space<vmem>> -> memref<128xi32, #tpu.memory_space<vmem>>
    %dma_start3A_37 = arith.constant 0 : i32
    %dma_start3A_38 = arith.constant 0 : i32
    %dma_start3A_39 = tpu.memref_slice %arg2[%dma_start3A_37, %dma_start3A_38] : memref<8192x16xf32, #tpu.memory_space<hbm>> -> memref<8192x16xf32, #tpu.memory_space<hbm>>
    tpu.enqueue_indirect_dma source(%dma_start3A_39 : memref<8192x16xf32, #tpu.memory_space<hbm>>) target(%dma_start3A_33 : memref<128x16xf32, #tpu.memory_space<vmem>>) offsets(%dma_start3A_36 : memref<128xi32, #tpu.memory_space<vmem>>) semaphore(%arg7 : memref<!tpu.dma_semaphore, #tpu.memory_space<semaphore_mem>>)
    %dma_start3A_40 = arith.constant 4 : i32
    %dma_start3A_41 = arith.constant 512 : i32
    %dma_start3A_42 = arith.constant 0 : i32
    %dma_start3A_43 = tpu.memref_slice %arg6[%dma_start3A_41, %dma_start3A_42] : memref<3456x16xf32, #tpu.memory_space<vmem>> -> memref<128x16xf32, #tpu.memory_space<vmem>>
    %dma_start3A_44 = arith.constant 0 : i32
    %dma_start3A_45 = tpu.memref_slice %arg5[%dma_start3A_40, %dma_start3A_44] : memref<27x128xi32, #tpu.memory_space<vmem>> -> memref<1x128xi32, #tpu.memory_space<vmem>>
    %dma_start3A_46 = tpu.memref_squeeze %dma_start3A_45 : memref<1x128xi32, #tpu.memory_space<vmem>> -> memref<128xi32, #tpu.memory_space<vmem>>
    %dma_start3A_47 = arith.constant 0 : i32
    %dma_start3A_48 = arith.constant 0 : i32
    %dma_start3A_49 = tpu.memref_slice %arg2[%dma_start3A_47, %dma_start3A_48] : memref<8192x16xf32, #tpu.memory_space<hbm>> -> memref<8192x16xf32, #tpu.memory_space<hbm>>
    tpu.enqueue_indirect_dma source(%dma_start3A_49 : memref<8192x16xf32, #tpu.memory_space<hbm>>) target(%dma_start3A_43 : memref<128x16xf32, #tpu.memory_space<vmem>>) offsets(%dma_start3A_46 : memref<128xi32, #tpu.memory_space<vmem>>) semaphore(%arg7 : memref<!tpu.dma_semaphore, #tpu.memory_space<semaphore_mem>>)
    %dma_start3A_50 = arith.constant 5 : i32
    %dma_start3A_51 = arith.constant 640 : i32
    %dma_start3A_52 = arith.constant 0 : i32
    %dma_start3A_53 = tpu.memref_slice %arg6[%dma_start3A_51, %dma_start3A_52] : memref<3456x16xf32, #tpu.memory_space<vmem>> -> memref<128x16xf32, #tpu.memory_space<vmem>>
    %dma_start3A_54 = arith.constant 0 : i32
    %dma_start3A_55 = tpu.memref_slice %arg5[%dma_start3A_50, %dma_start3A_54] : memref<27x128xi32, #tpu.memory_space<vmem>> -> memref<1x128xi32, #tpu.memory_space<vmem>>
    %dma_start3A_56 = tpu.memref_squeeze %dma_start3A_55 : memref<1x128xi32, #tpu.memory_space<vmem>> -> memref<128xi32, #tpu.memory_space<vmem>>
    %dma_start3A_57 = arith.constant 0 : i32
    %dma_start3A_58 = arith.constant 0 : i32
    %dma_start3A_59 = tpu.memref_slice %arg2[%dma_start3A_57, %dma_start3A_58] : memref<8192x16xf32, #tpu.memory_space<hbm>> -> memref<8192x16xf32, #tpu.memory_space<hbm>>
    tpu.enqueue_indirect_dma source(%dma_start3A_59 : memref<8192x16xf32, #tpu.memory_space<hbm>>) target(%dma_start3A_53 : memref<128x16xf32, #tpu.memory_space<vmem>>) offsets(%dma_start3A_56 : memref<128xi32, #tpu.memory_space<vmem>>) semaphore(%arg7 : memref<!tpu.dma_semaphore, #tpu.memory_space<semaphore_mem>>)
    %dma_start3A_60 = arith.constant 6 : i32
    %dma_start3A_61 = arith.constant 768 : i32
    %dma_start3A_62 = arith.constant 0 : i32
    %dma_start3A_63 = tpu.memref_slice %arg6[%dma_start3A_61, %dma_start3A_62] : memref<3456x16xf32, #tpu.memory_space<vmem>> -> memref<128x16xf32, #tpu.memory_space<vmem>>
    %dma_start3A_64 = arith.constant 0 : i32
    %dma_start3A_65 = tpu.memref_slice %arg5[%dma_start3A_60, %dma_start3A_64] : memref<27x128xi32, #tpu.memory_space<vmem>> -> memref<1x128xi32, #tpu.memory_space<vmem>>
    %dma_start3A_66 = tpu.memref_squeeze %dma_start3A_65 : memref<1x128xi32, #tpu.memory_space<vmem>> -> memref<128xi32, #tpu.memory_space<vmem>>
    %dma_start3A_67 = arith.constant 0 : i32
    %dma_start3A_68 = arith.constant 0 : i32
    %dma_start3A_69 = tpu.memref_slice %arg2[%dma_start3A_67, %dma_start3A_68] : memref<8192x16xf32, #tpu.memory_space<hbm>> -> memref<8192x16xf32, #tpu.memory_space<hbm>>
    tpu.enqueue_indirect_dma source(%dma_start3A_69 : memref<8192x16xf32, #tpu.memory_space<hbm>>) target(%dma_start3A_63 : memref<128x16xf32, #tpu.memory_space<vmem>>) offsets(%dma_start3A_66 : memref<128xi32, #tpu.memory_space<vmem>>) semaphore(%arg7 : memref<!tpu.dma_semaphore, #tpu.memory_space<semaphore_mem>>)
    %dma_start3A_70 = arith.constant 7 : i32
    %dma_start3A_71 = arith.constant 896 : i32
    %dma_start3A_72 = arith.constant 0 : i32
    %dma_start3A_73 = tpu.memref_slice %arg6[%dma_start3A_71, %dma_start3A_72] : memref<3456x16xf32, #tpu.memory_space<vmem>> -> memref<128x16xf32, #tpu.memory_space<vmem>>
    %dma_start3A_74 = arith.constant 0 : i32
    %dma_start3A_75 = tpu.memref_slice %arg5[%dma_start3A_70, %dma_start3A_74] : memref<27x128xi32, #tpu.memory_space<vmem>> -> memref<1x128xi32, #tpu.memory_space<vmem>>
    %dma_start3A_76 = tpu.memref_squeeze %dma_start3A_75 : memref<1x128xi32, #tpu.memory_space<vmem>> -> memref<128xi32, #tpu.memory_space<vmem>>
    %dma_start3A_77 = arith.constant 0 : i32
    %dma_start3A_78 = arith.constant 0 : i32
    %dma_start3A_79 = tpu.memref_slice %arg2[%dma_start3A_77, %dma_start3A_78] : memref<8192x16xf32, #tpu.memory_space<hbm>> -> memref<8192x16xf32, #tpu.memory_space<hbm>>
    tpu.enqueue_indirect_dma source(%dma_start3A_79 : memref<8192x16xf32, #tpu.memory_space<hbm>>) target(%dma_start3A_73 : memref<128x16xf32, #tpu.memory_space<vmem>>) offsets(%dma_start3A_76 : memref<128xi32, #tpu.memory_space<vmem>>) semaphore(%arg7 : memref<!tpu.dma_semaphore, #tpu.memory_space<semaphore_mem>>)
    %dma_wait3A = arith.constant 0 : i32
    %dma_wait3A_80 = arith.constant 0 : i32
    %dma_wait3A_81 = arith.constant 0 : i32
    %dma_wait3A_82 = tpu.memref_slice %arg6[%dma_wait3A_80, %dma_wait3A_81] : memref<3456x16xf32, #tpu.memory_space<vmem>> -> memref<128x16xf32, #tpu.memory_space<vmem>>
    %dma_wait3A_83 = arith.constant 0 : i32
    %dma_wait3A_84 = tpu.memref_slice %arg5[%dma_wait3A, %dma_wait3A_83] : memref<27x128xi32, #tpu.memory_space<vmem>> -> memref<1x128xi32, #tpu.memory_space<vmem>>
    %dma_wait3A_85 = tpu.memref_squeeze %dma_wait3A_84 : memref<1x128xi32, #tpu.memory_space<vmem>> -> memref<128xi32, #tpu.memory_space<vmem>>
    %dma_wait3A_86 = arith.constant 0 : i32
    %dma_wait3A_87 = arith.constant 0 : i32
    %dma_wait3A_88 = tpu.memref_slice %arg2[%dma_wait3A_86, %dma_wait3A_87] : memref<8192x16xf32, #tpu.memory_space<hbm>> -> memref<8192x16xf32, #tpu.memory_space<hbm>>
    tpu.wait_indirect_dma semaphore(%arg7 : memref<!tpu.dma_semaphore, #tpu.memory_space<semaphore_mem>>) src(%dma_wait3A_88 : memref<8192x16xf32, #tpu.memory_space<hbm>>) dst(%dma_wait3A_82 : memref<128x16xf32, #tpu.memory_space<vmem>>)
    %dma_wait3A_89 = arith.constant 1 : i32
    %dma_wait3A_90 = arith.constant 128 : i32
    %dma_wait3A_91 = arith.constant 0 : i32
    %dma_wait3A_92 = tpu.memref_slice %arg6[%dma_wait3A_90, %dma_wait3A_91] : memref<3456x16xf32, #tpu.memory_space<vmem>> -> memref<128x16xf32, #tpu.memory_space<vmem>>
    %dma_wait3A_93 = arith.constant 0 : i32
    %dma_wait3A_94 = tpu.memref_slice %arg5[%dma_wait3A_89, %dma_wait3A_93] : memref<27x128xi32, #tpu.memory_space<vmem>> -> memref<1x128xi32, #tpu.memory_space<vmem>>
    %dma_wait3A_95 = tpu.memref_squeeze %dma_wait3A_94 : memref<1x128xi32, #tpu.memory_space<vmem>> -> memref<128xi32, #tpu.memory_space<vmem>>
    %dma_wait3A_96 = arith.constant 0 : i32
    %dma_wait3A_97 = arith.constant 0 : i32
    %dma_wait3A_98 = tpu.memref_slice %arg2[%dma_wait3A_96, %dma_wait3A_97] : memref<8192x16xf32, #tpu.memory_space<hbm>> -> memref<8192x16xf32, #tpu.memory_space<hbm>>
    tpu.wait_indirect_dma semaphore(%arg7 : memref<!tpu.dma_semaphore, #tpu.memory_space<semaphore_mem>>) src(%dma_wait3A_98 : memref<8192x16xf32, #tpu.memory_space<hbm>>) dst(%dma_wait3A_92 : memref<128x16xf32, #tpu.memory_space<vmem>>)
    %dma_wait3A_99 = arith.constant 2 : i32
    %dma_wait3A_100 = arith.constant 256 : i32
    %dma_wait3A_101 = arith.constant 0 : i32
    %dma_wait3A_102 = tpu.memref_slice %arg6[%dma_wait3A_100, %dma_wait3A_101] : memref<3456x16xf32, #tpu.memory_space<vmem>> -> memref<128x16xf32, #tpu.memory_space<vmem>>
    %dma_wait3A_103 = arith.constant 0 : i32
    %dma_wait3A_104 = tpu.memref_slice %arg5[%dma_wait3A_99, %dma_wait3A_103] : memref<27x128xi32, #tpu.memory_space<vmem>> -> memref<1x128xi32, #tpu.memory_space<vmem>>
    %dma_wait3A_105 = tpu.memref_squeeze %dma_wait3A_104 : memref<1x128xi32, #tpu.memory_space<vmem>> -> memref<128xi32, #tpu.memory_space<vmem>>
    %dma_wait3A_106 = arith.constant 0 : i32
    %dma_wait3A_107 = arith.constant 0 : i32
    %dma_wait3A_108 = tpu.memref_slice %arg2[%dma_wait3A_106, %dma_wait3A_107] : memref<8192x16xf32, #tpu.memory_space<hbm>> -> memref<8192x16xf32, #tpu.memory_space<hbm>>
    tpu.wait_indirect_dma semaphore(%arg7 : memref<!tpu.dma_semaphore, #tpu.memory_space<semaphore_mem>>) src(%dma_wait3A_108 : memref<8192x16xf32, #tpu.memory_space<hbm>>) dst(%dma_wait3A_102 : memref<128x16xf32, #tpu.memory_space<vmem>>)
    %dma_wait3A_109 = arith.constant 3 : i32
    %dma_wait3A_110 = arith.constant 384 : i32
    %dma_wait3A_111 = arith.constant 0 : i32
    %dma_wait3A_112 = tpu.memref_slice %arg6[%dma_wait3A_110, %dma_wait3A_111] : memref<3456x16xf32, #tpu.memory_space<vmem>> -> memref<128x16xf32, #tpu.memory_space<vmem>>
    %dma_wait3A_113 = arith.constant 0 : i32
    %dma_wait3A_114 = tpu.memref_slice %arg5[%dma_wait3A_109, %dma_wait3A_113] : memref<27x128xi32, #tpu.memory_space<vmem>> -> memref<1x128xi32, #tpu.memory_space<vmem>>
    %dma_wait3A_115 = tpu.memref_squeeze %dma_wait3A_114 : memref<1x128xi32, #tpu.memory_space<vmem>> -> memref<128xi32, #tpu.memory_space<vmem>>
    %dma_wait3A_116 = arith.constant 0 : i32
    %dma_wait3A_117 = arith.constant 0 : i32
    %dma_wait3A_118 = tpu.memref_slice %arg2[%dma_wait3A_116, %dma_wait3A_117] : memref<8192x16xf32, #tpu.memory_space<hbm>> -> memref<8192x16xf32, #tpu.memory_space<hbm>>
    tpu.wait_indirect_dma semaphore(%arg7 : memref<!tpu.dma_semaphore, #tpu.memory_space<semaphore_mem>>) src(%dma_wait3A_118 : memref<8192x16xf32, #tpu.memory_space<hbm>>) dst(%dma_wait3A_112 : memref<128x16xf32, #tpu.memory_space<vmem>>)
    %dma_wait3A_119 = arith.constant 4 : i32
    %dma_wait3A_120 = arith.constant 512 : i32
    %dma_wait3A_121 = arith.constant 0 : i32
    %dma_wait3A_122 = tpu.memref_slice %arg6[%dma_wait3A_120, %dma_wait3A_121] : memref<3456x16xf32, #tpu.memory_space<vmem>> -> memref<128x16xf32, #tpu.memory_space<vmem>>
    %dma_wait3A_123 = arith.constant 0 : i32
    %dma_wait3A_124 = tpu.memref_slice %arg5[%dma_wait3A_119, %dma_wait3A_123] : memref<27x128xi32, #tpu.memory_space<vmem>> -> memref<1x128xi32, #tpu.memory_space<vmem>>
    %dma_wait3A_125 = tpu.memref_squeeze %dma_wait3A_124 : memref<1x128xi32, #tpu.memory_space<vmem>> -> memref<128xi32, #tpu.memory_space<vmem>>
    %dma_wait3A_126 = arith.constant 0 : i32
    %dma_wait3A_127 = arith.constant 0 : i32
    %dma_wait3A_128 = tpu.memref_slice %arg2[%dma_wait3A_126, %dma_wait3A_127] : memref<8192x16xf32, #tpu.memory_space<hbm>> -> memref<8192x16xf32, #tpu.memory_space<hbm>>
    tpu.wait_indirect_dma semaphore(%arg7 : memref<!tpu.dma_semaphore, #tpu.memory_space<semaphore_mem>>) src(%dma_wait3A_128 : memref<8192x16xf32, #tpu.memory_space<hbm>>) dst(%dma_wait3A_122 : memref<128x16xf32, #tpu.memory_space<vmem>>)
    %dma_wait3A_129 = arith.constant 5 : i32
    %dma_wait3A_130 = arith.constant 640 : i32
    %dma_wait3A_131 = arith.constant 0 : i32
    %dma_wait3A_132 = tpu.memref_slice %arg6[%dma_wait3A_130, %dma_wait3A_131] : memref<3456x16xf32, #tpu.memory_space<vmem>> -> memref<128x16xf32, #tpu.memory_space<vmem>>
    %dma_wait3A_133 = arith.constant 0 : i32
    %dma_wait3A_134 = tpu.memref_slice %arg5[%dma_wait3A_129, %dma_wait3A_133] : memref<27x128xi32, #tpu.memory_space<vmem>> -> memref<1x128xi32, #tpu.memory_space<vmem>>
    %dma_wait3A_135 = tpu.memref_squeeze %dma_wait3A_134 : memref<1x128xi32, #tpu.memory_space<vmem>> -> memref<128xi32, #tpu.memory_space<vmem>>
    %dma_wait3A_136 = arith.constant 0 : i32
    %dma_wait3A_137 = arith.constant 0 : i32
    %dma_wait3A_138 = tpu.memref_slice %arg2[%dma_wait3A_136, %dma_wait3A_137] : memref<8192x16xf32, #tpu.memory_space<hbm>> -> memref<8192x16xf32, #tpu.memory_space<hbm>>
    tpu.wait_indirect_dma semaphore(%arg7 : memref<!tpu.dma_semaphore, #tpu.memory_space<semaphore_mem>>) src(%dma_wait3A_138 : memref<8192x16xf32, #tpu.memory_space<hbm>>) dst(%dma_wait3A_132 : memref<128x16xf32, #tpu.memory_space<vmem>>)
    %dma_wait3A_139 = arith.constant 6 : i32
    %dma_wait3A_140 = arith.constant 768 : i32
    %dma_wait3A_141 = arith.constant 0 : i32
    %dma_wait3A_142 = tpu.memref_slice %arg6[%dma_wait3A_140, %dma_wait3A_141] : memref<3456x16xf32, #tpu.memory_space<vmem>> -> memref<128x16xf32, #tpu.memory_space<vmem>>
    %dma_wait3A_143 = arith.constant 0 : i32
    %dma_wait3A_144 = tpu.memref_slice %arg5[%dma_wait3A_139, %dma_wait3A_143] : memref<27x128xi32, #tpu.memory_space<vmem>> -> memref<1x128xi32, #tpu.memory_space<vmem>>
    %dma_wait3A_145 = tpu.memref_squeeze %dma_wait3A_144 : memref<1x128xi32, #tpu.memory_space<vmem>> -> memref<128xi32, #tpu.memory_space<vmem>>
    %dma_wait3A_146 = arith.constant 0 : i32
    %dma_wait3A_147 = arith.constant 0 : i32
    %dma_wait3A_148 = tpu.memref_slice %arg2[%dma_wait3A_146, %dma_wait3A_147] : memref<8192x16xf32, #tpu.memory_space<hbm>> -> memref<8192x16xf32, #tpu.memory_space<hbm>>
    tpu.wait_indirect_dma semaphore(%arg7 : memref<!tpu.dma_semaphore, #tpu.memory_space<semaphore_mem>>) src(%dma_wait3A_148 : memref<8192x16xf32, #tpu.memory_space<hbm>>) dst(%dma_wait3A_142 : memref<128x16xf32, #tpu.memory_space<vmem>>)
    %dma_wait3A_149 = arith.constant 7 : i32
    %dma_wait3A_150 = arith.constant 896 : i32
    %dma_wait3A_151 = arith.constant 0 : i32
    %dma_wait3A_152 = tpu.memref_slice %arg6[%dma_wait3A_150, %dma_wait3A_151] : memref<3456x16xf32, #tpu.memory_space<vmem>> -> memref<128x16xf32, #tpu.memory_space<vmem>>
    %dma_wait3A_153 = arith.constant 0 : i32
    %dma_wait3A_154 = tpu.memref_slice %arg5[%dma_wait3A_149, %dma_wait3A_153] : memref<27x128xi32, #tpu.memory_space<vmem>> -> memref<1x128xi32, #tpu.memory_space<vmem>>
    %dma_wait3A_155 = tpu.memref_squeeze %dma_wait3A_154 : memref<1x128xi32, #tpu.memory_space<vmem>> -> memref<128xi32, #tpu.memory_space<vmem>>
    %dma_wait3A_156 = arith.constant 0 : i32
    %dma_wait3A_157 = arith.constant 0 : i32
    %dma_wait3A_158 = tpu.memref_slice %arg2[%dma_wait3A_156, %dma_wait3A_157] : memref<8192x16xf32, #tpu.memory_space<hbm>> -> memref<8192x16xf32, #tpu.memory_space<hbm>>
    tpu.wait_indirect_dma semaphore(%arg7 : memref<!tpu.dma_semaphore, #tpu.memory_space<semaphore_mem>>) src(%dma_wait3A_158 : memref<8192x16xf32, #tpu.memory_space<hbm>>) dst(%dma_wait3A_152 : memref<128x16xf32, #tpu.memory_space<vmem>>)
    %dma_start3A_159 = arith.constant 8 : i32
    %dma_start3A_160 = arith.constant 1024 : i32
    %dma_start3A_161 = arith.constant 0 : i32
    %dma_start3A_162 = tpu.memref_slice %arg6[%dma_start3A_160, %dma_start3A_161] : memref<3456x16xf32, #tpu.memory_space<vmem>> -> memref<128x16xf32, #tpu.memory_space<vmem>>
    %dma_start3A_163 = arith.constant 0 : i32
    %dma_start3A_164 = tpu.memref_slice %arg5[%dma_start3A_159, %dma_start3A_163] : memref<27x128xi32, #tpu.memory_space<vmem>> -> memref<1x128xi32, #tpu.memory_space<vmem>>
    %dma_start3A_165 = tpu.memref_squeeze %dma_start3A_164 : memref<1x128xi32, #tpu.memory_space<vmem>> -> memref<128xi32, #tpu.memory_space<vmem>>
    %dma_start3A_166 = arith.constant 0 : i32
    %dma_start3A_167 = arith.constant 0 : i32
    %dma_start3A_168 = tpu.memref_slice %arg2[%dma_start3A_166, %dma_start3A_167] : memref<8192x16xf32, #tpu.memory_space<hbm>> -> memref<8192x16xf32, #tpu.memory_space<hbm>>
    tpu.enqueue_indirect_dma source(%dma_start3A_168 : memref<8192x16xf32, #tpu.memory_space<hbm>>) target(%dma_start3A_162 : memref<128x16xf32, #tpu.memory_space<vmem>>) offsets(%dma_start3A_165 : memref<128xi32, #tpu.memory_space<vmem>>) semaphore(%arg7 : memref<!tpu.dma_semaphore, #tpu.memory_space<semaphore_mem>>)
    %dma_start3A_169 = arith.constant 9 : i32
    %dma_start3A_170 = arith.constant 1152 : i32
    %dma_start3A_171 = arith.constant 0 : i32
    %dma_start3A_172 = tpu.memref_slice %arg6[%dma_start3A_170, %dma_start3A_171] : memref<3456x16xf32, #tpu.memory_space<vmem>> -> memref<128x16xf32, #tpu.memory_space<vmem>>
    %dma_start3A_173 = arith.constant 0 : i32
    %dma_start3A_174 = tpu.memref_slice %arg5[%dma_start3A_169, %dma_start3A_173] : memref<27x128xi32, #tpu.memory_space<vmem>> -> memref<1x128xi32, #tpu.memory_space<vmem>>
    %dma_start3A_175 = tpu.memref_squeeze %dma_start3A_174 : memref<1x128xi32, #tpu.memory_space<vmem>> -> memref<128xi32, #tpu.memory_space<vmem>>
    %dma_start3A_176 = arith.constant 0 : i32
    %dma_start3A_177 = arith.constant 0 : i32
    %dma_start3A_178 = tpu.memref_slice %arg2[%dma_start3A_176, %dma_start3A_177] : memref<8192x16xf32, #tpu.memory_space<hbm>> -> memref<8192x16xf32, #tpu.memory_space<hbm>>
    tpu.enqueue_indirect_dma source(%dma_start3A_178 : memref<8192x16xf32, #tpu.memory_space<hbm>>) target(%dma_start3A_172 : memref<128x16xf32, #tpu.memory_space<vmem>>) offsets(%dma_start3A_175 : memref<128xi32, #tpu.memory_space<vmem>>) semaphore(%arg7 : memref<!tpu.dma_semaphore, #tpu.memory_space<semaphore_mem>>)
    %dma_start3A_179 = arith.constant 10 : i32
    %dma_start3A_180 = arith.constant 1280 : i32
    %dma_start3A_181 = arith.constant 0 : i32
    %dma_start3A_182 = tpu.memref_slice %arg6[%dma_start3A_180, %dma_start3A_181] : memref<3456x16xf32, #tpu.memory_space<vmem>> -> memref<128x16xf32, #tpu.memory_space<vmem>>
    %dma_start3A_183 = arith.constant 0 : i32
    %dma_start3A_184 = tpu.memref_slice %arg5[%dma_start3A_179, %dma_start3A_183] : memref<27x128xi32, #tpu.memory_space<vmem>> -> memref<1x128xi32, #tpu.memory_space<vmem>>
    %dma_start3A_185 = tpu.memref_squeeze %dma_start3A_184 : memref<1x128xi32, #tpu.memory_space<vmem>> -> memref<128xi32, #tpu.memory_space<vmem>>
    %dma_start3A_186 = arith.constant 0 : i32
    %dma_start3A_187 = arith.constant 0 : i32
    %dma_start3A_188 = tpu.memref_slice %arg2[%dma_start3A_186, %dma_start3A_187] : memref<8192x16xf32, #tpu.memory_space<hbm>> -> memref<8192x16xf32, #tpu.memory_space<hbm>>
    tpu.enqueue_indirect_dma source(%dma_start3A_188 : memref<8192x16xf32, #tpu.memory_space<hbm>>) target(%dma_start3A_182 : memref<128x16xf32, #tpu.memory_space<vmem>>) offsets(%dma_start3A_185 : memref<128xi32, #tpu.memory_space<vmem>>) semaphore(%arg7 : memref<!tpu.dma_semaphore, #tpu.memory_space<semaphore_mem>>)
    %dma_start3A_189 = arith.constant 11 : i32
    %dma_start3A_190 = arith.constant 1408 : i32
    %dma_start3A_191 = arith.constant 0 : i32
    %dma_start3A_192 = tpu.memref_slice %arg6[%dma_start3A_190, %dma_start3A_191] : memref<3456x16xf32, #tpu.memory_space<vmem>> -> memref<128x16xf32, #tpu.memory_space<vmem>>
    %dma_start3A_193 = arith.constant 0 : i32
    %dma_start3A_194 = tpu.memref_slice %arg5[%dma_start3A_189, %dma_start3A_193] : memref<27x128xi32, #tpu.memory_space<vmem>> -> memref<1x128xi32, #tpu.memory_space<vmem>>
    %dma_start3A_195 = tpu.memref_squeeze %dma_start3A_194 : memref<1x128xi32, #tpu.memory_space<vmem>> -> memref<128xi32, #tpu.memory_space<vmem>>
    %dma_start3A_196 = arith.constant 0 : i32
    %dma_start3A_197 = arith.constant 0 : i32
    %dma_start3A_198 = tpu.memref_slice %arg2[%dma_start3A_196, %dma_start3A_197] : memref<8192x16xf32, #tpu.memory_space<hbm>> -> memref<8192x16xf32, #tpu.memory_space<hbm>>
    tpu.enqueue_indirect_dma source(%dma_start3A_198 : memref<8192x16xf32, #tpu.memory_space<hbm>>) target(%dma_start3A_192 : memref<128x16xf32, #tpu.memory_space<vmem>>) offsets(%dma_start3A_195 : memref<128xi32, #tpu.memory_space<vmem>>) semaphore(%arg7 : memref<!tpu.dma_semaphore, #tpu.memory_space<semaphore_mem>>)
    %dma_start3A_199 = arith.constant 12 : i32
    %dma_start3A_200 = arith.constant 1536 : i32
    %dma_start3A_201 = arith.constant 0 : i32
    %dma_start3A_202 = tpu.memref_slice %arg6[%dma_start3A_200, %dma_start3A_201] : memref<3456x16xf32, #tpu.memory_space<vmem>> -> memref<128x16xf32, #tpu.memory_space<vmem>>
    %dma_start3A_203 = arith.constant 0 : i32
    %dma_start3A_204 = tpu.memref_slice %arg5[%dma_start3A_199, %dma_start3A_203] : memref<27x128xi32, #tpu.memory_space<vmem>> -> memref<1x128xi32, #tpu.memory_space<vmem>>
    %dma_start3A_205 = tpu.memref_squeeze %dma_start3A_204 : memref<1x128xi32, #tpu.memory_space<vmem>> -> memref<128xi32, #tpu.memory_space<vmem>>
    %dma_start3A_206 = arith.constant 0 : i32
    %dma_start3A_207 = arith.constant 0 : i32
    %dma_start3A_208 = tpu.memref_slice %arg2[%dma_start3A_206, %dma_start3A_207] : memref<8192x16xf32, #tpu.memory_space<hbm>> -> memref<8192x16xf32, #tpu.memory_space<hbm>>
    tpu.enqueue_indirect_dma source(%dma_start3A_208 : memref<8192x16xf32, #tpu.memory_space<hbm>>) target(%dma_start3A_202 : memref<128x16xf32, #tpu.memory_space<vmem>>) offsets(%dma_start3A_205 : memref<128xi32, #tpu.memory_space<vmem>>) semaphore(%arg7 : memref<!tpu.dma_semaphore, #tpu.memory_space<semaphore_mem>>)
    %dma_start3A_209 = arith.constant 13 : i32
    %dma_start3A_210 = arith.constant 1664 : i32
    %dma_start3A_211 = arith.constant 0 : i32
    %dma_start3A_212 = tpu.memref_slice %arg6[%dma_start3A_210, %dma_start3A_211] : memref<3456x16xf32, #tpu.memory_space<vmem>> -> memref<128x16xf32, #tpu.memory_space<vmem>>
    %dma_start3A_213 = arith.constant 0 : i32
    %dma_start3A_214 = tpu.memref_slice %arg5[%dma_start3A_209, %dma_start3A_213] : memref<27x128xi32, #tpu.memory_space<vmem>> -> memref<1x128xi32, #tpu.memory_space<vmem>>
    %dma_start3A_215 = tpu.memref_squeeze %dma_start3A_214 : memref<1x128xi32, #tpu.memory_space<vmem>> -> memref<128xi32, #tpu.memory_space<vmem>>
    %dma_start3A_216 = arith.constant 0 : i32
    %dma_start3A_217 = arith.constant 0 : i32
    %dma_start3A_218 = tpu.memref_slice %arg2[%dma_start3A_216, %dma_start3A_217] : memref<8192x16xf32, #tpu.memory_space<hbm>> -> memref<8192x16xf32, #tpu.memory_space<hbm>>
    tpu.enqueue_indirect_dma source(%dma_start3A_218 : memref<8192x16xf32, #tpu.memory_space<hbm>>) target(%dma_start3A_212 : memref<128x16xf32, #tpu.memory_space<vmem>>) offsets(%dma_start3A_215 : memref<128xi32, #tpu.memory_space<vmem>>) semaphore(%arg7 : memref<!tpu.dma_semaphore, #tpu.memory_space<semaphore_mem>>)
    %dma_start3A_219 = arith.constant 14 : i32
    %dma_start3A_220 = arith.constant 1792 : i32
    %dma_start3A_221 = arith.constant 0 : i32
    %dma_start3A_222 = tpu.memref_slice %arg6[%dma_start3A_220, %dma_start3A_221] : memref<3456x16xf32, #tpu.memory_space<vmem>> -> memref<128x16xf32, #tpu.memory_space<vmem>>
    %dma_start3A_223 = arith.constant 0 : i32
    %dma_start3A_224 = tpu.memref_slice %arg5[%dma_start3A_219, %dma_start3A_223] : memref<27x128xi32, #tpu.memory_space<vmem>> -> memref<1x128xi32, #tpu.memory_space<vmem>>
    %dma_start3A_225 = tpu.memref_squeeze %dma_start3A_224 : memref<1x128xi32, #tpu.memory_space<vmem>> -> memref<128xi32, #tpu.memory_space<vmem>>
    %dma_start3A_226 = arith.constant 0 : i32
    %dma_start3A_227 = arith.constant 0 : i32
    %dma_start3A_228 = tpu.memref_slice %arg2[%dma_start3A_226, %dma_start3A_227] : memref<8192x16xf32, #tpu.memory_space<hbm>> -> memref<8192x16xf32, #tpu.memory_space<hbm>>
    tpu.enqueue_indirect_dma source(%dma_start3A_228 : memref<8192x16xf32, #tpu.memory_space<hbm>>) target(%dma_start3A_222 : memref<128x16xf32, #tpu.memory_space<vmem>>) offsets(%dma_start3A_225 : memref<128xi32, #tpu.memory_space<vmem>>) semaphore(%arg7 : memref<!tpu.dma_semaphore, #tpu.memory_space<semaphore_mem>>)
    %dma_start3A_229 = arith.constant 15 : i32
    %dma_start3A_230 = arith.constant 1920 : i32
    %dma_start3A_231 = arith.constant 0 : i32
    %dma_start3A_232 = tpu.memref_slice %arg6[%dma_start3A_230, %dma_start3A_231] : memref<3456x16xf32, #tpu.memory_space<vmem>> -> memref<128x16xf32, #tpu.memory_space<vmem>>
    %dma_start3A_233 = arith.constant 0 : i32
    %dma_start3A_234 = tpu.memref_slice %arg5[%dma_start3A_229, %dma_start3A_233] : memref<27x128xi32, #tpu.memory_space<vmem>> -> memref<1x128xi32, #tpu.memory_space<vmem>>
    %dma_start3A_235 = tpu.memref_squeeze %dma_start3A_234 : memref<1x128xi32, #tpu.memory_space<vmem>> -> memref<128xi32, #tpu.memory_space<vmem>>
    %dma_start3A_236 = arith.constant 0 : i32
    %dma_start3A_237 = arith.constant 0 : i32
    %dma_start3A_238 = tpu.memref_slice %arg2[%dma_start3A_236, %dma_start3A_237] : memref<8192x16xf32, #tpu.memory_space<hbm>> -> memref<8192x16xf32, #tpu.memory_space<hbm>>
    tpu.enqueue_indirect_dma source(%dma_start3A_238 : memref<8192x16xf32, #tpu.memory_space<hbm>>) target(%dma_start3A_232 : memref<128x16xf32, #tpu.memory_space<vmem>>) offsets(%dma_start3A_235 : memref<128xi32, #tpu.memory_space<vmem>>) semaphore(%arg7 : memref<!tpu.dma_semaphore, #tpu.memory_space<semaphore_mem>>)
    %dma_wait3A_239 = arith.constant 8 : i32
    %dma_wait3A_240 = arith.constant 1024 : i32
    %dma_wait3A_241 = arith.constant 0 : i32
    %dma_wait3A_242 = tpu.memref_slice %arg6[%dma_wait3A_240, %dma_wait3A_241] : memref<3456x16xf32, #tpu.memory_space<vmem>> -> memref<128x16xf32, #tpu.memory_space<vmem>>
    %dma_wait3A_243 = arith.constant 0 : i32
    %dma_wait3A_244 = tpu.memref_slice %arg5[%dma_wait3A_239, %dma_wait3A_243] : memref<27x128xi32, #tpu.memory_space<vmem>> -> memref<1x128xi32, #tpu.memory_space<vmem>>
    %dma_wait3A_245 = tpu.memref_squeeze %dma_wait3A_244 : memref<1x128xi32, #tpu.memory_space<vmem>> -> memref<128xi32, #tpu.memory_space<vmem>>
    %dma_wait3A_246 = arith.constant 0 : i32
    %dma_wait3A_247 = arith.constant 0 : i32
    %dma_wait3A_248 = tpu.memref_slice %arg2[%dma_wait3A_246, %dma_wait3A_247] : memref<8192x16xf32, #tpu.memory_space<hbm>> -> memref<8192x16xf32, #tpu.memory_space<hbm>>
    tpu.wait_indirect_dma semaphore(%arg7 : memref<!tpu.dma_semaphore, #tpu.memory_space<semaphore_mem>>) src(%dma_wait3A_248 : memref<8192x16xf32, #tpu.memory_space<hbm>>) dst(%dma_wait3A_242 : memref<128x16xf32, #tpu.memory_space<vmem>>)
    %dma_wait3A_249 = arith.constant 9 : i32
    %dma_wait3A_250 = arith.constant 1152 : i32
    %dma_wait3A_251 = arith.constant 0 : i32
    %dma_wait3A_252 = tpu.memref_slice %arg6[%dma_wait3A_250, %dma_wait3A_251] : memref<3456x16xf32, #tpu.memory_space<vmem>> -> memref<128x16xf32, #tpu.memory_space<vmem>>
    %dma_wait3A_253 = arith.constant 0 : i32
    %dma_wait3A_254 = tpu.memref_slice %arg5[%dma_wait3A_249, %dma_wait3A_253] : memref<27x128xi32, #tpu.memory_space<vmem>> -> memref<1x128xi32, #tpu.memory_space<vmem>>
    %dma_wait3A_255 = tpu.memref_squeeze %dma_wait3A_254 : memref<1x128xi32, #tpu.memory_space<vmem>> -> memref<128xi32, #tpu.memory_space<vmem>>
    %dma_wait3A_256 = arith.constant 0 : i32
    %dma_wait3A_257 = arith.constant 0 : i32
    %dma_wait3A_258 = tpu.memref_slice %arg2[%dma_wait3A_256, %dma_wait3A_257] : memref<8192x16xf32, #tpu.memory_space<hbm>> -> memref<8192x16xf32, #tpu.memory_space<hbm>>
    tpu.wait_indirect_dma semaphore(%arg7 : memref<!tpu.dma_semaphore, #tpu.memory_space<semaphore_mem>>) src(%dma_wait3A_258 : memref<8192x16xf32, #tpu.memory_space<hbm>>) dst(%dma_wait3A_252 : memref<128x16xf32, #tpu.memory_space<vmem>>)
    %dma_wait3A_259 = arith.constant 10 : i32
    %dma_wait3A_260 = arith.constant 1280 : i32
    %dma_wait3A_261 = arith.constant 0 : i32
    %dma_wait3A_262 = tpu.memref_slice %arg6[%dma_wait3A_260, %dma_wait3A_261] : memref<3456x16xf32, #tpu.memory_space<vmem>> -> memref<128x16xf32, #tpu.memory_space<vmem>>
    %dma_wait3A_263 = arith.constant 0 : i32
    %dma_wait3A_264 = tpu.memref_slice %arg5[%dma_wait3A_259, %dma_wait3A_263] : memref<27x128xi32, #tpu.memory_space<vmem>> -> memref<1x128xi32, #tpu.memory_space<vmem>>
    %dma_wait3A_265 = tpu.memref_squeeze %dma_wait3A_264 : memref<1x128xi32, #tpu.memory_space<vmem>> -> memref<128xi32, #tpu.memory_space<vmem>>
    %dma_wait3A_266 = arith.constant 0 : i32
    %dma_wait3A_267 = arith.constant 0 : i32
    %dma_wait3A_268 = tpu.memref_slice %arg2[%dma_wait3A_266, %dma_wait3A_267] : memref<8192x16xf32, #tpu.memory_space<hbm>> -> memref<8192x16xf32, #tpu.memory_space<hbm>>
    tpu.wait_indirect_dma semaphore(%arg7 : memref<!tpu.dma_semaphore, #tpu.memory_space<semaphore_mem>>) src(%dma_wait3A_268 : memref<8192x16xf32, #tpu.memory_space<hbm>>) dst(%dma_wait3A_262 : memref<128x16xf32, #tpu.memory_space<vmem>>)
    %dma_wait3A_269 = arith.constant 11 : i32
    %dma_wait3A_270 = arith.constant 1408 : i32
    %dma_wait3A_271 = arith.constant 0 : i32
    %dma_wait3A_272 = tpu.memref_slice %arg6[%dma_wait3A_270, %dma_wait3A_271] : memref<3456x16xf32, #tpu.memory_space<vmem>> -> memref<128x16xf32, #tpu.memory_space<vmem>>
    %dma_wait3A_273 = arith.constant 0 : i32
    %dma_wait3A_274 = tpu.memref_slice %arg5[%dma_wait3A_269, %dma_wait3A_273] : memref<27x128xi32, #tpu.memory_space<vmem>> -> memref<1x128xi32, #tpu.memory_space<vmem>>
    %dma_wait3A_275 = tpu.memref_squeeze %dma_wait3A_274 : memref<1x128xi32, #tpu.memory_space<vmem>> -> memref<128xi32, #tpu.memory_space<vmem>>
    %dma_wait3A_276 = arith.constant 0 : i32
    %dma_wait3A_277 = arith.constant 0 : i32
    %dma_wait3A_278 = tpu.memref_slice %arg2[%dma_wait3A_276, %dma_wait3A_277] : memref<8192x16xf32, #tpu.memory_space<hbm>> -> memref<8192x16xf32, #tpu.memory_space<hbm>>
    tpu.wait_indirect_dma semaphore(%arg7 : memref<!tpu.dma_semaphore, #tpu.memory_space<semaphore_mem>>) src(%dma_wait3A_278 : memref<8192x16xf32, #tpu.memory_space<hbm>>) dst(%dma_wait3A_272 : memref<128x16xf32, #tpu.memory_space<vmem>>)
    %dma_wait3A_279 = arith.constant 12 : i32
    %dma_wait3A_280 = arith.constant 1536 : i32
    %dma_wait3A_281 = arith.constant 0 : i32
    %dma_wait3A_282 = tpu.memref_slice %arg6[%dma_wait3A_280, %dma_wait3A_281] : memref<3456x16xf32, #tpu.memory_space<vmem>> -> memref<128x16xf32, #tpu.memory_space<vmem>>
    %dma_wait3A_283 = arith.constant 0 : i32
    %dma_wait3A_284 = tpu.memref_slice %arg5[%dma_wait3A_279, %dma_wait3A_283] : memref<27x128xi32, #tpu.memory_space<vmem>> -> memref<1x128xi32, #tpu.memory_space<vmem>>
    %dma_wait3A_285 = tpu.memref_squeeze %dma_wait3A_284 : memref<1x128xi32, #tpu.memory_space<vmem>> -> memref<128xi32, #tpu.memory_space<vmem>>
    %dma_wait3A_286 = arith.constant 0 : i32
    %dma_wait3A_287 = arith.constant 0 : i32
    %dma_wait3A_288 = tpu.memref_slice %arg2[%dma_wait3A_286, %dma_wait3A_287] : memref<8192x16xf32, #tpu.memory_space<hbm>> -> memref<8192x16xf32, #tpu.memory_space<hbm>>
    tpu.wait_indirect_dma semaphore(%arg7 : memref<!tpu.dma_semaphore, #tpu.memory_space<semaphore_mem>>) src(%dma_wait3A_288 : memref<8192x16xf32, #tpu.memory_space<hbm>>) dst(%dma_wait3A_282 : memref<128x16xf32, #tpu.memory_space<vmem>>)
    %dma_wait3A_289 = arith.constant 13 : i32
    %dma_wait3A_290 = arith.constant 1664 : i32
    %dma_wait3A_291 = arith.constant 0 : i32
    %dma_wait3A_292 = tpu.memref_slice %arg6[%dma_wait3A_290, %dma_wait3A_291] : memref<3456x16xf32, #tpu.memory_space<vmem>> -> memref<128x16xf32, #tpu.memory_space<vmem>>
    %dma_wait3A_293 = arith.constant 0 : i32
    %dma_wait3A_294 = tpu.memref_slice %arg5[%dma_wait3A_289, %dma_wait3A_293] : memref<27x128xi32, #tpu.memory_space<vmem>> -> memref<1x128xi32, #tpu.memory_space<vmem>>
    %dma_wait3A_295 = tpu.memref_squeeze %dma_wait3A_294 : memref<1x128xi32, #tpu.memory_space<vmem>> -> memref<128xi32, #tpu.memory_space<vmem>>
    %dma_wait3A_296 = arith.constant 0 : i32
    %dma_wait3A_297 = arith.constant 0 : i32
    %dma_wait3A_298 = tpu.memref_slice %arg2[%dma_wait3A_296, %dma_wait3A_297] : memref<8192x16xf32, #tpu.memory_space<hbm>> -> memref<8192x16xf32, #tpu.memory_space<hbm>>
    tpu.wait_indirect_dma semaphore(%arg7 : memref<!tpu.dma_semaphore, #tpu.memory_space<semaphore_mem>>) src(%dma_wait3A_298 : memref<8192x16xf32, #tpu.memory_space<hbm>>) dst(%dma_wait3A_292 : memref<128x16xf32, #tpu.memory_space<vmem>>)
    %dma_wait3A_299 = arith.constant 14 : i32
    %dma_wait3A_300 = arith.constant 1792 : i32
    %dma_wait3A_301 = arith.constant 0 : i32
    %dma_wait3A_302 = tpu.memref_slice %arg6[%dma_wait3A_300, %dma_wait3A_301] : memref<3456x16xf32, #tpu.memory_space<vmem>> -> memref<128x16xf32, #tpu.memory_space<vmem>>
    %dma_wait3A_303 = arith.constant 0 : i32
    %dma_wait3A_304 = tpu.memref_slice %arg5[%dma_wait3A_299, %dma_wait3A_303] : memref<27x128xi32, #tpu.memory_space<vmem>> -> memref<1x128xi32, #tpu.memory_space<vmem>>
    %dma_wait3A_305 = tpu.memref_squeeze %dma_wait3A_304 : memref<1x128xi32, #tpu.memory_space<vmem>> -> memref<128xi32, #tpu.memory_space<vmem>>
    %dma_wait3A_306 = arith.constant 0 : i32
    %dma_wait3A_307 = arith.constant 0 : i32
    %dma_wait3A_308 = tpu.memref_slice %arg2[%dma_wait3A_306, %dma_wait3A_307] : memref<8192x16xf32, #tpu.memory_space<hbm>> -> memref<8192x16xf32, #tpu.memory_space<hbm>>
    tpu.wait_indirect_dma semaphore(%arg7 : memref<!tpu.dma_semaphore, #tpu.memory_space<semaphore_mem>>) src(%dma_wait3A_308 : memref<8192x16xf32, #tpu.memory_space<hbm>>) dst(%dma_wait3A_302 : memref<128x16xf32, #tpu.memory_space<vmem>>)
    %dma_wait3A_309 = arith.constant 15 : i32
    %dma_wait3A_310 = arith.constant 1920 : i32
    %dma_wait3A_311 = arith.constant 0 : i32
    %dma_wait3A_312 = tpu.memref_slice %arg6[%dma_wait3A_310, %dma_wait3A_311] : memref<3456x16xf32, #tpu.memory_space<vmem>> -> memref<128x16xf32, #tpu.memory_space<vmem>>
    %dma_wait3A_313 = arith.constant 0 : i32
    %dma_wait3A_314 = tpu.memref_slice %arg5[%dma_wait3A_309, %dma_wait3A_313] : memref<27x128xi32, #tpu.memory_space<vmem>> -> memref<1x128xi32, #tpu.memory_space<vmem>>
    %dma_wait3A_315 = tpu.memref_squeeze %dma_wait3A_314 : memref<1x128xi32, #tpu.memory_space<vmem>> -> memref<128xi32, #tpu.memory_space<vmem>>
    %dma_wait3A_316 = arith.constant 0 : i32
    %dma_wait3A_317 = arith.constant 0 : i32
    %dma_wait3A_318 = tpu.memref_slice %arg2[%dma_wait3A_316, %dma_wait3A_317] : memref<8192x16xf32, #tpu.memory_space<hbm>> -> memref<8192x16xf32, #tpu.memory_space<hbm>>
    tpu.wait_indirect_dma semaphore(%arg7 : memref<!tpu.dma_semaphore, #tpu.memory_space<semaphore_mem>>) src(%dma_wait3A_318 : memref<8192x16xf32, #tpu.memory_space<hbm>>) dst(%dma_wait3A_312 : memref<128x16xf32, #tpu.memory_space<vmem>>)
    %dma_start3A_319 = arith.constant 16 : i32
    %dma_start3A_320 = arith.constant 2048 : i32
    %dma_start3A_321 = arith.constant 0 : i32
    %dma_start3A_322 = tpu.memref_slice %arg6[%dma_start3A_320, %dma_start3A_321] : memref<3456x16xf32, #tpu.memory_space<vmem>> -> memref<128x16xf32, #tpu.memory_space<vmem>>
    %dma_start3A_323 = arith.constant 0 : i32
    %dma_start3A_324 = tpu.memref_slice %arg5[%dma_start3A_319, %dma_start3A_323] : memref<27x128xi32, #tpu.memory_space<vmem>> -> memref<1x128xi32, #tpu.memory_space<vmem>>
    %dma_start3A_325 = tpu.memref_squeeze %dma_start3A_324 : memref<1x128xi32, #tpu.memory_space<vmem>> -> memref<128xi32, #tpu.memory_space<vmem>>
    %dma_start3A_326 = arith.constant 0 : i32
    %dma_start3A_327 = arith.constant 0 : i32
    %dma_start3A_328 = tpu.memref_slice %arg2[%dma_start3A_326, %dma_start3A_327] : memref<8192x16xf32, #tpu.memory_space<hbm>> -> memref<8192x16xf32, #tpu.memory_space<hbm>>
    tpu.enqueue_indirect_dma source(%dma_start3A_328 : memref<8192x16xf32, #tpu.memory_space<hbm>>) target(%dma_start3A_322 : memref<128x16xf32, #tpu.memory_space<vmem>>) offsets(%dma_start3A_325 : memref<128xi32, #tpu.memory_space<vmem>>) semaphore(%arg7 : memref<!tpu.dma_semaphore, #tpu.memory_space<semaphore_mem>>)
    %dma_start3A_329 = arith.constant 17 : i32
    %dma_start3A_330 = arith.constant 2176 : i32
    %dma_start3A_331 = arith.constant 0 : i32
    %dma_start3A_332 = tpu.memref_slice %arg6[%dma_start3A_330, %dma_start3A_331] : memref<3456x16xf32, #tpu.memory_space<vmem>> -> memref<128x16xf32, #tpu.memory_space<vmem>>
    %dma_start3A_333 = arith.constant 0 : i32
    %dma_start3A_334 = tpu.memref_slice %arg5[%dma_start3A_329, %dma_start3A_333] : memref<27x128xi32, #tpu.memory_space<vmem>> -> memref<1x128xi32, #tpu.memory_space<vmem>>
    %dma_start3A_335 = tpu.memref_squeeze %dma_start3A_334 : memref<1x128xi32, #tpu.memory_space<vmem>> -> memref<128xi32, #tpu.memory_space<vmem>>
    %dma_start3A_336 = arith.constant 0 : i32
    %dma_start3A_337 = arith.constant 0 : i32
    %dma_start3A_338 = tpu.memref_slice %arg2[%dma_start3A_336, %dma_start3A_337] : memref<8192x16xf32, #tpu.memory_space<hbm>> -> memref<8192x16xf32, #tpu.memory_space<hbm>>
    tpu.enqueue_indirect_dma source(%dma_start3A_338 : memref<8192x16xf32, #tpu.memory_space<hbm>>) target(%dma_start3A_332 : memref<128x16xf32, #tpu.memory_space<vmem>>) offsets(%dma_start3A_335 : memref<128xi32, #tpu.memory_space<vmem>>) semaphore(%arg7 : memref<!tpu.dma_semaphore, #tpu.memory_space<semaphore_mem>>)
    %dma_start3A_339 = arith.constant 18 : i32
    %dma_start3A_340 = arith.constant 2304 : i32
    %dma_start3A_341 = arith.constant 0 : i32
    %dma_start3A_342 = tpu.memref_slice %arg6[%dma_start3A_340, %dma_start3A_341] : memref<3456x16xf32, #tpu.memory_space<vmem>> -> memref<128x16xf32, #tpu.memory_space<vmem>>
    %dma_start3A_343 = arith.constant 0 : i32
    %dma_start3A_344 = tpu.memref_slice %arg5[%dma_start3A_339, %dma_start3A_343] : memref<27x128xi32, #tpu.memory_space<vmem>> -> memref<1x128xi32, #tpu.memory_space<vmem>>
    %dma_start3A_345 = tpu.memref_squeeze %dma_start3A_344 : memref<1x128xi32, #tpu.memory_space<vmem>> -> memref<128xi32, #tpu.memory_space<vmem>>
    %dma_start3A_346 = arith.constant 0 : i32
    %dma_start3A_347 = arith.constant 0 : i32
    %dma_start3A_348 = tpu.memref_slice %arg2[%dma_start3A_346, %dma_start3A_347] : memref<8192x16xf32, #tpu.memory_space<hbm>> -> memref<8192x16xf32, #tpu.memory_space<hbm>>
    tpu.enqueue_indirect_dma source(%dma_start3A_348 : memref<8192x16xf32, #tpu.memory_space<hbm>>) target(%dma_start3A_342 : memref<128x16xf32, #tpu.memory_space<vmem>>) offsets(%dma_start3A_345 : memref<128xi32, #tpu.memory_space<vmem>>) semaphore(%arg7 : memref<!tpu.dma_semaphore, #tpu.memory_space<semaphore_mem>>)
    %dma_start3A_349 = arith.constant 19 : i32
    %dma_start3A_350 = arith.constant 2432 : i32
    %dma_start3A_351 = arith.constant 0 : i32
    %dma_start3A_352 = tpu.memref_slice %arg6[%dma_start3A_350, %dma_start3A_351] : memref<3456x16xf32, #tpu.memory_space<vmem>> -> memref<128x16xf32, #tpu.memory_space<vmem>>
    %dma_start3A_353 = arith.constant 0 : i32
    %dma_start3A_354 = tpu.memref_slice %arg5[%dma_start3A_349, %dma_start3A_353] : memref<27x128xi32, #tpu.memory_space<vmem>> -> memref<1x128xi32, #tpu.memory_space<vmem>>
    %dma_start3A_355 = tpu.memref_squeeze %dma_start3A_354 : memref<1x128xi32, #tpu.memory_space<vmem>> -> memref<128xi32, #tpu.memory_space<vmem>>
    %dma_start3A_356 = arith.constant 0 : i32
    %dma_start3A_357 = arith.constant 0 : i32
    %dma_start3A_358 = tpu.memref_slice %arg2[%dma_start3A_356, %dma_start3A_357] : memref<8192x16xf32, #tpu.memory_space<hbm>> -> memref<8192x16xf32, #tpu.memory_space<hbm>>
    tpu.enqueue_indirect_dma source(%dma_start3A_358 : memref<8192x16xf32, #tpu.memory_space<hbm>>) target(%dma_start3A_352 : memref<128x16xf32, #tpu.memory_space<vmem>>) offsets(%dma_start3A_355 : memref<128xi32, #tpu.memory_space<vmem>>) semaphore(%arg7 : memref<!tpu.dma_semaphore, #tpu.memory_space<semaphore_mem>>)
    %dma_start3A_359 = arith.constant 20 : i32
    %dma_start3A_360 = arith.constant 2560 : i32
    %dma_start3A_361 = arith.constant 0 : i32
    %dma_start3A_362 = tpu.memref_slice %arg6[%dma_start3A_360, %dma_start3A_361] : memref<3456x16xf32, #tpu.memory_space<vmem>> -> memref<128x16xf32, #tpu.memory_space<vmem>>
    %dma_start3A_363 = arith.constant 0 : i32
    %dma_start3A_364 = tpu.memref_slice %arg5[%dma_start3A_359, %dma_start3A_363] : memref<27x128xi32, #tpu.memory_space<vmem>> -> memref<1x128xi32, #tpu.memory_space<vmem>>
    %dma_start3A_365 = tpu.memref_squeeze %dma_start3A_364 : memref<1x128xi32, #tpu.memory_space<vmem>> -> memref<128xi32, #tpu.memory_space<vmem>>
    %dma_start3A_366 = arith.constant 0 : i32
    %dma_start3A_367 = arith.constant 0 : i32
    %dma_start3A_368 = tpu.memref_slice %arg2[%dma_start3A_366, %dma_start3A_367] : memref<8192x16xf32, #tpu.memory_space<hbm>> -> memref<8192x16xf32, #tpu.memory_space<hbm>>
    tpu.enqueue_indirect_dma source(%dma_start3A_368 : memref<8192x16xf32, #tpu.memory_space<hbm>>) target(%dma_start3A_362 : memref<128x16xf32, #tpu.memory_space<vmem>>) offsets(%dma_start3A_365 : memref<128xi32, #tpu.memory_space<vmem>>) semaphore(%arg7 : memref<!tpu.dma_semaphore, #tpu.memory_space<semaphore_mem>>)
    %dma_start3A_369 = arith.constant 21 : i32
    %dma_start3A_370 = arith.constant 2688 : i32
    %dma_start3A_371 = arith.constant 0 : i32
    %dma_start3A_372 = tpu.memref_slice %arg6[%dma_start3A_370, %dma_start3A_371] : memref<3456x16xf32, #tpu.memory_space<vmem>> -> memref<128x16xf32, #tpu.memory_space<vmem>>
    %dma_start3A_373 = arith.constant 0 : i32
    %dma_start3A_374 = tpu.memref_slice %arg5[%dma_start3A_369, %dma_start3A_373] : memref<27x128xi32, #tpu.memory_space<vmem>> -> memref<1x128xi32, #tpu.memory_space<vmem>>
    %dma_start3A_375 = tpu.memref_squeeze %dma_start3A_374 : memref<1x128xi32, #tpu.memory_space<vmem>> -> memref<128xi32, #tpu.memory_space<vmem>>
    %dma_start3A_376 = arith.constant 0 : i32
    %dma_start3A_377 = arith.constant 0 : i32
    %dma_start3A_378 = tpu.memref_slice %arg2[%dma_start3A_376, %dma_start3A_377] : memref<8192x16xf32, #tpu.memory_space<hbm>> -> memref<8192x16xf32, #tpu.memory_space<hbm>>
    tpu.enqueue_indirect_dma source(%dma_start3A_378 : memref<8192x16xf32, #tpu.memory_space<hbm>>) target(%dma_start3A_372 : memref<128x16xf32, #tpu.memory_space<vmem>>) offsets(%dma_start3A_375 : memref<128xi32, #tpu.memory_space<vmem>>) semaphore(%arg7 : memref<!tpu.dma_semaphore, #tpu.memory_space<semaphore_mem>>)
    %dma_start3A_379 = arith.constant 22 : i32
    %dma_start3A_380 = arith.constant 2816 : i32
    %dma_start3A_381 = arith.constant 0 : i32
    %dma_start3A_382 = tpu.memref_slice %arg6[%dma_start3A_380, %dma_start3A_381] : memref<3456x16xf32, #tpu.memory_space<vmem>> -> memref<128x16xf32, #tpu.memory_space<vmem>>
    %dma_start3A_383 = arith.constant 0 : i32
    %dma_start3A_384 = tpu.memref_slice %arg5[%dma_start3A_379, %dma_start3A_383] : memref<27x128xi32, #tpu.memory_space<vmem>> -> memref<1x128xi32, #tpu.memory_space<vmem>>
    %dma_start3A_385 = tpu.memref_squeeze %dma_start3A_384 : memref<1x128xi32, #tpu.memory_space<vmem>> -> memref<128xi32, #tpu.memory_space<vmem>>
    %dma_start3A_386 = arith.constant 0 : i32
    %dma_start3A_387 = arith.constant 0 : i32
    %dma_start3A_388 = tpu.memref_slice %arg2[%dma_start3A_386, %dma_start3A_387] : memref<8192x16xf32, #tpu.memory_space<hbm>> -> memref<8192x16xf32, #tpu.memory_space<hbm>>
    tpu.enqueue_indirect_dma source(%dma_start3A_388 : memref<8192x16xf32, #tpu.memory_space<hbm>>) target(%dma_start3A_382 : memref<128x16xf32, #tpu.memory_space<vmem>>) offsets(%dma_start3A_385 : memref<128xi32, #tpu.memory_space<vmem>>) semaphore(%arg7 : memref<!tpu.dma_semaphore, #tpu.memory_space<semaphore_mem>>)
    %dma_start3A_389 = arith.constant 23 : i32
    %dma_start3A_390 = arith.constant 2944 : i32
    %dma_start3A_391 = arith.constant 0 : i32
    %dma_start3A_392 = tpu.memref_slice %arg6[%dma_start3A_390, %dma_start3A_391] : memref<3456x16xf32, #tpu.memory_space<vmem>> -> memref<128x16xf32, #tpu.memory_space<vmem>>
    %dma_start3A_393 = arith.constant 0 : i32
    %dma_start3A_394 = tpu.memref_slice %arg5[%dma_start3A_389, %dma_start3A_393] : memref<27x128xi32, #tpu.memory_space<vmem>> -> memref<1x128xi32, #tpu.memory_space<vmem>>
    %dma_start3A_395 = tpu.memref_squeeze %dma_start3A_394 : memref<1x128xi32, #tpu.memory_space<vmem>> -> memref<128xi32, #tpu.memory_space<vmem>>
    %dma_start3A_396 = arith.constant 0 : i32
    %dma_start3A_397 = arith.constant 0 : i32
    %dma_start3A_398 = tpu.memref_slice %arg2[%dma_start3A_396, %dma_start3A_397] : memref<8192x16xf32, #tpu.memory_space<hbm>> -> memref<8192x16xf32, #tpu.memory_space<hbm>>
    tpu.enqueue_indirect_dma source(%dma_start3A_398 : memref<8192x16xf32, #tpu.memory_space<hbm>>) target(%dma_start3A_392 : memref<128x16xf32, #tpu.memory_space<vmem>>) offsets(%dma_start3A_395 : memref<128xi32, #tpu.memory_space<vmem>>) semaphore(%arg7 : memref<!tpu.dma_semaphore, #tpu.memory_space<semaphore_mem>>)
    %dma_wait3A_399 = arith.constant 16 : i32
    %dma_wait3A_400 = arith.constant 2048 : i32
    %dma_wait3A_401 = arith.constant 0 : i32
    %dma_wait3A_402 = tpu.memref_slice %arg6[%dma_wait3A_400, %dma_wait3A_401] : memref<3456x16xf32, #tpu.memory_space<vmem>> -> memref<128x16xf32, #tpu.memory_space<vmem>>
    %dma_wait3A_403 = arith.constant 0 : i32
    %dma_wait3A_404 = tpu.memref_slice %arg5[%dma_wait3A_399, %dma_wait3A_403] : memref<27x128xi32, #tpu.memory_space<vmem>> -> memref<1x128xi32, #tpu.memory_space<vmem>>
    %dma_wait3A_405 = tpu.memref_squeeze %dma_wait3A_404 : memref<1x128xi32, #tpu.memory_space<vmem>> -> memref<128xi32, #tpu.memory_space<vmem>>
    %dma_wait3A_406 = arith.constant 0 : i32
    %dma_wait3A_407 = arith.constant 0 : i32
    %dma_wait3A_408 = tpu.memref_slice %arg2[%dma_wait3A_406, %dma_wait3A_407] : memref<8192x16xf32, #tpu.memory_space<hbm>> -> memref<8192x16xf32, #tpu.memory_space<hbm>>
    tpu.wait_indirect_dma semaphore(%arg7 : memref<!tpu.dma_semaphore, #tpu.memory_space<semaphore_mem>>) src(%dma_wait3A_408 : memref<8192x16xf32, #tpu.memory_space<hbm>>) dst(%dma_wait3A_402 : memref<128x16xf32, #tpu.memory_space<vmem>>)
    %dma_wait3A_409 = arith.constant 17 : i32
    %dma_wait3A_410 = arith.constant 2176 : i32
    %dma_wait3A_411 = arith.constant 0 : i32
    %dma_wait3A_412 = tpu.memref_slice %arg6[%dma_wait3A_410, %dma_wait3A_411] : memref<3456x16xf32, #tpu.memory_space<vmem>> -> memref<128x16xf32, #tpu.memory_space<vmem>>
    %dma_wait3A_413 = arith.constant 0 : i32
    %dma_wait3A_414 = tpu.memref_slice %arg5[%dma_wait3A_409, %dma_wait3A_413] : memref<27x128xi32, #tpu.memory_space<vmem>> -> memref<1x128xi32, #tpu.memory_space<vmem>>
    %dma_wait3A_415 = tpu.memref_squeeze %dma_wait3A_414 : memref<1x128xi32, #tpu.memory_space<vmem>> -> memref<128xi32, #tpu.memory_space<vmem>>
    %dma_wait3A_416 = arith.constant 0 : i32
    %dma_wait3A_417 = arith.constant 0 : i32
    %dma_wait3A_418 = tpu.memref_slice %arg2[%dma_wait3A_416, %dma_wait3A_417] : memref<8192x16xf32, #tpu.memory_space<hbm>> -> memref<8192x16xf32, #tpu.memory_space<hbm>>
    tpu.wait_indirect_dma semaphore(%arg7 : memref<!tpu.dma_semaphore, #tpu.memory_space<semaphore_mem>>) src(%dma_wait3A_418 : memref<8192x16xf32, #tpu.memory_space<hbm>>) dst(%dma_wait3A_412 : memref<128x16xf32, #tpu.memory_space<vmem>>)
    %dma_wait3A_419 = arith.constant 18 : i32
    %dma_wait3A_420 = arith.constant 2304 : i32
    %dma_wait3A_421 = arith.constant 0 : i32
    %dma_wait3A_422 = tpu.memref_slice %arg6[%dma_wait3A_420, %dma_wait3A_421] : memref<3456x16xf32, #tpu.memory_space<vmem>> -> memref<128x16xf32, #tpu.memory_space<vmem>>
    %dma_wait3A_423 = arith.constant 0 : i32
    %dma_wait3A_424 = tpu.memref_slice %arg5[%dma_wait3A_419, %dma_wait3A_423] : memref<27x128xi32, #tpu.memory_space<vmem>> -> memref<1x128xi32, #tpu.memory_space<vmem>>
    %dma_wait3A_425 = tpu.memref_squeeze %dma_wait3A_424 : memref<1x128xi32, #tpu.memory_space<vmem>> -> memref<128xi32, #tpu.memory_space<vmem>>
    %dma_wait3A_426 = arith.constant 0 : i32
    %dma_wait3A_427 = arith.constant 0 : i32
    %dma_wait3A_428 = tpu.memref_slice %arg2[%dma_wait3A_426, %dma_wait3A_427] : memref<8192x16xf32, #tpu.memory_space<hbm>> -> memref<8192x16xf32, #tpu.memory_space<hbm>>
    tpu.wait_indirect_dma semaphore(%arg7 : memref<!tpu.dma_semaphore, #tpu.memory_space<semaphore_mem>>) src(%dma_wait3A_428 : memref<8192x16xf32, #tpu.memory_space<hbm>>) dst(%dma_wait3A_422 : memref<128x16xf32, #tpu.memory_space<vmem>>)
    %dma_wait3A_429 = arith.constant 19 : i32
    %dma_wait3A_430 = arith.constant 2432 : i32
    %dma_wait3A_431 = arith.constant 0 : i32
    %dma_wait3A_432 = tpu.memref_slice %arg6[%dma_wait3A_430, %dma_wait3A_431] : memref<3456x16xf32, #tpu.memory_space<vmem>> -> memref<128x16xf32, #tpu.memory_space<vmem>>
    %dma_wait3A_433 = arith.constant 0 : i32
    %dma_wait3A_434 = tpu.memref_slice %arg5[%dma_wait3A_429, %dma_wait3A_433] : memref<27x128xi32, #tpu.memory_space<vmem>> -> memref<1x128xi32, #tpu.memory_space<vmem>>
    %dma_wait3A_435 = tpu.memref_squeeze %dma_wait3A_434 : memref<1x128xi32, #tpu.memory_space<vmem>> -> memref<128xi32, #tpu.memory_space<vmem>>
    %dma_wait3A_436 = arith.constant 0 : i32
    %dma_wait3A_437 = arith.constant 0 : i32
    %dma_wait3A_438 = tpu.memref_slice %arg2[%dma_wait3A_436, %dma_wait3A_437] : memref<8192x16xf32, #tpu.memory_space<hbm>> -> memref<8192x16xf32, #tpu.memory_space<hbm>>
    tpu.wait_indirect_dma semaphore(%arg7 : memref<!tpu.dma_semaphore, #tpu.memory_space<semaphore_mem>>) src(%dma_wait3A_438 : memref<8192x16xf32, #tpu.memory_space<hbm>>) dst(%dma_wait3A_432 : memref<128x16xf32, #tpu.memory_space<vmem>>)
    %dma_wait3A_439 = arith.constant 20 : i32
    %dma_wait3A_440 = arith.constant 2560 : i32
    %dma_wait3A_441 = arith.constant 0 : i32
    %dma_wait3A_442 = tpu.memref_slice %arg6[%dma_wait3A_440, %dma_wait3A_441] : memref<3456x16xf32, #tpu.memory_space<vmem>> -> memref<128x16xf32, #tpu.memory_space<vmem>>
    %dma_wait3A_443 = arith.constant 0 : i32
    %dma_wait3A_444 = tpu.memref_slice %arg5[%dma_wait3A_439, %dma_wait3A_443] : memref<27x128xi32, #tpu.memory_space<vmem>> -> memref<1x128xi32, #tpu.memory_space<vmem>>
    %dma_wait3A_445 = tpu.memref_squeeze %dma_wait3A_444 : memref<1x128xi32, #tpu.memory_space<vmem>> -> memref<128xi32, #tpu.memory_space<vmem>>
    %dma_wait3A_446 = arith.constant 0 : i32
    %dma_wait3A_447 = arith.constant 0 : i32
    %dma_wait3A_448 = tpu.memref_slice %arg2[%dma_wait3A_446, %dma_wait3A_447] : memref<8192x16xf32, #tpu.memory_space<hbm>> -> memref<8192x16xf32, #tpu.memory_space<hbm>>
    tpu.wait_indirect_dma semaphore(%arg7 : memref<!tpu.dma_semaphore, #tpu.memory_space<semaphore_mem>>) src(%dma_wait3A_448 : memref<8192x16xf32, #tpu.memory_space<hbm>>) dst(%dma_wait3A_442 : memref<128x16xf32, #tpu.memory_space<vmem>>)
    %dma_wait3A_449 = arith.constant 21 : i32
    %dma_wait3A_450 = arith.constant 2688 : i32
    %dma_wait3A_451 = arith.constant 0 : i32
    %dma_wait3A_452 = tpu.memref_slice %arg6[%dma_wait3A_450, %dma_wait3A_451] : memref<3456x16xf32, #tpu.memory_space<vmem>> -> memref<128x16xf32, #tpu.memory_space<vmem>>
    %dma_wait3A_453 = arith.constant 0 : i32
    %dma_wait3A_454 = tpu.memref_slice %arg5[%dma_wait3A_449, %dma_wait3A_453] : memref<27x128xi32, #tpu.memory_space<vmem>> -> memref<1x128xi32, #tpu.memory_space<vmem>>
    %dma_wait3A_455 = tpu.memref_squeeze %dma_wait3A_454 : memref<1x128xi32, #tpu.memory_space<vmem>> -> memref<128xi32, #tpu.memory_space<vmem>>
    %dma_wait3A_456 = arith.constant 0 : i32
    %dma_wait3A_457 = arith.constant 0 : i32
    %dma_wait3A_458 = tpu.memref_slice %arg2[%dma_wait3A_456, %dma_wait3A_457] : memref<8192x16xf32, #tpu.memory_space<hbm>> -> memref<8192x16xf32, #tpu.memory_space<hbm>>
    tpu.wait_indirect_dma semaphore(%arg7 : memref<!tpu.dma_semaphore, #tpu.memory_space<semaphore_mem>>) src(%dma_wait3A_458 : memref<8192x16xf32, #tpu.memory_space<hbm>>) dst(%dma_wait3A_452 : memref<128x16xf32, #tpu.memory_space<vmem>>)
    %dma_wait3A_459 = arith.constant 22 : i32
    %dma_wait3A_460 = arith.constant 2816 : i32
    %dma_wait3A_461 = arith.constant 0 : i32
    %dma_wait3A_462 = tpu.memref_slice %arg6[%dma_wait3A_460, %dma_wait3A_461] : memref<3456x16xf32, #tpu.memory_space<vmem>> -> memref<128x16xf32, #tpu.memory_space<vmem>>
    %dma_wait3A_463 = arith.constant 0 : i32
    %dma_wait3A_464 = tpu.memref_slice %arg5[%dma_wait3A_459, %dma_wait3A_463] : memref<27x128xi32, #tpu.memory_space<vmem>> -> memref<1x128xi32, #tpu.memory_space<vmem>>
    %dma_wait3A_465 = tpu.memref_squeeze %dma_wait3A_464 : memref<1x128xi32, #tpu.memory_space<vmem>> -> memref<128xi32, #tpu.memory_space<vmem>>
    %dma_wait3A_466 = arith.constant 0 : i32
    %dma_wait3A_467 = arith.constant 0 : i32
    %dma_wait3A_468 = tpu.memref_slice %arg2[%dma_wait3A_466, %dma_wait3A_467] : memref<8192x16xf32, #tpu.memory_space<hbm>> -> memref<8192x16xf32, #tpu.memory_space<hbm>>
    tpu.wait_indirect_dma semaphore(%arg7 : memref<!tpu.dma_semaphore, #tpu.memory_space<semaphore_mem>>) src(%dma_wait3A_468 : memref<8192x16xf32, #tpu.memory_space<hbm>>) dst(%dma_wait3A_462 : memref<128x16xf32, #tpu.memory_space<vmem>>)
    %dma_wait3A_469 = arith.constant 23 : i32
    %dma_wait3A_470 = arith.constant 2944 : i32
    %dma_wait3A_471 = arith.constant 0 : i32
    %dma_wait3A_472 = tpu.memref_slice %arg6[%dma_wait3A_470, %dma_wait3A_471] : memref<3456x16xf32, #tpu.memory_space<vmem>> -> memref<128x16xf32, #tpu.memory_space<vmem>>
    %dma_wait3A_473 = arith.constant 0 : i32
    %dma_wait3A_474 = tpu.memref_slice %arg5[%dma_wait3A_469, %dma_wait3A_473] : memref<27x128xi32, #tpu.memory_space<vmem>> -> memref<1x128xi32, #tpu.memory_space<vmem>>
    %dma_wait3A_475 = tpu.memref_squeeze %dma_wait3A_474 : memref<1x128xi32, #tpu.memory_space<vmem>> -> memref<128xi32, #tpu.memory_space<vmem>>
    %dma_wait3A_476 = arith.constant 0 : i32
    %dma_wait3A_477 = arith.constant 0 : i32
    %dma_wait3A_478 = tpu.memref_slice %arg2[%dma_wait3A_476, %dma_wait3A_477] : memref<8192x16xf32, #tpu.memory_space<hbm>> -> memref<8192x16xf32, #tpu.memory_space<hbm>>
    tpu.wait_indirect_dma semaphore(%arg7 : memref<!tpu.dma_semaphore, #tpu.memory_space<semaphore_mem>>) src(%dma_wait3A_478 : memref<8192x16xf32, #tpu.memory_space<hbm>>) dst(%dma_wait3A_472 : memref<128x16xf32, #tpu.memory_space<vmem>>)
    %dma_start3A_479 = arith.constant 24 : i32
    %dma_start3A_480 = arith.constant 3072 : i32
    %dma_start3A_481 = arith.constant 0 : i32
    %dma_start3A_482 = tpu.memref_slice %arg6[%dma_start3A_480, %dma_start3A_481] : memref<3456x16xf32, #tpu.memory_space<vmem>> -> memref<128x16xf32, #tpu.memory_space<vmem>>
    %dma_start3A_483 = arith.constant 0 : i32
    %dma_start3A_484 = tpu.memref_slice %arg5[%dma_start3A_479, %dma_start3A_483] : memref<27x128xi32, #tpu.memory_space<vmem>> -> memref<1x128xi32, #tpu.memory_space<vmem>>
    %dma_start3A_485 = tpu.memref_squeeze %dma_start3A_484 : memref<1x128xi32, #tpu.memory_space<vmem>> -> memref<128xi32, #tpu.memory_space<vmem>>
    %dma_start3A_486 = arith.constant 0 : i32
    %dma_start3A_487 = arith.constant 0 : i32
    %dma_start3A_488 = tpu.memref_slice %arg2[%dma_start3A_486, %dma_start3A_487] : memref<8192x16xf32, #tpu.memory_space<hbm>> -> memref<8192x16xf32, #tpu.memory_space<hbm>>
    tpu.enqueue_indirect_dma source(%dma_start3A_488 : memref<8192x16xf32, #tpu.memory_space<hbm>>) target(%dma_start3A_482 : memref<128x16xf32, #tpu.memory_space<vmem>>) offsets(%dma_start3A_485 : memref<128xi32, #tpu.memory_space<vmem>>) semaphore(%arg7 : memref<!tpu.dma_semaphore, #tpu.memory_space<semaphore_mem>>)
    %dma_start3A_489 = arith.constant 25 : i32
    %dma_start3A_490 = arith.constant 3200 : i32
    %dma_start3A_491 = arith.constant 0 : i32
    %dma_start3A_492 = tpu.memref_slice %arg6[%dma_start3A_490, %dma_start3A_491] : memref<3456x16xf32, #tpu.memory_space<vmem>> -> memref<128x16xf32, #tpu.memory_space<vmem>>
    %dma_start3A_493 = arith.constant 0 : i32
    %dma_start3A_494 = tpu.memref_slice %arg5[%dma_start3A_489, %dma_start3A_493] : memref<27x128xi32, #tpu.memory_space<vmem>> -> memref<1x128xi32, #tpu.memory_space<vmem>>
    %dma_start3A_495 = tpu.memref_squeeze %dma_start3A_494 : memref<1x128xi32, #tpu.memory_space<vmem>> -> memref<128xi32, #tpu.memory_space<vmem>>
    %dma_start3A_496 = arith.constant 0 : i32
    %dma_start3A_497 = arith.constant 0 : i32
    %dma_start3A_498 = tpu.memref_slice %arg2[%dma_start3A_496, %dma_start3A_497] : memref<8192x16xf32, #tpu.memory_space<hbm>> -> memref<8192x16xf32, #tpu.memory_space<hbm>>
    tpu.enqueue_indirect_dma source(%dma_start3A_498 : memref<8192x16xf32, #tpu.memory_space<hbm>>) target(%dma_start3A_492 : memref<128x16xf32, #tpu.memory_space<vmem>>) offsets(%dma_start3A_495 : memref<128xi32, #tpu.memory_space<vmem>>) semaphore(%arg7 : memref<!tpu.dma_semaphore, #tpu.memory_space<semaphore_mem>>)
    %dma_start3A_499 = arith.constant 26 : i32
    %dma_start3A_500 = arith.constant 3328 : i32
    %dma_start3A_501 = arith.constant 0 : i32
    %dma_start3A_502 = tpu.memref_slice %arg6[%dma_start3A_500, %dma_start3A_501] : memref<3456x16xf32, #tpu.memory_space<vmem>> -> memref<128x16xf32, #tpu.memory_space<vmem>>
    %dma_start3A_503 = arith.constant 0 : i32
    %dma_start3A_504 = tpu.memref_slice %arg5[%dma_start3A_499, %dma_start3A_503] : memref<27x128xi32, #tpu.memory_space<vmem>> -> memref<1x128xi32, #tpu.memory_space<vmem>>
    %dma_start3A_505 = tpu.memref_squeeze %dma_start3A_504 : memref<1x128xi32, #tpu.memory_space<vmem>> -> memref<128xi32, #tpu.memory_space<vmem>>
    %dma_start3A_506 = arith.constant 0 : i32
    %dma_start3A_507 = arith.constant 0 : i32
    %dma_start3A_508 = tpu.memref_slice %arg2[%dma_start3A_506, %dma_start3A_507] : memref<8192x16xf32, #tpu.memory_space<hbm>> -> memref<8192x16xf32, #tpu.memory_space<hbm>>
    tpu.enqueue_indirect_dma source(%dma_start3A_508 : memref<8192x16xf32, #tpu.memory_space<hbm>>) target(%dma_start3A_502 : memref<128x16xf32, #tpu.memory_space<vmem>>) offsets(%dma_start3A_505 : memref<128xi32, #tpu.memory_space<vmem>>) semaphore(%arg7 : memref<!tpu.dma_semaphore, #tpu.memory_space<semaphore_mem>>)
    %dma_wait3A_509 = arith.constant 24 : i32
    %dma_wait3A_510 = arith.constant 3072 : i32
    %dma_wait3A_511 = arith.constant 0 : i32
    %dma_wait3A_512 = tpu.memref_slice %arg6[%dma_wait3A_510, %dma_wait3A_511] : memref<3456x16xf32, #tpu.memory_space<vmem>> -> memref<128x16xf32, #tpu.memory_space<vmem>>
    %dma_wait3A_513 = arith.constant 0 : i32
    %dma_wait3A_514 = tpu.memref_slice %arg5[%dma_wait3A_509, %dma_wait3A_513] : memref<27x128xi32, #tpu.memory_space<vmem>> -> memref<1x128xi32, #tpu.memory_space<vmem>>
    %dma_wait3A_515 = tpu.memref_squeeze %dma_wait3A_514 : memref<1x128xi32, #tpu.memory_space<vmem>> -> memref<128xi32, #tpu.memory_space<vmem>>
    %dma_wait3A_516 = arith.constant 0 : i32
    %dma_wait3A_517 = arith.constant 0 : i32
    %dma_wait3A_518 = tpu.memref_slice %arg2[%dma_wait3A_516, %dma_wait3A_517] : memref<8192x16xf32, #tpu.memory_space<hbm>> -> memref<8192x16xf32, #tpu.memory_space<hbm>>
    tpu.wait_indirect_dma semaphore(%arg7 : memref<!tpu.dma_semaphore, #tpu.memory_space<semaphore_mem>>) src(%dma_wait3A_518 : memref<8192x16xf32, #tpu.memory_space<hbm>>) dst(%dma_wait3A_512 : memref<128x16xf32, #tpu.memory_space<vmem>>)
    %dma_wait3A_519 = arith.constant 25 : i32
    %dma_wait3A_520 = arith.constant 3200 : i32
    %dma_wait3A_521 = arith.constant 0 : i32
    %dma_wait3A_522 = tpu.memref_slice %arg6[%dma_wait3A_520, %dma_wait3A_521] : memref<3456x16xf32, #tpu.memory_space<vmem>> -> memref<128x16xf32, #tpu.memory_space<vmem>>
    %dma_wait3A_523 = arith.constant 0 : i32
    %dma_wait3A_524 = tpu.memref_slice %arg5[%dma_wait3A_519, %dma_wait3A_523] : memref<27x128xi32, #tpu.memory_space<vmem>> -> memref<1x128xi32, #tpu.memory_space<vmem>>
    %dma_wait3A_525 = tpu.memref_squeeze %dma_wait3A_524 : memref<1x128xi32, #tpu.memory_space<vmem>> -> memref<128xi32, #tpu.memory_space<vmem>>
    %dma_wait3A_526 = arith.constant 0 : i32
    %dma_wait3A_527 = arith.constant 0 : i32
    %dma_wait3A_528 = tpu.memref_slice %arg2[%dma_wait3A_526, %dma_wait3A_527] : memref<8192x16xf32, #tpu.memory_space<hbm>> -> memref<8192x16xf32, #tpu.memory_space<hbm>>
    tpu.wait_indirect_dma semaphore(%arg7 : memref<!tpu.dma_semaphore, #tpu.memory_space<semaphore_mem>>) src(%dma_wait3A_528 : memref<8192x16xf32, #tpu.memory_space<hbm>>) dst(%dma_wait3A_522 : memref<128x16xf32, #tpu.memory_space<vmem>>)
    %dma_wait3A_529 = arith.constant 26 : i32
    %dma_wait3A_530 = arith.constant 3328 : i32
    %dma_wait3A_531 = arith.constant 0 : i32
    %dma_wait3A_532 = tpu.memref_slice %arg6[%dma_wait3A_530, %dma_wait3A_531] : memref<3456x16xf32, #tpu.memory_space<vmem>> -> memref<128x16xf32, #tpu.memory_space<vmem>>
    %dma_wait3A_533 = arith.constant 0 : i32
    %dma_wait3A_534 = tpu.memref_slice %arg5[%dma_wait3A_529, %dma_wait3A_533] : memref<27x128xi32, #tpu.memory_space<vmem>> -> memref<1x128xi32, #tpu.memory_space<vmem>>
    %dma_wait3A_535 = tpu.memref_squeeze %dma_wait3A_534 : memref<1x128xi32, #tpu.memory_space<vmem>> -> memref<128xi32, #tpu.memory_space<vmem>>
    %dma_wait3A_536 = arith.constant 0 : i32
    %dma_wait3A_537 = arith.constant 0 : i32
    %dma_wait3A_538 = tpu.memref_slice %arg2[%dma_wait3A_536, %dma_wait3A_537] : memref<8192x16xf32, #tpu.memory_space<hbm>> -> memref<8192x16xf32, #tpu.memory_space<hbm>>
    tpu.wait_indirect_dma semaphore(%arg7 : memref<!tpu.dma_semaphore, #tpu.memory_space<semaphore_mem>>) src(%dma_wait3A_538 : memref<8192x16xf32, #tpu.memory_space<hbm>>) dst(%dma_wait3A_532 : memref<128x16xf32, #tpu.memory_space<vmem>>)
    %mul3A_539 = arith.constant 27 : i32
    %mul3A_540 = arith.muli %add3A, %mul3A_539 : i32
    %mul3A_541 = arith.constant 128 : i32
    %mul3A_542 = arith.muli %mul3A_540, %mul3A_541 : i32
    "tpu.region"() ({
      %run_scoped3A = tpu.sem_alloc : memref<!tpu.dma_semaphore, #tpu.memory_space<semaphore_mem>>
      %dma_start3A_543 = arith.constant 0 : i32
      %dma_start3A_544 = tpu.memref_slice %arg4[%mul3A_542, %dma_start3A_543] : memref<110592x16xf32, #tpu.memory_space<hbm>> -> memref<3456x16xf32, #tpu.memory_space<hbm>>
      %dma_start3A_545 = arith.constant 0 : i32
      %dma_start3A_546 = tpu.memref_slice %arg4[%mul3A_542, %dma_start3A_545] : memref<110592x16xf32, #tpu.memory_space<hbm>> -> memref<3456x16xf32, #tpu.memory_space<hbm>>
      tpu.enqueue_dma source(%arg6 : memref<3456x16xf32, #tpu.memory_space<vmem>>) target(%dma_start3A_546 : memref<3456x16xf32, #tpu.memory_space<hbm>>) target_semaphore(%run_scoped3A : memref<!tpu.dma_semaphore, #tpu.memory_space<semaphore_mem>>)
      %dma_wait3A_547 = arith.constant 0 : i32
      %dma_wait3A_548 = tpu.memref_slice %arg4[%mul3A_542, %dma_wait3A_547] : memref<110592x16xf32, #tpu.memory_space<hbm>> -> memref<3456x16xf32, #tpu.memory_space<hbm>>
      %dma_wait3A_549 = arith.constant 0 : i32
      %dma_wait3A_550 = tpu.memref_slice %arg4[%mul3A_542, %dma_wait3A_549] : memref<110592x16xf32, #tpu.memory_space<hbm>> -> memref<3456x16xf32, #tpu.memory_space<hbm>>
      tpu.wait_dma2 semaphore(%run_scoped3A : memref<!tpu.dma_semaphore, #tpu.memory_space<semaphore_mem>>) src(%arg6 : memref<3456x16xf32, #tpu.memory_space<vmem>>) dst(%dma_wait3A_550 : memref<3456x16xf32, #tpu.memory_space<hbm>>)
      tpu.yield
    }) : () -> ()
    return
  }
}

module attributes {stable_mosaic.version = 14 : i64} {
  func.func @_knn_body(%arg0: i32, %arg1: memref<256x8xf32, #tpu.memory_space<vmem>>, %arg2: memref<8x7040xf32, #tpu.memory_space<vmem>>, %arg3: memref<1152x16xi32, #tpu.memory_space<any>>, %arg4: memref<256x16xi32, #tpu.memory_space<vmem>>) attributes {dimension_semantics = [#tpu.dimension_semantics<arbitrary>], iteration_bounds = array<i64: 4>, scalar_prefetch = 0 : i64, scratch_operands = 0 : i64, tpu.core_type = #tpu.core_type<tc>, window_params = [{transform_indices = @transform_0, window_bounds = array<i64: 256, 8>}, {transform_indices = @transform_1, window_bounds = array<i64: 8, 7040>}, {}, {transform_indices = @transform_3, window_bounds = array<i64: 256, 16>}]} {
    %get3A = arith.constant 0 : index
    %get3A_0 = arith.constant 0 : index
    %get3A_1 = vector.load %arg1[%get3A, %get3A_0] : memref<256x8xf32, #tpu.memory_space<vmem>>, vector<256x8xf32>
    %get3A_2 = arith.constant 0 : index
    %get3A_3 = arith.constant 0 : index
    %get3A_4 = vector.load %arg2[%get3A_2, %get3A_3] : memref<8x7040xf32, #tpu.memory_space<vmem>>, vector<8x7040xf32>
    %mul3A = arith.mulf %get3A_1, %get3A_1 : vector<256x8xf32>
    %reduce_sum3A = arith.constant dense<0.000000e+00> : vector<256xf32>
    %reduce_sum3A_5 = vector.multi_reduction <add>, %mul3A, %reduce_sum3A [1] : vector<256x8xf32> to vector<256xf32>
    %broadcast_in_dim3A = vector.shape_cast %reduce_sum3A_5 : vector<256xf32> to vector<256x1xf32>
    %mul3A_6 = arith.mulf %get3A_4, %get3A_4 : vector<8x7040xf32>
    %reduce_sum3A_7 = arith.constant dense<0.000000e+00> : vector<7040xf32>
    %reduce_sum3A_8 = vector.multi_reduction <add>, %mul3A_6, %reduce_sum3A_7 [0] : vector<8x7040xf32> to vector<7040xf32>
    %broadcast_in_dim3A_9 = vector.shape_cast %reduce_sum3A_8 : vector<7040xf32> to vector<1x7040xf32>
    %add3A = vector.broadcast %broadcast_in_dim3A : vector<256x1xf32> to vector<256x7040xf32>
    %add3A_10 = vector.broadcast %broadcast_in_dim3A_9 : vector<1x7040xf32> to vector<256x7040xf32>
    %add3A_11 = arith.addf %add3A, %add3A_10 : vector<256x7040xf32>
    %dot_general3A = arith.constant dense<0.000000e+00> : vector<256x7040xf32>
    %dot_general3A_12 = tpu.matmul %get3A_1, %get3A_4, %dot_general3A {dimension_numbers = #tpu.dot_dimension_numbers<[1], [0], [0], [1], [0, 0, 1, 1], [], []>, transpose_lhs_hint = false} : vector<256x8xf32>, vector<8x7040xf32>, vector<256x7040xf32> -> vector<256x7040xf32>
    %mul3A_13 = arith.constant 2.000000e+00 : f32
    %mul3A_14 = vector.broadcast %mul3A_13 : f32 to vector<256x7040xf32>
    %mul3A_15 = arith.mulf %mul3A_14, %dot_general3A_12 : vector<256x7040xf32>
    %sub3A = arith.subf %add3A_11, %mul3A_15 : vector<256x7040xf32>
    %iota3A = tpu.iota {dimensions = array<i32: 1>} : vector<256x7040xi32>
    %iota3A_16 = tpu.iota {dimensions = array<i32: 1>} : vector<256x16xi32>
    %max3A = arith.constant 0.000000e+00 : f32
    %max3A_17 = vector.broadcast %max3A : f32 to vector<256x7040xf32>
    %max3A_18 = arith.maximumf %sub3A, %max3A_17 : vector<256x7040xf32>
    %bitcast_convert_type3A = tpu.bitcast %max3A_18 : vector<256x7040xf32> -> vector<256x7040xi32>
    %and3A = arith.constant -8192 : i32
    %and3A_19 = vector.broadcast %and3A : i32 to vector<256x7040xi32>
    %and3A_20 = arith.andi %bitcast_convert_type3A, %and3A_19 : vector<256x7040xi32>
    %or3A = arith.ori %and3A_20, %iota3A : vector<256x7040xi32>
    %broadcast_in_dim3A_21 = arith.constant 0 : i32
    %broadcast_in_dim3A_22 = vector.broadcast %broadcast_in_dim3A_21 : i32 to vector<256x16xi32>
    %reduce_min3A = arith.constant dense<2147483647> : vector<256xi32>
    %reduce_min3A_23 = vector.multi_reduction <minsi>, %or3A, %reduce_min3A [1] : vector<256x7040xi32> to vector<256xi32>
    %eq3A = arith.constant 0 : i32
    %eq3A_24 = vector.broadcast %eq3A : i32 to vector<256x16xi32>
    %eq3A_25 = arith.cmpi eq, %iota3A_16, %eq3A_24 : vector<256x16xi32>
    %and3A_26 = arith.constant 8191 : i32
    %and3A_27 = vector.broadcast %and3A_26 : i32 to vector<256xi32>
    %and3A_28 = arith.andi %reduce_min3A_23, %and3A_27 : vector<256xi32>
    %broadcast_in_dim3A_29 = vector.shape_cast %and3A_28 : vector<256xi32> to vector<256x1xi32>
    %broadcast_in_dim3A_30 = vector.shape_cast %broadcast_in_dim3A_29 : vector<256x1xi32> to vector<256x1xi32>
    %broadcast_in_dim3A_31 = vector.broadcast %broadcast_in_dim3A_30 : vector<256x1xi32> to vector<256x16xi32>
    %select_n3A = arith.select %eq3A_25, %broadcast_in_dim3A_31, %broadcast_in_dim3A_22 : vector<256x16xi1>, vector<256x16xi32>
    %broadcast_in_dim3A_32 = vector.shape_cast %reduce_min3A_23 : vector<256xi32> to vector<256x1xi32>
    %eq3A_33 = vector.broadcast %broadcast_in_dim3A_32 : vector<256x1xi32> to vector<256x7040xi32>
    %eq3A_34 = arith.cmpi eq, %or3A, %eq3A_33 : vector<256x7040xi32>
    %jit3A = arith.constant 2139095040 : i32
    %broadcast_in_dim3A_35 = vector.broadcast %jit3A : i32 to vector<256x7040xi32>
    %select_n3A_36 = arith.select %eq3A_34, %broadcast_in_dim3A_35, %or3A : vector<256x7040xi1>, vector<256x7040xi32>
    %reduce_min3A_37 = arith.constant dense<2147483647> : vector<256xi32>
    %reduce_min3A_38 = vector.multi_reduction <minsi>, %select_n3A_36, %reduce_min3A_37 [1] : vector<256x7040xi32> to vector<256xi32>
    %eq3A_39 = arith.constant 1 : i32
    %eq3A_40 = vector.broadcast %eq3A_39 : i32 to vector<256x16xi32>
    %eq3A_41 = arith.cmpi eq, %iota3A_16, %eq3A_40 : vector<256x16xi32>
    %and3A_42 = arith.constant 8191 : i32
    %and3A_43 = vector.broadcast %and3A_42 : i32 to vector<256xi32>
    %and3A_44 = arith.andi %reduce_min3A_38, %and3A_43 : vector<256xi32>
    %broadcast_in_dim3A_45 = vector.shape_cast %and3A_44 : vector<256xi32> to vector<256x1xi32>
    %broadcast_in_dim3A_46 = vector.shape_cast %broadcast_in_dim3A_45 : vector<256x1xi32> to vector<256x1xi32>
    %broadcast_in_dim3A_47 = vector.broadcast %broadcast_in_dim3A_46 : vector<256x1xi32> to vector<256x16xi32>
    %select_n3A_48 = arith.select %eq3A_41, %broadcast_in_dim3A_47, %select_n3A : vector<256x16xi1>, vector<256x16xi32>
    %broadcast_in_dim3A_49 = vector.shape_cast %reduce_min3A_38 : vector<256xi32> to vector<256x1xi32>
    %eq3A_50 = vector.broadcast %broadcast_in_dim3A_49 : vector<256x1xi32> to vector<256x7040xi32>
    %eq3A_51 = arith.cmpi eq, %select_n3A_36, %eq3A_50 : vector<256x7040xi32>
    %jit3A_52 = arith.constant 2139095040 : i32
    %broadcast_in_dim3A_53 = vector.broadcast %jit3A_52 : i32 to vector<256x7040xi32>
    %select_n3A_54 = arith.select %eq3A_51, %broadcast_in_dim3A_53, %select_n3A_36 : vector<256x7040xi1>, vector<256x7040xi32>
    %reduce_min3A_55 = arith.constant dense<2147483647> : vector<256xi32>
    %reduce_min3A_56 = vector.multi_reduction <minsi>, %select_n3A_54, %reduce_min3A_55 [1] : vector<256x7040xi32> to vector<256xi32>
    %eq3A_57 = arith.constant 2 : i32
    %eq3A_58 = vector.broadcast %eq3A_57 : i32 to vector<256x16xi32>
    %eq3A_59 = arith.cmpi eq, %iota3A_16, %eq3A_58 : vector<256x16xi32>
    %and3A_60 = arith.constant 8191 : i32
    %and3A_61 = vector.broadcast %and3A_60 : i32 to vector<256xi32>
    %and3A_62 = arith.andi %reduce_min3A_56, %and3A_61 : vector<256xi32>
    %broadcast_in_dim3A_63 = vector.shape_cast %and3A_62 : vector<256xi32> to vector<256x1xi32>
    %broadcast_in_dim3A_64 = vector.shape_cast %broadcast_in_dim3A_63 : vector<256x1xi32> to vector<256x1xi32>
    %broadcast_in_dim3A_65 = vector.broadcast %broadcast_in_dim3A_64 : vector<256x1xi32> to vector<256x16xi32>
    %select_n3A_66 = arith.select %eq3A_59, %broadcast_in_dim3A_65, %select_n3A_48 : vector<256x16xi1>, vector<256x16xi32>
    %broadcast_in_dim3A_67 = vector.shape_cast %reduce_min3A_56 : vector<256xi32> to vector<256x1xi32>
    %eq3A_68 = vector.broadcast %broadcast_in_dim3A_67 : vector<256x1xi32> to vector<256x7040xi32>
    %eq3A_69 = arith.cmpi eq, %select_n3A_54, %eq3A_68 : vector<256x7040xi32>
    %jit3A_70 = arith.constant 2139095040 : i32
    %broadcast_in_dim3A_71 = vector.broadcast %jit3A_70 : i32 to vector<256x7040xi32>
    %select_n3A_72 = arith.select %eq3A_69, %broadcast_in_dim3A_71, %select_n3A_54 : vector<256x7040xi1>, vector<256x7040xi32>
    %reduce_min3A_73 = arith.constant dense<2147483647> : vector<256xi32>
    %reduce_min3A_74 = vector.multi_reduction <minsi>, %select_n3A_72, %reduce_min3A_73 [1] : vector<256x7040xi32> to vector<256xi32>
    %eq3A_75 = arith.constant 3 : i32
    %eq3A_76 = vector.broadcast %eq3A_75 : i32 to vector<256x16xi32>
    %eq3A_77 = arith.cmpi eq, %iota3A_16, %eq3A_76 : vector<256x16xi32>
    %and3A_78 = arith.constant 8191 : i32
    %and3A_79 = vector.broadcast %and3A_78 : i32 to vector<256xi32>
    %and3A_80 = arith.andi %reduce_min3A_74, %and3A_79 : vector<256xi32>
    %broadcast_in_dim3A_81 = vector.shape_cast %and3A_80 : vector<256xi32> to vector<256x1xi32>
    %broadcast_in_dim3A_82 = vector.shape_cast %broadcast_in_dim3A_81 : vector<256x1xi32> to vector<256x1xi32>
    %broadcast_in_dim3A_83 = vector.broadcast %broadcast_in_dim3A_82 : vector<256x1xi32> to vector<256x16xi32>
    %select_n3A_84 = arith.select %eq3A_77, %broadcast_in_dim3A_83, %select_n3A_66 : vector<256x16xi1>, vector<256x16xi32>
    %broadcast_in_dim3A_85 = vector.shape_cast %reduce_min3A_74 : vector<256xi32> to vector<256x1xi32>
    %eq3A_86 = vector.broadcast %broadcast_in_dim3A_85 : vector<256x1xi32> to vector<256x7040xi32>
    %eq3A_87 = arith.cmpi eq, %select_n3A_72, %eq3A_86 : vector<256x7040xi32>
    %jit3A_88 = arith.constant 2139095040 : i32
    %broadcast_in_dim3A_89 = vector.broadcast %jit3A_88 : i32 to vector<256x7040xi32>
    %select_n3A_90 = arith.select %eq3A_87, %broadcast_in_dim3A_89, %select_n3A_72 : vector<256x7040xi1>, vector<256x7040xi32>
    %reduce_min3A_91 = arith.constant dense<2147483647> : vector<256xi32>
    %reduce_min3A_92 = vector.multi_reduction <minsi>, %select_n3A_90, %reduce_min3A_91 [1] : vector<256x7040xi32> to vector<256xi32>
    %eq3A_93 = arith.constant 4 : i32
    %eq3A_94 = vector.broadcast %eq3A_93 : i32 to vector<256x16xi32>
    %eq3A_95 = arith.cmpi eq, %iota3A_16, %eq3A_94 : vector<256x16xi32>
    %and3A_96 = arith.constant 8191 : i32
    %and3A_97 = vector.broadcast %and3A_96 : i32 to vector<256xi32>
    %and3A_98 = arith.andi %reduce_min3A_92, %and3A_97 : vector<256xi32>
    %broadcast_in_dim3A_99 = vector.shape_cast %and3A_98 : vector<256xi32> to vector<256x1xi32>
    %broadcast_in_dim3A_100 = vector.shape_cast %broadcast_in_dim3A_99 : vector<256x1xi32> to vector<256x1xi32>
    %broadcast_in_dim3A_101 = vector.broadcast %broadcast_in_dim3A_100 : vector<256x1xi32> to vector<256x16xi32>
    %select_n3A_102 = arith.select %eq3A_95, %broadcast_in_dim3A_101, %select_n3A_84 : vector<256x16xi1>, vector<256x16xi32>
    %broadcast_in_dim3A_103 = vector.shape_cast %reduce_min3A_92 : vector<256xi32> to vector<256x1xi32>
    %eq3A_104 = vector.broadcast %broadcast_in_dim3A_103 : vector<256x1xi32> to vector<256x7040xi32>
    %eq3A_105 = arith.cmpi eq, %select_n3A_90, %eq3A_104 : vector<256x7040xi32>
    %jit3A_106 = arith.constant 2139095040 : i32
    %broadcast_in_dim3A_107 = vector.broadcast %jit3A_106 : i32 to vector<256x7040xi32>
    %select_n3A_108 = arith.select %eq3A_105, %broadcast_in_dim3A_107, %select_n3A_90 : vector<256x7040xi1>, vector<256x7040xi32>
    %reduce_min3A_109 = arith.constant dense<2147483647> : vector<256xi32>
    %reduce_min3A_110 = vector.multi_reduction <minsi>, %select_n3A_108, %reduce_min3A_109 [1] : vector<256x7040xi32> to vector<256xi32>
    %eq3A_111 = arith.constant 5 : i32
    %eq3A_112 = vector.broadcast %eq3A_111 : i32 to vector<256x16xi32>
    %eq3A_113 = arith.cmpi eq, %iota3A_16, %eq3A_112 : vector<256x16xi32>
    %and3A_114 = arith.constant 8191 : i32
    %and3A_115 = vector.broadcast %and3A_114 : i32 to vector<256xi32>
    %and3A_116 = arith.andi %reduce_min3A_110, %and3A_115 : vector<256xi32>
    %broadcast_in_dim3A_117 = vector.shape_cast %and3A_116 : vector<256xi32> to vector<256x1xi32>
    %broadcast_in_dim3A_118 = vector.shape_cast %broadcast_in_dim3A_117 : vector<256x1xi32> to vector<256x1xi32>
    %broadcast_in_dim3A_119 = vector.broadcast %broadcast_in_dim3A_118 : vector<256x1xi32> to vector<256x16xi32>
    %select_n3A_120 = arith.select %eq3A_113, %broadcast_in_dim3A_119, %select_n3A_102 : vector<256x16xi1>, vector<256x16xi32>
    %broadcast_in_dim3A_121 = vector.shape_cast %reduce_min3A_110 : vector<256xi32> to vector<256x1xi32>
    %eq3A_122 = vector.broadcast %broadcast_in_dim3A_121 : vector<256x1xi32> to vector<256x7040xi32>
    %eq3A_123 = arith.cmpi eq, %select_n3A_108, %eq3A_122 : vector<256x7040xi32>
    %jit3A_124 = arith.constant 2139095040 : i32
    %broadcast_in_dim3A_125 = vector.broadcast %jit3A_124 : i32 to vector<256x7040xi32>
    %select_n3A_126 = arith.select %eq3A_123, %broadcast_in_dim3A_125, %select_n3A_108 : vector<256x7040xi1>, vector<256x7040xi32>
    %reduce_min3A_127 = arith.constant dense<2147483647> : vector<256xi32>
    %reduce_min3A_128 = vector.multi_reduction <minsi>, %select_n3A_126, %reduce_min3A_127 [1] : vector<256x7040xi32> to vector<256xi32>
    %eq3A_129 = arith.constant 6 : i32
    %eq3A_130 = vector.broadcast %eq3A_129 : i32 to vector<256x16xi32>
    %eq3A_131 = arith.cmpi eq, %iota3A_16, %eq3A_130 : vector<256x16xi32>
    %and3A_132 = arith.constant 8191 : i32
    %and3A_133 = vector.broadcast %and3A_132 : i32 to vector<256xi32>
    %and3A_134 = arith.andi %reduce_min3A_128, %and3A_133 : vector<256xi32>
    %broadcast_in_dim3A_135 = vector.shape_cast %and3A_134 : vector<256xi32> to vector<256x1xi32>
    %broadcast_in_dim3A_136 = vector.shape_cast %broadcast_in_dim3A_135 : vector<256x1xi32> to vector<256x1xi32>
    %broadcast_in_dim3A_137 = vector.broadcast %broadcast_in_dim3A_136 : vector<256x1xi32> to vector<256x16xi32>
    %select_n3A_138 = arith.select %eq3A_131, %broadcast_in_dim3A_137, %select_n3A_120 : vector<256x16xi1>, vector<256x16xi32>
    %broadcast_in_dim3A_139 = vector.shape_cast %reduce_min3A_128 : vector<256xi32> to vector<256x1xi32>
    %eq3A_140 = vector.broadcast %broadcast_in_dim3A_139 : vector<256x1xi32> to vector<256x7040xi32>
    %eq3A_141 = arith.cmpi eq, %select_n3A_126, %eq3A_140 : vector<256x7040xi32>
    %jit3A_142 = arith.constant 2139095040 : i32
    %broadcast_in_dim3A_143 = vector.broadcast %jit3A_142 : i32 to vector<256x7040xi32>
    %select_n3A_144 = arith.select %eq3A_141, %broadcast_in_dim3A_143, %select_n3A_126 : vector<256x7040xi1>, vector<256x7040xi32>
    %reduce_min3A_145 = arith.constant dense<2147483647> : vector<256xi32>
    %reduce_min3A_146 = vector.multi_reduction <minsi>, %select_n3A_144, %reduce_min3A_145 [1] : vector<256x7040xi32> to vector<256xi32>
    %eq3A_147 = arith.constant 7 : i32
    %eq3A_148 = vector.broadcast %eq3A_147 : i32 to vector<256x16xi32>
    %eq3A_149 = arith.cmpi eq, %iota3A_16, %eq3A_148 : vector<256x16xi32>
    %and3A_150 = arith.constant 8191 : i32
    %and3A_151 = vector.broadcast %and3A_150 : i32 to vector<256xi32>
    %and3A_152 = arith.andi %reduce_min3A_146, %and3A_151 : vector<256xi32>
    %broadcast_in_dim3A_153 = vector.shape_cast %and3A_152 : vector<256xi32> to vector<256x1xi32>
    %broadcast_in_dim3A_154 = vector.shape_cast %broadcast_in_dim3A_153 : vector<256x1xi32> to vector<256x1xi32>
    %broadcast_in_dim3A_155 = vector.broadcast %broadcast_in_dim3A_154 : vector<256x1xi32> to vector<256x16xi32>
    %select_n3A_156 = arith.select %eq3A_149, %broadcast_in_dim3A_155, %select_n3A_138 : vector<256x16xi1>, vector<256x16xi32>
    %broadcast_in_dim3A_157 = vector.shape_cast %reduce_min3A_146 : vector<256xi32> to vector<256x1xi32>
    %eq3A_158 = vector.broadcast %broadcast_in_dim3A_157 : vector<256x1xi32> to vector<256x7040xi32>
    %eq3A_159 = arith.cmpi eq, %select_n3A_144, %eq3A_158 : vector<256x7040xi32>
    %jit3A_160 = arith.constant 2139095040 : i32
    %broadcast_in_dim3A_161 = vector.broadcast %jit3A_160 : i32 to vector<256x7040xi32>
    %select_n3A_162 = arith.select %eq3A_159, %broadcast_in_dim3A_161, %select_n3A_144 : vector<256x7040xi1>, vector<256x7040xi32>
    %reduce_min3A_163 = arith.constant dense<2147483647> : vector<256xi32>
    %reduce_min3A_164 = vector.multi_reduction <minsi>, %select_n3A_162, %reduce_min3A_163 [1] : vector<256x7040xi32> to vector<256xi32>
    %eq3A_165 = arith.constant 8 : i32
    %eq3A_166 = vector.broadcast %eq3A_165 : i32 to vector<256x16xi32>
    %eq3A_167 = arith.cmpi eq, %iota3A_16, %eq3A_166 : vector<256x16xi32>
    %and3A_168 = arith.constant 8191 : i32
    %and3A_169 = vector.broadcast %and3A_168 : i32 to vector<256xi32>
    %and3A_170 = arith.andi %reduce_min3A_164, %and3A_169 : vector<256xi32>
    %broadcast_in_dim3A_171 = vector.shape_cast %and3A_170 : vector<256xi32> to vector<256x1xi32>
    %broadcast_in_dim3A_172 = vector.shape_cast %broadcast_in_dim3A_171 : vector<256x1xi32> to vector<256x1xi32>
    %broadcast_in_dim3A_173 = vector.broadcast %broadcast_in_dim3A_172 : vector<256x1xi32> to vector<256x16xi32>
    %select_n3A_174 = arith.select %eq3A_167, %broadcast_in_dim3A_173, %select_n3A_156 : vector<256x16xi1>, vector<256x16xi32>
    %broadcast_in_dim3A_175 = vector.shape_cast %reduce_min3A_164 : vector<256xi32> to vector<256x1xi32>
    %eq3A_176 = vector.broadcast %broadcast_in_dim3A_175 : vector<256x1xi32> to vector<256x7040xi32>
    %eq3A_177 = arith.cmpi eq, %select_n3A_162, %eq3A_176 : vector<256x7040xi32>
    %jit3A_178 = arith.constant 2139095040 : i32
    %broadcast_in_dim3A_179 = vector.broadcast %jit3A_178 : i32 to vector<256x7040xi32>
    %select_n3A_180 = arith.select %eq3A_177, %broadcast_in_dim3A_179, %select_n3A_162 : vector<256x7040xi1>, vector<256x7040xi32>
    %reduce_min3A_181 = arith.constant dense<2147483647> : vector<256xi32>
    %reduce_min3A_182 = vector.multi_reduction <minsi>, %select_n3A_180, %reduce_min3A_181 [1] : vector<256x7040xi32> to vector<256xi32>
    %eq3A_183 = arith.constant 9 : i32
    %eq3A_184 = vector.broadcast %eq3A_183 : i32 to vector<256x16xi32>
    %eq3A_185 = arith.cmpi eq, %iota3A_16, %eq3A_184 : vector<256x16xi32>
    %and3A_186 = arith.constant 8191 : i32
    %and3A_187 = vector.broadcast %and3A_186 : i32 to vector<256xi32>
    %and3A_188 = arith.andi %reduce_min3A_182, %and3A_187 : vector<256xi32>
    %broadcast_in_dim3A_189 = vector.shape_cast %and3A_188 : vector<256xi32> to vector<256x1xi32>
    %broadcast_in_dim3A_190 = vector.shape_cast %broadcast_in_dim3A_189 : vector<256x1xi32> to vector<256x1xi32>
    %broadcast_in_dim3A_191 = vector.broadcast %broadcast_in_dim3A_190 : vector<256x1xi32> to vector<256x16xi32>
    %select_n3A_192 = arith.select %eq3A_185, %broadcast_in_dim3A_191, %select_n3A_174 : vector<256x16xi1>, vector<256x16xi32>
    %broadcast_in_dim3A_193 = vector.shape_cast %reduce_min3A_182 : vector<256xi32> to vector<256x1xi32>
    %eq3A_194 = vector.broadcast %broadcast_in_dim3A_193 : vector<256x1xi32> to vector<256x7040xi32>
    %eq3A_195 = arith.cmpi eq, %select_n3A_180, %eq3A_194 : vector<256x7040xi32>
    %jit3A_196 = arith.constant 2139095040 : i32
    %broadcast_in_dim3A_197 = vector.broadcast %jit3A_196 : i32 to vector<256x7040xi32>
    %select_n3A_198 = arith.select %eq3A_195, %broadcast_in_dim3A_197, %select_n3A_180 : vector<256x7040xi1>, vector<256x7040xi32>
    %reduce_min3A_199 = arith.constant dense<2147483647> : vector<256xi32>
    %reduce_min3A_200 = vector.multi_reduction <minsi>, %select_n3A_198, %reduce_min3A_199 [1] : vector<256x7040xi32> to vector<256xi32>
    %eq3A_201 = arith.constant 10 : i32
    %eq3A_202 = vector.broadcast %eq3A_201 : i32 to vector<256x16xi32>
    %eq3A_203 = arith.cmpi eq, %iota3A_16, %eq3A_202 : vector<256x16xi32>
    %and3A_204 = arith.constant 8191 : i32
    %and3A_205 = vector.broadcast %and3A_204 : i32 to vector<256xi32>
    %and3A_206 = arith.andi %reduce_min3A_200, %and3A_205 : vector<256xi32>
    %broadcast_in_dim3A_207 = vector.shape_cast %and3A_206 : vector<256xi32> to vector<256x1xi32>
    %broadcast_in_dim3A_208 = vector.shape_cast %broadcast_in_dim3A_207 : vector<256x1xi32> to vector<256x1xi32>
    %broadcast_in_dim3A_209 = vector.broadcast %broadcast_in_dim3A_208 : vector<256x1xi32> to vector<256x16xi32>
    %select_n3A_210 = arith.select %eq3A_203, %broadcast_in_dim3A_209, %select_n3A_192 : vector<256x16xi1>, vector<256x16xi32>
    %broadcast_in_dim3A_211 = vector.shape_cast %reduce_min3A_200 : vector<256xi32> to vector<256x1xi32>
    %eq3A_212 = vector.broadcast %broadcast_in_dim3A_211 : vector<256x1xi32> to vector<256x7040xi32>
    %eq3A_213 = arith.cmpi eq, %select_n3A_198, %eq3A_212 : vector<256x7040xi32>
    %jit3A_214 = arith.constant 2139095040 : i32
    %broadcast_in_dim3A_215 = vector.broadcast %jit3A_214 : i32 to vector<256x7040xi32>
    %select_n3A_216 = arith.select %eq3A_213, %broadcast_in_dim3A_215, %select_n3A_198 : vector<256x7040xi1>, vector<256x7040xi32>
    %reduce_min3A_217 = arith.constant dense<2147483647> : vector<256xi32>
    %reduce_min3A_218 = vector.multi_reduction <minsi>, %select_n3A_216, %reduce_min3A_217 [1] : vector<256x7040xi32> to vector<256xi32>
    %eq3A_219 = arith.constant 11 : i32
    %eq3A_220 = vector.broadcast %eq3A_219 : i32 to vector<256x16xi32>
    %eq3A_221 = arith.cmpi eq, %iota3A_16, %eq3A_220 : vector<256x16xi32>
    %and3A_222 = arith.constant 8191 : i32
    %and3A_223 = vector.broadcast %and3A_222 : i32 to vector<256xi32>
    %and3A_224 = arith.andi %reduce_min3A_218, %and3A_223 : vector<256xi32>
    %broadcast_in_dim3A_225 = vector.shape_cast %and3A_224 : vector<256xi32> to vector<256x1xi32>
    %broadcast_in_dim3A_226 = vector.shape_cast %broadcast_in_dim3A_225 : vector<256x1xi32> to vector<256x1xi32>
    %broadcast_in_dim3A_227 = vector.broadcast %broadcast_in_dim3A_226 : vector<256x1xi32> to vector<256x16xi32>
    %select_n3A_228 = arith.select %eq3A_221, %broadcast_in_dim3A_227, %select_n3A_210 : vector<256x16xi1>, vector<256x16xi32>
    %broadcast_in_dim3A_229 = vector.shape_cast %reduce_min3A_218 : vector<256xi32> to vector<256x1xi32>
    %eq3A_230 = vector.broadcast %broadcast_in_dim3A_229 : vector<256x1xi32> to vector<256x7040xi32>
    %eq3A_231 = arith.cmpi eq, %select_n3A_216, %eq3A_230 : vector<256x7040xi32>
    %jit3A_232 = arith.constant 2139095040 : i32
    %broadcast_in_dim3A_233 = vector.broadcast %jit3A_232 : i32 to vector<256x7040xi32>
    %select_n3A_234 = arith.select %eq3A_231, %broadcast_in_dim3A_233, %select_n3A_216 : vector<256x7040xi1>, vector<256x7040xi32>
    %reduce_min3A_235 = arith.constant dense<2147483647> : vector<256xi32>
    %reduce_min3A_236 = vector.multi_reduction <minsi>, %select_n3A_234, %reduce_min3A_235 [1] : vector<256x7040xi32> to vector<256xi32>
    %eq3A_237 = arith.constant 12 : i32
    %eq3A_238 = vector.broadcast %eq3A_237 : i32 to vector<256x16xi32>
    %eq3A_239 = arith.cmpi eq, %iota3A_16, %eq3A_238 : vector<256x16xi32>
    %and3A_240 = arith.constant 8191 : i32
    %and3A_241 = vector.broadcast %and3A_240 : i32 to vector<256xi32>
    %and3A_242 = arith.andi %reduce_min3A_236, %and3A_241 : vector<256xi32>
    %broadcast_in_dim3A_243 = vector.shape_cast %and3A_242 : vector<256xi32> to vector<256x1xi32>
    %broadcast_in_dim3A_244 = vector.shape_cast %broadcast_in_dim3A_243 : vector<256x1xi32> to vector<256x1xi32>
    %broadcast_in_dim3A_245 = vector.broadcast %broadcast_in_dim3A_244 : vector<256x1xi32> to vector<256x16xi32>
    %select_n3A_246 = arith.select %eq3A_239, %broadcast_in_dim3A_245, %select_n3A_228 : vector<256x16xi1>, vector<256x16xi32>
    %broadcast_in_dim3A_247 = vector.shape_cast %reduce_min3A_236 : vector<256xi32> to vector<256x1xi32>
    %eq3A_248 = vector.broadcast %broadcast_in_dim3A_247 : vector<256x1xi32> to vector<256x7040xi32>
    %eq3A_249 = arith.cmpi eq, %select_n3A_234, %eq3A_248 : vector<256x7040xi32>
    %jit3A_250 = arith.constant 2139095040 : i32
    %broadcast_in_dim3A_251 = vector.broadcast %jit3A_250 : i32 to vector<256x7040xi32>
    %select_n3A_252 = arith.select %eq3A_249, %broadcast_in_dim3A_251, %select_n3A_234 : vector<256x7040xi1>, vector<256x7040xi32>
    %reduce_min3A_253 = arith.constant dense<2147483647> : vector<256xi32>
    %reduce_min3A_254 = vector.multi_reduction <minsi>, %select_n3A_252, %reduce_min3A_253 [1] : vector<256x7040xi32> to vector<256xi32>
    %eq3A_255 = arith.constant 13 : i32
    %eq3A_256 = vector.broadcast %eq3A_255 : i32 to vector<256x16xi32>
    %eq3A_257 = arith.cmpi eq, %iota3A_16, %eq3A_256 : vector<256x16xi32>
    %and3A_258 = arith.constant 8191 : i32
    %and3A_259 = vector.broadcast %and3A_258 : i32 to vector<256xi32>
    %and3A_260 = arith.andi %reduce_min3A_254, %and3A_259 : vector<256xi32>
    %broadcast_in_dim3A_261 = vector.shape_cast %and3A_260 : vector<256xi32> to vector<256x1xi32>
    %broadcast_in_dim3A_262 = vector.shape_cast %broadcast_in_dim3A_261 : vector<256x1xi32> to vector<256x1xi32>
    %broadcast_in_dim3A_263 = vector.broadcast %broadcast_in_dim3A_262 : vector<256x1xi32> to vector<256x16xi32>
    %select_n3A_264 = arith.select %eq3A_257, %broadcast_in_dim3A_263, %select_n3A_246 : vector<256x16xi1>, vector<256x16xi32>
    %broadcast_in_dim3A_265 = vector.shape_cast %reduce_min3A_254 : vector<256xi32> to vector<256x1xi32>
    %eq3A_266 = vector.broadcast %broadcast_in_dim3A_265 : vector<256x1xi32> to vector<256x7040xi32>
    %eq3A_267 = arith.cmpi eq, %select_n3A_252, %eq3A_266 : vector<256x7040xi32>
    %jit3A_268 = arith.constant 2139095040 : i32
    %broadcast_in_dim3A_269 = vector.broadcast %jit3A_268 : i32 to vector<256x7040xi32>
    %select_n3A_270 = arith.select %eq3A_267, %broadcast_in_dim3A_269, %select_n3A_252 : vector<256x7040xi1>, vector<256x7040xi32>
    %reduce_min3A_271 = arith.constant dense<2147483647> : vector<256xi32>
    %reduce_min3A_272 = vector.multi_reduction <minsi>, %select_n3A_270, %reduce_min3A_271 [1] : vector<256x7040xi32> to vector<256xi32>
    %eq3A_273 = arith.constant 14 : i32
    %eq3A_274 = vector.broadcast %eq3A_273 : i32 to vector<256x16xi32>
    %eq3A_275 = arith.cmpi eq, %iota3A_16, %eq3A_274 : vector<256x16xi32>
    %and3A_276 = arith.constant 8191 : i32
    %and3A_277 = vector.broadcast %and3A_276 : i32 to vector<256xi32>
    %and3A_278 = arith.andi %reduce_min3A_272, %and3A_277 : vector<256xi32>
    %broadcast_in_dim3A_279 = vector.shape_cast %and3A_278 : vector<256xi32> to vector<256x1xi32>
    %broadcast_in_dim3A_280 = vector.shape_cast %broadcast_in_dim3A_279 : vector<256x1xi32> to vector<256x1xi32>
    %broadcast_in_dim3A_281 = vector.broadcast %broadcast_in_dim3A_280 : vector<256x1xi32> to vector<256x16xi32>
    %select_n3A_282 = arith.select %eq3A_275, %broadcast_in_dim3A_281, %select_n3A_264 : vector<256x16xi1>, vector<256x16xi32>
    %broadcast_in_dim3A_283 = vector.shape_cast %reduce_min3A_272 : vector<256xi32> to vector<256x1xi32>
    %eq3A_284 = vector.broadcast %broadcast_in_dim3A_283 : vector<256x1xi32> to vector<256x7040xi32>
    %eq3A_285 = arith.cmpi eq, %select_n3A_270, %eq3A_284 : vector<256x7040xi32>
    %jit3A_286 = arith.constant 2139095040 : i32
    %broadcast_in_dim3A_287 = vector.broadcast %jit3A_286 : i32 to vector<256x7040xi32>
    %select_n3A_288 = arith.select %eq3A_285, %broadcast_in_dim3A_287, %select_n3A_270 : vector<256x7040xi1>, vector<256x7040xi32>
    %reduce_min3A_289 = arith.constant dense<2147483647> : vector<256xi32>
    %reduce_min3A_290 = vector.multi_reduction <minsi>, %select_n3A_288, %reduce_min3A_289 [1] : vector<256x7040xi32> to vector<256xi32>
    %eq3A_291 = arith.constant 15 : i32
    %eq3A_292 = vector.broadcast %eq3A_291 : i32 to vector<256x16xi32>
    %eq3A_293 = arith.cmpi eq, %iota3A_16, %eq3A_292 : vector<256x16xi32>
    %and3A_294 = arith.constant 8191 : i32
    %and3A_295 = vector.broadcast %and3A_294 : i32 to vector<256xi32>
    %and3A_296 = arith.andi %reduce_min3A_290, %and3A_295 : vector<256xi32>
    %broadcast_in_dim3A_297 = vector.shape_cast %and3A_296 : vector<256xi32> to vector<256x1xi32>
    %broadcast_in_dim3A_298 = vector.shape_cast %broadcast_in_dim3A_297 : vector<256x1xi32> to vector<256x1xi32>
    %broadcast_in_dim3A_299 = vector.broadcast %broadcast_in_dim3A_298 : vector<256x1xi32> to vector<256x16xi32>
    %select_n3A_300 = arith.select %eq3A_293, %broadcast_in_dim3A_299, %select_n3A_282 : vector<256x16xi1>, vector<256x16xi32>
    %swap3A = arith.constant 0 : index
    %swap3A_301 = arith.constant 0 : index
    %swap3A_302 = vector.load %arg4[%swap3A, %swap3A_301] : memref<256x16xi32, #tpu.memory_space<vmem>>, vector<256x16xi32>
    tpu.vector_store %arg4[%swap3A, %swap3A_301], %select_n3A_300 {strides = array<i32>} : memref<256x16xi32, #tpu.memory_space<vmem>>, vector<256x16xi32>,
    return
  }
  func.func @transform_0(%arg0: i32) -> (i32, i32) {
    %add3A = arith.constant 27 : i32
    %add3A_0 = arith.addi %add3A, %arg0 : i32
    %c0_i32 = arith.constant 0 : i32
    %c0_i32_1 = arith.constant 0 : i32
    return %add3A_0, %c0_i32 : i32, i32
  }
  func.func @transform_1(%arg0: i32) -> (i32, i32) {
    %c0_i32 = arith.constant 0 : i32
    %c0_i32_0 = arith.constant 0 : i32
    %c0_i32_1 = arith.constant 0 : i32
    return %c0_i32, %c0_i32_0 : i32, i32
  }
  func.func @transform_3(%arg0: i32) -> (i32, i32) {
    %add3A = arith.constant 0 : i32
    %add3A_0 = arith.addi %add3A, %arg0 : i32
    %c0_i32 = arith.constant 0 : i32
    %c0_i32_1 = arith.constant 0 : i32
    return %add3A_0, %c0_i32 : i32, i32
  }
}

module attributes {stable_mosaic.version = 14 : i64} {
  func.func @_knn_body(%arg0: i32, %arg1: memref<128x8xf32, #tpu.memory_space<vmem>>, %arg2: memref<8x8064xf32, #tpu.memory_space<vmem>>, %arg3: memref<1152x16xi32, #tpu.memory_space<any>>, %arg4: memref<128x16xi32, #tpu.memory_space<vmem>>) attributes {dimension_semantics = [#tpu.dimension_semantics<arbitrary>], iteration_bounds = array<i64: 1>, scalar_prefetch = 0 : i64, scratch_operands = 0 : i64, tpu.core_type = #tpu.core_type<tc>, window_params = [{transform_indices = @transform_0, window_bounds = array<i64: 128, 8>}, {transform_indices = @transform_1, window_bounds = array<i64: 8, 8064>}, {}, {transform_indices = @transform_3, window_bounds = array<i64: 128, 16>}]} {
    %get3A = arith.constant 0 : index
    %get3A_0 = arith.constant 0 : index
    %get3A_1 = vector.load %arg1[%get3A, %get3A_0] : memref<128x8xf32, #tpu.memory_space<vmem>>, vector<128x8xf32>
    %get3A_2 = arith.constant 0 : index
    %get3A_3 = arith.constant 0 : index
    %get3A_4 = vector.load %arg2[%get3A_2, %get3A_3] : memref<8x8064xf32, #tpu.memory_space<vmem>>, vector<8x8064xf32>
    %mul3A = arith.mulf %get3A_1, %get3A_1 : vector<128x8xf32>
    %reduce_sum3A = arith.constant dense<0.000000e+00> : vector<128xf32>
    %reduce_sum3A_5 = vector.multi_reduction <add>, %mul3A, %reduce_sum3A [1] : vector<128x8xf32> to vector<128xf32>
    %broadcast_in_dim3A = vector.shape_cast %reduce_sum3A_5 : vector<128xf32> to vector<128x1xf32>
    %mul3A_6 = arith.mulf %get3A_4, %get3A_4 : vector<8x8064xf32>
    %reduce_sum3A_7 = arith.constant dense<0.000000e+00> : vector<8064xf32>
    %reduce_sum3A_8 = vector.multi_reduction <add>, %mul3A_6, %reduce_sum3A_7 [0] : vector<8x8064xf32> to vector<8064xf32>
    %broadcast_in_dim3A_9 = vector.shape_cast %reduce_sum3A_8 : vector<8064xf32> to vector<1x8064xf32>
    %add3A = vector.broadcast %broadcast_in_dim3A : vector<128x1xf32> to vector<128x8064xf32>
    %add3A_10 = vector.broadcast %broadcast_in_dim3A_9 : vector<1x8064xf32> to vector<128x8064xf32>
    %add3A_11 = arith.addf %add3A, %add3A_10 : vector<128x8064xf32>
    %dot_general3A = arith.constant dense<0.000000e+00> : vector<128x8064xf32>
    %dot_general3A_12 = tpu.matmul %get3A_1, %get3A_4, %dot_general3A {dimension_numbers = #tpu.dot_dimension_numbers<[1], [0], [0], [1], [0, 0, 1, 1], [], []>, transpose_lhs_hint = false} : vector<128x8xf32>, vector<8x8064xf32>, vector<128x8064xf32> -> vector<128x8064xf32>
    %mul3A_13 = arith.constant 2.000000e+00 : f32
    %mul3A_14 = vector.broadcast %mul3A_13 : f32 to vector<128x8064xf32>
    %mul3A_15 = arith.mulf %mul3A_14, %dot_general3A_12 : vector<128x8064xf32>
    %sub3A = arith.subf %add3A_11, %mul3A_15 : vector<128x8064xf32>
    %iota3A = tpu.iota {dimensions = array<i32: 1>} : vector<128x8064xi32>
    %iota3A_16 = tpu.iota {dimensions = array<i32: 1>} : vector<128x16xi32>
    %max3A = arith.constant 0.000000e+00 : f32
    %max3A_17 = vector.broadcast %max3A : f32 to vector<128x8064xf32>
    %max3A_18 = arith.maximumf %sub3A, %max3A_17 : vector<128x8064xf32>
    %bitcast_convert_type3A = tpu.bitcast %max3A_18 : vector<128x8064xf32> -> vector<128x8064xi32>
    %and3A = arith.constant -8192 : i32
    %and3A_19 = vector.broadcast %and3A : i32 to vector<128x8064xi32>
    %and3A_20 = arith.andi %bitcast_convert_type3A, %and3A_19 : vector<128x8064xi32>
    %or3A = arith.ori %and3A_20, %iota3A : vector<128x8064xi32>
    %broadcast_in_dim3A_21 = arith.constant 0 : i32
    %broadcast_in_dim3A_22 = vector.broadcast %broadcast_in_dim3A_21 : i32 to vector<128x16xi32>
    %reduce_min3A = arith.constant dense<2147483647> : vector<128xi32>
    %reduce_min3A_23 = vector.multi_reduction <minsi>, %or3A, %reduce_min3A [1] : vector<128x8064xi32> to vector<128xi32>
    %eq3A = arith.constant 0 : i32
    %eq3A_24 = vector.broadcast %eq3A : i32 to vector<128x16xi32>
    %eq3A_25 = arith.cmpi eq, %iota3A_16, %eq3A_24 : vector<128x16xi32>
    %and3A_26 = arith.constant 8191 : i32
    %and3A_27 = vector.broadcast %and3A_26 : i32 to vector<128xi32>
    %and3A_28 = arith.andi %reduce_min3A_23, %and3A_27 : vector<128xi32>
    %broadcast_in_dim3A_29 = vector.shape_cast %and3A_28 : vector<128xi32> to vector<128x1xi32>
    %broadcast_in_dim3A_30 = vector.shape_cast %broadcast_in_dim3A_29 : vector<128x1xi32> to vector<128x1xi32>
    %broadcast_in_dim3A_31 = vector.broadcast %broadcast_in_dim3A_30 : vector<128x1xi32> to vector<128x16xi32>
    %select_n3A = arith.select %eq3A_25, %broadcast_in_dim3A_31, %broadcast_in_dim3A_22 : vector<128x16xi1>, vector<128x16xi32>
    %broadcast_in_dim3A_32 = vector.shape_cast %reduce_min3A_23 : vector<128xi32> to vector<128x1xi32>
    %eq3A_33 = vector.broadcast %broadcast_in_dim3A_32 : vector<128x1xi32> to vector<128x8064xi32>
    %eq3A_34 = arith.cmpi eq, %or3A, %eq3A_33 : vector<128x8064xi32>
    %jit3A = arith.constant 2139095040 : i32
    %broadcast_in_dim3A_35 = vector.broadcast %jit3A : i32 to vector<128x8064xi32>
    %select_n3A_36 = arith.select %eq3A_34, %broadcast_in_dim3A_35, %or3A : vector<128x8064xi1>, vector<128x8064xi32>
    %reduce_min3A_37 = arith.constant dense<2147483647> : vector<128xi32>
    %reduce_min3A_38 = vector.multi_reduction <minsi>, %select_n3A_36, %reduce_min3A_37 [1] : vector<128x8064xi32> to vector<128xi32>
    %eq3A_39 = arith.constant 1 : i32
    %eq3A_40 = vector.broadcast %eq3A_39 : i32 to vector<128x16xi32>
    %eq3A_41 = arith.cmpi eq, %iota3A_16, %eq3A_40 : vector<128x16xi32>
    %and3A_42 = arith.constant 8191 : i32
    %and3A_43 = vector.broadcast %and3A_42 : i32 to vector<128xi32>
    %and3A_44 = arith.andi %reduce_min3A_38, %and3A_43 : vector<128xi32>
    %broadcast_in_dim3A_45 = vector.shape_cast %and3A_44 : vector<128xi32> to vector<128x1xi32>
    %broadcast_in_dim3A_46 = vector.shape_cast %broadcast_in_dim3A_45 : vector<128x1xi32> to vector<128x1xi32>
    %broadcast_in_dim3A_47 = vector.broadcast %broadcast_in_dim3A_46 : vector<128x1xi32> to vector<128x16xi32>
    %select_n3A_48 = arith.select %eq3A_41, %broadcast_in_dim3A_47, %select_n3A : vector<128x16xi1>, vector<128x16xi32>
    %broadcast_in_dim3A_49 = vector.shape_cast %reduce_min3A_38 : vector<128xi32> to vector<128x1xi32>
    %eq3A_50 = vector.broadcast %broadcast_in_dim3A_49 : vector<128x1xi32> to vector<128x8064xi32>
    %eq3A_51 = arith.cmpi eq, %select_n3A_36, %eq3A_50 : vector<128x8064xi32>
    %jit3A_52 = arith.constant 2139095040 : i32
    %broadcast_in_dim3A_53 = vector.broadcast %jit3A_52 : i32 to vector<128x8064xi32>
    %select_n3A_54 = arith.select %eq3A_51, %broadcast_in_dim3A_53, %select_n3A_36 : vector<128x8064xi1>, vector<128x8064xi32>
    %reduce_min3A_55 = arith.constant dense<2147483647> : vector<128xi32>
    %reduce_min3A_56 = vector.multi_reduction <minsi>, %select_n3A_54, %reduce_min3A_55 [1] : vector<128x8064xi32> to vector<128xi32>
    %eq3A_57 = arith.constant 2 : i32
    %eq3A_58 = vector.broadcast %eq3A_57 : i32 to vector<128x16xi32>
    %eq3A_59 = arith.cmpi eq, %iota3A_16, %eq3A_58 : vector<128x16xi32>
    %and3A_60 = arith.constant 8191 : i32
    %and3A_61 = vector.broadcast %and3A_60 : i32 to vector<128xi32>
    %and3A_62 = arith.andi %reduce_min3A_56, %and3A_61 : vector<128xi32>
    %broadcast_in_dim3A_63 = vector.shape_cast %and3A_62 : vector<128xi32> to vector<128x1xi32>
    %broadcast_in_dim3A_64 = vector.shape_cast %broadcast_in_dim3A_63 : vector<128x1xi32> to vector<128x1xi32>
    %broadcast_in_dim3A_65 = vector.broadcast %broadcast_in_dim3A_64 : vector<128x1xi32> to vector<128x16xi32>
    %select_n3A_66 = arith.select %eq3A_59, %broadcast_in_dim3A_65, %select_n3A_48 : vector<128x16xi1>, vector<128x16xi32>
    %broadcast_in_dim3A_67 = vector.shape_cast %reduce_min3A_56 : vector<128xi32> to vector<128x1xi32>
    %eq3A_68 = vector.broadcast %broadcast_in_dim3A_67 : vector<128x1xi32> to vector<128x8064xi32>
    %eq3A_69 = arith.cmpi eq, %select_n3A_54, %eq3A_68 : vector<128x8064xi32>
    %jit3A_70 = arith.constant 2139095040 : i32
    %broadcast_in_dim3A_71 = vector.broadcast %jit3A_70 : i32 to vector<128x8064xi32>
    %select_n3A_72 = arith.select %eq3A_69, %broadcast_in_dim3A_71, %select_n3A_54 : vector<128x8064xi1>, vector<128x8064xi32>
    %reduce_min3A_73 = arith.constant dense<2147483647> : vector<128xi32>
    %reduce_min3A_74 = vector.multi_reduction <minsi>, %select_n3A_72, %reduce_min3A_73 [1] : vector<128x8064xi32> to vector<128xi32>
    %eq3A_75 = arith.constant 3 : i32
    %eq3A_76 = vector.broadcast %eq3A_75 : i32 to vector<128x16xi32>
    %eq3A_77 = arith.cmpi eq, %iota3A_16, %eq3A_76 : vector<128x16xi32>
    %and3A_78 = arith.constant 8191 : i32
    %and3A_79 = vector.broadcast %and3A_78 : i32 to vector<128xi32>
    %and3A_80 = arith.andi %reduce_min3A_74, %and3A_79 : vector<128xi32>
    %broadcast_in_dim3A_81 = vector.shape_cast %and3A_80 : vector<128xi32> to vector<128x1xi32>
    %broadcast_in_dim3A_82 = vector.shape_cast %broadcast_in_dim3A_81 : vector<128x1xi32> to vector<128x1xi32>
    %broadcast_in_dim3A_83 = vector.broadcast %broadcast_in_dim3A_82 : vector<128x1xi32> to vector<128x16xi32>
    %select_n3A_84 = arith.select %eq3A_77, %broadcast_in_dim3A_83, %select_n3A_66 : vector<128x16xi1>, vector<128x16xi32>
    %broadcast_in_dim3A_85 = vector.shape_cast %reduce_min3A_74 : vector<128xi32> to vector<128x1xi32>
    %eq3A_86 = vector.broadcast %broadcast_in_dim3A_85 : vector<128x1xi32> to vector<128x8064xi32>
    %eq3A_87 = arith.cmpi eq, %select_n3A_72, %eq3A_86 : vector<128x8064xi32>
    %jit3A_88 = arith.constant 2139095040 : i32
    %broadcast_in_dim3A_89 = vector.broadcast %jit3A_88 : i32 to vector<128x8064xi32>
    %select_n3A_90 = arith.select %eq3A_87, %broadcast_in_dim3A_89, %select_n3A_72 : vector<128x8064xi1>, vector<128x8064xi32>
    %reduce_min3A_91 = arith.constant dense<2147483647> : vector<128xi32>
    %reduce_min3A_92 = vector.multi_reduction <minsi>, %select_n3A_90, %reduce_min3A_91 [1] : vector<128x8064xi32> to vector<128xi32>
    %eq3A_93 = arith.constant 4 : i32
    %eq3A_94 = vector.broadcast %eq3A_93 : i32 to vector<128x16xi32>
    %eq3A_95 = arith.cmpi eq, %iota3A_16, %eq3A_94 : vector<128x16xi32>
    %and3A_96 = arith.constant 8191 : i32
    %and3A_97 = vector.broadcast %and3A_96 : i32 to vector<128xi32>
    %and3A_98 = arith.andi %reduce_min3A_92, %and3A_97 : vector<128xi32>
    %broadcast_in_dim3A_99 = vector.shape_cast %and3A_98 : vector<128xi32> to vector<128x1xi32>
    %broadcast_in_dim3A_100 = vector.shape_cast %broadcast_in_dim3A_99 : vector<128x1xi32> to vector<128x1xi32>
    %broadcast_in_dim3A_101 = vector.broadcast %broadcast_in_dim3A_100 : vector<128x1xi32> to vector<128x16xi32>
    %select_n3A_102 = arith.select %eq3A_95, %broadcast_in_dim3A_101, %select_n3A_84 : vector<128x16xi1>, vector<128x16xi32>
    %broadcast_in_dim3A_103 = vector.shape_cast %reduce_min3A_92 : vector<128xi32> to vector<128x1xi32>
    %eq3A_104 = vector.broadcast %broadcast_in_dim3A_103 : vector<128x1xi32> to vector<128x8064xi32>
    %eq3A_105 = arith.cmpi eq, %select_n3A_90, %eq3A_104 : vector<128x8064xi32>
    %jit3A_106 = arith.constant 2139095040 : i32
    %broadcast_in_dim3A_107 = vector.broadcast %jit3A_106 : i32 to vector<128x8064xi32>
    %select_n3A_108 = arith.select %eq3A_105, %broadcast_in_dim3A_107, %select_n3A_90 : vector<128x8064xi1>, vector<128x8064xi32>
    %reduce_min3A_109 = arith.constant dense<2147483647> : vector<128xi32>
    %reduce_min3A_110 = vector.multi_reduction <minsi>, %select_n3A_108, %reduce_min3A_109 [1] : vector<128x8064xi32> to vector<128xi32>
    %eq3A_111 = arith.constant 5 : i32
    %eq3A_112 = vector.broadcast %eq3A_111 : i32 to vector<128x16xi32>
    %eq3A_113 = arith.cmpi eq, %iota3A_16, %eq3A_112 : vector<128x16xi32>
    %and3A_114 = arith.constant 8191 : i32
    %and3A_115 = vector.broadcast %and3A_114 : i32 to vector<128xi32>
    %and3A_116 = arith.andi %reduce_min3A_110, %and3A_115 : vector<128xi32>
    %broadcast_in_dim3A_117 = vector.shape_cast %and3A_116 : vector<128xi32> to vector<128x1xi32>
    %broadcast_in_dim3A_118 = vector.shape_cast %broadcast_in_dim3A_117 : vector<128x1xi32> to vector<128x1xi32>
    %broadcast_in_dim3A_119 = vector.broadcast %broadcast_in_dim3A_118 : vector<128x1xi32> to vector<128x16xi32>
    %select_n3A_120 = arith.select %eq3A_113, %broadcast_in_dim3A_119, %select_n3A_102 : vector<128x16xi1>, vector<128x16xi32>
    %broadcast_in_dim3A_121 = vector.shape_cast %reduce_min3A_110 : vector<128xi32> to vector<128x1xi32>
    %eq3A_122 = vector.broadcast %broadcast_in_dim3A_121 : vector<128x1xi32> to vector<128x8064xi32>
    %eq3A_123 = arith.cmpi eq, %select_n3A_108, %eq3A_122 : vector<128x8064xi32>
    %jit3A_124 = arith.constant 2139095040 : i32
    %broadcast_in_dim3A_125 = vector.broadcast %jit3A_124 : i32 to vector<128x8064xi32>
    %select_n3A_126 = arith.select %eq3A_123, %broadcast_in_dim3A_125, %select_n3A_108 : vector<128x8064xi1>, vector<128x8064xi32>
    %reduce_min3A_127 = arith.constant dense<2147483647> : vector<128xi32>
    %reduce_min3A_128 = vector.multi_reduction <minsi>, %select_n3A_126, %reduce_min3A_127 [1] : vector<128x8064xi32> to vector<128xi32>
    %eq3A_129 = arith.constant 6 : i32
    %eq3A_130 = vector.broadcast %eq3A_129 : i32 to vector<128x16xi32>
    %eq3A_131 = arith.cmpi eq, %iota3A_16, %eq3A_130 : vector<128x16xi32>
    %and3A_132 = arith.constant 8191 : i32
    %and3A_133 = vector.broadcast %and3A_132 : i32 to vector<128xi32>
    %and3A_134 = arith.andi %reduce_min3A_128, %and3A_133 : vector<128xi32>
    %broadcast_in_dim3A_135 = vector.shape_cast %and3A_134 : vector<128xi32> to vector<128x1xi32>
    %broadcast_in_dim3A_136 = vector.shape_cast %broadcast_in_dim3A_135 : vector<128x1xi32> to vector<128x1xi32>
    %broadcast_in_dim3A_137 = vector.broadcast %broadcast_in_dim3A_136 : vector<128x1xi32> to vector<128x16xi32>
    %select_n3A_138 = arith.select %eq3A_131, %broadcast_in_dim3A_137, %select_n3A_120 : vector<128x16xi1>, vector<128x16xi32>
    %broadcast_in_dim3A_139 = vector.shape_cast %reduce_min3A_128 : vector<128xi32> to vector<128x1xi32>
    %eq3A_140 = vector.broadcast %broadcast_in_dim3A_139 : vector<128x1xi32> to vector<128x8064xi32>
    %eq3A_141 = arith.cmpi eq, %select_n3A_126, %eq3A_140 : vector<128x8064xi32>
    %jit3A_142 = arith.constant 2139095040 : i32
    %broadcast_in_dim3A_143 = vector.broadcast %jit3A_142 : i32 to vector<128x8064xi32>
    %select_n3A_144 = arith.select %eq3A_141, %broadcast_in_dim3A_143, %select_n3A_126 : vector<128x8064xi1>, vector<128x8064xi32>
    %reduce_min3A_145 = arith.constant dense<2147483647> : vector<128xi32>
    %reduce_min3A_146 = vector.multi_reduction <minsi>, %select_n3A_144, %reduce_min3A_145 [1] : vector<128x8064xi32> to vector<128xi32>
    %eq3A_147 = arith.constant 7 : i32
    %eq3A_148 = vector.broadcast %eq3A_147 : i32 to vector<128x16xi32>
    %eq3A_149 = arith.cmpi eq, %iota3A_16, %eq3A_148 : vector<128x16xi32>
    %and3A_150 = arith.constant 8191 : i32
    %and3A_151 = vector.broadcast %and3A_150 : i32 to vector<128xi32>
    %and3A_152 = arith.andi %reduce_min3A_146, %and3A_151 : vector<128xi32>
    %broadcast_in_dim3A_153 = vector.shape_cast %and3A_152 : vector<128xi32> to vector<128x1xi32>
    %broadcast_in_dim3A_154 = vector.shape_cast %broadcast_in_dim3A_153 : vector<128x1xi32> to vector<128x1xi32>
    %broadcast_in_dim3A_155 = vector.broadcast %broadcast_in_dim3A_154 : vector<128x1xi32> to vector<128x16xi32>
    %select_n3A_156 = arith.select %eq3A_149, %broadcast_in_dim3A_155, %select_n3A_138 : vector<128x16xi1>, vector<128x16xi32>
    %broadcast_in_dim3A_157 = vector.shape_cast %reduce_min3A_146 : vector<128xi32> to vector<128x1xi32>
    %eq3A_158 = vector.broadcast %broadcast_in_dim3A_157 : vector<128x1xi32> to vector<128x8064xi32>
    %eq3A_159 = arith.cmpi eq, %select_n3A_144, %eq3A_158 : vector<128x8064xi32>
    %jit3A_160 = arith.constant 2139095040 : i32
    %broadcast_in_dim3A_161 = vector.broadcast %jit3A_160 : i32 to vector<128x8064xi32>
    %select_n3A_162 = arith.select %eq3A_159, %broadcast_in_dim3A_161, %select_n3A_144 : vector<128x8064xi1>, vector<128x8064xi32>
    %reduce_min3A_163 = arith.constant dense<2147483647> : vector<128xi32>
    %reduce_min3A_164 = vector.multi_reduction <minsi>, %select_n3A_162, %reduce_min3A_163 [1] : vector<128x8064xi32> to vector<128xi32>
    %eq3A_165 = arith.constant 8 : i32
    %eq3A_166 = vector.broadcast %eq3A_165 : i32 to vector<128x16xi32>
    %eq3A_167 = arith.cmpi eq, %iota3A_16, %eq3A_166 : vector<128x16xi32>
    %and3A_168 = arith.constant 8191 : i32
    %and3A_169 = vector.broadcast %and3A_168 : i32 to vector<128xi32>
    %and3A_170 = arith.andi %reduce_min3A_164, %and3A_169 : vector<128xi32>
    %broadcast_in_dim3A_171 = vector.shape_cast %and3A_170 : vector<128xi32> to vector<128x1xi32>
    %broadcast_in_dim3A_172 = vector.shape_cast %broadcast_in_dim3A_171 : vector<128x1xi32> to vector<128x1xi32>
    %broadcast_in_dim3A_173 = vector.broadcast %broadcast_in_dim3A_172 : vector<128x1xi32> to vector<128x16xi32>
    %select_n3A_174 = arith.select %eq3A_167, %broadcast_in_dim3A_173, %select_n3A_156 : vector<128x16xi1>, vector<128x16xi32>
    %broadcast_in_dim3A_175 = vector.shape_cast %reduce_min3A_164 : vector<128xi32> to vector<128x1xi32>
    %eq3A_176 = vector.broadcast %broadcast_in_dim3A_175 : vector<128x1xi32> to vector<128x8064xi32>
    %eq3A_177 = arith.cmpi eq, %select_n3A_162, %eq3A_176 : vector<128x8064xi32>
    %jit3A_178 = arith.constant 2139095040 : i32
    %broadcast_in_dim3A_179 = vector.broadcast %jit3A_178 : i32 to vector<128x8064xi32>
    %select_n3A_180 = arith.select %eq3A_177, %broadcast_in_dim3A_179, %select_n3A_162 : vector<128x8064xi1>, vector<128x8064xi32>
    %reduce_min3A_181 = arith.constant dense<2147483647> : vector<128xi32>
    %reduce_min3A_182 = vector.multi_reduction <minsi>, %select_n3A_180, %reduce_min3A_181 [1] : vector<128x8064xi32> to vector<128xi32>
    %eq3A_183 = arith.constant 9 : i32
    %eq3A_184 = vector.broadcast %eq3A_183 : i32 to vector<128x16xi32>
    %eq3A_185 = arith.cmpi eq, %iota3A_16, %eq3A_184 : vector<128x16xi32>
    %and3A_186 = arith.constant 8191 : i32
    %and3A_187 = vector.broadcast %and3A_186 : i32 to vector<128xi32>
    %and3A_188 = arith.andi %reduce_min3A_182, %and3A_187 : vector<128xi32>
    %broadcast_in_dim3A_189 = vector.shape_cast %and3A_188 : vector<128xi32> to vector<128x1xi32>
    %broadcast_in_dim3A_190 = vector.shape_cast %broadcast_in_dim3A_189 : vector<128x1xi32> to vector<128x1xi32>
    %broadcast_in_dim3A_191 = vector.broadcast %broadcast_in_dim3A_190 : vector<128x1xi32> to vector<128x16xi32>
    %select_n3A_192 = arith.select %eq3A_185, %broadcast_in_dim3A_191, %select_n3A_174 : vector<128x16xi1>, vector<128x16xi32>
    %broadcast_in_dim3A_193 = vector.shape_cast %reduce_min3A_182 : vector<128xi32> to vector<128x1xi32>
    %eq3A_194 = vector.broadcast %broadcast_in_dim3A_193 : vector<128x1xi32> to vector<128x8064xi32>
    %eq3A_195 = arith.cmpi eq, %select_n3A_180, %eq3A_194 : vector<128x8064xi32>
    %jit3A_196 = arith.constant 2139095040 : i32
    %broadcast_in_dim3A_197 = vector.broadcast %jit3A_196 : i32 to vector<128x8064xi32>
    %select_n3A_198 = arith.select %eq3A_195, %broadcast_in_dim3A_197, %select_n3A_180 : vector<128x8064xi1>, vector<128x8064xi32>
    %reduce_min3A_199 = arith.constant dense<2147483647> : vector<128xi32>
    %reduce_min3A_200 = vector.multi_reduction <minsi>, %select_n3A_198, %reduce_min3A_199 [1] : vector<128x8064xi32> to vector<128xi32>
    %eq3A_201 = arith.constant 10 : i32
    %eq3A_202 = vector.broadcast %eq3A_201 : i32 to vector<128x16xi32>
    %eq3A_203 = arith.cmpi eq, %iota3A_16, %eq3A_202 : vector<128x16xi32>
    %and3A_204 = arith.constant 8191 : i32
    %and3A_205 = vector.broadcast %and3A_204 : i32 to vector<128xi32>
    %and3A_206 = arith.andi %reduce_min3A_200, %and3A_205 : vector<128xi32>
    %broadcast_in_dim3A_207 = vector.shape_cast %and3A_206 : vector<128xi32> to vector<128x1xi32>
    %broadcast_in_dim3A_208 = vector.shape_cast %broadcast_in_dim3A_207 : vector<128x1xi32> to vector<128x1xi32>
    %broadcast_in_dim3A_209 = vector.broadcast %broadcast_in_dim3A_208 : vector<128x1xi32> to vector<128x16xi32>
    %select_n3A_210 = arith.select %eq3A_203, %broadcast_in_dim3A_209, %select_n3A_192 : vector<128x16xi1>, vector<128x16xi32>
    %broadcast_in_dim3A_211 = vector.shape_cast %reduce_min3A_200 : vector<128xi32> to vector<128x1xi32>
    %eq3A_212 = vector.broadcast %broadcast_in_dim3A_211 : vector<128x1xi32> to vector<128x8064xi32>
    %eq3A_213 = arith.cmpi eq, %select_n3A_198, %eq3A_212 : vector<128x8064xi32>
    %jit3A_214 = arith.constant 2139095040 : i32
    %broadcast_in_dim3A_215 = vector.broadcast %jit3A_214 : i32 to vector<128x8064xi32>
    %select_n3A_216 = arith.select %eq3A_213, %broadcast_in_dim3A_215, %select_n3A_198 : vector<128x8064xi1>, vector<128x8064xi32>
    %reduce_min3A_217 = arith.constant dense<2147483647> : vector<128xi32>
    %reduce_min3A_218 = vector.multi_reduction <minsi>, %select_n3A_216, %reduce_min3A_217 [1] : vector<128x8064xi32> to vector<128xi32>
    %eq3A_219 = arith.constant 11 : i32
    %eq3A_220 = vector.broadcast %eq3A_219 : i32 to vector<128x16xi32>
    %eq3A_221 = arith.cmpi eq, %iota3A_16, %eq3A_220 : vector<128x16xi32>
    %and3A_222 = arith.constant 8191 : i32
    %and3A_223 = vector.broadcast %and3A_222 : i32 to vector<128xi32>
    %and3A_224 = arith.andi %reduce_min3A_218, %and3A_223 : vector<128xi32>
    %broadcast_in_dim3A_225 = vector.shape_cast %and3A_224 : vector<128xi32> to vector<128x1xi32>
    %broadcast_in_dim3A_226 = vector.shape_cast %broadcast_in_dim3A_225 : vector<128x1xi32> to vector<128x1xi32>
    %broadcast_in_dim3A_227 = vector.broadcast %broadcast_in_dim3A_226 : vector<128x1xi32> to vector<128x16xi32>
    %select_n3A_228 = arith.select %eq3A_221, %broadcast_in_dim3A_227, %select_n3A_210 : vector<128x16xi1>, vector<128x16xi32>
    %broadcast_in_dim3A_229 = vector.shape_cast %reduce_min3A_218 : vector<128xi32> to vector<128x1xi32>
    %eq3A_230 = vector.broadcast %broadcast_in_dim3A_229 : vector<128x1xi32> to vector<128x8064xi32>
    %eq3A_231 = arith.cmpi eq, %select_n3A_216, %eq3A_230 : vector<128x8064xi32>
    %jit3A_232 = arith.constant 2139095040 : i32
    %broadcast_in_dim3A_233 = vector.broadcast %jit3A_232 : i32 to vector<128x8064xi32>
    %select_n3A_234 = arith.select %eq3A_231, %broadcast_in_dim3A_233, %select_n3A_216 : vector<128x8064xi1>, vector<128x8064xi32>
    %reduce_min3A_235 = arith.constant dense<2147483647> : vector<128xi32>
    %reduce_min3A_236 = vector.multi_reduction <minsi>, %select_n3A_234, %reduce_min3A_235 [1] : vector<128x8064xi32> to vector<128xi32>
    %eq3A_237 = arith.constant 12 : i32
    %eq3A_238 = vector.broadcast %eq3A_237 : i32 to vector<128x16xi32>
    %eq3A_239 = arith.cmpi eq, %iota3A_16, %eq3A_238 : vector<128x16xi32>
    %and3A_240 = arith.constant 8191 : i32
    %and3A_241 = vector.broadcast %and3A_240 : i32 to vector<128xi32>
    %and3A_242 = arith.andi %reduce_min3A_236, %and3A_241 : vector<128xi32>
    %broadcast_in_dim3A_243 = vector.shape_cast %and3A_242 : vector<128xi32> to vector<128x1xi32>
    %broadcast_in_dim3A_244 = vector.shape_cast %broadcast_in_dim3A_243 : vector<128x1xi32> to vector<128x1xi32>
    %broadcast_in_dim3A_245 = vector.broadcast %broadcast_in_dim3A_244 : vector<128x1xi32> to vector<128x16xi32>
    %select_n3A_246 = arith.select %eq3A_239, %broadcast_in_dim3A_245, %select_n3A_228 : vector<128x16xi1>, vector<128x16xi32>
    %broadcast_in_dim3A_247 = vector.shape_cast %reduce_min3A_236 : vector<128xi32> to vector<128x1xi32>
    %eq3A_248 = vector.broadcast %broadcast_in_dim3A_247 : vector<128x1xi32> to vector<128x8064xi32>
    %eq3A_249 = arith.cmpi eq, %select_n3A_234, %eq3A_248 : vector<128x8064xi32>
    %jit3A_250 = arith.constant 2139095040 : i32
    %broadcast_in_dim3A_251 = vector.broadcast %jit3A_250 : i32 to vector<128x8064xi32>
    %select_n3A_252 = arith.select %eq3A_249, %broadcast_in_dim3A_251, %select_n3A_234 : vector<128x8064xi1>, vector<128x8064xi32>
    %reduce_min3A_253 = arith.constant dense<2147483647> : vector<128xi32>
    %reduce_min3A_254 = vector.multi_reduction <minsi>, %select_n3A_252, %reduce_min3A_253 [1] : vector<128x8064xi32> to vector<128xi32>
    %eq3A_255 = arith.constant 13 : i32
    %eq3A_256 = vector.broadcast %eq3A_255 : i32 to vector<128x16xi32>
    %eq3A_257 = arith.cmpi eq, %iota3A_16, %eq3A_256 : vector<128x16xi32>
    %and3A_258 = arith.constant 8191 : i32
    %and3A_259 = vector.broadcast %and3A_258 : i32 to vector<128xi32>
    %and3A_260 = arith.andi %reduce_min3A_254, %and3A_259 : vector<128xi32>
    %broadcast_in_dim3A_261 = vector.shape_cast %and3A_260 : vector<128xi32> to vector<128x1xi32>
    %broadcast_in_dim3A_262 = vector.shape_cast %broadcast_in_dim3A_261 : vector<128x1xi32> to vector<128x1xi32>
    %broadcast_in_dim3A_263 = vector.broadcast %broadcast_in_dim3A_262 : vector<128x1xi32> to vector<128x16xi32>
    %select_n3A_264 = arith.select %eq3A_257, %broadcast_in_dim3A_263, %select_n3A_246 : vector<128x16xi1>, vector<128x16xi32>
    %broadcast_in_dim3A_265 = vector.shape_cast %reduce_min3A_254 : vector<128xi32> to vector<128x1xi32>
    %eq3A_266 = vector.broadcast %broadcast_in_dim3A_265 : vector<128x1xi32> to vector<128x8064xi32>
    %eq3A_267 = arith.cmpi eq, %select_n3A_252, %eq3A_266 : vector<128x8064xi32>
    %jit3A_268 = arith.constant 2139095040 : i32
    %broadcast_in_dim3A_269 = vector.broadcast %jit3A_268 : i32 to vector<128x8064xi32>
    %select_n3A_270 = arith.select %eq3A_267, %broadcast_in_dim3A_269, %select_n3A_252 : vector<128x8064xi1>, vector<128x8064xi32>
    %reduce_min3A_271 = arith.constant dense<2147483647> : vector<128xi32>
    %reduce_min3A_272 = vector.multi_reduction <minsi>, %select_n3A_270, %reduce_min3A_271 [1] : vector<128x8064xi32> to vector<128xi32>
    %eq3A_273 = arith.constant 14 : i32
    %eq3A_274 = vector.broadcast %eq3A_273 : i32 to vector<128x16xi32>
    %eq3A_275 = arith.cmpi eq, %iota3A_16, %eq3A_274 : vector<128x16xi32>
    %and3A_276 = arith.constant 8191 : i32
    %and3A_277 = vector.broadcast %and3A_276 : i32 to vector<128xi32>
    %and3A_278 = arith.andi %reduce_min3A_272, %and3A_277 : vector<128xi32>
    %broadcast_in_dim3A_279 = vector.shape_cast %and3A_278 : vector<128xi32> to vector<128x1xi32>
    %broadcast_in_dim3A_280 = vector.shape_cast %broadcast_in_dim3A_279 : vector<128x1xi32> to vector<128x1xi32>
    %broadcast_in_dim3A_281 = vector.broadcast %broadcast_in_dim3A_280 : vector<128x1xi32> to vector<128x16xi32>
    %select_n3A_282 = arith.select %eq3A_275, %broadcast_in_dim3A_281, %select_n3A_264 : vector<128x16xi1>, vector<128x16xi32>
    %broadcast_in_dim3A_283 = vector.shape_cast %reduce_min3A_272 : vector<128xi32> to vector<128x1xi32>
    %eq3A_284 = vector.broadcast %broadcast_in_dim3A_283 : vector<128x1xi32> to vector<128x8064xi32>
    %eq3A_285 = arith.cmpi eq, %select_n3A_270, %eq3A_284 : vector<128x8064xi32>
    %jit3A_286 = arith.constant 2139095040 : i32
    %broadcast_in_dim3A_287 = vector.broadcast %jit3A_286 : i32 to vector<128x8064xi32>
    %select_n3A_288 = arith.select %eq3A_285, %broadcast_in_dim3A_287, %select_n3A_270 : vector<128x8064xi1>, vector<128x8064xi32>
    %reduce_min3A_289 = arith.constant dense<2147483647> : vector<128xi32>
    %reduce_min3A_290 = vector.multi_reduction <minsi>, %select_n3A_288, %reduce_min3A_289 [1] : vector<128x8064xi32> to vector<128xi32>
    %eq3A_291 = arith.constant 15 : i32
    %eq3A_292 = vector.broadcast %eq3A_291 : i32 to vector<128x16xi32>
    %eq3A_293 = arith.cmpi eq, %iota3A_16, %eq3A_292 : vector<128x16xi32>
    %and3A_294 = arith.constant 8191 : i32
    %and3A_295 = vector.broadcast %and3A_294 : i32 to vector<128xi32>
    %and3A_296 = arith.andi %reduce_min3A_290, %and3A_295 : vector<128xi32>
    %broadcast_in_dim3A_297 = vector.shape_cast %and3A_296 : vector<128xi32> to vector<128x1xi32>
    %broadcast_in_dim3A_298 = vector.shape_cast %broadcast_in_dim3A_297 : vector<128x1xi32> to vector<128x1xi32>
    %broadcast_in_dim3A_299 = vector.broadcast %broadcast_in_dim3A_298 : vector<128x1xi32> to vector<128x16xi32>
    %select_n3A_300 = arith.select %eq3A_293, %broadcast_in_dim3A_299, %select_n3A_282 : vector<128x16xi1>, vector<128x16xi32>
    %swap3A = arith.constant 0 : index
    %swap3A_301 = arith.constant 0 : index
    %swap3A_302 = vector.load %arg4[%swap3A, %swap3A_301] : memref<128x16xi32, #tpu.memory_space<vmem>>, vector<128x16xi32>
    tpu.vector_store %arg4[%swap3A, %swap3A_301], %select_n3A_300 {strides = array<i32>} : memref<128x16xi32, #tpu.memory_space<vmem>>, vector<128x16xi32>,
    return
  }
  func.func @transform_0(%arg0: i32) -> (i32, i32) {
    %add3A = arith.constant 62 : i32
    %add3A_0 = arith.addi %add3A, %arg0 : i32
    %c0_i32 = arith.constant 0 : i32
    %c0_i32_1 = arith.constant 0 : i32
    return %add3A_0, %c0_i32 : i32, i32
  }
  func.func @transform_1(%arg0: i32) -> (i32, i32) {
    %c0_i32 = arith.constant 0 : i32
    %c0_i32_0 = arith.constant 0 : i32
    %c0_i32_1 = arith.constant 0 : i32
    return %c0_i32, %c0_i32_0 : i32, i32
  }
  func.func @transform_3(%arg0: i32) -> (i32, i32) {
    %add3A = arith.constant 8 : i32
    %add3A_0 = arith.addi %add3A, %arg0 : i32
    %c0_i32 = arith.constant 0 : i32
    %c0_i32_1 = arith.constant 0 : i32
    return %add3A_0, %c0_i32 : i32, i32
  }
}

module attributes {stable_mosaic.version = 14 : i64} {
  func.func @_knn_body(%arg0: i32, %arg1: memref<256x8xf32, #tpu.memory_space<vmem>>, %arg2: memref<8x128xf32, #tpu.memory_space<vmem>>, %arg3: memref<6912x16xi32, #tpu.memory_space<any>>, %arg4: memref<256x16xi32, #tpu.memory_space<vmem>>) attributes {dimension_semantics = [#tpu.dimension_semantics<arbitrary>], iteration_bounds = array<i64: 1>, scalar_prefetch = 0 : i64, scratch_operands = 0 : i64, tpu.core_type = #tpu.core_type<tc>, window_params = [{transform_indices = @transform_0, window_bounds = array<i64: 256, 8>}, {transform_indices = @transform_1, window_bounds = array<i64: 8, 128>}, {}, {transform_indices = @transform_3, window_bounds = array<i64: 256, 16>}]} {
    %get3A = arith.constant 0 : index
    %get3A_0 = arith.constant 0 : index
    %get3A_1 = vector.load %arg1[%get3A, %get3A_0] : memref<256x8xf32, #tpu.memory_space<vmem>>, vector<256x8xf32>
    %get3A_2 = arith.constant 0 : index
    %get3A_3 = arith.constant 0 : index
    %get3A_4 = vector.load %arg2[%get3A_2, %get3A_3] : memref<8x128xf32, #tpu.memory_space<vmem>>, vector<8x128xf32>
    %mul3A = arith.mulf %get3A_1, %get3A_1 : vector<256x8xf32>
    %reduce_sum3A = arith.constant dense<0.000000e+00> : vector<256xf32>
    %reduce_sum3A_5 = vector.multi_reduction <add>, %mul3A, %reduce_sum3A [1] : vector<256x8xf32> to vector<256xf32>
    %broadcast_in_dim3A = vector.shape_cast %reduce_sum3A_5 : vector<256xf32> to vector<256x1xf32>
    %mul3A_6 = arith.mulf %get3A_4, %get3A_4 : vector<8x128xf32>
    %reduce_sum3A_7 = arith.constant dense<0.000000e+00> : vector<128xf32>
    %reduce_sum3A_8 = vector.multi_reduction <add>, %mul3A_6, %reduce_sum3A_7 [0] : vector<8x128xf32> to vector<128xf32>
    %broadcast_in_dim3A_9 = vector.shape_cast %reduce_sum3A_8 : vector<128xf32> to vector<1x128xf32>
    %add3A = vector.broadcast %broadcast_in_dim3A : vector<256x1xf32> to vector<256x128xf32>
    %add3A_10 = vector.broadcast %broadcast_in_dim3A_9 : vector<1x128xf32> to vector<256x128xf32>
    %add3A_11 = arith.addf %add3A, %add3A_10 : vector<256x128xf32>
    %dot_general3A = arith.constant dense<0.000000e+00> : vector<256x128xf32>
    %dot_general3A_12 = tpu.matmul %get3A_1, %get3A_4, %dot_general3A {dimension_numbers = #tpu.dot_dimension_numbers<[1], [0], [0], [1], [0, 0, 1, 1], [], []>, transpose_lhs_hint = false} : vector<256x8xf32>, vector<8x128xf32>, vector<256x128xf32> -> vector<256x128xf32>
    %mul3A_13 = arith.constant 2.000000e+00 : f32
    %mul3A_14 = vector.broadcast %mul3A_13 : f32 to vector<256x128xf32>
    %mul3A_15 = arith.mulf %mul3A_14, %dot_general3A_12 : vector<256x128xf32>
    %sub3A = arith.subf %add3A_11, %mul3A_15 : vector<256x128xf32>
    %iota3A = tpu.iota {dimensions = array<i32: 1>} : vector<256x128xi32>
    %iota3A_16 = tpu.iota {dimensions = array<i32: 1>} : vector<256x16xi32>
    %max3A = arith.constant 0.000000e+00 : f32
    %max3A_17 = vector.broadcast %max3A : f32 to vector<256x128xf32>
    %max3A_18 = arith.maximumf %sub3A, %max3A_17 : vector<256x128xf32>
    %bitcast_convert_type3A = tpu.bitcast %max3A_18 : vector<256x128xf32> -> vector<256x128xi32>
    %and3A = arith.constant -8192 : i32
    %and3A_19 = vector.broadcast %and3A : i32 to vector<256x128xi32>
    %and3A_20 = arith.andi %bitcast_convert_type3A, %and3A_19 : vector<256x128xi32>
    %or3A = arith.ori %and3A_20, %iota3A : vector<256x128xi32>
    %broadcast_in_dim3A_21 = arith.constant 0 : i32
    %broadcast_in_dim3A_22 = vector.broadcast %broadcast_in_dim3A_21 : i32 to vector<256x16xi32>
    %reduce_min3A = arith.constant dense<2147483647> : vector<256xi32>
    %reduce_min3A_23 = vector.multi_reduction <minsi>, %or3A, %reduce_min3A [1] : vector<256x128xi32> to vector<256xi32>
    %eq3A = arith.constant 0 : i32
    %eq3A_24 = vector.broadcast %eq3A : i32 to vector<256x16xi32>
    %eq3A_25 = arith.cmpi eq, %iota3A_16, %eq3A_24 : vector<256x16xi32>
    %and3A_26 = arith.constant 8191 : i32
    %and3A_27 = vector.broadcast %and3A_26 : i32 to vector<256xi32>
    %and3A_28 = arith.andi %reduce_min3A_23, %and3A_27 : vector<256xi32>
    %broadcast_in_dim3A_29 = vector.shape_cast %and3A_28 : vector<256xi32> to vector<256x1xi32>
    %broadcast_in_dim3A_30 = vector.shape_cast %broadcast_in_dim3A_29 : vector<256x1xi32> to vector<256x1xi32>
    %broadcast_in_dim3A_31 = vector.broadcast %broadcast_in_dim3A_30 : vector<256x1xi32> to vector<256x16xi32>
    %select_n3A = arith.select %eq3A_25, %broadcast_in_dim3A_31, %broadcast_in_dim3A_22 : vector<256x16xi1>, vector<256x16xi32>
    %broadcast_in_dim3A_32 = vector.shape_cast %reduce_min3A_23 : vector<256xi32> to vector<256x1xi32>
    %eq3A_33 = vector.broadcast %broadcast_in_dim3A_32 : vector<256x1xi32> to vector<256x128xi32>
    %eq3A_34 = arith.cmpi eq, %or3A, %eq3A_33 : vector<256x128xi32>
    %jit3A = arith.constant 2139095040 : i32
    %broadcast_in_dim3A_35 = vector.broadcast %jit3A : i32 to vector<256x128xi32>
    %select_n3A_36 = arith.select %eq3A_34, %broadcast_in_dim3A_35, %or3A : vector<256x128xi1>, vector<256x128xi32>
    %reduce_min3A_37 = arith.constant dense<2147483647> : vector<256xi32>
    %reduce_min3A_38 = vector.multi_reduction <minsi>, %select_n3A_36, %reduce_min3A_37 [1] : vector<256x128xi32> to vector<256xi32>
    %eq3A_39 = arith.constant 1 : i32
    %eq3A_40 = vector.broadcast %eq3A_39 : i32 to vector<256x16xi32>
    %eq3A_41 = arith.cmpi eq, %iota3A_16, %eq3A_40 : vector<256x16xi32>
    %and3A_42 = arith.constant 8191 : i32
    %and3A_43 = vector.broadcast %and3A_42 : i32 to vector<256xi32>
    %and3A_44 = arith.andi %reduce_min3A_38, %and3A_43 : vector<256xi32>
    %broadcast_in_dim3A_45 = vector.shape_cast %and3A_44 : vector<256xi32> to vector<256x1xi32>
    %broadcast_in_dim3A_46 = vector.shape_cast %broadcast_in_dim3A_45 : vector<256x1xi32> to vector<256x1xi32>
    %broadcast_in_dim3A_47 = vector.broadcast %broadcast_in_dim3A_46 : vector<256x1xi32> to vector<256x16xi32>
    %select_n3A_48 = arith.select %eq3A_41, %broadcast_in_dim3A_47, %select_n3A : vector<256x16xi1>, vector<256x16xi32>
    %broadcast_in_dim3A_49 = vector.shape_cast %reduce_min3A_38 : vector<256xi32> to vector<256x1xi32>
    %eq3A_50 = vector.broadcast %broadcast_in_dim3A_49 : vector<256x1xi32> to vector<256x128xi32>
    %eq3A_51 = arith.cmpi eq, %select_n3A_36, %eq3A_50 : vector<256x128xi32>
    %jit3A_52 = arith.constant 2139095040 : i32
    %broadcast_in_dim3A_53 = vector.broadcast %jit3A_52 : i32 to vector<256x128xi32>
    %select_n3A_54 = arith.select %eq3A_51, %broadcast_in_dim3A_53, %select_n3A_36 : vector<256x128xi1>, vector<256x128xi32>
    %reduce_min3A_55 = arith.constant dense<2147483647> : vector<256xi32>
    %reduce_min3A_56 = vector.multi_reduction <minsi>, %select_n3A_54, %reduce_min3A_55 [1] : vector<256x128xi32> to vector<256xi32>
    %eq3A_57 = arith.constant 2 : i32
    %eq3A_58 = vector.broadcast %eq3A_57 : i32 to vector<256x16xi32>
    %eq3A_59 = arith.cmpi eq, %iota3A_16, %eq3A_58 : vector<256x16xi32>
    %and3A_60 = arith.constant 8191 : i32
    %and3A_61 = vector.broadcast %and3A_60 : i32 to vector<256xi32>
    %and3A_62 = arith.andi %reduce_min3A_56, %and3A_61 : vector<256xi32>
    %broadcast_in_dim3A_63 = vector.shape_cast %and3A_62 : vector<256xi32> to vector<256x1xi32>
    %broadcast_in_dim3A_64 = vector.shape_cast %broadcast_in_dim3A_63 : vector<256x1xi32> to vector<256x1xi32>
    %broadcast_in_dim3A_65 = vector.broadcast %broadcast_in_dim3A_64 : vector<256x1xi32> to vector<256x16xi32>
    %select_n3A_66 = arith.select %eq3A_59, %broadcast_in_dim3A_65, %select_n3A_48 : vector<256x16xi1>, vector<256x16xi32>
    %broadcast_in_dim3A_67 = vector.shape_cast %reduce_min3A_56 : vector<256xi32> to vector<256x1xi32>
    %eq3A_68 = vector.broadcast %broadcast_in_dim3A_67 : vector<256x1xi32> to vector<256x128xi32>
    %eq3A_69 = arith.cmpi eq, %select_n3A_54, %eq3A_68 : vector<256x128xi32>
    %jit3A_70 = arith.constant 2139095040 : i32
    %broadcast_in_dim3A_71 = vector.broadcast %jit3A_70 : i32 to vector<256x128xi32>
    %select_n3A_72 = arith.select %eq3A_69, %broadcast_in_dim3A_71, %select_n3A_54 : vector<256x128xi1>, vector<256x128xi32>
    %reduce_min3A_73 = arith.constant dense<2147483647> : vector<256xi32>
    %reduce_min3A_74 = vector.multi_reduction <minsi>, %select_n3A_72, %reduce_min3A_73 [1] : vector<256x128xi32> to vector<256xi32>
    %eq3A_75 = arith.constant 3 : i32
    %eq3A_76 = vector.broadcast %eq3A_75 : i32 to vector<256x16xi32>
    %eq3A_77 = arith.cmpi eq, %iota3A_16, %eq3A_76 : vector<256x16xi32>
    %and3A_78 = arith.constant 8191 : i32
    %and3A_79 = vector.broadcast %and3A_78 : i32 to vector<256xi32>
    %and3A_80 = arith.andi %reduce_min3A_74, %and3A_79 : vector<256xi32>
    %broadcast_in_dim3A_81 = vector.shape_cast %and3A_80 : vector<256xi32> to vector<256x1xi32>
    %broadcast_in_dim3A_82 = vector.shape_cast %broadcast_in_dim3A_81 : vector<256x1xi32> to vector<256x1xi32>
    %broadcast_in_dim3A_83 = vector.broadcast %broadcast_in_dim3A_82 : vector<256x1xi32> to vector<256x16xi32>
    %select_n3A_84 = arith.select %eq3A_77, %broadcast_in_dim3A_83, %select_n3A_66 : vector<256x16xi1>, vector<256x16xi32>
    %broadcast_in_dim3A_85 = vector.shape_cast %reduce_min3A_74 : vector<256xi32> to vector<256x1xi32>
    %eq3A_86 = vector.broadcast %broadcast_in_dim3A_85 : vector<256x1xi32> to vector<256x128xi32>
    %eq3A_87 = arith.cmpi eq, %select_n3A_72, %eq3A_86 : vector<256x128xi32>
    %jit3A_88 = arith.constant 2139095040 : i32
    %broadcast_in_dim3A_89 = vector.broadcast %jit3A_88 : i32 to vector<256x128xi32>
    %select_n3A_90 = arith.select %eq3A_87, %broadcast_in_dim3A_89, %select_n3A_72 : vector<256x128xi1>, vector<256x128xi32>
    %reduce_min3A_91 = arith.constant dense<2147483647> : vector<256xi32>
    %reduce_min3A_92 = vector.multi_reduction <minsi>, %select_n3A_90, %reduce_min3A_91 [1] : vector<256x128xi32> to vector<256xi32>
    %eq3A_93 = arith.constant 4 : i32
    %eq3A_94 = vector.broadcast %eq3A_93 : i32 to vector<256x16xi32>
    %eq3A_95 = arith.cmpi eq, %iota3A_16, %eq3A_94 : vector<256x16xi32>
    %and3A_96 = arith.constant 8191 : i32
    %and3A_97 = vector.broadcast %and3A_96 : i32 to vector<256xi32>
    %and3A_98 = arith.andi %reduce_min3A_92, %and3A_97 : vector<256xi32>
    %broadcast_in_dim3A_99 = vector.shape_cast %and3A_98 : vector<256xi32> to vector<256x1xi32>
    %broadcast_in_dim3A_100 = vector.shape_cast %broadcast_in_dim3A_99 : vector<256x1xi32> to vector<256x1xi32>
    %broadcast_in_dim3A_101 = vector.broadcast %broadcast_in_dim3A_100 : vector<256x1xi32> to vector<256x16xi32>
    %select_n3A_102 = arith.select %eq3A_95, %broadcast_in_dim3A_101, %select_n3A_84 : vector<256x16xi1>, vector<256x16xi32>
    %broadcast_in_dim3A_103 = vector.shape_cast %reduce_min3A_92 : vector<256xi32> to vector<256x1xi32>
    %eq3A_104 = vector.broadcast %broadcast_in_dim3A_103 : vector<256x1xi32> to vector<256x128xi32>
    %eq3A_105 = arith.cmpi eq, %select_n3A_90, %eq3A_104 : vector<256x128xi32>
    %jit3A_106 = arith.constant 2139095040 : i32
    %broadcast_in_dim3A_107 = vector.broadcast %jit3A_106 : i32 to vector<256x128xi32>
    %select_n3A_108 = arith.select %eq3A_105, %broadcast_in_dim3A_107, %select_n3A_90 : vector<256x128xi1>, vector<256x128xi32>
    %reduce_min3A_109 = arith.constant dense<2147483647> : vector<256xi32>
    %reduce_min3A_110 = vector.multi_reduction <minsi>, %select_n3A_108, %reduce_min3A_109 [1] : vector<256x128xi32> to vector<256xi32>
    %eq3A_111 = arith.constant 5 : i32
    %eq3A_112 = vector.broadcast %eq3A_111 : i32 to vector<256x16xi32>
    %eq3A_113 = arith.cmpi eq, %iota3A_16, %eq3A_112 : vector<256x16xi32>
    %and3A_114 = arith.constant 8191 : i32
    %and3A_115 = vector.broadcast %and3A_114 : i32 to vector<256xi32>
    %and3A_116 = arith.andi %reduce_min3A_110, %and3A_115 : vector<256xi32>
    %broadcast_in_dim3A_117 = vector.shape_cast %and3A_116 : vector<256xi32> to vector<256x1xi32>
    %broadcast_in_dim3A_118 = vector.shape_cast %broadcast_in_dim3A_117 : vector<256x1xi32> to vector<256x1xi32>
    %broadcast_in_dim3A_119 = vector.broadcast %broadcast_in_dim3A_118 : vector<256x1xi32> to vector<256x16xi32>
    %select_n3A_120 = arith.select %eq3A_113, %broadcast_in_dim3A_119, %select_n3A_102 : vector<256x16xi1>, vector<256x16xi32>
    %broadcast_in_dim3A_121 = vector.shape_cast %reduce_min3A_110 : vector<256xi32> to vector<256x1xi32>
    %eq3A_122 = vector.broadcast %broadcast_in_dim3A_121 : vector<256x1xi32> to vector<256x128xi32>
    %eq3A_123 = arith.cmpi eq, %select_n3A_108, %eq3A_122 : vector<256x128xi32>
    %jit3A_124 = arith.constant 2139095040 : i32
    %broadcast_in_dim3A_125 = vector.broadcast %jit3A_124 : i32 to vector<256x128xi32>
    %select_n3A_126 = arith.select %eq3A_123, %broadcast_in_dim3A_125, %select_n3A_108 : vector<256x128xi1>, vector<256x128xi32>
    %reduce_min3A_127 = arith.constant dense<2147483647> : vector<256xi32>
    %reduce_min3A_128 = vector.multi_reduction <minsi>, %select_n3A_126, %reduce_min3A_127 [1] : vector<256x128xi32> to vector<256xi32>
    %eq3A_129 = arith.constant 6 : i32
    %eq3A_130 = vector.broadcast %eq3A_129 : i32 to vector<256x16xi32>
    %eq3A_131 = arith.cmpi eq, %iota3A_16, %eq3A_130 : vector<256x16xi32>
    %and3A_132 = arith.constant 8191 : i32
    %and3A_133 = vector.broadcast %and3A_132 : i32 to vector<256xi32>
    %and3A_134 = arith.andi %reduce_min3A_128, %and3A_133 : vector<256xi32>
    %broadcast_in_dim3A_135 = vector.shape_cast %and3A_134 : vector<256xi32> to vector<256x1xi32>
    %broadcast_in_dim3A_136 = vector.shape_cast %broadcast_in_dim3A_135 : vector<256x1xi32> to vector<256x1xi32>
    %broadcast_in_dim3A_137 = vector.broadcast %broadcast_in_dim3A_136 : vector<256x1xi32> to vector<256x16xi32>
    %select_n3A_138 = arith.select %eq3A_131, %broadcast_in_dim3A_137, %select_n3A_120 : vector<256x16xi1>, vector<256x16xi32>
    %broadcast_in_dim3A_139 = vector.shape_cast %reduce_min3A_128 : vector<256xi32> to vector<256x1xi32>
    %eq3A_140 = vector.broadcast %broadcast_in_dim3A_139 : vector<256x1xi32> to vector<256x128xi32>
    %eq3A_141 = arith.cmpi eq, %select_n3A_126, %eq3A_140 : vector<256x128xi32>
    %jit3A_142 = arith.constant 2139095040 : i32
    %broadcast_in_dim3A_143 = vector.broadcast %jit3A_142 : i32 to vector<256x128xi32>
    %select_n3A_144 = arith.select %eq3A_141, %broadcast_in_dim3A_143, %select_n3A_126 : vector<256x128xi1>, vector<256x128xi32>
    %reduce_min3A_145 = arith.constant dense<2147483647> : vector<256xi32>
    %reduce_min3A_146 = vector.multi_reduction <minsi>, %select_n3A_144, %reduce_min3A_145 [1] : vector<256x128xi32> to vector<256xi32>
    %eq3A_147 = arith.constant 7 : i32
    %eq3A_148 = vector.broadcast %eq3A_147 : i32 to vector<256x16xi32>
    %eq3A_149 = arith.cmpi eq, %iota3A_16, %eq3A_148 : vector<256x16xi32>
    %and3A_150 = arith.constant 8191 : i32
    %and3A_151 = vector.broadcast %and3A_150 : i32 to vector<256xi32>
    %and3A_152 = arith.andi %reduce_min3A_146, %and3A_151 : vector<256xi32>
    %broadcast_in_dim3A_153 = vector.shape_cast %and3A_152 : vector<256xi32> to vector<256x1xi32>
    %broadcast_in_dim3A_154 = vector.shape_cast %broadcast_in_dim3A_153 : vector<256x1xi32> to vector<256x1xi32>
    %broadcast_in_dim3A_155 = vector.broadcast %broadcast_in_dim3A_154 : vector<256x1xi32> to vector<256x16xi32>
    %select_n3A_156 = arith.select %eq3A_149, %broadcast_in_dim3A_155, %select_n3A_138 : vector<256x16xi1>, vector<256x16xi32>
    %broadcast_in_dim3A_157 = vector.shape_cast %reduce_min3A_146 : vector<256xi32> to vector<256x1xi32>
    %eq3A_158 = vector.broadcast %broadcast_in_dim3A_157 : vector<256x1xi32> to vector<256x128xi32>
    %eq3A_159 = arith.cmpi eq, %select_n3A_144, %eq3A_158 : vector<256x128xi32>
    %jit3A_160 = arith.constant 2139095040 : i32
    %broadcast_in_dim3A_161 = vector.broadcast %jit3A_160 : i32 to vector<256x128xi32>
    %select_n3A_162 = arith.select %eq3A_159, %broadcast_in_dim3A_161, %select_n3A_144 : vector<256x128xi1>, vector<256x128xi32>
    %reduce_min3A_163 = arith.constant dense<2147483647> : vector<256xi32>
    %reduce_min3A_164 = vector.multi_reduction <minsi>, %select_n3A_162, %reduce_min3A_163 [1] : vector<256x128xi32> to vector<256xi32>
    %eq3A_165 = arith.constant 8 : i32
    %eq3A_166 = vector.broadcast %eq3A_165 : i32 to vector<256x16xi32>
    %eq3A_167 = arith.cmpi eq, %iota3A_16, %eq3A_166 : vector<256x16xi32>
    %and3A_168 = arith.constant 8191 : i32
    %and3A_169 = vector.broadcast %and3A_168 : i32 to vector<256xi32>
    %and3A_170 = arith.andi %reduce_min3A_164, %and3A_169 : vector<256xi32>
    %broadcast_in_dim3A_171 = vector.shape_cast %and3A_170 : vector<256xi32> to vector<256x1xi32>
    %broadcast_in_dim3A_172 = vector.shape_cast %broadcast_in_dim3A_171 : vector<256x1xi32> to vector<256x1xi32>
    %broadcast_in_dim3A_173 = vector.broadcast %broadcast_in_dim3A_172 : vector<256x1xi32> to vector<256x16xi32>
    %select_n3A_174 = arith.select %eq3A_167, %broadcast_in_dim3A_173, %select_n3A_156 : vector<256x16xi1>, vector<256x16xi32>
    %broadcast_in_dim3A_175 = vector.shape_cast %reduce_min3A_164 : vector<256xi32> to vector<256x1xi32>
    %eq3A_176 = vector.broadcast %broadcast_in_dim3A_175 : vector<256x1xi32> to vector<256x128xi32>
    %eq3A_177 = arith.cmpi eq, %select_n3A_162, %eq3A_176 : vector<256x128xi32>
    %jit3A_178 = arith.constant 2139095040 : i32
    %broadcast_in_dim3A_179 = vector.broadcast %jit3A_178 : i32 to vector<256x128xi32>
    %select_n3A_180 = arith.select %eq3A_177, %broadcast_in_dim3A_179, %select_n3A_162 : vector<256x128xi1>, vector<256x128xi32>
    %reduce_min3A_181 = arith.constant dense<2147483647> : vector<256xi32>
    %reduce_min3A_182 = vector.multi_reduction <minsi>, %select_n3A_180, %reduce_min3A_181 [1] : vector<256x128xi32> to vector<256xi32>
    %eq3A_183 = arith.constant 9 : i32
    %eq3A_184 = vector.broadcast %eq3A_183 : i32 to vector<256x16xi32>
    %eq3A_185 = arith.cmpi eq, %iota3A_16, %eq3A_184 : vector<256x16xi32>
    %and3A_186 = arith.constant 8191 : i32
    %and3A_187 = vector.broadcast %and3A_186 : i32 to vector<256xi32>
    %and3A_188 = arith.andi %reduce_min3A_182, %and3A_187 : vector<256xi32>
    %broadcast_in_dim3A_189 = vector.shape_cast %and3A_188 : vector<256xi32> to vector<256x1xi32>
    %broadcast_in_dim3A_190 = vector.shape_cast %broadcast_in_dim3A_189 : vector<256x1xi32> to vector<256x1xi32>
    %broadcast_in_dim3A_191 = vector.broadcast %broadcast_in_dim3A_190 : vector<256x1xi32> to vector<256x16xi32>
    %select_n3A_192 = arith.select %eq3A_185, %broadcast_in_dim3A_191, %select_n3A_174 : vector<256x16xi1>, vector<256x16xi32>
    %broadcast_in_dim3A_193 = vector.shape_cast %reduce_min3A_182 : vector<256xi32> to vector<256x1xi32>
    %eq3A_194 = vector.broadcast %broadcast_in_dim3A_193 : vector<256x1xi32> to vector<256x128xi32>
    %eq3A_195 = arith.cmpi eq, %select_n3A_180, %eq3A_194 : vector<256x128xi32>
    %jit3A_196 = arith.constant 2139095040 : i32
    %broadcast_in_dim3A_197 = vector.broadcast %jit3A_196 : i32 to vector<256x128xi32>
    %select_n3A_198 = arith.select %eq3A_195, %broadcast_in_dim3A_197, %select_n3A_180 : vector<256x128xi1>, vector<256x128xi32>
    %reduce_min3A_199 = arith.constant dense<2147483647> : vector<256xi32>
    %reduce_min3A_200 = vector.multi_reduction <minsi>, %select_n3A_198, %reduce_min3A_199 [1] : vector<256x128xi32> to vector<256xi32>
    %eq3A_201 = arith.constant 10 : i32
    %eq3A_202 = vector.broadcast %eq3A_201 : i32 to vector<256x16xi32>
    %eq3A_203 = arith.cmpi eq, %iota3A_16, %eq3A_202 : vector<256x16xi32>
    %and3A_204 = arith.constant 8191 : i32
    %and3A_205 = vector.broadcast %and3A_204 : i32 to vector<256xi32>
    %and3A_206 = arith.andi %reduce_min3A_200, %and3A_205 : vector<256xi32>
    %broadcast_in_dim3A_207 = vector.shape_cast %and3A_206 : vector<256xi32> to vector<256x1xi32>
    %broadcast_in_dim3A_208 = vector.shape_cast %broadcast_in_dim3A_207 : vector<256x1xi32> to vector<256x1xi32>
    %broadcast_in_dim3A_209 = vector.broadcast %broadcast_in_dim3A_208 : vector<256x1xi32> to vector<256x16xi32>
    %select_n3A_210 = arith.select %eq3A_203, %broadcast_in_dim3A_209, %select_n3A_192 : vector<256x16xi1>, vector<256x16xi32>
    %broadcast_in_dim3A_211 = vector.shape_cast %reduce_min3A_200 : vector<256xi32> to vector<256x1xi32>
    %eq3A_212 = vector.broadcast %broadcast_in_dim3A_211 : vector<256x1xi32> to vector<256x128xi32>
    %eq3A_213 = arith.cmpi eq, %select_n3A_198, %eq3A_212 : vector<256x128xi32>
    %jit3A_214 = arith.constant 2139095040 : i32
    %broadcast_in_dim3A_215 = vector.broadcast %jit3A_214 : i32 to vector<256x128xi32>
    %select_n3A_216 = arith.select %eq3A_213, %broadcast_in_dim3A_215, %select_n3A_198 : vector<256x128xi1>, vector<256x128xi32>
    %reduce_min3A_217 = arith.constant dense<2147483647> : vector<256xi32>
    %reduce_min3A_218 = vector.multi_reduction <minsi>, %select_n3A_216, %reduce_min3A_217 [1] : vector<256x128xi32> to vector<256xi32>
    %eq3A_219 = arith.constant 11 : i32
    %eq3A_220 = vector.broadcast %eq3A_219 : i32 to vector<256x16xi32>
    %eq3A_221 = arith.cmpi eq, %iota3A_16, %eq3A_220 : vector<256x16xi32>
    %and3A_222 = arith.constant 8191 : i32
    %and3A_223 = vector.broadcast %and3A_222 : i32 to vector<256xi32>
    %and3A_224 = arith.andi %reduce_min3A_218, %and3A_223 : vector<256xi32>
    %broadcast_in_dim3A_225 = vector.shape_cast %and3A_224 : vector<256xi32> to vector<256x1xi32>
    %broadcast_in_dim3A_226 = vector.shape_cast %broadcast_in_dim3A_225 : vector<256x1xi32> to vector<256x1xi32>
    %broadcast_in_dim3A_227 = vector.broadcast %broadcast_in_dim3A_226 : vector<256x1xi32> to vector<256x16xi32>
    %select_n3A_228 = arith.select %eq3A_221, %broadcast_in_dim3A_227, %select_n3A_210 : vector<256x16xi1>, vector<256x16xi32>
    %broadcast_in_dim3A_229 = vector.shape_cast %reduce_min3A_218 : vector<256xi32> to vector<256x1xi32>
    %eq3A_230 = vector.broadcast %broadcast_in_dim3A_229 : vector<256x1xi32> to vector<256x128xi32>
    %eq3A_231 = arith.cmpi eq, %select_n3A_216, %eq3A_230 : vector<256x128xi32>
    %jit3A_232 = arith.constant 2139095040 : i32
    %broadcast_in_dim3A_233 = vector.broadcast %jit3A_232 : i32 to vector<256x128xi32>
    %select_n3A_234 = arith.select %eq3A_231, %broadcast_in_dim3A_233, %select_n3A_216 : vector<256x128xi1>, vector<256x128xi32>
    %reduce_min3A_235 = arith.constant dense<2147483647> : vector<256xi32>
    %reduce_min3A_236 = vector.multi_reduction <minsi>, %select_n3A_234, %reduce_min3A_235 [1] : vector<256x128xi32> to vector<256xi32>
    %eq3A_237 = arith.constant 12 : i32
    %eq3A_238 = vector.broadcast %eq3A_237 : i32 to vector<256x16xi32>
    %eq3A_239 = arith.cmpi eq, %iota3A_16, %eq3A_238 : vector<256x16xi32>
    %and3A_240 = arith.constant 8191 : i32
    %and3A_241 = vector.broadcast %and3A_240 : i32 to vector<256xi32>
    %and3A_242 = arith.andi %reduce_min3A_236, %and3A_241 : vector<256xi32>
    %broadcast_in_dim3A_243 = vector.shape_cast %and3A_242 : vector<256xi32> to vector<256x1xi32>
    %broadcast_in_dim3A_244 = vector.shape_cast %broadcast_in_dim3A_243 : vector<256x1xi32> to vector<256x1xi32>
    %broadcast_in_dim3A_245 = vector.broadcast %broadcast_in_dim3A_244 : vector<256x1xi32> to vector<256x16xi32>
    %select_n3A_246 = arith.select %eq3A_239, %broadcast_in_dim3A_245, %select_n3A_228 : vector<256x16xi1>, vector<256x16xi32>
    %broadcast_in_dim3A_247 = vector.shape_cast %reduce_min3A_236 : vector<256xi32> to vector<256x1xi32>
    %eq3A_248 = vector.broadcast %broadcast_in_dim3A_247 : vector<256x1xi32> to vector<256x128xi32>
    %eq3A_249 = arith.cmpi eq, %select_n3A_234, %eq3A_248 : vector<256x128xi32>
    %jit3A_250 = arith.constant 2139095040 : i32
    %broadcast_in_dim3A_251 = vector.broadcast %jit3A_250 : i32 to vector<256x128xi32>
    %select_n3A_252 = arith.select %eq3A_249, %broadcast_in_dim3A_251, %select_n3A_234 : vector<256x128xi1>, vector<256x128xi32>
    %reduce_min3A_253 = arith.constant dense<2147483647> : vector<256xi32>
    %reduce_min3A_254 = vector.multi_reduction <minsi>, %select_n3A_252, %reduce_min3A_253 [1] : vector<256x128xi32> to vector<256xi32>
    %eq3A_255 = arith.constant 13 : i32
    %eq3A_256 = vector.broadcast %eq3A_255 : i32 to vector<256x16xi32>
    %eq3A_257 = arith.cmpi eq, %iota3A_16, %eq3A_256 : vector<256x16xi32>
    %and3A_258 = arith.constant 8191 : i32
    %and3A_259 = vector.broadcast %and3A_258 : i32 to vector<256xi32>
    %and3A_260 = arith.andi %reduce_min3A_254, %and3A_259 : vector<256xi32>
    %broadcast_in_dim3A_261 = vector.shape_cast %and3A_260 : vector<256xi32> to vector<256x1xi32>
    %broadcast_in_dim3A_262 = vector.shape_cast %broadcast_in_dim3A_261 : vector<256x1xi32> to vector<256x1xi32>
    %broadcast_in_dim3A_263 = vector.broadcast %broadcast_in_dim3A_262 : vector<256x1xi32> to vector<256x16xi32>
    %select_n3A_264 = arith.select %eq3A_257, %broadcast_in_dim3A_263, %select_n3A_246 : vector<256x16xi1>, vector<256x16xi32>
    %broadcast_in_dim3A_265 = vector.shape_cast %reduce_min3A_254 : vector<256xi32> to vector<256x1xi32>
    %eq3A_266 = vector.broadcast %broadcast_in_dim3A_265 : vector<256x1xi32> to vector<256x128xi32>
    %eq3A_267 = arith.cmpi eq, %select_n3A_252, %eq3A_266 : vector<256x128xi32>
    %jit3A_268 = arith.constant 2139095040 : i32
    %broadcast_in_dim3A_269 = vector.broadcast %jit3A_268 : i32 to vector<256x128xi32>
    %select_n3A_270 = arith.select %eq3A_267, %broadcast_in_dim3A_269, %select_n3A_252 : vector<256x128xi1>, vector<256x128xi32>
    %reduce_min3A_271 = arith.constant dense<2147483647> : vector<256xi32>
    %reduce_min3A_272 = vector.multi_reduction <minsi>, %select_n3A_270, %reduce_min3A_271 [1] : vector<256x128xi32> to vector<256xi32>
    %eq3A_273 = arith.constant 14 : i32
    %eq3A_274 = vector.broadcast %eq3A_273 : i32 to vector<256x16xi32>
    %eq3A_275 = arith.cmpi eq, %iota3A_16, %eq3A_274 : vector<256x16xi32>
    %and3A_276 = arith.constant 8191 : i32
    %and3A_277 = vector.broadcast %and3A_276 : i32 to vector<256xi32>
    %and3A_278 = arith.andi %reduce_min3A_272, %and3A_277 : vector<256xi32>
    %broadcast_in_dim3A_279 = vector.shape_cast %and3A_278 : vector<256xi32> to vector<256x1xi32>
    %broadcast_in_dim3A_280 = vector.shape_cast %broadcast_in_dim3A_279 : vector<256x1xi32> to vector<256x1xi32>
    %broadcast_in_dim3A_281 = vector.broadcast %broadcast_in_dim3A_280 : vector<256x1xi32> to vector<256x16xi32>
    %select_n3A_282 = arith.select %eq3A_275, %broadcast_in_dim3A_281, %select_n3A_264 : vector<256x16xi1>, vector<256x16xi32>
    %broadcast_in_dim3A_283 = vector.shape_cast %reduce_min3A_272 : vector<256xi32> to vector<256x1xi32>
    %eq3A_284 = vector.broadcast %broadcast_in_dim3A_283 : vector<256x1xi32> to vector<256x128xi32>
    %eq3A_285 = arith.cmpi eq, %select_n3A_270, %eq3A_284 : vector<256x128xi32>
    %jit3A_286 = arith.constant 2139095040 : i32
    %broadcast_in_dim3A_287 = vector.broadcast %jit3A_286 : i32 to vector<256x128xi32>
    %select_n3A_288 = arith.select %eq3A_285, %broadcast_in_dim3A_287, %select_n3A_270 : vector<256x128xi1>, vector<256x128xi32>
    %reduce_min3A_289 = arith.constant dense<2147483647> : vector<256xi32>
    %reduce_min3A_290 = vector.multi_reduction <minsi>, %select_n3A_288, %reduce_min3A_289 [1] : vector<256x128xi32> to vector<256xi32>
    %eq3A_291 = arith.constant 15 : i32
    %eq3A_292 = vector.broadcast %eq3A_291 : i32 to vector<256x16xi32>
    %eq3A_293 = arith.cmpi eq, %iota3A_16, %eq3A_292 : vector<256x16xi32>
    %and3A_294 = arith.constant 8191 : i32
    %and3A_295 = vector.broadcast %and3A_294 : i32 to vector<256xi32>
    %and3A_296 = arith.andi %reduce_min3A_290, %and3A_295 : vector<256xi32>
    %broadcast_in_dim3A_297 = vector.shape_cast %and3A_296 : vector<256xi32> to vector<256x1xi32>
    %broadcast_in_dim3A_298 = vector.shape_cast %broadcast_in_dim3A_297 : vector<256x1xi32> to vector<256x1xi32>
    %broadcast_in_dim3A_299 = vector.broadcast %broadcast_in_dim3A_298 : vector<256x1xi32> to vector<256x16xi32>
    %select_n3A_300 = arith.select %eq3A_293, %broadcast_in_dim3A_299, %select_n3A_282 : vector<256x16xi1>, vector<256x16xi32>
    %swap3A = arith.constant 0 : index
    %swap3A_301 = arith.constant 0 : index
    %swap3A_302 = vector.load %arg4[%swap3A, %swap3A_301] : memref<256x16xi32, #tpu.memory_space<vmem>>, vector<256x16xi32>
    tpu.vector_store %arg4[%swap3A, %swap3A_301], %select_n3A_300 {strides = array<i32>} : memref<256x16xi32, #tpu.memory_space<vmem>>, vector<256x16xi32>,
    return
  }
  func.func @transform_0(%arg0: i32) -> (i32, i32) {
    %add3A = arith.constant 0 : i32
    %add3A_0 = arith.addi %add3A, %arg0 : i32
    %c0_i32 = arith.constant 0 : i32
    %c0_i32_1 = arith.constant 0 : i32
    return %add3A_0, %c0_i32 : i32, i32
  }
  func.func @transform_1(%arg0: i32) -> (i32, i32) {
    %c0_i32 = arith.constant 0 : i32
    %c0_i32_0 = arith.constant 0 : i32
    %c0_i32_1 = arith.constant 0 : i32
    return %c0_i32, %c0_i32_0 : i32, i32
  }
  func.func @transform_3(%arg0: i32) -> (i32, i32) {
    %add3A = arith.constant 0 : i32
    %add3A_0 = arith.addi %add3A, %arg0 : i32
    %c0_i32 = arith.constant 0 : i32
    %c0_i32_1 = arith.constant 0 : i32
    return %add3A_0, %c0_i32 : i32, i32
  }
}

module attributes {stable_mosaic.version = 14 : i64} {
  func.func @_knn_body(%arg0: i32, %arg1: memref<256x8xf32, #tpu.memory_space<vmem>>, %arg2: memref<8x384xf32, #tpu.memory_space<vmem>>, %arg3: memref<6912x16xi32, #tpu.memory_space<any>>, %arg4: memref<256x16xi32, #tpu.memory_space<vmem>>) attributes {dimension_semantics = [#tpu.dimension_semantics<arbitrary>], iteration_bounds = array<i64: 2>, scalar_prefetch = 0 : i64, scratch_operands = 0 : i64, tpu.core_type = #tpu.core_type<tc>, window_params = [{transform_indices = @transform_0, window_bounds = array<i64: 256, 8>}, {transform_indices = @transform_1, window_bounds = array<i64: 8, 384>}, {}, {transform_indices = @transform_3, window_bounds = array<i64: 256, 16>}]} {
    %get3A = arith.constant 0 : index
    %get3A_0 = arith.constant 0 : index
    %get3A_1 = vector.load %arg1[%get3A, %get3A_0] : memref<256x8xf32, #tpu.memory_space<vmem>>, vector<256x8xf32>
    %get3A_2 = arith.constant 0 : index
    %get3A_3 = arith.constant 0 : index
    %get3A_4 = vector.load %arg2[%get3A_2, %get3A_3] : memref<8x384xf32, #tpu.memory_space<vmem>>, vector<8x384xf32>
    %mul3A = arith.mulf %get3A_1, %get3A_1 : vector<256x8xf32>
    %reduce_sum3A = arith.constant dense<0.000000e+00> : vector<256xf32>
    %reduce_sum3A_5 = vector.multi_reduction <add>, %mul3A, %reduce_sum3A [1] : vector<256x8xf32> to vector<256xf32>
    %broadcast_in_dim3A = vector.shape_cast %reduce_sum3A_5 : vector<256xf32> to vector<256x1xf32>
    %mul3A_6 = arith.mulf %get3A_4, %get3A_4 : vector<8x384xf32>
    %reduce_sum3A_7 = arith.constant dense<0.000000e+00> : vector<384xf32>
    %reduce_sum3A_8 = vector.multi_reduction <add>, %mul3A_6, %reduce_sum3A_7 [0] : vector<8x384xf32> to vector<384xf32>
    %broadcast_in_dim3A_9 = vector.shape_cast %reduce_sum3A_8 : vector<384xf32> to vector<1x384xf32>
    %add3A = vector.broadcast %broadcast_in_dim3A : vector<256x1xf32> to vector<256x384xf32>
    %add3A_10 = vector.broadcast %broadcast_in_dim3A_9 : vector<1x384xf32> to vector<256x384xf32>
    %add3A_11 = arith.addf %add3A, %add3A_10 : vector<256x384xf32>
    %dot_general3A = arith.constant dense<0.000000e+00> : vector<256x384xf32>
    %dot_general3A_12 = tpu.matmul %get3A_1, %get3A_4, %dot_general3A {dimension_numbers = #tpu.dot_dimension_numbers<[1], [0], [0], [1], [0, 0, 1, 1], [], []>, transpose_lhs_hint = false} : vector<256x8xf32>, vector<8x384xf32>, vector<256x384xf32> -> vector<256x384xf32>
    %mul3A_13 = arith.constant 2.000000e+00 : f32
    %mul3A_14 = vector.broadcast %mul3A_13 : f32 to vector<256x384xf32>
    %mul3A_15 = arith.mulf %mul3A_14, %dot_general3A_12 : vector<256x384xf32>
    %sub3A = arith.subf %add3A_11, %mul3A_15 : vector<256x384xf32>
    %iota3A = tpu.iota {dimensions = array<i32: 1>} : vector<256x384xi32>
    %iota3A_16 = tpu.iota {dimensions = array<i32: 1>} : vector<256x16xi32>
    %max3A = arith.constant 0.000000e+00 : f32
    %max3A_17 = vector.broadcast %max3A : f32 to vector<256x384xf32>
    %max3A_18 = arith.maximumf %sub3A, %max3A_17 : vector<256x384xf32>
    %bitcast_convert_type3A = tpu.bitcast %max3A_18 : vector<256x384xf32> -> vector<256x384xi32>
    %and3A = arith.constant -8192 : i32
    %and3A_19 = vector.broadcast %and3A : i32 to vector<256x384xi32>
    %and3A_20 = arith.andi %bitcast_convert_type3A, %and3A_19 : vector<256x384xi32>
    %or3A = arith.ori %and3A_20, %iota3A : vector<256x384xi32>
    %broadcast_in_dim3A_21 = arith.constant 0 : i32
    %broadcast_in_dim3A_22 = vector.broadcast %broadcast_in_dim3A_21 : i32 to vector<256x16xi32>
    %reduce_min3A = arith.constant dense<2147483647> : vector<256xi32>
    %reduce_min3A_23 = vector.multi_reduction <minsi>, %or3A, %reduce_min3A [1] : vector<256x384xi32> to vector<256xi32>
    %eq3A = arith.constant 0 : i32
    %eq3A_24 = vector.broadcast %eq3A : i32 to vector<256x16xi32>
    %eq3A_25 = arith.cmpi eq, %iota3A_16, %eq3A_24 : vector<256x16xi32>
    %and3A_26 = arith.constant 8191 : i32
    %and3A_27 = vector.broadcast %and3A_26 : i32 to vector<256xi32>
    %and3A_28 = arith.andi %reduce_min3A_23, %and3A_27 : vector<256xi32>
    %broadcast_in_dim3A_29 = vector.shape_cast %and3A_28 : vector<256xi32> to vector<256x1xi32>
    %broadcast_in_dim3A_30 = vector.shape_cast %broadcast_in_dim3A_29 : vector<256x1xi32> to vector<256x1xi32>
    %broadcast_in_dim3A_31 = vector.broadcast %broadcast_in_dim3A_30 : vector<256x1xi32> to vector<256x16xi32>
    %select_n3A = arith.select %eq3A_25, %broadcast_in_dim3A_31, %broadcast_in_dim3A_22 : vector<256x16xi1>, vector<256x16xi32>
    %broadcast_in_dim3A_32 = vector.shape_cast %reduce_min3A_23 : vector<256xi32> to vector<256x1xi32>
    %eq3A_33 = vector.broadcast %broadcast_in_dim3A_32 : vector<256x1xi32> to vector<256x384xi32>
    %eq3A_34 = arith.cmpi eq, %or3A, %eq3A_33 : vector<256x384xi32>
    %jit3A = arith.constant 2139095040 : i32
    %broadcast_in_dim3A_35 = vector.broadcast %jit3A : i32 to vector<256x384xi32>
    %select_n3A_36 = arith.select %eq3A_34, %broadcast_in_dim3A_35, %or3A : vector<256x384xi1>, vector<256x384xi32>
    %reduce_min3A_37 = arith.constant dense<2147483647> : vector<256xi32>
    %reduce_min3A_38 = vector.multi_reduction <minsi>, %select_n3A_36, %reduce_min3A_37 [1] : vector<256x384xi32> to vector<256xi32>
    %eq3A_39 = arith.constant 1 : i32
    %eq3A_40 = vector.broadcast %eq3A_39 : i32 to vector<256x16xi32>
    %eq3A_41 = arith.cmpi eq, %iota3A_16, %eq3A_40 : vector<256x16xi32>
    %and3A_42 = arith.constant 8191 : i32
    %and3A_43 = vector.broadcast %and3A_42 : i32 to vector<256xi32>
    %and3A_44 = arith.andi %reduce_min3A_38, %and3A_43 : vector<256xi32>
    %broadcast_in_dim3A_45 = vector.shape_cast %and3A_44 : vector<256xi32> to vector<256x1xi32>
    %broadcast_in_dim3A_46 = vector.shape_cast %broadcast_in_dim3A_45 : vector<256x1xi32> to vector<256x1xi32>
    %broadcast_in_dim3A_47 = vector.broadcast %broadcast_in_dim3A_46 : vector<256x1xi32> to vector<256x16xi32>
    %select_n3A_48 = arith.select %eq3A_41, %broadcast_in_dim3A_47, %select_n3A : vector<256x16xi1>, vector<256x16xi32>
    %broadcast_in_dim3A_49 = vector.shape_cast %reduce_min3A_38 : vector<256xi32> to vector<256x1xi32>
    %eq3A_50 = vector.broadcast %broadcast_in_dim3A_49 : vector<256x1xi32> to vector<256x384xi32>
    %eq3A_51 = arith.cmpi eq, %select_n3A_36, %eq3A_50 : vector<256x384xi32>
    %jit3A_52 = arith.constant 2139095040 : i32
    %broadcast_in_dim3A_53 = vector.broadcast %jit3A_52 : i32 to vector<256x384xi32>
    %select_n3A_54 = arith.select %eq3A_51, %broadcast_in_dim3A_53, %select_n3A_36 : vector<256x384xi1>, vector<256x384xi32>
    %reduce_min3A_55 = arith.constant dense<2147483647> : vector<256xi32>
    %reduce_min3A_56 = vector.multi_reduction <minsi>, %select_n3A_54, %reduce_min3A_55 [1] : vector<256x384xi32> to vector<256xi32>
    %eq3A_57 = arith.constant 2 : i32
    %eq3A_58 = vector.broadcast %eq3A_57 : i32 to vector<256x16xi32>
    %eq3A_59 = arith.cmpi eq, %iota3A_16, %eq3A_58 : vector<256x16xi32>
    %and3A_60 = arith.constant 8191 : i32
    %and3A_61 = vector.broadcast %and3A_60 : i32 to vector<256xi32>
    %and3A_62 = arith.andi %reduce_min3A_56, %and3A_61 : vector<256xi32>
    %broadcast_in_dim3A_63 = vector.shape_cast %and3A_62 : vector<256xi32> to vector<256x1xi32>
    %broadcast_in_dim3A_64 = vector.shape_cast %broadcast_in_dim3A_63 : vector<256x1xi32> to vector<256x1xi32>
    %broadcast_in_dim3A_65 = vector.broadcast %broadcast_in_dim3A_64 : vector<256x1xi32> to vector<256x16xi32>
    %select_n3A_66 = arith.select %eq3A_59, %broadcast_in_dim3A_65, %select_n3A_48 : vector<256x16xi1>, vector<256x16xi32>
    %broadcast_in_dim3A_67 = vector.shape_cast %reduce_min3A_56 : vector<256xi32> to vector<256x1xi32>
    %eq3A_68 = vector.broadcast %broadcast_in_dim3A_67 : vector<256x1xi32> to vector<256x384xi32>
    %eq3A_69 = arith.cmpi eq, %select_n3A_54, %eq3A_68 : vector<256x384xi32>
    %jit3A_70 = arith.constant 2139095040 : i32
    %broadcast_in_dim3A_71 = vector.broadcast %jit3A_70 : i32 to vector<256x384xi32>
    %select_n3A_72 = arith.select %eq3A_69, %broadcast_in_dim3A_71, %select_n3A_54 : vector<256x384xi1>, vector<256x384xi32>
    %reduce_min3A_73 = arith.constant dense<2147483647> : vector<256xi32>
    %reduce_min3A_74 = vector.multi_reduction <minsi>, %select_n3A_72, %reduce_min3A_73 [1] : vector<256x384xi32> to vector<256xi32>
    %eq3A_75 = arith.constant 3 : i32
    %eq3A_76 = vector.broadcast %eq3A_75 : i32 to vector<256x16xi32>
    %eq3A_77 = arith.cmpi eq, %iota3A_16, %eq3A_76 : vector<256x16xi32>
    %and3A_78 = arith.constant 8191 : i32
    %and3A_79 = vector.broadcast %and3A_78 : i32 to vector<256xi32>
    %and3A_80 = arith.andi %reduce_min3A_74, %and3A_79 : vector<256xi32>
    %broadcast_in_dim3A_81 = vector.shape_cast %and3A_80 : vector<256xi32> to vector<256x1xi32>
    %broadcast_in_dim3A_82 = vector.shape_cast %broadcast_in_dim3A_81 : vector<256x1xi32> to vector<256x1xi32>
    %broadcast_in_dim3A_83 = vector.broadcast %broadcast_in_dim3A_82 : vector<256x1xi32> to vector<256x16xi32>
    %select_n3A_84 = arith.select %eq3A_77, %broadcast_in_dim3A_83, %select_n3A_66 : vector<256x16xi1>, vector<256x16xi32>
    %broadcast_in_dim3A_85 = vector.shape_cast %reduce_min3A_74 : vector<256xi32> to vector<256x1xi32>
    %eq3A_86 = vector.broadcast %broadcast_in_dim3A_85 : vector<256x1xi32> to vector<256x384xi32>
    %eq3A_87 = arith.cmpi eq, %select_n3A_72, %eq3A_86 : vector<256x384xi32>
    %jit3A_88 = arith.constant 2139095040 : i32
    %broadcast_in_dim3A_89 = vector.broadcast %jit3A_88 : i32 to vector<256x384xi32>
    %select_n3A_90 = arith.select %eq3A_87, %broadcast_in_dim3A_89, %select_n3A_72 : vector<256x384xi1>, vector<256x384xi32>
    %reduce_min3A_91 = arith.constant dense<2147483647> : vector<256xi32>
    %reduce_min3A_92 = vector.multi_reduction <minsi>, %select_n3A_90, %reduce_min3A_91 [1] : vector<256x384xi32> to vector<256xi32>
    %eq3A_93 = arith.constant 4 : i32
    %eq3A_94 = vector.broadcast %eq3A_93 : i32 to vector<256x16xi32>
    %eq3A_95 = arith.cmpi eq, %iota3A_16, %eq3A_94 : vector<256x16xi32>
    %and3A_96 = arith.constant 8191 : i32
    %and3A_97 = vector.broadcast %and3A_96 : i32 to vector<256xi32>
    %and3A_98 = arith.andi %reduce_min3A_92, %and3A_97 : vector<256xi32>
    %broadcast_in_dim3A_99 = vector.shape_cast %and3A_98 : vector<256xi32> to vector<256x1xi32>
    %broadcast_in_dim3A_100 = vector.shape_cast %broadcast_in_dim3A_99 : vector<256x1xi32> to vector<256x1xi32>
    %broadcast_in_dim3A_101 = vector.broadcast %broadcast_in_dim3A_100 : vector<256x1xi32> to vector<256x16xi32>
    %select_n3A_102 = arith.select %eq3A_95, %broadcast_in_dim3A_101, %select_n3A_84 : vector<256x16xi1>, vector<256x16xi32>
    %broadcast_in_dim3A_103 = vector.shape_cast %reduce_min3A_92 : vector<256xi32> to vector<256x1xi32>
    %eq3A_104 = vector.broadcast %broadcast_in_dim3A_103 : vector<256x1xi32> to vector<256x384xi32>
    %eq3A_105 = arith.cmpi eq, %select_n3A_90, %eq3A_104 : vector<256x384xi32>
    %jit3A_106 = arith.constant 2139095040 : i32
    %broadcast_in_dim3A_107 = vector.broadcast %jit3A_106 : i32 to vector<256x384xi32>
    %select_n3A_108 = arith.select %eq3A_105, %broadcast_in_dim3A_107, %select_n3A_90 : vector<256x384xi1>, vector<256x384xi32>
    %reduce_min3A_109 = arith.constant dense<2147483647> : vector<256xi32>
    %reduce_min3A_110 = vector.multi_reduction <minsi>, %select_n3A_108, %reduce_min3A_109 [1] : vector<256x384xi32> to vector<256xi32>
    %eq3A_111 = arith.constant 5 : i32
    %eq3A_112 = vector.broadcast %eq3A_111 : i32 to vector<256x16xi32>
    %eq3A_113 = arith.cmpi eq, %iota3A_16, %eq3A_112 : vector<256x16xi32>
    %and3A_114 = arith.constant 8191 : i32
    %and3A_115 = vector.broadcast %and3A_114 : i32 to vector<256xi32>
    %and3A_116 = arith.andi %reduce_min3A_110, %and3A_115 : vector<256xi32>
    %broadcast_in_dim3A_117 = vector.shape_cast %and3A_116 : vector<256xi32> to vector<256x1xi32>
    %broadcast_in_dim3A_118 = vector.shape_cast %broadcast_in_dim3A_117 : vector<256x1xi32> to vector<256x1xi32>
    %broadcast_in_dim3A_119 = vector.broadcast %broadcast_in_dim3A_118 : vector<256x1xi32> to vector<256x16xi32>
    %select_n3A_120 = arith.select %eq3A_113, %broadcast_in_dim3A_119, %select_n3A_102 : vector<256x16xi1>, vector<256x16xi32>
    %broadcast_in_dim3A_121 = vector.shape_cast %reduce_min3A_110 : vector<256xi32> to vector<256x1xi32>
    %eq3A_122 = vector.broadcast %broadcast_in_dim3A_121 : vector<256x1xi32> to vector<256x384xi32>
    %eq3A_123 = arith.cmpi eq, %select_n3A_108, %eq3A_122 : vector<256x384xi32>
    %jit3A_124 = arith.constant 2139095040 : i32
    %broadcast_in_dim3A_125 = vector.broadcast %jit3A_124 : i32 to vector<256x384xi32>
    %select_n3A_126 = arith.select %eq3A_123, %broadcast_in_dim3A_125, %select_n3A_108 : vector<256x384xi1>, vector<256x384xi32>
    %reduce_min3A_127 = arith.constant dense<2147483647> : vector<256xi32>
    %reduce_min3A_128 = vector.multi_reduction <minsi>, %select_n3A_126, %reduce_min3A_127 [1] : vector<256x384xi32> to vector<256xi32>
    %eq3A_129 = arith.constant 6 : i32
    %eq3A_130 = vector.broadcast %eq3A_129 : i32 to vector<256x16xi32>
    %eq3A_131 = arith.cmpi eq, %iota3A_16, %eq3A_130 : vector<256x16xi32>
    %and3A_132 = arith.constant 8191 : i32
    %and3A_133 = vector.broadcast %and3A_132 : i32 to vector<256xi32>
    %and3A_134 = arith.andi %reduce_min3A_128, %and3A_133 : vector<256xi32>
    %broadcast_in_dim3A_135 = vector.shape_cast %and3A_134 : vector<256xi32> to vector<256x1xi32>
    %broadcast_in_dim3A_136 = vector.shape_cast %broadcast_in_dim3A_135 : vector<256x1xi32> to vector<256x1xi32>
    %broadcast_in_dim3A_137 = vector.broadcast %broadcast_in_dim3A_136 : vector<256x1xi32> to vector<256x16xi32>
    %select_n3A_138 = arith.select %eq3A_131, %broadcast_in_dim3A_137, %select_n3A_120 : vector<256x16xi1>, vector<256x16xi32>
    %broadcast_in_dim3A_139 = vector.shape_cast %reduce_min3A_128 : vector<256xi32> to vector<256x1xi32>
    %eq3A_140 = vector.broadcast %broadcast_in_dim3A_139 : vector<256x1xi32> to vector<256x384xi32>
    %eq3A_141 = arith.cmpi eq, %select_n3A_126, %eq3A_140 : vector<256x384xi32>
    %jit3A_142 = arith.constant 2139095040 : i32
    %broadcast_in_dim3A_143 = vector.broadcast %jit3A_142 : i32 to vector<256x384xi32>
    %select_n3A_144 = arith.select %eq3A_141, %broadcast_in_dim3A_143, %select_n3A_126 : vector<256x384xi1>, vector<256x384xi32>
    %reduce_min3A_145 = arith.constant dense<2147483647> : vector<256xi32>
    %reduce_min3A_146 = vector.multi_reduction <minsi>, %select_n3A_144, %reduce_min3A_145 [1] : vector<256x384xi32> to vector<256xi32>
    %eq3A_147 = arith.constant 7 : i32
    %eq3A_148 = vector.broadcast %eq3A_147 : i32 to vector<256x16xi32>
    %eq3A_149 = arith.cmpi eq, %iota3A_16, %eq3A_148 : vector<256x16xi32>
    %and3A_150 = arith.constant 8191 : i32
    %and3A_151 = vector.broadcast %and3A_150 : i32 to vector<256xi32>
    %and3A_152 = arith.andi %reduce_min3A_146, %and3A_151 : vector<256xi32>
    %broadcast_in_dim3A_153 = vector.shape_cast %and3A_152 : vector<256xi32> to vector<256x1xi32>
    %broadcast_in_dim3A_154 = vector.shape_cast %broadcast_in_dim3A_153 : vector<256x1xi32> to vector<256x1xi32>
    %broadcast_in_dim3A_155 = vector.broadcast %broadcast_in_dim3A_154 : vector<256x1xi32> to vector<256x16xi32>
    %select_n3A_156 = arith.select %eq3A_149, %broadcast_in_dim3A_155, %select_n3A_138 : vector<256x16xi1>, vector<256x16xi32>
    %broadcast_in_dim3A_157 = vector.shape_cast %reduce_min3A_146 : vector<256xi32> to vector<256x1xi32>
    %eq3A_158 = vector.broadcast %broadcast_in_dim3A_157 : vector<256x1xi32> to vector<256x384xi32>
    %eq3A_159 = arith.cmpi eq, %select_n3A_144, %eq3A_158 : vector<256x384xi32>
    %jit3A_160 = arith.constant 2139095040 : i32
    %broadcast_in_dim3A_161 = vector.broadcast %jit3A_160 : i32 to vector<256x384xi32>
    %select_n3A_162 = arith.select %eq3A_159, %broadcast_in_dim3A_161, %select_n3A_144 : vector<256x384xi1>, vector<256x384xi32>
    %reduce_min3A_163 = arith.constant dense<2147483647> : vector<256xi32>
    %reduce_min3A_164 = vector.multi_reduction <minsi>, %select_n3A_162, %reduce_min3A_163 [1] : vector<256x384xi32> to vector<256xi32>
    %eq3A_165 = arith.constant 8 : i32
    %eq3A_166 = vector.broadcast %eq3A_165 : i32 to vector<256x16xi32>
    %eq3A_167 = arith.cmpi eq, %iota3A_16, %eq3A_166 : vector<256x16xi32>
    %and3A_168 = arith.constant 8191 : i32
    %and3A_169 = vector.broadcast %and3A_168 : i32 to vector<256xi32>
    %and3A_170 = arith.andi %reduce_min3A_164, %and3A_169 : vector<256xi32>
    %broadcast_in_dim3A_171 = vector.shape_cast %and3A_170 : vector<256xi32> to vector<256x1xi32>
    %broadcast_in_dim3A_172 = vector.shape_cast %broadcast_in_dim3A_171 : vector<256x1xi32> to vector<256x1xi32>
    %broadcast_in_dim3A_173 = vector.broadcast %broadcast_in_dim3A_172 : vector<256x1xi32> to vector<256x16xi32>
    %select_n3A_174 = arith.select %eq3A_167, %broadcast_in_dim3A_173, %select_n3A_156 : vector<256x16xi1>, vector<256x16xi32>
    %broadcast_in_dim3A_175 = vector.shape_cast %reduce_min3A_164 : vector<256xi32> to vector<256x1xi32>
    %eq3A_176 = vector.broadcast %broadcast_in_dim3A_175 : vector<256x1xi32> to vector<256x384xi32>
    %eq3A_177 = arith.cmpi eq, %select_n3A_162, %eq3A_176 : vector<256x384xi32>
    %jit3A_178 = arith.constant 2139095040 : i32
    %broadcast_in_dim3A_179 = vector.broadcast %jit3A_178 : i32 to vector<256x384xi32>
    %select_n3A_180 = arith.select %eq3A_177, %broadcast_in_dim3A_179, %select_n3A_162 : vector<256x384xi1>, vector<256x384xi32>
    %reduce_min3A_181 = arith.constant dense<2147483647> : vector<256xi32>
    %reduce_min3A_182 = vector.multi_reduction <minsi>, %select_n3A_180, %reduce_min3A_181 [1] : vector<256x384xi32> to vector<256xi32>
    %eq3A_183 = arith.constant 9 : i32
    %eq3A_184 = vector.broadcast %eq3A_183 : i32 to vector<256x16xi32>
    %eq3A_185 = arith.cmpi eq, %iota3A_16, %eq3A_184 : vector<256x16xi32>
    %and3A_186 = arith.constant 8191 : i32
    %and3A_187 = vector.broadcast %and3A_186 : i32 to vector<256xi32>
    %and3A_188 = arith.andi %reduce_min3A_182, %and3A_187 : vector<256xi32>
    %broadcast_in_dim3A_189 = vector.shape_cast %and3A_188 : vector<256xi32> to vector<256x1xi32>
    %broadcast_in_dim3A_190 = vector.shape_cast %broadcast_in_dim3A_189 : vector<256x1xi32> to vector<256x1xi32>
    %broadcast_in_dim3A_191 = vector.broadcast %broadcast_in_dim3A_190 : vector<256x1xi32> to vector<256x16xi32>
    %select_n3A_192 = arith.select %eq3A_185, %broadcast_in_dim3A_191, %select_n3A_174 : vector<256x16xi1>, vector<256x16xi32>
    %broadcast_in_dim3A_193 = vector.shape_cast %reduce_min3A_182 : vector<256xi32> to vector<256x1xi32>
    %eq3A_194 = vector.broadcast %broadcast_in_dim3A_193 : vector<256x1xi32> to vector<256x384xi32>
    %eq3A_195 = arith.cmpi eq, %select_n3A_180, %eq3A_194 : vector<256x384xi32>
    %jit3A_196 = arith.constant 2139095040 : i32
    %broadcast_in_dim3A_197 = vector.broadcast %jit3A_196 : i32 to vector<256x384xi32>
    %select_n3A_198 = arith.select %eq3A_195, %broadcast_in_dim3A_197, %select_n3A_180 : vector<256x384xi1>, vector<256x384xi32>
    %reduce_min3A_199 = arith.constant dense<2147483647> : vector<256xi32>
    %reduce_min3A_200 = vector.multi_reduction <minsi>, %select_n3A_198, %reduce_min3A_199 [1] : vector<256x384xi32> to vector<256xi32>
    %eq3A_201 = arith.constant 10 : i32
    %eq3A_202 = vector.broadcast %eq3A_201 : i32 to vector<256x16xi32>
    %eq3A_203 = arith.cmpi eq, %iota3A_16, %eq3A_202 : vector<256x16xi32>
    %and3A_204 = arith.constant 8191 : i32
    %and3A_205 = vector.broadcast %and3A_204 : i32 to vector<256xi32>
    %and3A_206 = arith.andi %reduce_min3A_200, %and3A_205 : vector<256xi32>
    %broadcast_in_dim3A_207 = vector.shape_cast %and3A_206 : vector<256xi32> to vector<256x1xi32>
    %broadcast_in_dim3A_208 = vector.shape_cast %broadcast_in_dim3A_207 : vector<256x1xi32> to vector<256x1xi32>
    %broadcast_in_dim3A_209 = vector.broadcast %broadcast_in_dim3A_208 : vector<256x1xi32> to vector<256x16xi32>
    %select_n3A_210 = arith.select %eq3A_203, %broadcast_in_dim3A_209, %select_n3A_192 : vector<256x16xi1>, vector<256x16xi32>
    %broadcast_in_dim3A_211 = vector.shape_cast %reduce_min3A_200 : vector<256xi32> to vector<256x1xi32>
    %eq3A_212 = vector.broadcast %broadcast_in_dim3A_211 : vector<256x1xi32> to vector<256x384xi32>
    %eq3A_213 = arith.cmpi eq, %select_n3A_198, %eq3A_212 : vector<256x384xi32>
    %jit3A_214 = arith.constant 2139095040 : i32
    %broadcast_in_dim3A_215 = vector.broadcast %jit3A_214 : i32 to vector<256x384xi32>
    %select_n3A_216 = arith.select %eq3A_213, %broadcast_in_dim3A_215, %select_n3A_198 : vector<256x384xi1>, vector<256x384xi32>
    %reduce_min3A_217 = arith.constant dense<2147483647> : vector<256xi32>
    %reduce_min3A_218 = vector.multi_reduction <minsi>, %select_n3A_216, %reduce_min3A_217 [1] : vector<256x384xi32> to vector<256xi32>
    %eq3A_219 = arith.constant 11 : i32
    %eq3A_220 = vector.broadcast %eq3A_219 : i32 to vector<256x16xi32>
    %eq3A_221 = arith.cmpi eq, %iota3A_16, %eq3A_220 : vector<256x16xi32>
    %and3A_222 = arith.constant 8191 : i32
    %and3A_223 = vector.broadcast %and3A_222 : i32 to vector<256xi32>
    %and3A_224 = arith.andi %reduce_min3A_218, %and3A_223 : vector<256xi32>
    %broadcast_in_dim3A_225 = vector.shape_cast %and3A_224 : vector<256xi32> to vector<256x1xi32>
    %broadcast_in_dim3A_226 = vector.shape_cast %broadcast_in_dim3A_225 : vector<256x1xi32> to vector<256x1xi32>
    %broadcast_in_dim3A_227 = vector.broadcast %broadcast_in_dim3A_226 : vector<256x1xi32> to vector<256x16xi32>
    %select_n3A_228 = arith.select %eq3A_221, %broadcast_in_dim3A_227, %select_n3A_210 : vector<256x16xi1>, vector<256x16xi32>
    %broadcast_in_dim3A_229 = vector.shape_cast %reduce_min3A_218 : vector<256xi32> to vector<256x1xi32>
    %eq3A_230 = vector.broadcast %broadcast_in_dim3A_229 : vector<256x1xi32> to vector<256x384xi32>
    %eq3A_231 = arith.cmpi eq, %select_n3A_216, %eq3A_230 : vector<256x384xi32>
    %jit3A_232 = arith.constant 2139095040 : i32
    %broadcast_in_dim3A_233 = vector.broadcast %jit3A_232 : i32 to vector<256x384xi32>
    %select_n3A_234 = arith.select %eq3A_231, %broadcast_in_dim3A_233, %select_n3A_216 : vector<256x384xi1>, vector<256x384xi32>
    %reduce_min3A_235 = arith.constant dense<2147483647> : vector<256xi32>
    %reduce_min3A_236 = vector.multi_reduction <minsi>, %select_n3A_234, %reduce_min3A_235 [1] : vector<256x384xi32> to vector<256xi32>
    %eq3A_237 = arith.constant 12 : i32
    %eq3A_238 = vector.broadcast %eq3A_237 : i32 to vector<256x16xi32>
    %eq3A_239 = arith.cmpi eq, %iota3A_16, %eq3A_238 : vector<256x16xi32>
    %and3A_240 = arith.constant 8191 : i32
    %and3A_241 = vector.broadcast %and3A_240 : i32 to vector<256xi32>
    %and3A_242 = arith.andi %reduce_min3A_236, %and3A_241 : vector<256xi32>
    %broadcast_in_dim3A_243 = vector.shape_cast %and3A_242 : vector<256xi32> to vector<256x1xi32>
    %broadcast_in_dim3A_244 = vector.shape_cast %broadcast_in_dim3A_243 : vector<256x1xi32> to vector<256x1xi32>
    %broadcast_in_dim3A_245 = vector.broadcast %broadcast_in_dim3A_244 : vector<256x1xi32> to vector<256x16xi32>
    %select_n3A_246 = arith.select %eq3A_239, %broadcast_in_dim3A_245, %select_n3A_228 : vector<256x16xi1>, vector<256x16xi32>
    %broadcast_in_dim3A_247 = vector.shape_cast %reduce_min3A_236 : vector<256xi32> to vector<256x1xi32>
    %eq3A_248 = vector.broadcast %broadcast_in_dim3A_247 : vector<256x1xi32> to vector<256x384xi32>
    %eq3A_249 = arith.cmpi eq, %select_n3A_234, %eq3A_248 : vector<256x384xi32>
    %jit3A_250 = arith.constant 2139095040 : i32
    %broadcast_in_dim3A_251 = vector.broadcast %jit3A_250 : i32 to vector<256x384xi32>
    %select_n3A_252 = arith.select %eq3A_249, %broadcast_in_dim3A_251, %select_n3A_234 : vector<256x384xi1>, vector<256x384xi32>
    %reduce_min3A_253 = arith.constant dense<2147483647> : vector<256xi32>
    %reduce_min3A_254 = vector.multi_reduction <minsi>, %select_n3A_252, %reduce_min3A_253 [1] : vector<256x384xi32> to vector<256xi32>
    %eq3A_255 = arith.constant 13 : i32
    %eq3A_256 = vector.broadcast %eq3A_255 : i32 to vector<256x16xi32>
    %eq3A_257 = arith.cmpi eq, %iota3A_16, %eq3A_256 : vector<256x16xi32>
    %and3A_258 = arith.constant 8191 : i32
    %and3A_259 = vector.broadcast %and3A_258 : i32 to vector<256xi32>
    %and3A_260 = arith.andi %reduce_min3A_254, %and3A_259 : vector<256xi32>
    %broadcast_in_dim3A_261 = vector.shape_cast %and3A_260 : vector<256xi32> to vector<256x1xi32>
    %broadcast_in_dim3A_262 = vector.shape_cast %broadcast_in_dim3A_261 : vector<256x1xi32> to vector<256x1xi32>
    %broadcast_in_dim3A_263 = vector.broadcast %broadcast_in_dim3A_262 : vector<256x1xi32> to vector<256x16xi32>
    %select_n3A_264 = arith.select %eq3A_257, %broadcast_in_dim3A_263, %select_n3A_246 : vector<256x16xi1>, vector<256x16xi32>
    %broadcast_in_dim3A_265 = vector.shape_cast %reduce_min3A_254 : vector<256xi32> to vector<256x1xi32>
    %eq3A_266 = vector.broadcast %broadcast_in_dim3A_265 : vector<256x1xi32> to vector<256x384xi32>
    %eq3A_267 = arith.cmpi eq, %select_n3A_252, %eq3A_266 : vector<256x384xi32>
    %jit3A_268 = arith.constant 2139095040 : i32
    %broadcast_in_dim3A_269 = vector.broadcast %jit3A_268 : i32 to vector<256x384xi32>
    %select_n3A_270 = arith.select %eq3A_267, %broadcast_in_dim3A_269, %select_n3A_252 : vector<256x384xi1>, vector<256x384xi32>
    %reduce_min3A_271 = arith.constant dense<2147483647> : vector<256xi32>
    %reduce_min3A_272 = vector.multi_reduction <minsi>, %select_n3A_270, %reduce_min3A_271 [1] : vector<256x384xi32> to vector<256xi32>
    %eq3A_273 = arith.constant 14 : i32
    %eq3A_274 = vector.broadcast %eq3A_273 : i32 to vector<256x16xi32>
    %eq3A_275 = arith.cmpi eq, %iota3A_16, %eq3A_274 : vector<256x16xi32>
    %and3A_276 = arith.constant 8191 : i32
    %and3A_277 = vector.broadcast %and3A_276 : i32 to vector<256xi32>
    %and3A_278 = arith.andi %reduce_min3A_272, %and3A_277 : vector<256xi32>
    %broadcast_in_dim3A_279 = vector.shape_cast %and3A_278 : vector<256xi32> to vector<256x1xi32>
    %broadcast_in_dim3A_280 = vector.shape_cast %broadcast_in_dim3A_279 : vector<256x1xi32> to vector<256x1xi32>
    %broadcast_in_dim3A_281 = vector.broadcast %broadcast_in_dim3A_280 : vector<256x1xi32> to vector<256x16xi32>
    %select_n3A_282 = arith.select %eq3A_275, %broadcast_in_dim3A_281, %select_n3A_264 : vector<256x16xi1>, vector<256x16xi32>
    %broadcast_in_dim3A_283 = vector.shape_cast %reduce_min3A_272 : vector<256xi32> to vector<256x1xi32>
    %eq3A_284 = vector.broadcast %broadcast_in_dim3A_283 : vector<256x1xi32> to vector<256x384xi32>
    %eq3A_285 = arith.cmpi eq, %select_n3A_270, %eq3A_284 : vector<256x384xi32>
    %jit3A_286 = arith.constant 2139095040 : i32
    %broadcast_in_dim3A_287 = vector.broadcast %jit3A_286 : i32 to vector<256x384xi32>
    %select_n3A_288 = arith.select %eq3A_285, %broadcast_in_dim3A_287, %select_n3A_270 : vector<256x384xi1>, vector<256x384xi32>
    %reduce_min3A_289 = arith.constant dense<2147483647> : vector<256xi32>
    %reduce_min3A_290 = vector.multi_reduction <minsi>, %select_n3A_288, %reduce_min3A_289 [1] : vector<256x384xi32> to vector<256xi32>
    %eq3A_291 = arith.constant 15 : i32
    %eq3A_292 = vector.broadcast %eq3A_291 : i32 to vector<256x16xi32>
    %eq3A_293 = arith.cmpi eq, %iota3A_16, %eq3A_292 : vector<256x16xi32>
    %and3A_294 = arith.constant 8191 : i32
    %and3A_295 = vector.broadcast %and3A_294 : i32 to vector<256xi32>
    %and3A_296 = arith.andi %reduce_min3A_290, %and3A_295 : vector<256xi32>
    %broadcast_in_dim3A_297 = vector.shape_cast %and3A_296 : vector<256xi32> to vector<256x1xi32>
    %broadcast_in_dim3A_298 = vector.shape_cast %broadcast_in_dim3A_297 : vector<256x1xi32> to vector<256x1xi32>
    %broadcast_in_dim3A_299 = vector.broadcast %broadcast_in_dim3A_298 : vector<256x1xi32> to vector<256x16xi32>
    %select_n3A_300 = arith.select %eq3A_293, %broadcast_in_dim3A_299, %select_n3A_282 : vector<256x16xi1>, vector<256x16xi32>
    %swap3A = arith.constant 0 : index
    %swap3A_301 = arith.constant 0 : index
    %swap3A_302 = vector.load %arg4[%swap3A, %swap3A_301] : memref<256x16xi32, #tpu.memory_space<vmem>>, vector<256x16xi32>
    tpu.vector_store %arg4[%swap3A, %swap3A_301], %select_n3A_300 {strides = array<i32>} : memref<256x16xi32, #tpu.memory_space<vmem>>, vector<256x16xi32>,
    return
  }
  func.func @transform_0(%arg0: i32) -> (i32, i32) {
    %add3A = arith.constant 1 : i32
    %add3A_0 = arith.addi %add3A, %arg0 : i32
    %c0_i32 = arith.constant 0 : i32
    %c0_i32_1 = arith.constant 0 : i32
    return %add3A_0, %c0_i32 : i32, i32
  }
  func.func @transform_1(%arg0: i32) -> (i32, i32) {
    %c0_i32 = arith.constant 0 : i32
    %c0_i32_0 = arith.constant 0 : i32
    %c0_i32_1 = arith.constant 0 : i32
    return %c0_i32, %c0_i32_0 : i32, i32
  }
  func.func @transform_3(%arg0: i32) -> (i32, i32) {
    %add3A = arith.constant 1 : i32
    %add3A_0 = arith.addi %add3A, %arg0 : i32
    %c0_i32 = arith.constant 0 : i32
    %c0_i32_1 = arith.constant 0 : i32
    return %add3A_0, %c0_i32 : i32, i32
  }
}

module attributes {stable_mosaic.version = 14 : i64} {
  func.func @_knn_body(%arg0: i32, %arg1: memref<256x8xf32, #tpu.memory_space<vmem>>, %arg2: memref<8x896xf32, #tpu.memory_space<vmem>>, %arg3: memref<6912x16xi32, #tpu.memory_space<any>>, %arg4: memref<256x16xi32, #tpu.memory_space<vmem>>) attributes {dimension_semantics = [#tpu.dimension_semantics<arbitrary>], iteration_bounds = array<i64: 4>, scalar_prefetch = 0 : i64, scratch_operands = 0 : i64, tpu.core_type = #tpu.core_type<tc>, window_params = [{transform_indices = @transform_0, window_bounds = array<i64: 256, 8>}, {transform_indices = @transform_1, window_bounds = array<i64: 8, 896>}, {}, {transform_indices = @transform_3, window_bounds = array<i64: 256, 16>}]} {
    %get3A = arith.constant 0 : index
    %get3A_0 = arith.constant 0 : index
    %get3A_1 = vector.load %arg1[%get3A, %get3A_0] : memref<256x8xf32, #tpu.memory_space<vmem>>, vector<256x8xf32>
    %get3A_2 = arith.constant 0 : index
    %get3A_3 = arith.constant 0 : index
    %get3A_4 = vector.load %arg2[%get3A_2, %get3A_3] : memref<8x896xf32, #tpu.memory_space<vmem>>, vector<8x896xf32>
    %mul3A = arith.mulf %get3A_1, %get3A_1 : vector<256x8xf32>
    %reduce_sum3A = arith.constant dense<0.000000e+00> : vector<256xf32>
    %reduce_sum3A_5 = vector.multi_reduction <add>, %mul3A, %reduce_sum3A [1] : vector<256x8xf32> to vector<256xf32>
    %broadcast_in_dim3A = vector.shape_cast %reduce_sum3A_5 : vector<256xf32> to vector<256x1xf32>
    %mul3A_6 = arith.mulf %get3A_4, %get3A_4 : vector<8x896xf32>
    %reduce_sum3A_7 = arith.constant dense<0.000000e+00> : vector<896xf32>
    %reduce_sum3A_8 = vector.multi_reduction <add>, %mul3A_6, %reduce_sum3A_7 [0] : vector<8x896xf32> to vector<896xf32>
    %broadcast_in_dim3A_9 = vector.shape_cast %reduce_sum3A_8 : vector<896xf32> to vector<1x896xf32>
    %add3A = vector.broadcast %broadcast_in_dim3A : vector<256x1xf32> to vector<256x896xf32>
    %add3A_10 = vector.broadcast %broadcast_in_dim3A_9 : vector<1x896xf32> to vector<256x896xf32>
    %add3A_11 = arith.addf %add3A, %add3A_10 : vector<256x896xf32>
    %dot_general3A = arith.constant dense<0.000000e+00> : vector<256x896xf32>
    %dot_general3A_12 = tpu.matmul %get3A_1, %get3A_4, %dot_general3A {dimension_numbers = #tpu.dot_dimension_numbers<[1], [0], [0], [1], [0, 0, 1, 1], [], []>, transpose_lhs_hint = false} : vector<256x8xf32>, vector<8x896xf32>, vector<256x896xf32> -> vector<256x896xf32>
    %mul3A_13 = arith.constant 2.000000e+00 : f32
    %mul3A_14 = vector.broadcast %mul3A_13 : f32 to vector<256x896xf32>
    %mul3A_15 = arith.mulf %mul3A_14, %dot_general3A_12 : vector<256x896xf32>
    %sub3A = arith.subf %add3A_11, %mul3A_15 : vector<256x896xf32>
    %iota3A = tpu.iota {dimensions = array<i32: 1>} : vector<256x896xi32>
    %iota3A_16 = tpu.iota {dimensions = array<i32: 1>} : vector<256x16xi32>
    %max3A = arith.constant 0.000000e+00 : f32
    %max3A_17 = vector.broadcast %max3A : f32 to vector<256x896xf32>
    %max3A_18 = arith.maximumf %sub3A, %max3A_17 : vector<256x896xf32>
    %bitcast_convert_type3A = tpu.bitcast %max3A_18 : vector<256x896xf32> -> vector<256x896xi32>
    %and3A = arith.constant -8192 : i32
    %and3A_19 = vector.broadcast %and3A : i32 to vector<256x896xi32>
    %and3A_20 = arith.andi %bitcast_convert_type3A, %and3A_19 : vector<256x896xi32>
    %or3A = arith.ori %and3A_20, %iota3A : vector<256x896xi32>
    %broadcast_in_dim3A_21 = arith.constant 0 : i32
    %broadcast_in_dim3A_22 = vector.broadcast %broadcast_in_dim3A_21 : i32 to vector<256x16xi32>
    %reduce_min3A = arith.constant dense<2147483647> : vector<256xi32>
    %reduce_min3A_23 = vector.multi_reduction <minsi>, %or3A, %reduce_min3A [1] : vector<256x896xi32> to vector<256xi32>
    %eq3A = arith.constant 0 : i32
    %eq3A_24 = vector.broadcast %eq3A : i32 to vector<256x16xi32>
    %eq3A_25 = arith.cmpi eq, %iota3A_16, %eq3A_24 : vector<256x16xi32>
    %and3A_26 = arith.constant 8191 : i32
    %and3A_27 = vector.broadcast %and3A_26 : i32 to vector<256xi32>
    %and3A_28 = arith.andi %reduce_min3A_23, %and3A_27 : vector<256xi32>
    %broadcast_in_dim3A_29 = vector.shape_cast %and3A_28 : vector<256xi32> to vector<256x1xi32>
    %broadcast_in_dim3A_30 = vector.shape_cast %broadcast_in_dim3A_29 : vector<256x1xi32> to vector<256x1xi32>
    %broadcast_in_dim3A_31 = vector.broadcast %broadcast_in_dim3A_30 : vector<256x1xi32> to vector<256x16xi32>
    %select_n3A = arith.select %eq3A_25, %broadcast_in_dim3A_31, %broadcast_in_dim3A_22 : vector<256x16xi1>, vector<256x16xi32>
    %broadcast_in_dim3A_32 = vector.shape_cast %reduce_min3A_23 : vector<256xi32> to vector<256x1xi32>
    %eq3A_33 = vector.broadcast %broadcast_in_dim3A_32 : vector<256x1xi32> to vector<256x896xi32>
    %eq3A_34 = arith.cmpi eq, %or3A, %eq3A_33 : vector<256x896xi32>
    %jit3A = arith.constant 2139095040 : i32
    %broadcast_in_dim3A_35 = vector.broadcast %jit3A : i32 to vector<256x896xi32>
    %select_n3A_36 = arith.select %eq3A_34, %broadcast_in_dim3A_35, %or3A : vector<256x896xi1>, vector<256x896xi32>
    %reduce_min3A_37 = arith.constant dense<2147483647> : vector<256xi32>
    %reduce_min3A_38 = vector.multi_reduction <minsi>, %select_n3A_36, %reduce_min3A_37 [1] : vector<256x896xi32> to vector<256xi32>
    %eq3A_39 = arith.constant 1 : i32
    %eq3A_40 = vector.broadcast %eq3A_39 : i32 to vector<256x16xi32>
    %eq3A_41 = arith.cmpi eq, %iota3A_16, %eq3A_40 : vector<256x16xi32>
    %and3A_42 = arith.constant 8191 : i32
    %and3A_43 = vector.broadcast %and3A_42 : i32 to vector<256xi32>
    %and3A_44 = arith.andi %reduce_min3A_38, %and3A_43 : vector<256xi32>
    %broadcast_in_dim3A_45 = vector.shape_cast %and3A_44 : vector<256xi32> to vector<256x1xi32>
    %broadcast_in_dim3A_46 = vector.shape_cast %broadcast_in_dim3A_45 : vector<256x1xi32> to vector<256x1xi32>
    %broadcast_in_dim3A_47 = vector.broadcast %broadcast_in_dim3A_46 : vector<256x1xi32> to vector<256x16xi32>
    %select_n3A_48 = arith.select %eq3A_41, %broadcast_in_dim3A_47, %select_n3A : vector<256x16xi1>, vector<256x16xi32>
    %broadcast_in_dim3A_49 = vector.shape_cast %reduce_min3A_38 : vector<256xi32> to vector<256x1xi32>
    %eq3A_50 = vector.broadcast %broadcast_in_dim3A_49 : vector<256x1xi32> to vector<256x896xi32>
    %eq3A_51 = arith.cmpi eq, %select_n3A_36, %eq3A_50 : vector<256x896xi32>
    %jit3A_52 = arith.constant 2139095040 : i32
    %broadcast_in_dim3A_53 = vector.broadcast %jit3A_52 : i32 to vector<256x896xi32>
    %select_n3A_54 = arith.select %eq3A_51, %broadcast_in_dim3A_53, %select_n3A_36 : vector<256x896xi1>, vector<256x896xi32>
    %reduce_min3A_55 = arith.constant dense<2147483647> : vector<256xi32>
    %reduce_min3A_56 = vector.multi_reduction <minsi>, %select_n3A_54, %reduce_min3A_55 [1] : vector<256x896xi32> to vector<256xi32>
    %eq3A_57 = arith.constant 2 : i32
    %eq3A_58 = vector.broadcast %eq3A_57 : i32 to vector<256x16xi32>
    %eq3A_59 = arith.cmpi eq, %iota3A_16, %eq3A_58 : vector<256x16xi32>
    %and3A_60 = arith.constant 8191 : i32
    %and3A_61 = vector.broadcast %and3A_60 : i32 to vector<256xi32>
    %and3A_62 = arith.andi %reduce_min3A_56, %and3A_61 : vector<256xi32>
    %broadcast_in_dim3A_63 = vector.shape_cast %and3A_62 : vector<256xi32> to vector<256x1xi32>
    %broadcast_in_dim3A_64 = vector.shape_cast %broadcast_in_dim3A_63 : vector<256x1xi32> to vector<256x1xi32>
    %broadcast_in_dim3A_65 = vector.broadcast %broadcast_in_dim3A_64 : vector<256x1xi32> to vector<256x16xi32>
    %select_n3A_66 = arith.select %eq3A_59, %broadcast_in_dim3A_65, %select_n3A_48 : vector<256x16xi1>, vector<256x16xi32>
    %broadcast_in_dim3A_67 = vector.shape_cast %reduce_min3A_56 : vector<256xi32> to vector<256x1xi32>
    %eq3A_68 = vector.broadcast %broadcast_in_dim3A_67 : vector<256x1xi32> to vector<256x896xi32>
    %eq3A_69 = arith.cmpi eq, %select_n3A_54, %eq3A_68 : vector<256x896xi32>
    %jit3A_70 = arith.constant 2139095040 : i32
    %broadcast_in_dim3A_71 = vector.broadcast %jit3A_70 : i32 to vector<256x896xi32>
    %select_n3A_72 = arith.select %eq3A_69, %broadcast_in_dim3A_71, %select_n3A_54 : vector<256x896xi1>, vector<256x896xi32>
    %reduce_min3A_73 = arith.constant dense<2147483647> : vector<256xi32>
    %reduce_min3A_74 = vector.multi_reduction <minsi>, %select_n3A_72, %reduce_min3A_73 [1] : vector<256x896xi32> to vector<256xi32>
    %eq3A_75 = arith.constant 3 : i32
    %eq3A_76 = vector.broadcast %eq3A_75 : i32 to vector<256x16xi32>
    %eq3A_77 = arith.cmpi eq, %iota3A_16, %eq3A_76 : vector<256x16xi32>
    %and3A_78 = arith.constant 8191 : i32
    %and3A_79 = vector.broadcast %and3A_78 : i32 to vector<256xi32>
    %and3A_80 = arith.andi %reduce_min3A_74, %and3A_79 : vector<256xi32>
    %broadcast_in_dim3A_81 = vector.shape_cast %and3A_80 : vector<256xi32> to vector<256x1xi32>
    %broadcast_in_dim3A_82 = vector.shape_cast %broadcast_in_dim3A_81 : vector<256x1xi32> to vector<256x1xi32>
    %broadcast_in_dim3A_83 = vector.broadcast %broadcast_in_dim3A_82 : vector<256x1xi32> to vector<256x16xi32>
    %select_n3A_84 = arith.select %eq3A_77, %broadcast_in_dim3A_83, %select_n3A_66 : vector<256x16xi1>, vector<256x16xi32>
    %broadcast_in_dim3A_85 = vector.shape_cast %reduce_min3A_74 : vector<256xi32> to vector<256x1xi32>
    %eq3A_86 = vector.broadcast %broadcast_in_dim3A_85 : vector<256x1xi32> to vector<256x896xi32>
    %eq3A_87 = arith.cmpi eq, %select_n3A_72, %eq3A_86 : vector<256x896xi32>
    %jit3A_88 = arith.constant 2139095040 : i32
    %broadcast_in_dim3A_89 = vector.broadcast %jit3A_88 : i32 to vector<256x896xi32>
    %select_n3A_90 = arith.select %eq3A_87, %broadcast_in_dim3A_89, %select_n3A_72 : vector<256x896xi1>, vector<256x896xi32>
    %reduce_min3A_91 = arith.constant dense<2147483647> : vector<256xi32>
    %reduce_min3A_92 = vector.multi_reduction <minsi>, %select_n3A_90, %reduce_min3A_91 [1] : vector<256x896xi32> to vector<256xi32>
    %eq3A_93 = arith.constant 4 : i32
    %eq3A_94 = vector.broadcast %eq3A_93 : i32 to vector<256x16xi32>
    %eq3A_95 = arith.cmpi eq, %iota3A_16, %eq3A_94 : vector<256x16xi32>
    %and3A_96 = arith.constant 8191 : i32
    %and3A_97 = vector.broadcast %and3A_96 : i32 to vector<256xi32>
    %and3A_98 = arith.andi %reduce_min3A_92, %and3A_97 : vector<256xi32>
    %broadcast_in_dim3A_99 = vector.shape_cast %and3A_98 : vector<256xi32> to vector<256x1xi32>
    %broadcast_in_dim3A_100 = vector.shape_cast %broadcast_in_dim3A_99 : vector<256x1xi32> to vector<256x1xi32>
    %broadcast_in_dim3A_101 = vector.broadcast %broadcast_in_dim3A_100 : vector<256x1xi32> to vector<256x16xi32>
    %select_n3A_102 = arith.select %eq3A_95, %broadcast_in_dim3A_101, %select_n3A_84 : vector<256x16xi1>, vector<256x16xi32>
    %broadcast_in_dim3A_103 = vector.shape_cast %reduce_min3A_92 : vector<256xi32> to vector<256x1xi32>
    %eq3A_104 = vector.broadcast %broadcast_in_dim3A_103 : vector<256x1xi32> to vector<256x896xi32>
    %eq3A_105 = arith.cmpi eq, %select_n3A_90, %eq3A_104 : vector<256x896xi32>
    %jit3A_106 = arith.constant 2139095040 : i32
    %broadcast_in_dim3A_107 = vector.broadcast %jit3A_106 : i32 to vector<256x896xi32>
    %select_n3A_108 = arith.select %eq3A_105, %broadcast_in_dim3A_107, %select_n3A_90 : vector<256x896xi1>, vector<256x896xi32>
    %reduce_min3A_109 = arith.constant dense<2147483647> : vector<256xi32>
    %reduce_min3A_110 = vector.multi_reduction <minsi>, %select_n3A_108, %reduce_min3A_109 [1] : vector<256x896xi32> to vector<256xi32>
    %eq3A_111 = arith.constant 5 : i32
    %eq3A_112 = vector.broadcast %eq3A_111 : i32 to vector<256x16xi32>
    %eq3A_113 = arith.cmpi eq, %iota3A_16, %eq3A_112 : vector<256x16xi32>
    %and3A_114 = arith.constant 8191 : i32
    %and3A_115 = vector.broadcast %and3A_114 : i32 to vector<256xi32>
    %and3A_116 = arith.andi %reduce_min3A_110, %and3A_115 : vector<256xi32>
    %broadcast_in_dim3A_117 = vector.shape_cast %and3A_116 : vector<256xi32> to vector<256x1xi32>
    %broadcast_in_dim3A_118 = vector.shape_cast %broadcast_in_dim3A_117 : vector<256x1xi32> to vector<256x1xi32>
    %broadcast_in_dim3A_119 = vector.broadcast %broadcast_in_dim3A_118 : vector<256x1xi32> to vector<256x16xi32>
    %select_n3A_120 = arith.select %eq3A_113, %broadcast_in_dim3A_119, %select_n3A_102 : vector<256x16xi1>, vector<256x16xi32>
    %broadcast_in_dim3A_121 = vector.shape_cast %reduce_min3A_110 : vector<256xi32> to vector<256x1xi32>
    %eq3A_122 = vector.broadcast %broadcast_in_dim3A_121 : vector<256x1xi32> to vector<256x896xi32>
    %eq3A_123 = arith.cmpi eq, %select_n3A_108, %eq3A_122 : vector<256x896xi32>
    %jit3A_124 = arith.constant 2139095040 : i32
    %broadcast_in_dim3A_125 = vector.broadcast %jit3A_124 : i32 to vector<256x896xi32>
    %select_n3A_126 = arith.select %eq3A_123, %broadcast_in_dim3A_125, %select_n3A_108 : vector<256x896xi1>, vector<256x896xi32>
    %reduce_min3A_127 = arith.constant dense<2147483647> : vector<256xi32>
    %reduce_min3A_128 = vector.multi_reduction <minsi>, %select_n3A_126, %reduce_min3A_127 [1] : vector<256x896xi32> to vector<256xi32>
    %eq3A_129 = arith.constant 6 : i32
    %eq3A_130 = vector.broadcast %eq3A_129 : i32 to vector<256x16xi32>
    %eq3A_131 = arith.cmpi eq, %iota3A_16, %eq3A_130 : vector<256x16xi32>
    %and3A_132 = arith.constant 8191 : i32
    %and3A_133 = vector.broadcast %and3A_132 : i32 to vector<256xi32>
    %and3A_134 = arith.andi %reduce_min3A_128, %and3A_133 : vector<256xi32>
    %broadcast_in_dim3A_135 = vector.shape_cast %and3A_134 : vector<256xi32> to vector<256x1xi32>
    %broadcast_in_dim3A_136 = vector.shape_cast %broadcast_in_dim3A_135 : vector<256x1xi32> to vector<256x1xi32>
    %broadcast_in_dim3A_137 = vector.broadcast %broadcast_in_dim3A_136 : vector<256x1xi32> to vector<256x16xi32>
    %select_n3A_138 = arith.select %eq3A_131, %broadcast_in_dim3A_137, %select_n3A_120 : vector<256x16xi1>, vector<256x16xi32>
    %broadcast_in_dim3A_139 = vector.shape_cast %reduce_min3A_128 : vector<256xi32> to vector<256x1xi32>
    %eq3A_140 = vector.broadcast %broadcast_in_dim3A_139 : vector<256x1xi32> to vector<256x896xi32>
    %eq3A_141 = arith.cmpi eq, %select_n3A_126, %eq3A_140 : vector<256x896xi32>
    %jit3A_142 = arith.constant 2139095040 : i32
    %broadcast_in_dim3A_143 = vector.broadcast %jit3A_142 : i32 to vector<256x896xi32>
    %select_n3A_144 = arith.select %eq3A_141, %broadcast_in_dim3A_143, %select_n3A_126 : vector<256x896xi1>, vector<256x896xi32>
    %reduce_min3A_145 = arith.constant dense<2147483647> : vector<256xi32>
    %reduce_min3A_146 = vector.multi_reduction <minsi>, %select_n3A_144, %reduce_min3A_145 [1] : vector<256x896xi32> to vector<256xi32>
    %eq3A_147 = arith.constant 7 : i32
    %eq3A_148 = vector.broadcast %eq3A_147 : i32 to vector<256x16xi32>
    %eq3A_149 = arith.cmpi eq, %iota3A_16, %eq3A_148 : vector<256x16xi32>
    %and3A_150 = arith.constant 8191 : i32
    %and3A_151 = vector.broadcast %and3A_150 : i32 to vector<256xi32>
    %and3A_152 = arith.andi %reduce_min3A_146, %and3A_151 : vector<256xi32>
    %broadcast_in_dim3A_153 = vector.shape_cast %and3A_152 : vector<256xi32> to vector<256x1xi32>
    %broadcast_in_dim3A_154 = vector.shape_cast %broadcast_in_dim3A_153 : vector<256x1xi32> to vector<256x1xi32>
    %broadcast_in_dim3A_155 = vector.broadcast %broadcast_in_dim3A_154 : vector<256x1xi32> to vector<256x16xi32>
    %select_n3A_156 = arith.select %eq3A_149, %broadcast_in_dim3A_155, %select_n3A_138 : vector<256x16xi1>, vector<256x16xi32>
    %broadcast_in_dim3A_157 = vector.shape_cast %reduce_min3A_146 : vector<256xi32> to vector<256x1xi32>
    %eq3A_158 = vector.broadcast %broadcast_in_dim3A_157 : vector<256x1xi32> to vector<256x896xi32>
    %eq3A_159 = arith.cmpi eq, %select_n3A_144, %eq3A_158 : vector<256x896xi32>
    %jit3A_160 = arith.constant 2139095040 : i32
    %broadcast_in_dim3A_161 = vector.broadcast %jit3A_160 : i32 to vector<256x896xi32>
    %select_n3A_162 = arith.select %eq3A_159, %broadcast_in_dim3A_161, %select_n3A_144 : vector<256x896xi1>, vector<256x896xi32>
    %reduce_min3A_163 = arith.constant dense<2147483647> : vector<256xi32>
    %reduce_min3A_164 = vector.multi_reduction <minsi>, %select_n3A_162, %reduce_min3A_163 [1] : vector<256x896xi32> to vector<256xi32>
    %eq3A_165 = arith.constant 8 : i32
    %eq3A_166 = vector.broadcast %eq3A_165 : i32 to vector<256x16xi32>
    %eq3A_167 = arith.cmpi eq, %iota3A_16, %eq3A_166 : vector<256x16xi32>
    %and3A_168 = arith.constant 8191 : i32
    %and3A_169 = vector.broadcast %and3A_168 : i32 to vector<256xi32>
    %and3A_170 = arith.andi %reduce_min3A_164, %and3A_169 : vector<256xi32>
    %broadcast_in_dim3A_171 = vector.shape_cast %and3A_170 : vector<256xi32> to vector<256x1xi32>
    %broadcast_in_dim3A_172 = vector.shape_cast %broadcast_in_dim3A_171 : vector<256x1xi32> to vector<256x1xi32>
    %broadcast_in_dim3A_173 = vector.broadcast %broadcast_in_dim3A_172 : vector<256x1xi32> to vector<256x16xi32>
    %select_n3A_174 = arith.select %eq3A_167, %broadcast_in_dim3A_173, %select_n3A_156 : vector<256x16xi1>, vector<256x16xi32>
    %broadcast_in_dim3A_175 = vector.shape_cast %reduce_min3A_164 : vector<256xi32> to vector<256x1xi32>
    %eq3A_176 = vector.broadcast %broadcast_in_dim3A_175 : vector<256x1xi32> to vector<256x896xi32>
    %eq3A_177 = arith.cmpi eq, %select_n3A_162, %eq3A_176 : vector<256x896xi32>
    %jit3A_178 = arith.constant 2139095040 : i32
    %broadcast_in_dim3A_179 = vector.broadcast %jit3A_178 : i32 to vector<256x896xi32>
    %select_n3A_180 = arith.select %eq3A_177, %broadcast_in_dim3A_179, %select_n3A_162 : vector<256x896xi1>, vector<256x896xi32>
    %reduce_min3A_181 = arith.constant dense<2147483647> : vector<256xi32>
    %reduce_min3A_182 = vector.multi_reduction <minsi>, %select_n3A_180, %reduce_min3A_181 [1] : vector<256x896xi32> to vector<256xi32>
    %eq3A_183 = arith.constant 9 : i32
    %eq3A_184 = vector.broadcast %eq3A_183 : i32 to vector<256x16xi32>
    %eq3A_185 = arith.cmpi eq, %iota3A_16, %eq3A_184 : vector<256x16xi32>
    %and3A_186 = arith.constant 8191 : i32
    %and3A_187 = vector.broadcast %and3A_186 : i32 to vector<256xi32>
    %and3A_188 = arith.andi %reduce_min3A_182, %and3A_187 : vector<256xi32>
    %broadcast_in_dim3A_189 = vector.shape_cast %and3A_188 : vector<256xi32> to vector<256x1xi32>
    %broadcast_in_dim3A_190 = vector.shape_cast %broadcast_in_dim3A_189 : vector<256x1xi32> to vector<256x1xi32>
    %broadcast_in_dim3A_191 = vector.broadcast %broadcast_in_dim3A_190 : vector<256x1xi32> to vector<256x16xi32>
    %select_n3A_192 = arith.select %eq3A_185, %broadcast_in_dim3A_191, %select_n3A_174 : vector<256x16xi1>, vector<256x16xi32>
    %broadcast_in_dim3A_193 = vector.shape_cast %reduce_min3A_182 : vector<256xi32> to vector<256x1xi32>
    %eq3A_194 = vector.broadcast %broadcast_in_dim3A_193 : vector<256x1xi32> to vector<256x896xi32>
    %eq3A_195 = arith.cmpi eq, %select_n3A_180, %eq3A_194 : vector<256x896xi32>
    %jit3A_196 = arith.constant 2139095040 : i32
    %broadcast_in_dim3A_197 = vector.broadcast %jit3A_196 : i32 to vector<256x896xi32>
    %select_n3A_198 = arith.select %eq3A_195, %broadcast_in_dim3A_197, %select_n3A_180 : vector<256x896xi1>, vector<256x896xi32>
    %reduce_min3A_199 = arith.constant dense<2147483647> : vector<256xi32>
    %reduce_min3A_200 = vector.multi_reduction <minsi>, %select_n3A_198, %reduce_min3A_199 [1] : vector<256x896xi32> to vector<256xi32>
    %eq3A_201 = arith.constant 10 : i32
    %eq3A_202 = vector.broadcast %eq3A_201 : i32 to vector<256x16xi32>
    %eq3A_203 = arith.cmpi eq, %iota3A_16, %eq3A_202 : vector<256x16xi32>
    %and3A_204 = arith.constant 8191 : i32
    %and3A_205 = vector.broadcast %and3A_204 : i32 to vector<256xi32>
    %and3A_206 = arith.andi %reduce_min3A_200, %and3A_205 : vector<256xi32>
    %broadcast_in_dim3A_207 = vector.shape_cast %and3A_206 : vector<256xi32> to vector<256x1xi32>
    %broadcast_in_dim3A_208 = vector.shape_cast %broadcast_in_dim3A_207 : vector<256x1xi32> to vector<256x1xi32>
    %broadcast_in_dim3A_209 = vector.broadcast %broadcast_in_dim3A_208 : vector<256x1xi32> to vector<256x16xi32>
    %select_n3A_210 = arith.select %eq3A_203, %broadcast_in_dim3A_209, %select_n3A_192 : vector<256x16xi1>, vector<256x16xi32>
    %broadcast_in_dim3A_211 = vector.shape_cast %reduce_min3A_200 : vector<256xi32> to vector<256x1xi32>
    %eq3A_212 = vector.broadcast %broadcast_in_dim3A_211 : vector<256x1xi32> to vector<256x896xi32>
    %eq3A_213 = arith.cmpi eq, %select_n3A_198, %eq3A_212 : vector<256x896xi32>
    %jit3A_214 = arith.constant 2139095040 : i32
    %broadcast_in_dim3A_215 = vector.broadcast %jit3A_214 : i32 to vector<256x896xi32>
    %select_n3A_216 = arith.select %eq3A_213, %broadcast_in_dim3A_215, %select_n3A_198 : vector<256x896xi1>, vector<256x896xi32>
    %reduce_min3A_217 = arith.constant dense<2147483647> : vector<256xi32>
    %reduce_min3A_218 = vector.multi_reduction <minsi>, %select_n3A_216, %reduce_min3A_217 [1] : vector<256x896xi32> to vector<256xi32>
    %eq3A_219 = arith.constant 11 : i32
    %eq3A_220 = vector.broadcast %eq3A_219 : i32 to vector<256x16xi32>
    %eq3A_221 = arith.cmpi eq, %iota3A_16, %eq3A_220 : vector<256x16xi32>
    %and3A_222 = arith.constant 8191 : i32
    %and3A_223 = vector.broadcast %and3A_222 : i32 to vector<256xi32>
    %and3A_224 = arith.andi %reduce_min3A_218, %and3A_223 : vector<256xi32>
    %broadcast_in_dim3A_225 = vector.shape_cast %and3A_224 : vector<256xi32> to vector<256x1xi32>
    %broadcast_in_dim3A_226 = vector.shape_cast %broadcast_in_dim3A_225 : vector<256x1xi32> to vector<256x1xi32>
    %broadcast_in_dim3A_227 = vector.broadcast %broadcast_in_dim3A_226 : vector<256x1xi32> to vector<256x16xi32>
    %select_n3A_228 = arith.select %eq3A_221, %broadcast_in_dim3A_227, %select_n3A_210 : vector<256x16xi1>, vector<256x16xi32>
    %broadcast_in_dim3A_229 = vector.shape_cast %reduce_min3A_218 : vector<256xi32> to vector<256x1xi32>
    %eq3A_230 = vector.broadcast %broadcast_in_dim3A_229 : vector<256x1xi32> to vector<256x896xi32>
    %eq3A_231 = arith.cmpi eq, %select_n3A_216, %eq3A_230 : vector<256x896xi32>
    %jit3A_232 = arith.constant 2139095040 : i32
    %broadcast_in_dim3A_233 = vector.broadcast %jit3A_232 : i32 to vector<256x896xi32>
    %select_n3A_234 = arith.select %eq3A_231, %broadcast_in_dim3A_233, %select_n3A_216 : vector<256x896xi1>, vector<256x896xi32>
    %reduce_min3A_235 = arith.constant dense<2147483647> : vector<256xi32>
    %reduce_min3A_236 = vector.multi_reduction <minsi>, %select_n3A_234, %reduce_min3A_235 [1] : vector<256x896xi32> to vector<256xi32>
    %eq3A_237 = arith.constant 12 : i32
    %eq3A_238 = vector.broadcast %eq3A_237 : i32 to vector<256x16xi32>
    %eq3A_239 = arith.cmpi eq, %iota3A_16, %eq3A_238 : vector<256x16xi32>
    %and3A_240 = arith.constant 8191 : i32
    %and3A_241 = vector.broadcast %and3A_240 : i32 to vector<256xi32>
    %and3A_242 = arith.andi %reduce_min3A_236, %and3A_241 : vector<256xi32>
    %broadcast_in_dim3A_243 = vector.shape_cast %and3A_242 : vector<256xi32> to vector<256x1xi32>
    %broadcast_in_dim3A_244 = vector.shape_cast %broadcast_in_dim3A_243 : vector<256x1xi32> to vector<256x1xi32>
    %broadcast_in_dim3A_245 = vector.broadcast %broadcast_in_dim3A_244 : vector<256x1xi32> to vector<256x16xi32>
    %select_n3A_246 = arith.select %eq3A_239, %broadcast_in_dim3A_245, %select_n3A_228 : vector<256x16xi1>, vector<256x16xi32>
    %broadcast_in_dim3A_247 = vector.shape_cast %reduce_min3A_236 : vector<256xi32> to vector<256x1xi32>
    %eq3A_248 = vector.broadcast %broadcast_in_dim3A_247 : vector<256x1xi32> to vector<256x896xi32>
    %eq3A_249 = arith.cmpi eq, %select_n3A_234, %eq3A_248 : vector<256x896xi32>
    %jit3A_250 = arith.constant 2139095040 : i32
    %broadcast_in_dim3A_251 = vector.broadcast %jit3A_250 : i32 to vector<256x896xi32>
    %select_n3A_252 = arith.select %eq3A_249, %broadcast_in_dim3A_251, %select_n3A_234 : vector<256x896xi1>, vector<256x896xi32>
    %reduce_min3A_253 = arith.constant dense<2147483647> : vector<256xi32>
    %reduce_min3A_254 = vector.multi_reduction <minsi>, %select_n3A_252, %reduce_min3A_253 [1] : vector<256x896xi32> to vector<256xi32>
    %eq3A_255 = arith.constant 13 : i32
    %eq3A_256 = vector.broadcast %eq3A_255 : i32 to vector<256x16xi32>
    %eq3A_257 = arith.cmpi eq, %iota3A_16, %eq3A_256 : vector<256x16xi32>
    %and3A_258 = arith.constant 8191 : i32
    %and3A_259 = vector.broadcast %and3A_258 : i32 to vector<256xi32>
    %and3A_260 = arith.andi %reduce_min3A_254, %and3A_259 : vector<256xi32>
    %broadcast_in_dim3A_261 = vector.shape_cast %and3A_260 : vector<256xi32> to vector<256x1xi32>
    %broadcast_in_dim3A_262 = vector.shape_cast %broadcast_in_dim3A_261 : vector<256x1xi32> to vector<256x1xi32>
    %broadcast_in_dim3A_263 = vector.broadcast %broadcast_in_dim3A_262 : vector<256x1xi32> to vector<256x16xi32>
    %select_n3A_264 = arith.select %eq3A_257, %broadcast_in_dim3A_263, %select_n3A_246 : vector<256x16xi1>, vector<256x16xi32>
    %broadcast_in_dim3A_265 = vector.shape_cast %reduce_min3A_254 : vector<256xi32> to vector<256x1xi32>
    %eq3A_266 = vector.broadcast %broadcast_in_dim3A_265 : vector<256x1xi32> to vector<256x896xi32>
    %eq3A_267 = arith.cmpi eq, %select_n3A_252, %eq3A_266 : vector<256x896xi32>
    %jit3A_268 = arith.constant 2139095040 : i32
    %broadcast_in_dim3A_269 = vector.broadcast %jit3A_268 : i32 to vector<256x896xi32>
    %select_n3A_270 = arith.select %eq3A_267, %broadcast_in_dim3A_269, %select_n3A_252 : vector<256x896xi1>, vector<256x896xi32>
    %reduce_min3A_271 = arith.constant dense<2147483647> : vector<256xi32>
    %reduce_min3A_272 = vector.multi_reduction <minsi>, %select_n3A_270, %reduce_min3A_271 [1] : vector<256x896xi32> to vector<256xi32>
    %eq3A_273 = arith.constant 14 : i32
    %eq3A_274 = vector.broadcast %eq3A_273 : i32 to vector<256x16xi32>
    %eq3A_275 = arith.cmpi eq, %iota3A_16, %eq3A_274 : vector<256x16xi32>
    %and3A_276 = arith.constant 8191 : i32
    %and3A_277 = vector.broadcast %and3A_276 : i32 to vector<256xi32>
    %and3A_278 = arith.andi %reduce_min3A_272, %and3A_277 : vector<256xi32>
    %broadcast_in_dim3A_279 = vector.shape_cast %and3A_278 : vector<256xi32> to vector<256x1xi32>
    %broadcast_in_dim3A_280 = vector.shape_cast %broadcast_in_dim3A_279 : vector<256x1xi32> to vector<256x1xi32>
    %broadcast_in_dim3A_281 = vector.broadcast %broadcast_in_dim3A_280 : vector<256x1xi32> to vector<256x16xi32>
    %select_n3A_282 = arith.select %eq3A_275, %broadcast_in_dim3A_281, %select_n3A_264 : vector<256x16xi1>, vector<256x16xi32>
    %broadcast_in_dim3A_283 = vector.shape_cast %reduce_min3A_272 : vector<256xi32> to vector<256x1xi32>
    %eq3A_284 = vector.broadcast %broadcast_in_dim3A_283 : vector<256x1xi32> to vector<256x896xi32>
    %eq3A_285 = arith.cmpi eq, %select_n3A_270, %eq3A_284 : vector<256x896xi32>
    %jit3A_286 = arith.constant 2139095040 : i32
    %broadcast_in_dim3A_287 = vector.broadcast %jit3A_286 : i32 to vector<256x896xi32>
    %select_n3A_288 = arith.select %eq3A_285, %broadcast_in_dim3A_287, %select_n3A_270 : vector<256x896xi1>, vector<256x896xi32>
    %reduce_min3A_289 = arith.constant dense<2147483647> : vector<256xi32>
    %reduce_min3A_290 = vector.multi_reduction <minsi>, %select_n3A_288, %reduce_min3A_289 [1] : vector<256x896xi32> to vector<256xi32>
    %eq3A_291 = arith.constant 15 : i32
    %eq3A_292 = vector.broadcast %eq3A_291 : i32 to vector<256x16xi32>
    %eq3A_293 = arith.cmpi eq, %iota3A_16, %eq3A_292 : vector<256x16xi32>
    %and3A_294 = arith.constant 8191 : i32
    %and3A_295 = vector.broadcast %and3A_294 : i32 to vector<256xi32>
    %and3A_296 = arith.andi %reduce_min3A_290, %and3A_295 : vector<256xi32>
    %broadcast_in_dim3A_297 = vector.shape_cast %and3A_296 : vector<256xi32> to vector<256x1xi32>
    %broadcast_in_dim3A_298 = vector.shape_cast %broadcast_in_dim3A_297 : vector<256x1xi32> to vector<256x1xi32>
    %broadcast_in_dim3A_299 = vector.broadcast %broadcast_in_dim3A_298 : vector<256x1xi32> to vector<256x16xi32>
    %select_n3A_300 = arith.select %eq3A_293, %broadcast_in_dim3A_299, %select_n3A_282 : vector<256x16xi1>, vector<256x16xi32>
    %swap3A = arith.constant 0 : index
    %swap3A_301 = arith.constant 0 : index
    %swap3A_302 = vector.load %arg4[%swap3A, %swap3A_301] : memref<256x16xi32, #tpu.memory_space<vmem>>, vector<256x16xi32>
    tpu.vector_store %arg4[%swap3A, %swap3A_301], %select_n3A_300 {strides = array<i32>} : memref<256x16xi32, #tpu.memory_space<vmem>>, vector<256x16xi32>,
    return
  }
  func.func @transform_0(%arg0: i32) -> (i32, i32) {
    %add3A = arith.constant 3 : i32
    %add3A_0 = arith.addi %add3A, %arg0 : i32
    %c0_i32 = arith.constant 0 : i32
    %c0_i32_1 = arith.constant 0 : i32
    return %add3A_0, %c0_i32 : i32, i32
  }
  func.func @transform_1(%arg0: i32) -> (i32, i32) {
    %c0_i32 = arith.constant 0 : i32
    %c0_i32_0 = arith.constant 0 : i32
    %c0_i32_1 = arith.constant 0 : i32
    return %c0_i32, %c0_i32_0 : i32, i32
  }
  func.func @transform_3(%arg0: i32) -> (i32, i32) {
    %add3A = arith.constant 3 : i32
    %add3A_0 = arith.addi %add3A, %arg0 : i32
    %c0_i32 = arith.constant 0 : i32
    %c0_i32_1 = arith.constant 0 : i32
    return %add3A_0, %c0_i32 : i32, i32
  }
}

module attributes {stable_mosaic.version = 14 : i64} {
  func.func @_knn_body(%arg0: i32, %arg1: memref<256x8xf32, #tpu.memory_space<vmem>>, %arg2: memref<8x1920xf32, #tpu.memory_space<vmem>>, %arg3: memref<6912x16xi32, #tpu.memory_space<any>>, %arg4: memref<256x16xi32, #tpu.memory_space<vmem>>) attributes {dimension_semantics = [#tpu.dimension_semantics<arbitrary>], iteration_bounds = array<i64: 4>, scalar_prefetch = 0 : i64, scratch_operands = 0 : i64, tpu.core_type = #tpu.core_type<tc>, window_params = [{transform_indices = @transform_0, window_bounds = array<i64: 256, 8>}, {transform_indices = @transform_1, window_bounds = array<i64: 8, 1920>}, {}, {transform_indices = @transform_3, window_bounds = array<i64: 256, 16>}]} {
    %get3A = arith.constant 0 : index
    %get3A_0 = arith.constant 0 : index
    %get3A_1 = vector.load %arg1[%get3A, %get3A_0] : memref<256x8xf32, #tpu.memory_space<vmem>>, vector<256x8xf32>
    %get3A_2 = arith.constant 0 : index
    %get3A_3 = arith.constant 0 : index
    %get3A_4 = vector.load %arg2[%get3A_2, %get3A_3] : memref<8x1920xf32, #tpu.memory_space<vmem>>, vector<8x1920xf32>
    %mul3A = arith.mulf %get3A_1, %get3A_1 : vector<256x8xf32>
    %reduce_sum3A = arith.constant dense<0.000000e+00> : vector<256xf32>
    %reduce_sum3A_5 = vector.multi_reduction <add>, %mul3A, %reduce_sum3A [1] : vector<256x8xf32> to vector<256xf32>
    %broadcast_in_dim3A = vector.shape_cast %reduce_sum3A_5 : vector<256xf32> to vector<256x1xf32>
    %mul3A_6 = arith.mulf %get3A_4, %get3A_4 : vector<8x1920xf32>
    %reduce_sum3A_7 = arith.constant dense<0.000000e+00> : vector<1920xf32>
    %reduce_sum3A_8 = vector.multi_reduction <add>, %mul3A_6, %reduce_sum3A_7 [0] : vector<8x1920xf32> to vector<1920xf32>
    %broadcast_in_dim3A_9 = vector.shape_cast %reduce_sum3A_8 : vector<1920xf32> to vector<1x1920xf32>
    %add3A = vector.broadcast %broadcast_in_dim3A : vector<256x1xf32> to vector<256x1920xf32>
    %add3A_10 = vector.broadcast %broadcast_in_dim3A_9 : vector<1x1920xf32> to vector<256x1920xf32>
    %add3A_11 = arith.addf %add3A, %add3A_10 : vector<256x1920xf32>
    %dot_general3A = arith.constant dense<0.000000e+00> : vector<256x1920xf32>
    %dot_general3A_12 = tpu.matmul %get3A_1, %get3A_4, %dot_general3A {dimension_numbers = #tpu.dot_dimension_numbers<[1], [0], [0], [1], [0, 0, 1, 1], [], []>, transpose_lhs_hint = false} : vector<256x8xf32>, vector<8x1920xf32>, vector<256x1920xf32> -> vector<256x1920xf32>
    %mul3A_13 = arith.constant 2.000000e+00 : f32
    %mul3A_14 = vector.broadcast %mul3A_13 : f32 to vector<256x1920xf32>
    %mul3A_15 = arith.mulf %mul3A_14, %dot_general3A_12 : vector<256x1920xf32>
    %sub3A = arith.subf %add3A_11, %mul3A_15 : vector<256x1920xf32>
    %iota3A = tpu.iota {dimensions = array<i32: 1>} : vector<256x1920xi32>
    %iota3A_16 = tpu.iota {dimensions = array<i32: 1>} : vector<256x16xi32>
    %max3A = arith.constant 0.000000e+00 : f32
    %max3A_17 = vector.broadcast %max3A : f32 to vector<256x1920xf32>
    %max3A_18 = arith.maximumf %sub3A, %max3A_17 : vector<256x1920xf32>
    %bitcast_convert_type3A = tpu.bitcast %max3A_18 : vector<256x1920xf32> -> vector<256x1920xi32>
    %and3A = arith.constant -8192 : i32
    %and3A_19 = vector.broadcast %and3A : i32 to vector<256x1920xi32>
    %and3A_20 = arith.andi %bitcast_convert_type3A, %and3A_19 : vector<256x1920xi32>
    %or3A = arith.ori %and3A_20, %iota3A : vector<256x1920xi32>
    %broadcast_in_dim3A_21 = arith.constant 0 : i32
    %broadcast_in_dim3A_22 = vector.broadcast %broadcast_in_dim3A_21 : i32 to vector<256x16xi32>
    %reduce_min3A = arith.constant dense<2147483647> : vector<256xi32>
    %reduce_min3A_23 = vector.multi_reduction <minsi>, %or3A, %reduce_min3A [1] : vector<256x1920xi32> to vector<256xi32>
    %eq3A = arith.constant 0 : i32
    %eq3A_24 = vector.broadcast %eq3A : i32 to vector<256x16xi32>
    %eq3A_25 = arith.cmpi eq, %iota3A_16, %eq3A_24 : vector<256x16xi32>
    %and3A_26 = arith.constant 8191 : i32
    %and3A_27 = vector.broadcast %and3A_26 : i32 to vector<256xi32>
    %and3A_28 = arith.andi %reduce_min3A_23, %and3A_27 : vector<256xi32>
    %broadcast_in_dim3A_29 = vector.shape_cast %and3A_28 : vector<256xi32> to vector<256x1xi32>
    %broadcast_in_dim3A_30 = vector.shape_cast %broadcast_in_dim3A_29 : vector<256x1xi32> to vector<256x1xi32>
    %broadcast_in_dim3A_31 = vector.broadcast %broadcast_in_dim3A_30 : vector<256x1xi32> to vector<256x16xi32>
    %select_n3A = arith.select %eq3A_25, %broadcast_in_dim3A_31, %broadcast_in_dim3A_22 : vector<256x16xi1>, vector<256x16xi32>
    %broadcast_in_dim3A_32 = vector.shape_cast %reduce_min3A_23 : vector<256xi32> to vector<256x1xi32>
    %eq3A_33 = vector.broadcast %broadcast_in_dim3A_32 : vector<256x1xi32> to vector<256x1920xi32>
    %eq3A_34 = arith.cmpi eq, %or3A, %eq3A_33 : vector<256x1920xi32>
    %jit3A = arith.constant 2139095040 : i32
    %broadcast_in_dim3A_35 = vector.broadcast %jit3A : i32 to vector<256x1920xi32>
    %select_n3A_36 = arith.select %eq3A_34, %broadcast_in_dim3A_35, %or3A : vector<256x1920xi1>, vector<256x1920xi32>
    %reduce_min3A_37 = arith.constant dense<2147483647> : vector<256xi32>
    %reduce_min3A_38 = vector.multi_reduction <minsi>, %select_n3A_36, %reduce_min3A_37 [1] : vector<256x1920xi32> to vector<256xi32>
    %eq3A_39 = arith.constant 1 : i32
    %eq3A_40 = vector.broadcast %eq3A_39 : i32 to vector<256x16xi32>
    %eq3A_41 = arith.cmpi eq, %iota3A_16, %eq3A_40 : vector<256x16xi32>
    %and3A_42 = arith.constant 8191 : i32
    %and3A_43 = vector.broadcast %and3A_42 : i32 to vector<256xi32>
    %and3A_44 = arith.andi %reduce_min3A_38, %and3A_43 : vector<256xi32>
    %broadcast_in_dim3A_45 = vector.shape_cast %and3A_44 : vector<256xi32> to vector<256x1xi32>
    %broadcast_in_dim3A_46 = vector.shape_cast %broadcast_in_dim3A_45 : vector<256x1xi32> to vector<256x1xi32>
    %broadcast_in_dim3A_47 = vector.broadcast %broadcast_in_dim3A_46 : vector<256x1xi32> to vector<256x16xi32>
    %select_n3A_48 = arith.select %eq3A_41, %broadcast_in_dim3A_47, %select_n3A : vector<256x16xi1>, vector<256x16xi32>
    %broadcast_in_dim3A_49 = vector.shape_cast %reduce_min3A_38 : vector<256xi32> to vector<256x1xi32>
    %eq3A_50 = vector.broadcast %broadcast_in_dim3A_49 : vector<256x1xi32> to vector<256x1920xi32>
    %eq3A_51 = arith.cmpi eq, %select_n3A_36, %eq3A_50 : vector<256x1920xi32>
    %jit3A_52 = arith.constant 2139095040 : i32
    %broadcast_in_dim3A_53 = vector.broadcast %jit3A_52 : i32 to vector<256x1920xi32>
    %select_n3A_54 = arith.select %eq3A_51, %broadcast_in_dim3A_53, %select_n3A_36 : vector<256x1920xi1>, vector<256x1920xi32>
    %reduce_min3A_55 = arith.constant dense<2147483647> : vector<256xi32>
    %reduce_min3A_56 = vector.multi_reduction <minsi>, %select_n3A_54, %reduce_min3A_55 [1] : vector<256x1920xi32> to vector<256xi32>
    %eq3A_57 = arith.constant 2 : i32
    %eq3A_58 = vector.broadcast %eq3A_57 : i32 to vector<256x16xi32>
    %eq3A_59 = arith.cmpi eq, %iota3A_16, %eq3A_58 : vector<256x16xi32>
    %and3A_60 = arith.constant 8191 : i32
    %and3A_61 = vector.broadcast %and3A_60 : i32 to vector<256xi32>
    %and3A_62 = arith.andi %reduce_min3A_56, %and3A_61 : vector<256xi32>
    %broadcast_in_dim3A_63 = vector.shape_cast %and3A_62 : vector<256xi32> to vector<256x1xi32>
    %broadcast_in_dim3A_64 = vector.shape_cast %broadcast_in_dim3A_63 : vector<256x1xi32> to vector<256x1xi32>
    %broadcast_in_dim3A_65 = vector.broadcast %broadcast_in_dim3A_64 : vector<256x1xi32> to vector<256x16xi32>
    %select_n3A_66 = arith.select %eq3A_59, %broadcast_in_dim3A_65, %select_n3A_48 : vector<256x16xi1>, vector<256x16xi32>
    %broadcast_in_dim3A_67 = vector.shape_cast %reduce_min3A_56 : vector<256xi32> to vector<256x1xi32>
    %eq3A_68 = vector.broadcast %broadcast_in_dim3A_67 : vector<256x1xi32> to vector<256x1920xi32>
    %eq3A_69 = arith.cmpi eq, %select_n3A_54, %eq3A_68 : vector<256x1920xi32>
    %jit3A_70 = arith.constant 2139095040 : i32
    %broadcast_in_dim3A_71 = vector.broadcast %jit3A_70 : i32 to vector<256x1920xi32>
    %select_n3A_72 = arith.select %eq3A_69, %broadcast_in_dim3A_71, %select_n3A_54 : vector<256x1920xi1>, vector<256x1920xi32>
    %reduce_min3A_73 = arith.constant dense<2147483647> : vector<256xi32>
    %reduce_min3A_74 = vector.multi_reduction <minsi>, %select_n3A_72, %reduce_min3A_73 [1] : vector<256x1920xi32> to vector<256xi32>
    %eq3A_75 = arith.constant 3 : i32
    %eq3A_76 = vector.broadcast %eq3A_75 : i32 to vector<256x16xi32>
    %eq3A_77 = arith.cmpi eq, %iota3A_16, %eq3A_76 : vector<256x16xi32>
    %and3A_78 = arith.constant 8191 : i32
    %and3A_79 = vector.broadcast %and3A_78 : i32 to vector<256xi32>
    %and3A_80 = arith.andi %reduce_min3A_74, %and3A_79 : vector<256xi32>
    %broadcast_in_dim3A_81 = vector.shape_cast %and3A_80 : vector<256xi32> to vector<256x1xi32>
    %broadcast_in_dim3A_82 = vector.shape_cast %broadcast_in_dim3A_81 : vector<256x1xi32> to vector<256x1xi32>
    %broadcast_in_dim3A_83 = vector.broadcast %broadcast_in_dim3A_82 : vector<256x1xi32> to vector<256x16xi32>
    %select_n3A_84 = arith.select %eq3A_77, %broadcast_in_dim3A_83, %select_n3A_66 : vector<256x16xi1>, vector<256x16xi32>
    %broadcast_in_dim3A_85 = vector.shape_cast %reduce_min3A_74 : vector<256xi32> to vector<256x1xi32>
    %eq3A_86 = vector.broadcast %broadcast_in_dim3A_85 : vector<256x1xi32> to vector<256x1920xi32>
    %eq3A_87 = arith.cmpi eq, %select_n3A_72, %eq3A_86 : vector<256x1920xi32>
    %jit3A_88 = arith.constant 2139095040 : i32
    %broadcast_in_dim3A_89 = vector.broadcast %jit3A_88 : i32 to vector<256x1920xi32>
    %select_n3A_90 = arith.select %eq3A_87, %broadcast_in_dim3A_89, %select_n3A_72 : vector<256x1920xi1>, vector<256x1920xi32>
    %reduce_min3A_91 = arith.constant dense<2147483647> : vector<256xi32>
    %reduce_min3A_92 = vector.multi_reduction <minsi>, %select_n3A_90, %reduce_min3A_91 [1] : vector<256x1920xi32> to vector<256xi32>
    %eq3A_93 = arith.constant 4 : i32
    %eq3A_94 = vector.broadcast %eq3A_93 : i32 to vector<256x16xi32>
    %eq3A_95 = arith.cmpi eq, %iota3A_16, %eq3A_94 : vector<256x16xi32>
    %and3A_96 = arith.constant 8191 : i32
    %and3A_97 = vector.broadcast %and3A_96 : i32 to vector<256xi32>
    %and3A_98 = arith.andi %reduce_min3A_92, %and3A_97 : vector<256xi32>
    %broadcast_in_dim3A_99 = vector.shape_cast %and3A_98 : vector<256xi32> to vector<256x1xi32>
    %broadcast_in_dim3A_100 = vector.shape_cast %broadcast_in_dim3A_99 : vector<256x1xi32> to vector<256x1xi32>
    %broadcast_in_dim3A_101 = vector.broadcast %broadcast_in_dim3A_100 : vector<256x1xi32> to vector<256x16xi32>
    %select_n3A_102 = arith.select %eq3A_95, %broadcast_in_dim3A_101, %select_n3A_84 : vector<256x16xi1>, vector<256x16xi32>
    %broadcast_in_dim3A_103 = vector.shape_cast %reduce_min3A_92 : vector<256xi32> to vector<256x1xi32>
    %eq3A_104 = vector.broadcast %broadcast_in_dim3A_103 : vector<256x1xi32> to vector<256x1920xi32>
    %eq3A_105 = arith.cmpi eq, %select_n3A_90, %eq3A_104 : vector<256x1920xi32>
    %jit3A_106 = arith.constant 2139095040 : i32
    %broadcast_in_dim3A_107 = vector.broadcast %jit3A_106 : i32 to vector<256x1920xi32>
    %select_n3A_108 = arith.select %eq3A_105, %broadcast_in_dim3A_107, %select_n3A_90 : vector<256x1920xi1>, vector<256x1920xi32>
    %reduce_min3A_109 = arith.constant dense<2147483647> : vector<256xi32>
    %reduce_min3A_110 = vector.multi_reduction <minsi>, %select_n3A_108, %reduce_min3A_109 [1] : vector<256x1920xi32> to vector<256xi32>
    %eq3A_111 = arith.constant 5 : i32
    %eq3A_112 = vector.broadcast %eq3A_111 : i32 to vector<256x16xi32>
    %eq3A_113 = arith.cmpi eq, %iota3A_16, %eq3A_112 : vector<256x16xi32>
    %and3A_114 = arith.constant 8191 : i32
    %and3A_115 = vector.broadcast %and3A_114 : i32 to vector<256xi32>
    %and3A_116 = arith.andi %reduce_min3A_110, %and3A_115 : vector<256xi32>
    %broadcast_in_dim3A_117 = vector.shape_cast %and3A_116 : vector<256xi32> to vector<256x1xi32>
    %broadcast_in_dim3A_118 = vector.shape_cast %broadcast_in_dim3A_117 : vector<256x1xi32> to vector<256x1xi32>
    %broadcast_in_dim3A_119 = vector.broadcast %broadcast_in_dim3A_118 : vector<256x1xi32> to vector<256x16xi32>
    %select_n3A_120 = arith.select %eq3A_113, %broadcast_in_dim3A_119, %select_n3A_102 : vector<256x16xi1>, vector<256x16xi32>
    %broadcast_in_dim3A_121 = vector.shape_cast %reduce_min3A_110 : vector<256xi32> to vector<256x1xi32>
    %eq3A_122 = vector.broadcast %broadcast_in_dim3A_121 : vector<256x1xi32> to vector<256x1920xi32>
    %eq3A_123 = arith.cmpi eq, %select_n3A_108, %eq3A_122 : vector<256x1920xi32>
    %jit3A_124 = arith.constant 2139095040 : i32
    %broadcast_in_dim3A_125 = vector.broadcast %jit3A_124 : i32 to vector<256x1920xi32>
    %select_n3A_126 = arith.select %eq3A_123, %broadcast_in_dim3A_125, %select_n3A_108 : vector<256x1920xi1>, vector<256x1920xi32>
    %reduce_min3A_127 = arith.constant dense<2147483647> : vector<256xi32>
    %reduce_min3A_128 = vector.multi_reduction <minsi>, %select_n3A_126, %reduce_min3A_127 [1] : vector<256x1920xi32> to vector<256xi32>
    %eq3A_129 = arith.constant 6 : i32
    %eq3A_130 = vector.broadcast %eq3A_129 : i32 to vector<256x16xi32>
    %eq3A_131 = arith.cmpi eq, %iota3A_16, %eq3A_130 : vector<256x16xi32>
    %and3A_132 = arith.constant 8191 : i32
    %and3A_133 = vector.broadcast %and3A_132 : i32 to vector<256xi32>
    %and3A_134 = arith.andi %reduce_min3A_128, %and3A_133 : vector<256xi32>
    %broadcast_in_dim3A_135 = vector.shape_cast %and3A_134 : vector<256xi32> to vector<256x1xi32>
    %broadcast_in_dim3A_136 = vector.shape_cast %broadcast_in_dim3A_135 : vector<256x1xi32> to vector<256x1xi32>
    %broadcast_in_dim3A_137 = vector.broadcast %broadcast_in_dim3A_136 : vector<256x1xi32> to vector<256x16xi32>
    %select_n3A_138 = arith.select %eq3A_131, %broadcast_in_dim3A_137, %select_n3A_120 : vector<256x16xi1>, vector<256x16xi32>
    %broadcast_in_dim3A_139 = vector.shape_cast %reduce_min3A_128 : vector<256xi32> to vector<256x1xi32>
    %eq3A_140 = vector.broadcast %broadcast_in_dim3A_139 : vector<256x1xi32> to vector<256x1920xi32>
    %eq3A_141 = arith.cmpi eq, %select_n3A_126, %eq3A_140 : vector<256x1920xi32>
    %jit3A_142 = arith.constant 2139095040 : i32
    %broadcast_in_dim3A_143 = vector.broadcast %jit3A_142 : i32 to vector<256x1920xi32>
    %select_n3A_144 = arith.select %eq3A_141, %broadcast_in_dim3A_143, %select_n3A_126 : vector<256x1920xi1>, vector<256x1920xi32>
    %reduce_min3A_145 = arith.constant dense<2147483647> : vector<256xi32>
    %reduce_min3A_146 = vector.multi_reduction <minsi>, %select_n3A_144, %reduce_min3A_145 [1] : vector<256x1920xi32> to vector<256xi32>
    %eq3A_147 = arith.constant 7 : i32
    %eq3A_148 = vector.broadcast %eq3A_147 : i32 to vector<256x16xi32>
    %eq3A_149 = arith.cmpi eq, %iota3A_16, %eq3A_148 : vector<256x16xi32>
    %and3A_150 = arith.constant 8191 : i32
    %and3A_151 = vector.broadcast %and3A_150 : i32 to vector<256xi32>
    %and3A_152 = arith.andi %reduce_min3A_146, %and3A_151 : vector<256xi32>
    %broadcast_in_dim3A_153 = vector.shape_cast %and3A_152 : vector<256xi32> to vector<256x1xi32>
    %broadcast_in_dim3A_154 = vector.shape_cast %broadcast_in_dim3A_153 : vector<256x1xi32> to vector<256x1xi32>
    %broadcast_in_dim3A_155 = vector.broadcast %broadcast_in_dim3A_154 : vector<256x1xi32> to vector<256x16xi32>
    %select_n3A_156 = arith.select %eq3A_149, %broadcast_in_dim3A_155, %select_n3A_138 : vector<256x16xi1>, vector<256x16xi32>
    %broadcast_in_dim3A_157 = vector.shape_cast %reduce_min3A_146 : vector<256xi32> to vector<256x1xi32>
    %eq3A_158 = vector.broadcast %broadcast_in_dim3A_157 : vector<256x1xi32> to vector<256x1920xi32>
    %eq3A_159 = arith.cmpi eq, %select_n3A_144, %eq3A_158 : vector<256x1920xi32>
    %jit3A_160 = arith.constant 2139095040 : i32
    %broadcast_in_dim3A_161 = vector.broadcast %jit3A_160 : i32 to vector<256x1920xi32>
    %select_n3A_162 = arith.select %eq3A_159, %broadcast_in_dim3A_161, %select_n3A_144 : vector<256x1920xi1>, vector<256x1920xi32>
    %reduce_min3A_163 = arith.constant dense<2147483647> : vector<256xi32>
    %reduce_min3A_164 = vector.multi_reduction <minsi>, %select_n3A_162, %reduce_min3A_163 [1] : vector<256x1920xi32> to vector<256xi32>
    %eq3A_165 = arith.constant 8 : i32
    %eq3A_166 = vector.broadcast %eq3A_165 : i32 to vector<256x16xi32>
    %eq3A_167 = arith.cmpi eq, %iota3A_16, %eq3A_166 : vector<256x16xi32>
    %and3A_168 = arith.constant 8191 : i32
    %and3A_169 = vector.broadcast %and3A_168 : i32 to vector<256xi32>
    %and3A_170 = arith.andi %reduce_min3A_164, %and3A_169 : vector<256xi32>
    %broadcast_in_dim3A_171 = vector.shape_cast %and3A_170 : vector<256xi32> to vector<256x1xi32>
    %broadcast_in_dim3A_172 = vector.shape_cast %broadcast_in_dim3A_171 : vector<256x1xi32> to vector<256x1xi32>
    %broadcast_in_dim3A_173 = vector.broadcast %broadcast_in_dim3A_172 : vector<256x1xi32> to vector<256x16xi32>
    %select_n3A_174 = arith.select %eq3A_167, %broadcast_in_dim3A_173, %select_n3A_156 : vector<256x16xi1>, vector<256x16xi32>
    %broadcast_in_dim3A_175 = vector.shape_cast %reduce_min3A_164 : vector<256xi32> to vector<256x1xi32>
    %eq3A_176 = vector.broadcast %broadcast_in_dim3A_175 : vector<256x1xi32> to vector<256x1920xi32>
    %eq3A_177 = arith.cmpi eq, %select_n3A_162, %eq3A_176 : vector<256x1920xi32>
    %jit3A_178 = arith.constant 2139095040 : i32
    %broadcast_in_dim3A_179 = vector.broadcast %jit3A_178 : i32 to vector<256x1920xi32>
    %select_n3A_180 = arith.select %eq3A_177, %broadcast_in_dim3A_179, %select_n3A_162 : vector<256x1920xi1>, vector<256x1920xi32>
    %reduce_min3A_181 = arith.constant dense<2147483647> : vector<256xi32>
    %reduce_min3A_182 = vector.multi_reduction <minsi>, %select_n3A_180, %reduce_min3A_181 [1] : vector<256x1920xi32> to vector<256xi32>
    %eq3A_183 = arith.constant 9 : i32
    %eq3A_184 = vector.broadcast %eq3A_183 : i32 to vector<256x16xi32>
    %eq3A_185 = arith.cmpi eq, %iota3A_16, %eq3A_184 : vector<256x16xi32>
    %and3A_186 = arith.constant 8191 : i32
    %and3A_187 = vector.broadcast %and3A_186 : i32 to vector<256xi32>
    %and3A_188 = arith.andi %reduce_min3A_182, %and3A_187 : vector<256xi32>
    %broadcast_in_dim3A_189 = vector.shape_cast %and3A_188 : vector<256xi32> to vector<256x1xi32>
    %broadcast_in_dim3A_190 = vector.shape_cast %broadcast_in_dim3A_189 : vector<256x1xi32> to vector<256x1xi32>
    %broadcast_in_dim3A_191 = vector.broadcast %broadcast_in_dim3A_190 : vector<256x1xi32> to vector<256x16xi32>
    %select_n3A_192 = arith.select %eq3A_185, %broadcast_in_dim3A_191, %select_n3A_174 : vector<256x16xi1>, vector<256x16xi32>
    %broadcast_in_dim3A_193 = vector.shape_cast %reduce_min3A_182 : vector<256xi32> to vector<256x1xi32>
    %eq3A_194 = vector.broadcast %broadcast_in_dim3A_193 : vector<256x1xi32> to vector<256x1920xi32>
    %eq3A_195 = arith.cmpi eq, %select_n3A_180, %eq3A_194 : vector<256x1920xi32>
    %jit3A_196 = arith.constant 2139095040 : i32
    %broadcast_in_dim3A_197 = vector.broadcast %jit3A_196 : i32 to vector<256x1920xi32>
    %select_n3A_198 = arith.select %eq3A_195, %broadcast_in_dim3A_197, %select_n3A_180 : vector<256x1920xi1>, vector<256x1920xi32>
    %reduce_min3A_199 = arith.constant dense<2147483647> : vector<256xi32>
    %reduce_min3A_200 = vector.multi_reduction <minsi>, %select_n3A_198, %reduce_min3A_199 [1] : vector<256x1920xi32> to vector<256xi32>
    %eq3A_201 = arith.constant 10 : i32
    %eq3A_202 = vector.broadcast %eq3A_201 : i32 to vector<256x16xi32>
    %eq3A_203 = arith.cmpi eq, %iota3A_16, %eq3A_202 : vector<256x16xi32>
    %and3A_204 = arith.constant 8191 : i32
    %and3A_205 = vector.broadcast %and3A_204 : i32 to vector<256xi32>
    %and3A_206 = arith.andi %reduce_min3A_200, %and3A_205 : vector<256xi32>
    %broadcast_in_dim3A_207 = vector.shape_cast %and3A_206 : vector<256xi32> to vector<256x1xi32>
    %broadcast_in_dim3A_208 = vector.shape_cast %broadcast_in_dim3A_207 : vector<256x1xi32> to vector<256x1xi32>
    %broadcast_in_dim3A_209 = vector.broadcast %broadcast_in_dim3A_208 : vector<256x1xi32> to vector<256x16xi32>
    %select_n3A_210 = arith.select %eq3A_203, %broadcast_in_dim3A_209, %select_n3A_192 : vector<256x16xi1>, vector<256x16xi32>
    %broadcast_in_dim3A_211 = vector.shape_cast %reduce_min3A_200 : vector<256xi32> to vector<256x1xi32>
    %eq3A_212 = vector.broadcast %broadcast_in_dim3A_211 : vector<256x1xi32> to vector<256x1920xi32>
    %eq3A_213 = arith.cmpi eq, %select_n3A_198, %eq3A_212 : vector<256x1920xi32>
    %jit3A_214 = arith.constant 2139095040 : i32
    %broadcast_in_dim3A_215 = vector.broadcast %jit3A_214 : i32 to vector<256x1920xi32>
    %select_n3A_216 = arith.select %eq3A_213, %broadcast_in_dim3A_215, %select_n3A_198 : vector<256x1920xi1>, vector<256x1920xi32>
    %reduce_min3A_217 = arith.constant dense<2147483647> : vector<256xi32>
    %reduce_min3A_218 = vector.multi_reduction <minsi>, %select_n3A_216, %reduce_min3A_217 [1] : vector<256x1920xi32> to vector<256xi32>
    %eq3A_219 = arith.constant 11 : i32
    %eq3A_220 = vector.broadcast %eq3A_219 : i32 to vector<256x16xi32>
    %eq3A_221 = arith.cmpi eq, %iota3A_16, %eq3A_220 : vector<256x16xi32>
    %and3A_222 = arith.constant 8191 : i32
    %and3A_223 = vector.broadcast %and3A_222 : i32 to vector<256xi32>
    %and3A_224 = arith.andi %reduce_min3A_218, %and3A_223 : vector<256xi32>
    %broadcast_in_dim3A_225 = vector.shape_cast %and3A_224 : vector<256xi32> to vector<256x1xi32>
    %broadcast_in_dim3A_226 = vector.shape_cast %broadcast_in_dim3A_225 : vector<256x1xi32> to vector<256x1xi32>
    %broadcast_in_dim3A_227 = vector.broadcast %broadcast_in_dim3A_226 : vector<256x1xi32> to vector<256x16xi32>
    %select_n3A_228 = arith.select %eq3A_221, %broadcast_in_dim3A_227, %select_n3A_210 : vector<256x16xi1>, vector<256x16xi32>
    %broadcast_in_dim3A_229 = vector.shape_cast %reduce_min3A_218 : vector<256xi32> to vector<256x1xi32>
    %eq3A_230 = vector.broadcast %broadcast_in_dim3A_229 : vector<256x1xi32> to vector<256x1920xi32>
    %eq3A_231 = arith.cmpi eq, %select_n3A_216, %eq3A_230 : vector<256x1920xi32>
    %jit3A_232 = arith.constant 2139095040 : i32
    %broadcast_in_dim3A_233 = vector.broadcast %jit3A_232 : i32 to vector<256x1920xi32>
    %select_n3A_234 = arith.select %eq3A_231, %broadcast_in_dim3A_233, %select_n3A_216 : vector<256x1920xi1>, vector<256x1920xi32>
    %reduce_min3A_235 = arith.constant dense<2147483647> : vector<256xi32>
    %reduce_min3A_236 = vector.multi_reduction <minsi>, %select_n3A_234, %reduce_min3A_235 [1] : vector<256x1920xi32> to vector<256xi32>
    %eq3A_237 = arith.constant 12 : i32
    %eq3A_238 = vector.broadcast %eq3A_237 : i32 to vector<256x16xi32>
    %eq3A_239 = arith.cmpi eq, %iota3A_16, %eq3A_238 : vector<256x16xi32>
    %and3A_240 = arith.constant 8191 : i32
    %and3A_241 = vector.broadcast %and3A_240 : i32 to vector<256xi32>
    %and3A_242 = arith.andi %reduce_min3A_236, %and3A_241 : vector<256xi32>
    %broadcast_in_dim3A_243 = vector.shape_cast %and3A_242 : vector<256xi32> to vector<256x1xi32>
    %broadcast_in_dim3A_244 = vector.shape_cast %broadcast_in_dim3A_243 : vector<256x1xi32> to vector<256x1xi32>
    %broadcast_in_dim3A_245 = vector.broadcast %broadcast_in_dim3A_244 : vector<256x1xi32> to vector<256x16xi32>
    %select_n3A_246 = arith.select %eq3A_239, %broadcast_in_dim3A_245, %select_n3A_228 : vector<256x16xi1>, vector<256x16xi32>
    %broadcast_in_dim3A_247 = vector.shape_cast %reduce_min3A_236 : vector<256xi32> to vector<256x1xi32>
    %eq3A_248 = vector.broadcast %broadcast_in_dim3A_247 : vector<256x1xi32> to vector<256x1920xi32>
    %eq3A_249 = arith.cmpi eq, %select_n3A_234, %eq3A_248 : vector<256x1920xi32>
    %jit3A_250 = arith.constant 2139095040 : i32
    %broadcast_in_dim3A_251 = vector.broadcast %jit3A_250 : i32 to vector<256x1920xi32>
    %select_n3A_252 = arith.select %eq3A_249, %broadcast_in_dim3A_251, %select_n3A_234 : vector<256x1920xi1>, vector<256x1920xi32>
    %reduce_min3A_253 = arith.constant dense<2147483647> : vector<256xi32>
    %reduce_min3A_254 = vector.multi_reduction <minsi>, %select_n3A_252, %reduce_min3A_253 [1] : vector<256x1920xi32> to vector<256xi32>
    %eq3A_255 = arith.constant 13 : i32
    %eq3A_256 = vector.broadcast %eq3A_255 : i32 to vector<256x16xi32>
    %eq3A_257 = arith.cmpi eq, %iota3A_16, %eq3A_256 : vector<256x16xi32>
    %and3A_258 = arith.constant 8191 : i32
    %and3A_259 = vector.broadcast %and3A_258 : i32 to vector<256xi32>
    %and3A_260 = arith.andi %reduce_min3A_254, %and3A_259 : vector<256xi32>
    %broadcast_in_dim3A_261 = vector.shape_cast %and3A_260 : vector<256xi32> to vector<256x1xi32>
    %broadcast_in_dim3A_262 = vector.shape_cast %broadcast_in_dim3A_261 : vector<256x1xi32> to vector<256x1xi32>
    %broadcast_in_dim3A_263 = vector.broadcast %broadcast_in_dim3A_262 : vector<256x1xi32> to vector<256x16xi32>
    %select_n3A_264 = arith.select %eq3A_257, %broadcast_in_dim3A_263, %select_n3A_246 : vector<256x16xi1>, vector<256x16xi32>
    %broadcast_in_dim3A_265 = vector.shape_cast %reduce_min3A_254 : vector<256xi32> to vector<256x1xi32>
    %eq3A_266 = vector.broadcast %broadcast_in_dim3A_265 : vector<256x1xi32> to vector<256x1920xi32>
    %eq3A_267 = arith.cmpi eq, %select_n3A_252, %eq3A_266 : vector<256x1920xi32>
    %jit3A_268 = arith.constant 2139095040 : i32
    %broadcast_in_dim3A_269 = vector.broadcast %jit3A_268 : i32 to vector<256x1920xi32>
    %select_n3A_270 = arith.select %eq3A_267, %broadcast_in_dim3A_269, %select_n3A_252 : vector<256x1920xi1>, vector<256x1920xi32>
    %reduce_min3A_271 = arith.constant dense<2147483647> : vector<256xi32>
    %reduce_min3A_272 = vector.multi_reduction <minsi>, %select_n3A_270, %reduce_min3A_271 [1] : vector<256x1920xi32> to vector<256xi32>
    %eq3A_273 = arith.constant 14 : i32
    %eq3A_274 = vector.broadcast %eq3A_273 : i32 to vector<256x16xi32>
    %eq3A_275 = arith.cmpi eq, %iota3A_16, %eq3A_274 : vector<256x16xi32>
    %and3A_276 = arith.constant 8191 : i32
    %and3A_277 = vector.broadcast %and3A_276 : i32 to vector<256xi32>
    %and3A_278 = arith.andi %reduce_min3A_272, %and3A_277 : vector<256xi32>
    %broadcast_in_dim3A_279 = vector.shape_cast %and3A_278 : vector<256xi32> to vector<256x1xi32>
    %broadcast_in_dim3A_280 = vector.shape_cast %broadcast_in_dim3A_279 : vector<256x1xi32> to vector<256x1xi32>
    %broadcast_in_dim3A_281 = vector.broadcast %broadcast_in_dim3A_280 : vector<256x1xi32> to vector<256x16xi32>
    %select_n3A_282 = arith.select %eq3A_275, %broadcast_in_dim3A_281, %select_n3A_264 : vector<256x16xi1>, vector<256x16xi32>
    %broadcast_in_dim3A_283 = vector.shape_cast %reduce_min3A_272 : vector<256xi32> to vector<256x1xi32>
    %eq3A_284 = vector.broadcast %broadcast_in_dim3A_283 : vector<256x1xi32> to vector<256x1920xi32>
    %eq3A_285 = arith.cmpi eq, %select_n3A_270, %eq3A_284 : vector<256x1920xi32>
    %jit3A_286 = arith.constant 2139095040 : i32
    %broadcast_in_dim3A_287 = vector.broadcast %jit3A_286 : i32 to vector<256x1920xi32>
    %select_n3A_288 = arith.select %eq3A_285, %broadcast_in_dim3A_287, %select_n3A_270 : vector<256x1920xi1>, vector<256x1920xi32>
    %reduce_min3A_289 = arith.constant dense<2147483647> : vector<256xi32>
    %reduce_min3A_290 = vector.multi_reduction <minsi>, %select_n3A_288, %reduce_min3A_289 [1] : vector<256x1920xi32> to vector<256xi32>
    %eq3A_291 = arith.constant 15 : i32
    %eq3A_292 = vector.broadcast %eq3A_291 : i32 to vector<256x16xi32>
    %eq3A_293 = arith.cmpi eq, %iota3A_16, %eq3A_292 : vector<256x16xi32>
    %and3A_294 = arith.constant 8191 : i32
    %and3A_295 = vector.broadcast %and3A_294 : i32 to vector<256xi32>
    %and3A_296 = arith.andi %reduce_min3A_290, %and3A_295 : vector<256xi32>
    %broadcast_in_dim3A_297 = vector.shape_cast %and3A_296 : vector<256xi32> to vector<256x1xi32>
    %broadcast_in_dim3A_298 = vector.shape_cast %broadcast_in_dim3A_297 : vector<256x1xi32> to vector<256x1xi32>
    %broadcast_in_dim3A_299 = vector.broadcast %broadcast_in_dim3A_298 : vector<256x1xi32> to vector<256x16xi32>
    %select_n3A_300 = arith.select %eq3A_293, %broadcast_in_dim3A_299, %select_n3A_282 : vector<256x16xi1>, vector<256x16xi32>
    %swap3A = arith.constant 0 : index
    %swap3A_301 = arith.constant 0 : index
    %swap3A_302 = vector.load %arg4[%swap3A, %swap3A_301] : memref<256x16xi32, #tpu.memory_space<vmem>>, vector<256x16xi32>
    tpu.vector_store %arg4[%swap3A, %swap3A_301], %select_n3A_300 {strides = array<i32>} : memref<256x16xi32, #tpu.memory_space<vmem>>, vector<256x16xi32>,
    return
  }
  func.func @transform_0(%arg0: i32) -> (i32, i32) {
    %add3A = arith.constant 7 : i32
    %add3A_0 = arith.addi %add3A, %arg0 : i32
    %c0_i32 = arith.constant 0 : i32
    %c0_i32_1 = arith.constant 0 : i32
    return %add3A_0, %c0_i32 : i32, i32
  }
  func.func @transform_1(%arg0: i32) -> (i32, i32) {
    %c0_i32 = arith.constant 0 : i32
    %c0_i32_0 = arith.constant 0 : i32
    %c0_i32_1 = arith.constant 0 : i32
    return %c0_i32, %c0_i32_0 : i32, i32
  }
  func.func @transform_3(%arg0: i32) -> (i32, i32) {
    %add3A = arith.constant 7 : i32
    %add3A_0 = arith.addi %add3A, %arg0 : i32
    %c0_i32 = arith.constant 0 : i32
    %c0_i32_1 = arith.constant 0 : i32
    return %add3A_0, %c0_i32 : i32, i32
  }
}

module attributes {stable_mosaic.version = 14 : i64} {
  func.func @_knn_body(%arg0: i32, %arg1: memref<256x8xf32, #tpu.memory_space<vmem>>, %arg2: memref<8x2944xf32, #tpu.memory_space<vmem>>, %arg3: memref<6912x16xi32, #tpu.memory_space<any>>, %arg4: memref<256x16xi32, #tpu.memory_space<vmem>>) attributes {dimension_semantics = [#tpu.dimension_semantics<arbitrary>], iteration_bounds = array<i64: 4>, scalar_prefetch = 0 : i64, scratch_operands = 0 : i64, tpu.core_type = #tpu.core_type<tc>, window_params = [{transform_indices = @transform_0, window_bounds = array<i64: 256, 8>}, {transform_indices = @transform_1, window_bounds = array<i64: 8, 2944>}, {}, {transform_indices = @transform_3, window_bounds = array<i64: 256, 16>}]} {
    %get3A = arith.constant 0 : index
    %get3A_0 = arith.constant 0 : index
    %get3A_1 = vector.load %arg1[%get3A, %get3A_0] : memref<256x8xf32, #tpu.memory_space<vmem>>, vector<256x8xf32>
    %get3A_2 = arith.constant 0 : index
    %get3A_3 = arith.constant 0 : index
    %get3A_4 = vector.load %arg2[%get3A_2, %get3A_3] : memref<8x2944xf32, #tpu.memory_space<vmem>>, vector<8x2944xf32>
    %mul3A = arith.mulf %get3A_1, %get3A_1 : vector<256x8xf32>
    %reduce_sum3A = arith.constant dense<0.000000e+00> : vector<256xf32>
    %reduce_sum3A_5 = vector.multi_reduction <add>, %mul3A, %reduce_sum3A [1] : vector<256x8xf32> to vector<256xf32>
    %broadcast_in_dim3A = vector.shape_cast %reduce_sum3A_5 : vector<256xf32> to vector<256x1xf32>
    %mul3A_6 = arith.mulf %get3A_4, %get3A_4 : vector<8x2944xf32>
    %reduce_sum3A_7 = arith.constant dense<0.000000e+00> : vector<2944xf32>
    %reduce_sum3A_8 = vector.multi_reduction <add>, %mul3A_6, %reduce_sum3A_7 [0] : vector<8x2944xf32> to vector<2944xf32>
    %broadcast_in_dim3A_9 = vector.shape_cast %reduce_sum3A_8 : vector<2944xf32> to vector<1x2944xf32>
    %add3A = vector.broadcast %broadcast_in_dim3A : vector<256x1xf32> to vector<256x2944xf32>
    %add3A_10 = vector.broadcast %broadcast_in_dim3A_9 : vector<1x2944xf32> to vector<256x2944xf32>
    %add3A_11 = arith.addf %add3A, %add3A_10 : vector<256x2944xf32>
    %dot_general3A = arith.constant dense<0.000000e+00> : vector<256x2944xf32>
    %dot_general3A_12 = tpu.matmul %get3A_1, %get3A_4, %dot_general3A {dimension_numbers = #tpu.dot_dimension_numbers<[1], [0], [0], [1], [0, 0, 1, 1], [], []>, transpose_lhs_hint = false} : vector<256x8xf32>, vector<8x2944xf32>, vector<256x2944xf32> -> vector<256x2944xf32>
    %mul3A_13 = arith.constant 2.000000e+00 : f32
    %mul3A_14 = vector.broadcast %mul3A_13 : f32 to vector<256x2944xf32>
    %mul3A_15 = arith.mulf %mul3A_14, %dot_general3A_12 : vector<256x2944xf32>
    %sub3A = arith.subf %add3A_11, %mul3A_15 : vector<256x2944xf32>
    %iota3A = tpu.iota {dimensions = array<i32: 1>} : vector<256x2944xi32>
    %iota3A_16 = tpu.iota {dimensions = array<i32: 1>} : vector<256x16xi32>
    %max3A = arith.constant 0.000000e+00 : f32
    %max3A_17 = vector.broadcast %max3A : f32 to vector<256x2944xf32>
    %max3A_18 = arith.maximumf %sub3A, %max3A_17 : vector<256x2944xf32>
    %bitcast_convert_type3A = tpu.bitcast %max3A_18 : vector<256x2944xf32> -> vector<256x2944xi32>
    %and3A = arith.constant -8192 : i32
    %and3A_19 = vector.broadcast %and3A : i32 to vector<256x2944xi32>
    %and3A_20 = arith.andi %bitcast_convert_type3A, %and3A_19 : vector<256x2944xi32>
    %or3A = arith.ori %and3A_20, %iota3A : vector<256x2944xi32>
    %broadcast_in_dim3A_21 = arith.constant 0 : i32
    %broadcast_in_dim3A_22 = vector.broadcast %broadcast_in_dim3A_21 : i32 to vector<256x16xi32>
    %reduce_min3A = arith.constant dense<2147483647> : vector<256xi32>
    %reduce_min3A_23 = vector.multi_reduction <minsi>, %or3A, %reduce_min3A [1] : vector<256x2944xi32> to vector<256xi32>
    %eq3A = arith.constant 0 : i32
    %eq3A_24 = vector.broadcast %eq3A : i32 to vector<256x16xi32>
    %eq3A_25 = arith.cmpi eq, %iota3A_16, %eq3A_24 : vector<256x16xi32>
    %and3A_26 = arith.constant 8191 : i32
    %and3A_27 = vector.broadcast %and3A_26 : i32 to vector<256xi32>
    %and3A_28 = arith.andi %reduce_min3A_23, %and3A_27 : vector<256xi32>
    %broadcast_in_dim3A_29 = vector.shape_cast %and3A_28 : vector<256xi32> to vector<256x1xi32>
    %broadcast_in_dim3A_30 = vector.shape_cast %broadcast_in_dim3A_29 : vector<256x1xi32> to vector<256x1xi32>
    %broadcast_in_dim3A_31 = vector.broadcast %broadcast_in_dim3A_30 : vector<256x1xi32> to vector<256x16xi32>
    %select_n3A = arith.select %eq3A_25, %broadcast_in_dim3A_31, %broadcast_in_dim3A_22 : vector<256x16xi1>, vector<256x16xi32>
    %broadcast_in_dim3A_32 = vector.shape_cast %reduce_min3A_23 : vector<256xi32> to vector<256x1xi32>
    %eq3A_33 = vector.broadcast %broadcast_in_dim3A_32 : vector<256x1xi32> to vector<256x2944xi32>
    %eq3A_34 = arith.cmpi eq, %or3A, %eq3A_33 : vector<256x2944xi32>
    %jit3A = arith.constant 2139095040 : i32
    %broadcast_in_dim3A_35 = vector.broadcast %jit3A : i32 to vector<256x2944xi32>
    %select_n3A_36 = arith.select %eq3A_34, %broadcast_in_dim3A_35, %or3A : vector<256x2944xi1>, vector<256x2944xi32>
    %reduce_min3A_37 = arith.constant dense<2147483647> : vector<256xi32>
    %reduce_min3A_38 = vector.multi_reduction <minsi>, %select_n3A_36, %reduce_min3A_37 [1] : vector<256x2944xi32> to vector<256xi32>
    %eq3A_39 = arith.constant 1 : i32
    %eq3A_40 = vector.broadcast %eq3A_39 : i32 to vector<256x16xi32>
    %eq3A_41 = arith.cmpi eq, %iota3A_16, %eq3A_40 : vector<256x16xi32>
    %and3A_42 = arith.constant 8191 : i32
    %and3A_43 = vector.broadcast %and3A_42 : i32 to vector<256xi32>
    %and3A_44 = arith.andi %reduce_min3A_38, %and3A_43 : vector<256xi32>
    %broadcast_in_dim3A_45 = vector.shape_cast %and3A_44 : vector<256xi32> to vector<256x1xi32>
    %broadcast_in_dim3A_46 = vector.shape_cast %broadcast_in_dim3A_45 : vector<256x1xi32> to vector<256x1xi32>
    %broadcast_in_dim3A_47 = vector.broadcast %broadcast_in_dim3A_46 : vector<256x1xi32> to vector<256x16xi32>
    %select_n3A_48 = arith.select %eq3A_41, %broadcast_in_dim3A_47, %select_n3A : vector<256x16xi1>, vector<256x16xi32>
    %broadcast_in_dim3A_49 = vector.shape_cast %reduce_min3A_38 : vector<256xi32> to vector<256x1xi32>
    %eq3A_50 = vector.broadcast %broadcast_in_dim3A_49 : vector<256x1xi32> to vector<256x2944xi32>
    %eq3A_51 = arith.cmpi eq, %select_n3A_36, %eq3A_50 : vector<256x2944xi32>
    %jit3A_52 = arith.constant 2139095040 : i32
    %broadcast_in_dim3A_53 = vector.broadcast %jit3A_52 : i32 to vector<256x2944xi32>
    %select_n3A_54 = arith.select %eq3A_51, %broadcast_in_dim3A_53, %select_n3A_36 : vector<256x2944xi1>, vector<256x2944xi32>
    %reduce_min3A_55 = arith.constant dense<2147483647> : vector<256xi32>
    %reduce_min3A_56 = vector.multi_reduction <minsi>, %select_n3A_54, %reduce_min3A_55 [1] : vector<256x2944xi32> to vector<256xi32>
    %eq3A_57 = arith.constant 2 : i32
    %eq3A_58 = vector.broadcast %eq3A_57 : i32 to vector<256x16xi32>
    %eq3A_59 = arith.cmpi eq, %iota3A_16, %eq3A_58 : vector<256x16xi32>
    %and3A_60 = arith.constant 8191 : i32
    %and3A_61 = vector.broadcast %and3A_60 : i32 to vector<256xi32>
    %and3A_62 = arith.andi %reduce_min3A_56, %and3A_61 : vector<256xi32>
    %broadcast_in_dim3A_63 = vector.shape_cast %and3A_62 : vector<256xi32> to vector<256x1xi32>
    %broadcast_in_dim3A_64 = vector.shape_cast %broadcast_in_dim3A_63 : vector<256x1xi32> to vector<256x1xi32>
    %broadcast_in_dim3A_65 = vector.broadcast %broadcast_in_dim3A_64 : vector<256x1xi32> to vector<256x16xi32>
    %select_n3A_66 = arith.select %eq3A_59, %broadcast_in_dim3A_65, %select_n3A_48 : vector<256x16xi1>, vector<256x16xi32>
    %broadcast_in_dim3A_67 = vector.shape_cast %reduce_min3A_56 : vector<256xi32> to vector<256x1xi32>
    %eq3A_68 = vector.broadcast %broadcast_in_dim3A_67 : vector<256x1xi32> to vector<256x2944xi32>
    %eq3A_69 = arith.cmpi eq, %select_n3A_54, %eq3A_68 : vector<256x2944xi32>
    %jit3A_70 = arith.constant 2139095040 : i32
    %broadcast_in_dim3A_71 = vector.broadcast %jit3A_70 : i32 to vector<256x2944xi32>
    %select_n3A_72 = arith.select %eq3A_69, %broadcast_in_dim3A_71, %select_n3A_54 : vector<256x2944xi1>, vector<256x2944xi32>
    %reduce_min3A_73 = arith.constant dense<2147483647> : vector<256xi32>
    %reduce_min3A_74 = vector.multi_reduction <minsi>, %select_n3A_72, %reduce_min3A_73 [1] : vector<256x2944xi32> to vector<256xi32>
    %eq3A_75 = arith.constant 3 : i32
    %eq3A_76 = vector.broadcast %eq3A_75 : i32 to vector<256x16xi32>
    %eq3A_77 = arith.cmpi eq, %iota3A_16, %eq3A_76 : vector<256x16xi32>
    %and3A_78 = arith.constant 8191 : i32
    %and3A_79 = vector.broadcast %and3A_78 : i32 to vector<256xi32>
    %and3A_80 = arith.andi %reduce_min3A_74, %and3A_79 : vector<256xi32>
    %broadcast_in_dim3A_81 = vector.shape_cast %and3A_80 : vector<256xi32> to vector<256x1xi32>
    %broadcast_in_dim3A_82 = vector.shape_cast %broadcast_in_dim3A_81 : vector<256x1xi32> to vector<256x1xi32>
    %broadcast_in_dim3A_83 = vector.broadcast %broadcast_in_dim3A_82 : vector<256x1xi32> to vector<256x16xi32>
    %select_n3A_84 = arith.select %eq3A_77, %broadcast_in_dim3A_83, %select_n3A_66 : vector<256x16xi1>, vector<256x16xi32>
    %broadcast_in_dim3A_85 = vector.shape_cast %reduce_min3A_74 : vector<256xi32> to vector<256x1xi32>
    %eq3A_86 = vector.broadcast %broadcast_in_dim3A_85 : vector<256x1xi32> to vector<256x2944xi32>
    %eq3A_87 = arith.cmpi eq, %select_n3A_72, %eq3A_86 : vector<256x2944xi32>
    %jit3A_88 = arith.constant 2139095040 : i32
    %broadcast_in_dim3A_89 = vector.broadcast %jit3A_88 : i32 to vector<256x2944xi32>
    %select_n3A_90 = arith.select %eq3A_87, %broadcast_in_dim3A_89, %select_n3A_72 : vector<256x2944xi1>, vector<256x2944xi32>
    %reduce_min3A_91 = arith.constant dense<2147483647> : vector<256xi32>
    %reduce_min3A_92 = vector.multi_reduction <minsi>, %select_n3A_90, %reduce_min3A_91 [1] : vector<256x2944xi32> to vector<256xi32>
    %eq3A_93 = arith.constant 4 : i32
    %eq3A_94 = vector.broadcast %eq3A_93 : i32 to vector<256x16xi32>
    %eq3A_95 = arith.cmpi eq, %iota3A_16, %eq3A_94 : vector<256x16xi32>
    %and3A_96 = arith.constant 8191 : i32
    %and3A_97 = vector.broadcast %and3A_96 : i32 to vector<256xi32>
    %and3A_98 = arith.andi %reduce_min3A_92, %and3A_97 : vector<256xi32>
    %broadcast_in_dim3A_99 = vector.shape_cast %and3A_98 : vector<256xi32> to vector<256x1xi32>
    %broadcast_in_dim3A_100 = vector.shape_cast %broadcast_in_dim3A_99 : vector<256x1xi32> to vector<256x1xi32>
    %broadcast_in_dim3A_101 = vector.broadcast %broadcast_in_dim3A_100 : vector<256x1xi32> to vector<256x16xi32>
    %select_n3A_102 = arith.select %eq3A_95, %broadcast_in_dim3A_101, %select_n3A_84 : vector<256x16xi1>, vector<256x16xi32>
    %broadcast_in_dim3A_103 = vector.shape_cast %reduce_min3A_92 : vector<256xi32> to vector<256x1xi32>
    %eq3A_104 = vector.broadcast %broadcast_in_dim3A_103 : vector<256x1xi32> to vector<256x2944xi32>
    %eq3A_105 = arith.cmpi eq, %select_n3A_90, %eq3A_104 : vector<256x2944xi32>
    %jit3A_106 = arith.constant 2139095040 : i32
    %broadcast_in_dim3A_107 = vector.broadcast %jit3A_106 : i32 to vector<256x2944xi32>
    %select_n3A_108 = arith.select %eq3A_105, %broadcast_in_dim3A_107, %select_n3A_90 : vector<256x2944xi1>, vector<256x2944xi32>
    %reduce_min3A_109 = arith.constant dense<2147483647> : vector<256xi32>
    %reduce_min3A_110 = vector.multi_reduction <minsi>, %select_n3A_108, %reduce_min3A_109 [1] : vector<256x2944xi32> to vector<256xi32>
    %eq3A_111 = arith.constant 5 : i32
    %eq3A_112 = vector.broadcast %eq3A_111 : i32 to vector<256x16xi32>
    %eq3A_113 = arith.cmpi eq, %iota3A_16, %eq3A_112 : vector<256x16xi32>
    %and3A_114 = arith.constant 8191 : i32
    %and3A_115 = vector.broadcast %and3A_114 : i32 to vector<256xi32>
    %and3A_116 = arith.andi %reduce_min3A_110, %and3A_115 : vector<256xi32>
    %broadcast_in_dim3A_117 = vector.shape_cast %and3A_116 : vector<256xi32> to vector<256x1xi32>
    %broadcast_in_dim3A_118 = vector.shape_cast %broadcast_in_dim3A_117 : vector<256x1xi32> to vector<256x1xi32>
    %broadcast_in_dim3A_119 = vector.broadcast %broadcast_in_dim3A_118 : vector<256x1xi32> to vector<256x16xi32>
    %select_n3A_120 = arith.select %eq3A_113, %broadcast_in_dim3A_119, %select_n3A_102 : vector<256x16xi1>, vector<256x16xi32>
    %broadcast_in_dim3A_121 = vector.shape_cast %reduce_min3A_110 : vector<256xi32> to vector<256x1xi32>
    %eq3A_122 = vector.broadcast %broadcast_in_dim3A_121 : vector<256x1xi32> to vector<256x2944xi32>
    %eq3A_123 = arith.cmpi eq, %select_n3A_108, %eq3A_122 : vector<256x2944xi32>
    %jit3A_124 = arith.constant 2139095040 : i32
    %broadcast_in_dim3A_125 = vector.broadcast %jit3A_124 : i32 to vector<256x2944xi32>
    %select_n3A_126 = arith.select %eq3A_123, %broadcast_in_dim3A_125, %select_n3A_108 : vector<256x2944xi1>, vector<256x2944xi32>
    %reduce_min3A_127 = arith.constant dense<2147483647> : vector<256xi32>
    %reduce_min3A_128 = vector.multi_reduction <minsi>, %select_n3A_126, %reduce_min3A_127 [1] : vector<256x2944xi32> to vector<256xi32>
    %eq3A_129 = arith.constant 6 : i32
    %eq3A_130 = vector.broadcast %eq3A_129 : i32 to vector<256x16xi32>
    %eq3A_131 = arith.cmpi eq, %iota3A_16, %eq3A_130 : vector<256x16xi32>
    %and3A_132 = arith.constant 8191 : i32
    %and3A_133 = vector.broadcast %and3A_132 : i32 to vector<256xi32>
    %and3A_134 = arith.andi %reduce_min3A_128, %and3A_133 : vector<256xi32>
    %broadcast_in_dim3A_135 = vector.shape_cast %and3A_134 : vector<256xi32> to vector<256x1xi32>
    %broadcast_in_dim3A_136 = vector.shape_cast %broadcast_in_dim3A_135 : vector<256x1xi32> to vector<256x1xi32>
    %broadcast_in_dim3A_137 = vector.broadcast %broadcast_in_dim3A_136 : vector<256x1xi32> to vector<256x16xi32>
    %select_n3A_138 = arith.select %eq3A_131, %broadcast_in_dim3A_137, %select_n3A_120 : vector<256x16xi1>, vector<256x16xi32>
    %broadcast_in_dim3A_139 = vector.shape_cast %reduce_min3A_128 : vector<256xi32> to vector<256x1xi32>
    %eq3A_140 = vector.broadcast %broadcast_in_dim3A_139 : vector<256x1xi32> to vector<256x2944xi32>
    %eq3A_141 = arith.cmpi eq, %select_n3A_126, %eq3A_140 : vector<256x2944xi32>
    %jit3A_142 = arith.constant 2139095040 : i32
    %broadcast_in_dim3A_143 = vector.broadcast %jit3A_142 : i32 to vector<256x2944xi32>
    %select_n3A_144 = arith.select %eq3A_141, %broadcast_in_dim3A_143, %select_n3A_126 : vector<256x2944xi1>, vector<256x2944xi32>
    %reduce_min3A_145 = arith.constant dense<2147483647> : vector<256xi32>
    %reduce_min3A_146 = vector.multi_reduction <minsi>, %select_n3A_144, %reduce_min3A_145 [1] : vector<256x2944xi32> to vector<256xi32>
    %eq3A_147 = arith.constant 7 : i32
    %eq3A_148 = vector.broadcast %eq3A_147 : i32 to vector<256x16xi32>
    %eq3A_149 = arith.cmpi eq, %iota3A_16, %eq3A_148 : vector<256x16xi32>
    %and3A_150 = arith.constant 8191 : i32
    %and3A_151 = vector.broadcast %and3A_150 : i32 to vector<256xi32>
    %and3A_152 = arith.andi %reduce_min3A_146, %and3A_151 : vector<256xi32>
    %broadcast_in_dim3A_153 = vector.shape_cast %and3A_152 : vector<256xi32> to vector<256x1xi32>
    %broadcast_in_dim3A_154 = vector.shape_cast %broadcast_in_dim3A_153 : vector<256x1xi32> to vector<256x1xi32>
    %broadcast_in_dim3A_155 = vector.broadcast %broadcast_in_dim3A_154 : vector<256x1xi32> to vector<256x16xi32>
    %select_n3A_156 = arith.select %eq3A_149, %broadcast_in_dim3A_155, %select_n3A_138 : vector<256x16xi1>, vector<256x16xi32>
    %broadcast_in_dim3A_157 = vector.shape_cast %reduce_min3A_146 : vector<256xi32> to vector<256x1xi32>
    %eq3A_158 = vector.broadcast %broadcast_in_dim3A_157 : vector<256x1xi32> to vector<256x2944xi32>
    %eq3A_159 = arith.cmpi eq, %select_n3A_144, %eq3A_158 : vector<256x2944xi32>
    %jit3A_160 = arith.constant 2139095040 : i32
    %broadcast_in_dim3A_161 = vector.broadcast %jit3A_160 : i32 to vector<256x2944xi32>
    %select_n3A_162 = arith.select %eq3A_159, %broadcast_in_dim3A_161, %select_n3A_144 : vector<256x2944xi1>, vector<256x2944xi32>
    %reduce_min3A_163 = arith.constant dense<2147483647> : vector<256xi32>
    %reduce_min3A_164 = vector.multi_reduction <minsi>, %select_n3A_162, %reduce_min3A_163 [1] : vector<256x2944xi32> to vector<256xi32>
    %eq3A_165 = arith.constant 8 : i32
    %eq3A_166 = vector.broadcast %eq3A_165 : i32 to vector<256x16xi32>
    %eq3A_167 = arith.cmpi eq, %iota3A_16, %eq3A_166 : vector<256x16xi32>
    %and3A_168 = arith.constant 8191 : i32
    %and3A_169 = vector.broadcast %and3A_168 : i32 to vector<256xi32>
    %and3A_170 = arith.andi %reduce_min3A_164, %and3A_169 : vector<256xi32>
    %broadcast_in_dim3A_171 = vector.shape_cast %and3A_170 : vector<256xi32> to vector<256x1xi32>
    %broadcast_in_dim3A_172 = vector.shape_cast %broadcast_in_dim3A_171 : vector<256x1xi32> to vector<256x1xi32>
    %broadcast_in_dim3A_173 = vector.broadcast %broadcast_in_dim3A_172 : vector<256x1xi32> to vector<256x16xi32>
    %select_n3A_174 = arith.select %eq3A_167, %broadcast_in_dim3A_173, %select_n3A_156 : vector<256x16xi1>, vector<256x16xi32>
    %broadcast_in_dim3A_175 = vector.shape_cast %reduce_min3A_164 : vector<256xi32> to vector<256x1xi32>
    %eq3A_176 = vector.broadcast %broadcast_in_dim3A_175 : vector<256x1xi32> to vector<256x2944xi32>
    %eq3A_177 = arith.cmpi eq, %select_n3A_162, %eq3A_176 : vector<256x2944xi32>
    %jit3A_178 = arith.constant 2139095040 : i32
    %broadcast_in_dim3A_179 = vector.broadcast %jit3A_178 : i32 to vector<256x2944xi32>
    %select_n3A_180 = arith.select %eq3A_177, %broadcast_in_dim3A_179, %select_n3A_162 : vector<256x2944xi1>, vector<256x2944xi32>
    %reduce_min3A_181 = arith.constant dense<2147483647> : vector<256xi32>
    %reduce_min3A_182 = vector.multi_reduction <minsi>, %select_n3A_180, %reduce_min3A_181 [1] : vector<256x2944xi32> to vector<256xi32>
    %eq3A_183 = arith.constant 9 : i32
    %eq3A_184 = vector.broadcast %eq3A_183 : i32 to vector<256x16xi32>
    %eq3A_185 = arith.cmpi eq, %iota3A_16, %eq3A_184 : vector<256x16xi32>
    %and3A_186 = arith.constant 8191 : i32
    %and3A_187 = vector.broadcast %and3A_186 : i32 to vector<256xi32>
    %and3A_188 = arith.andi %reduce_min3A_182, %and3A_187 : vector<256xi32>
    %broadcast_in_dim3A_189 = vector.shape_cast %and3A_188 : vector<256xi32> to vector<256x1xi32>
    %broadcast_in_dim3A_190 = vector.shape_cast %broadcast_in_dim3A_189 : vector<256x1xi32> to vector<256x1xi32>
    %broadcast_in_dim3A_191 = vector.broadcast %broadcast_in_dim3A_190 : vector<256x1xi32> to vector<256x16xi32>
    %select_n3A_192 = arith.select %eq3A_185, %broadcast_in_dim3A_191, %select_n3A_174 : vector<256x16xi1>, vector<256x16xi32>
    %broadcast_in_dim3A_193 = vector.shape_cast %reduce_min3A_182 : vector<256xi32> to vector<256x1xi32>
    %eq3A_194 = vector.broadcast %broadcast_in_dim3A_193 : vector<256x1xi32> to vector<256x2944xi32>
    %eq3A_195 = arith.cmpi eq, %select_n3A_180, %eq3A_194 : vector<256x2944xi32>
    %jit3A_196 = arith.constant 2139095040 : i32
    %broadcast_in_dim3A_197 = vector.broadcast %jit3A_196 : i32 to vector<256x2944xi32>
    %select_n3A_198 = arith.select %eq3A_195, %broadcast_in_dim3A_197, %select_n3A_180 : vector<256x2944xi1>, vector<256x2944xi32>
    %reduce_min3A_199 = arith.constant dense<2147483647> : vector<256xi32>
    %reduce_min3A_200 = vector.multi_reduction <minsi>, %select_n3A_198, %reduce_min3A_199 [1] : vector<256x2944xi32> to vector<256xi32>
    %eq3A_201 = arith.constant 10 : i32
    %eq3A_202 = vector.broadcast %eq3A_201 : i32 to vector<256x16xi32>
    %eq3A_203 = arith.cmpi eq, %iota3A_16, %eq3A_202 : vector<256x16xi32>
    %and3A_204 = arith.constant 8191 : i32
    %and3A_205 = vector.broadcast %and3A_204 : i32 to vector<256xi32>
    %and3A_206 = arith.andi %reduce_min3A_200, %and3A_205 : vector<256xi32>
    %broadcast_in_dim3A_207 = vector.shape_cast %and3A_206 : vector<256xi32> to vector<256x1xi32>
    %broadcast_in_dim3A_208 = vector.shape_cast %broadcast_in_dim3A_207 : vector<256x1xi32> to vector<256x1xi32>
    %broadcast_in_dim3A_209 = vector.broadcast %broadcast_in_dim3A_208 : vector<256x1xi32> to vector<256x16xi32>
    %select_n3A_210 = arith.select %eq3A_203, %broadcast_in_dim3A_209, %select_n3A_192 : vector<256x16xi1>, vector<256x16xi32>
    %broadcast_in_dim3A_211 = vector.shape_cast %reduce_min3A_200 : vector<256xi32> to vector<256x1xi32>
    %eq3A_212 = vector.broadcast %broadcast_in_dim3A_211 : vector<256x1xi32> to vector<256x2944xi32>
    %eq3A_213 = arith.cmpi eq, %select_n3A_198, %eq3A_212 : vector<256x2944xi32>
    %jit3A_214 = arith.constant 2139095040 : i32
    %broadcast_in_dim3A_215 = vector.broadcast %jit3A_214 : i32 to vector<256x2944xi32>
    %select_n3A_216 = arith.select %eq3A_213, %broadcast_in_dim3A_215, %select_n3A_198 : vector<256x2944xi1>, vector<256x2944xi32>
    %reduce_min3A_217 = arith.constant dense<2147483647> : vector<256xi32>
    %reduce_min3A_218 = vector.multi_reduction <minsi>, %select_n3A_216, %reduce_min3A_217 [1] : vector<256x2944xi32> to vector<256xi32>
    %eq3A_219 = arith.constant 11 : i32
    %eq3A_220 = vector.broadcast %eq3A_219 : i32 to vector<256x16xi32>
    %eq3A_221 = arith.cmpi eq, %iota3A_16, %eq3A_220 : vector<256x16xi32>
    %and3A_222 = arith.constant 8191 : i32
    %and3A_223 = vector.broadcast %and3A_222 : i32 to vector<256xi32>
    %and3A_224 = arith.andi %reduce_min3A_218, %and3A_223 : vector<256xi32>
    %broadcast_in_dim3A_225 = vector.shape_cast %and3A_224 : vector<256xi32> to vector<256x1xi32>
    %broadcast_in_dim3A_226 = vector.shape_cast %broadcast_in_dim3A_225 : vector<256x1xi32> to vector<256x1xi32>
    %broadcast_in_dim3A_227 = vector.broadcast %broadcast_in_dim3A_226 : vector<256x1xi32> to vector<256x16xi32>
    %select_n3A_228 = arith.select %eq3A_221, %broadcast_in_dim3A_227, %select_n3A_210 : vector<256x16xi1>, vector<256x16xi32>
    %broadcast_in_dim3A_229 = vector.shape_cast %reduce_min3A_218 : vector<256xi32> to vector<256x1xi32>
    %eq3A_230 = vector.broadcast %broadcast_in_dim3A_229 : vector<256x1xi32> to vector<256x2944xi32>
    %eq3A_231 = arith.cmpi eq, %select_n3A_216, %eq3A_230 : vector<256x2944xi32>
    %jit3A_232 = arith.constant 2139095040 : i32
    %broadcast_in_dim3A_233 = vector.broadcast %jit3A_232 : i32 to vector<256x2944xi32>
    %select_n3A_234 = arith.select %eq3A_231, %broadcast_in_dim3A_233, %select_n3A_216 : vector<256x2944xi1>, vector<256x2944xi32>
    %reduce_min3A_235 = arith.constant dense<2147483647> : vector<256xi32>
    %reduce_min3A_236 = vector.multi_reduction <minsi>, %select_n3A_234, %reduce_min3A_235 [1] : vector<256x2944xi32> to vector<256xi32>
    %eq3A_237 = arith.constant 12 : i32
    %eq3A_238 = vector.broadcast %eq3A_237 : i32 to vector<256x16xi32>
    %eq3A_239 = arith.cmpi eq, %iota3A_16, %eq3A_238 : vector<256x16xi32>
    %and3A_240 = arith.constant 8191 : i32
    %and3A_241 = vector.broadcast %and3A_240 : i32 to vector<256xi32>
    %and3A_242 = arith.andi %reduce_min3A_236, %and3A_241 : vector<256xi32>
    %broadcast_in_dim3A_243 = vector.shape_cast %and3A_242 : vector<256xi32> to vector<256x1xi32>
    %broadcast_in_dim3A_244 = vector.shape_cast %broadcast_in_dim3A_243 : vector<256x1xi32> to vector<256x1xi32>
    %broadcast_in_dim3A_245 = vector.broadcast %broadcast_in_dim3A_244 : vector<256x1xi32> to vector<256x16xi32>
    %select_n3A_246 = arith.select %eq3A_239, %broadcast_in_dim3A_245, %select_n3A_228 : vector<256x16xi1>, vector<256x16xi32>
    %broadcast_in_dim3A_247 = vector.shape_cast %reduce_min3A_236 : vector<256xi32> to vector<256x1xi32>
    %eq3A_248 = vector.broadcast %broadcast_in_dim3A_247 : vector<256x1xi32> to vector<256x2944xi32>
    %eq3A_249 = arith.cmpi eq, %select_n3A_234, %eq3A_248 : vector<256x2944xi32>
    %jit3A_250 = arith.constant 2139095040 : i32
    %broadcast_in_dim3A_251 = vector.broadcast %jit3A_250 : i32 to vector<256x2944xi32>
    %select_n3A_252 = arith.select %eq3A_249, %broadcast_in_dim3A_251, %select_n3A_234 : vector<256x2944xi1>, vector<256x2944xi32>
    %reduce_min3A_253 = arith.constant dense<2147483647> : vector<256xi32>
    %reduce_min3A_254 = vector.multi_reduction <minsi>, %select_n3A_252, %reduce_min3A_253 [1] : vector<256x2944xi32> to vector<256xi32>
    %eq3A_255 = arith.constant 13 : i32
    %eq3A_256 = vector.broadcast %eq3A_255 : i32 to vector<256x16xi32>
    %eq3A_257 = arith.cmpi eq, %iota3A_16, %eq3A_256 : vector<256x16xi32>
    %and3A_258 = arith.constant 8191 : i32
    %and3A_259 = vector.broadcast %and3A_258 : i32 to vector<256xi32>
    %and3A_260 = arith.andi %reduce_min3A_254, %and3A_259 : vector<256xi32>
    %broadcast_in_dim3A_261 = vector.shape_cast %and3A_260 : vector<256xi32> to vector<256x1xi32>
    %broadcast_in_dim3A_262 = vector.shape_cast %broadcast_in_dim3A_261 : vector<256x1xi32> to vector<256x1xi32>
    %broadcast_in_dim3A_263 = vector.broadcast %broadcast_in_dim3A_262 : vector<256x1xi32> to vector<256x16xi32>
    %select_n3A_264 = arith.select %eq3A_257, %broadcast_in_dim3A_263, %select_n3A_246 : vector<256x16xi1>, vector<256x16xi32>
    %broadcast_in_dim3A_265 = vector.shape_cast %reduce_min3A_254 : vector<256xi32> to vector<256x1xi32>
    %eq3A_266 = vector.broadcast %broadcast_in_dim3A_265 : vector<256x1xi32> to vector<256x2944xi32>
    %eq3A_267 = arith.cmpi eq, %select_n3A_252, %eq3A_266 : vector<256x2944xi32>
    %jit3A_268 = arith.constant 2139095040 : i32
    %broadcast_in_dim3A_269 = vector.broadcast %jit3A_268 : i32 to vector<256x2944xi32>
    %select_n3A_270 = arith.select %eq3A_267, %broadcast_in_dim3A_269, %select_n3A_252 : vector<256x2944xi1>, vector<256x2944xi32>
    %reduce_min3A_271 = arith.constant dense<2147483647> : vector<256xi32>
    %reduce_min3A_272 = vector.multi_reduction <minsi>, %select_n3A_270, %reduce_min3A_271 [1] : vector<256x2944xi32> to vector<256xi32>
    %eq3A_273 = arith.constant 14 : i32
    %eq3A_274 = vector.broadcast %eq3A_273 : i32 to vector<256x16xi32>
    %eq3A_275 = arith.cmpi eq, %iota3A_16, %eq3A_274 : vector<256x16xi32>
    %and3A_276 = arith.constant 8191 : i32
    %and3A_277 = vector.broadcast %and3A_276 : i32 to vector<256xi32>
    %and3A_278 = arith.andi %reduce_min3A_272, %and3A_277 : vector<256xi32>
    %broadcast_in_dim3A_279 = vector.shape_cast %and3A_278 : vector<256xi32> to vector<256x1xi32>
    %broadcast_in_dim3A_280 = vector.shape_cast %broadcast_in_dim3A_279 : vector<256x1xi32> to vector<256x1xi32>
    %broadcast_in_dim3A_281 = vector.broadcast %broadcast_in_dim3A_280 : vector<256x1xi32> to vector<256x16xi32>
    %select_n3A_282 = arith.select %eq3A_275, %broadcast_in_dim3A_281, %select_n3A_264 : vector<256x16xi1>, vector<256x16xi32>
    %broadcast_in_dim3A_283 = vector.shape_cast %reduce_min3A_272 : vector<256xi32> to vector<256x1xi32>
    %eq3A_284 = vector.broadcast %broadcast_in_dim3A_283 : vector<256x1xi32> to vector<256x2944xi32>
    %eq3A_285 = arith.cmpi eq, %select_n3A_270, %eq3A_284 : vector<256x2944xi32>
    %jit3A_286 = arith.constant 2139095040 : i32
    %broadcast_in_dim3A_287 = vector.broadcast %jit3A_286 : i32 to vector<256x2944xi32>
    %select_n3A_288 = arith.select %eq3A_285, %broadcast_in_dim3A_287, %select_n3A_270 : vector<256x2944xi1>, vector<256x2944xi32>
    %reduce_min3A_289 = arith.constant dense<2147483647> : vector<256xi32>
    %reduce_min3A_290 = vector.multi_reduction <minsi>, %select_n3A_288, %reduce_min3A_289 [1] : vector<256x2944xi32> to vector<256xi32>
    %eq3A_291 = arith.constant 15 : i32
    %eq3A_292 = vector.broadcast %eq3A_291 : i32 to vector<256x16xi32>
    %eq3A_293 = arith.cmpi eq, %iota3A_16, %eq3A_292 : vector<256x16xi32>
    %and3A_294 = arith.constant 8191 : i32
    %and3A_295 = vector.broadcast %and3A_294 : i32 to vector<256xi32>
    %and3A_296 = arith.andi %reduce_min3A_290, %and3A_295 : vector<256xi32>
    %broadcast_in_dim3A_297 = vector.shape_cast %and3A_296 : vector<256xi32> to vector<256x1xi32>
    %broadcast_in_dim3A_298 = vector.shape_cast %broadcast_in_dim3A_297 : vector<256x1xi32> to vector<256x1xi32>
    %broadcast_in_dim3A_299 = vector.broadcast %broadcast_in_dim3A_298 : vector<256x1xi32> to vector<256x16xi32>
    %select_n3A_300 = arith.select %eq3A_293, %broadcast_in_dim3A_299, %select_n3A_282 : vector<256x16xi1>, vector<256x16xi32>
    %swap3A = arith.constant 0 : index
    %swap3A_301 = arith.constant 0 : index
    %swap3A_302 = vector.load %arg4[%swap3A, %swap3A_301] : memref<256x16xi32, #tpu.memory_space<vmem>>, vector<256x16xi32>
    tpu.vector_store %arg4[%swap3A, %swap3A_301], %select_n3A_300 {strides = array<i32>} : memref<256x16xi32, #tpu.memory_space<vmem>>, vector<256x16xi32>,
    return
  }
  func.func @transform_0(%arg0: i32) -> (i32, i32) {
    %add3A = arith.constant 11 : i32
    %add3A_0 = arith.addi %add3A, %arg0 : i32
    %c0_i32 = arith.constant 0 : i32
    %c0_i32_1 = arith.constant 0 : i32
    return %add3A_0, %c0_i32 : i32, i32
  }
  func.func @transform_1(%arg0: i32) -> (i32, i32) {
    %c0_i32 = arith.constant 0 : i32
    %c0_i32_0 = arith.constant 0 : i32
    %c0_i32_1 = arith.constant 0 : i32
    return %c0_i32, %c0_i32_0 : i32, i32
  }
  func.func @transform_3(%arg0: i32) -> (i32, i32) {
    %add3A = arith.constant 11 : i32
    %add3A_0 = arith.addi %add3A, %arg0 : i32
    %c0_i32 = arith.constant 0 : i32
    %c0_i32_1 = arith.constant 0 : i32
    return %add3A_0, %c0_i32 : i32, i32
  }
}

module attributes {stable_mosaic.version = 14 : i64} {
  func.func @_knn_body(%arg0: i32, %arg1: memref<256x8xf32, #tpu.memory_space<vmem>>, %arg2: memref<8x3968xf32, #tpu.memory_space<vmem>>, %arg3: memref<6912x16xi32, #tpu.memory_space<any>>, %arg4: memref<256x16xi32, #tpu.memory_space<vmem>>) attributes {dimension_semantics = [#tpu.dimension_semantics<arbitrary>], iteration_bounds = array<i64: 4>, scalar_prefetch = 0 : i64, scratch_operands = 0 : i64, tpu.core_type = #tpu.core_type<tc>, window_params = [{transform_indices = @transform_0, window_bounds = array<i64: 256, 8>}, {transform_indices = @transform_1, window_bounds = array<i64: 8, 3968>}, {}, {transform_indices = @transform_3, window_bounds = array<i64: 256, 16>}]} {
    %get3A = arith.constant 0 : index
    %get3A_0 = arith.constant 0 : index
    %get3A_1 = vector.load %arg1[%get3A, %get3A_0] : memref<256x8xf32, #tpu.memory_space<vmem>>, vector<256x8xf32>
    %get3A_2 = arith.constant 0 : index
    %get3A_3 = arith.constant 0 : index
    %get3A_4 = vector.load %arg2[%get3A_2, %get3A_3] : memref<8x3968xf32, #tpu.memory_space<vmem>>, vector<8x3968xf32>
    %mul3A = arith.mulf %get3A_1, %get3A_1 : vector<256x8xf32>
    %reduce_sum3A = arith.constant dense<0.000000e+00> : vector<256xf32>
    %reduce_sum3A_5 = vector.multi_reduction <add>, %mul3A, %reduce_sum3A [1] : vector<256x8xf32> to vector<256xf32>
    %broadcast_in_dim3A = vector.shape_cast %reduce_sum3A_5 : vector<256xf32> to vector<256x1xf32>
    %mul3A_6 = arith.mulf %get3A_4, %get3A_4 : vector<8x3968xf32>
    %reduce_sum3A_7 = arith.constant dense<0.000000e+00> : vector<3968xf32>
    %reduce_sum3A_8 = vector.multi_reduction <add>, %mul3A_6, %reduce_sum3A_7 [0] : vector<8x3968xf32> to vector<3968xf32>
    %broadcast_in_dim3A_9 = vector.shape_cast %reduce_sum3A_8 : vector<3968xf32> to vector<1x3968xf32>
    %add3A = vector.broadcast %broadcast_in_dim3A : vector<256x1xf32> to vector<256x3968xf32>
    %add3A_10 = vector.broadcast %broadcast_in_dim3A_9 : vector<1x3968xf32> to vector<256x3968xf32>
    %add3A_11 = arith.addf %add3A, %add3A_10 : vector<256x3968xf32>
    %dot_general3A = arith.constant dense<0.000000e+00> : vector<256x3968xf32>
    %dot_general3A_12 = tpu.matmul %get3A_1, %get3A_4, %dot_general3A {dimension_numbers = #tpu.dot_dimension_numbers<[1], [0], [0], [1], [0, 0, 1, 1], [], []>, transpose_lhs_hint = false} : vector<256x8xf32>, vector<8x3968xf32>, vector<256x3968xf32> -> vector<256x3968xf32>
    %mul3A_13 = arith.constant 2.000000e+00 : f32
    %mul3A_14 = vector.broadcast %mul3A_13 : f32 to vector<256x3968xf32>
    %mul3A_15 = arith.mulf %mul3A_14, %dot_general3A_12 : vector<256x3968xf32>
    %sub3A = arith.subf %add3A_11, %mul3A_15 : vector<256x3968xf32>
    %iota3A = tpu.iota {dimensions = array<i32: 1>} : vector<256x3968xi32>
    %iota3A_16 = tpu.iota {dimensions = array<i32: 1>} : vector<256x16xi32>
    %max3A = arith.constant 0.000000e+00 : f32
    %max3A_17 = vector.broadcast %max3A : f32 to vector<256x3968xf32>
    %max3A_18 = arith.maximumf %sub3A, %max3A_17 : vector<256x3968xf32>
    %bitcast_convert_type3A = tpu.bitcast %max3A_18 : vector<256x3968xf32> -> vector<256x3968xi32>
    %and3A = arith.constant -8192 : i32
    %and3A_19 = vector.broadcast %and3A : i32 to vector<256x3968xi32>
    %and3A_20 = arith.andi %bitcast_convert_type3A, %and3A_19 : vector<256x3968xi32>
    %or3A = arith.ori %and3A_20, %iota3A : vector<256x3968xi32>
    %broadcast_in_dim3A_21 = arith.constant 0 : i32
    %broadcast_in_dim3A_22 = vector.broadcast %broadcast_in_dim3A_21 : i32 to vector<256x16xi32>
    %reduce_min3A = arith.constant dense<2147483647> : vector<256xi32>
    %reduce_min3A_23 = vector.multi_reduction <minsi>, %or3A, %reduce_min3A [1] : vector<256x3968xi32> to vector<256xi32>
    %eq3A = arith.constant 0 : i32
    %eq3A_24 = vector.broadcast %eq3A : i32 to vector<256x16xi32>
    %eq3A_25 = arith.cmpi eq, %iota3A_16, %eq3A_24 : vector<256x16xi32>
    %and3A_26 = arith.constant 8191 : i32
    %and3A_27 = vector.broadcast %and3A_26 : i32 to vector<256xi32>
    %and3A_28 = arith.andi %reduce_min3A_23, %and3A_27 : vector<256xi32>
    %broadcast_in_dim3A_29 = vector.shape_cast %and3A_28 : vector<256xi32> to vector<256x1xi32>
    %broadcast_in_dim3A_30 = vector.shape_cast %broadcast_in_dim3A_29 : vector<256x1xi32> to vector<256x1xi32>
    %broadcast_in_dim3A_31 = vector.broadcast %broadcast_in_dim3A_30 : vector<256x1xi32> to vector<256x16xi32>
    %select_n3A = arith.select %eq3A_25, %broadcast_in_dim3A_31, %broadcast_in_dim3A_22 : vector<256x16xi1>, vector<256x16xi32>
    %broadcast_in_dim3A_32 = vector.shape_cast %reduce_min3A_23 : vector<256xi32> to vector<256x1xi32>
    %eq3A_33 = vector.broadcast %broadcast_in_dim3A_32 : vector<256x1xi32> to vector<256x3968xi32>
    %eq3A_34 = arith.cmpi eq, %or3A, %eq3A_33 : vector<256x3968xi32>
    %jit3A = arith.constant 2139095040 : i32
    %broadcast_in_dim3A_35 = vector.broadcast %jit3A : i32 to vector<256x3968xi32>
    %select_n3A_36 = arith.select %eq3A_34, %broadcast_in_dim3A_35, %or3A : vector<256x3968xi1>, vector<256x3968xi32>
    %reduce_min3A_37 = arith.constant dense<2147483647> : vector<256xi32>
    %reduce_min3A_38 = vector.multi_reduction <minsi>, %select_n3A_36, %reduce_min3A_37 [1] : vector<256x3968xi32> to vector<256xi32>
    %eq3A_39 = arith.constant 1 : i32
    %eq3A_40 = vector.broadcast %eq3A_39 : i32 to vector<256x16xi32>
    %eq3A_41 = arith.cmpi eq, %iota3A_16, %eq3A_40 : vector<256x16xi32>
    %and3A_42 = arith.constant 8191 : i32
    %and3A_43 = vector.broadcast %and3A_42 : i32 to vector<256xi32>
    %and3A_44 = arith.andi %reduce_min3A_38, %and3A_43 : vector<256xi32>
    %broadcast_in_dim3A_45 = vector.shape_cast %and3A_44 : vector<256xi32> to vector<256x1xi32>
    %broadcast_in_dim3A_46 = vector.shape_cast %broadcast_in_dim3A_45 : vector<256x1xi32> to vector<256x1xi32>
    %broadcast_in_dim3A_47 = vector.broadcast %broadcast_in_dim3A_46 : vector<256x1xi32> to vector<256x16xi32>
    %select_n3A_48 = arith.select %eq3A_41, %broadcast_in_dim3A_47, %select_n3A : vector<256x16xi1>, vector<256x16xi32>
    %broadcast_in_dim3A_49 = vector.shape_cast %reduce_min3A_38 : vector<256xi32> to vector<256x1xi32>
    %eq3A_50 = vector.broadcast %broadcast_in_dim3A_49 : vector<256x1xi32> to vector<256x3968xi32>
    %eq3A_51 = arith.cmpi eq, %select_n3A_36, %eq3A_50 : vector<256x3968xi32>
    %jit3A_52 = arith.constant 2139095040 : i32
    %broadcast_in_dim3A_53 = vector.broadcast %jit3A_52 : i32 to vector<256x3968xi32>
    %select_n3A_54 = arith.select %eq3A_51, %broadcast_in_dim3A_53, %select_n3A_36 : vector<256x3968xi1>, vector<256x3968xi32>
    %reduce_min3A_55 = arith.constant dense<2147483647> : vector<256xi32>
    %reduce_min3A_56 = vector.multi_reduction <minsi>, %select_n3A_54, %reduce_min3A_55 [1] : vector<256x3968xi32> to vector<256xi32>
    %eq3A_57 = arith.constant 2 : i32
    %eq3A_58 = vector.broadcast %eq3A_57 : i32 to vector<256x16xi32>
    %eq3A_59 = arith.cmpi eq, %iota3A_16, %eq3A_58 : vector<256x16xi32>
    %and3A_60 = arith.constant 8191 : i32
    %and3A_61 = vector.broadcast %and3A_60 : i32 to vector<256xi32>
    %and3A_62 = arith.andi %reduce_min3A_56, %and3A_61 : vector<256xi32>
    %broadcast_in_dim3A_63 = vector.shape_cast %and3A_62 : vector<256xi32> to vector<256x1xi32>
    %broadcast_in_dim3A_64 = vector.shape_cast %broadcast_in_dim3A_63 : vector<256x1xi32> to vector<256x1xi32>
    %broadcast_in_dim3A_65 = vector.broadcast %broadcast_in_dim3A_64 : vector<256x1xi32> to vector<256x16xi32>
    %select_n3A_66 = arith.select %eq3A_59, %broadcast_in_dim3A_65, %select_n3A_48 : vector<256x16xi1>, vector<256x16xi32>
    %broadcast_in_dim3A_67 = vector.shape_cast %reduce_min3A_56 : vector<256xi32> to vector<256x1xi32>
    %eq3A_68 = vector.broadcast %broadcast_in_dim3A_67 : vector<256x1xi32> to vector<256x3968xi32>
    %eq3A_69 = arith.cmpi eq, %select_n3A_54, %eq3A_68 : vector<256x3968xi32>
    %jit3A_70 = arith.constant 2139095040 : i32
    %broadcast_in_dim3A_71 = vector.broadcast %jit3A_70 : i32 to vector<256x3968xi32>
    %select_n3A_72 = arith.select %eq3A_69, %broadcast_in_dim3A_71, %select_n3A_54 : vector<256x3968xi1>, vector<256x3968xi32>
    %reduce_min3A_73 = arith.constant dense<2147483647> : vector<256xi32>
    %reduce_min3A_74 = vector.multi_reduction <minsi>, %select_n3A_72, %reduce_min3A_73 [1] : vector<256x3968xi32> to vector<256xi32>
    %eq3A_75 = arith.constant 3 : i32
    %eq3A_76 = vector.broadcast %eq3A_75 : i32 to vector<256x16xi32>
    %eq3A_77 = arith.cmpi eq, %iota3A_16, %eq3A_76 : vector<256x16xi32>
    %and3A_78 = arith.constant 8191 : i32
    %and3A_79 = vector.broadcast %and3A_78 : i32 to vector<256xi32>
    %and3A_80 = arith.andi %reduce_min3A_74, %and3A_79 : vector<256xi32>
    %broadcast_in_dim3A_81 = vector.shape_cast %and3A_80 : vector<256xi32> to vector<256x1xi32>
    %broadcast_in_dim3A_82 = vector.shape_cast %broadcast_in_dim3A_81 : vector<256x1xi32> to vector<256x1xi32>
    %broadcast_in_dim3A_83 = vector.broadcast %broadcast_in_dim3A_82 : vector<256x1xi32> to vector<256x16xi32>
    %select_n3A_84 = arith.select %eq3A_77, %broadcast_in_dim3A_83, %select_n3A_66 : vector<256x16xi1>, vector<256x16xi32>
    %broadcast_in_dim3A_85 = vector.shape_cast %reduce_min3A_74 : vector<256xi32> to vector<256x1xi32>
    %eq3A_86 = vector.broadcast %broadcast_in_dim3A_85 : vector<256x1xi32> to vector<256x3968xi32>
    %eq3A_87 = arith.cmpi eq, %select_n3A_72, %eq3A_86 : vector<256x3968xi32>
    %jit3A_88 = arith.constant 2139095040 : i32
    %broadcast_in_dim3A_89 = vector.broadcast %jit3A_88 : i32 to vector<256x3968xi32>
    %select_n3A_90 = arith.select %eq3A_87, %broadcast_in_dim3A_89, %select_n3A_72 : vector<256x3968xi1>, vector<256x3968xi32>
    %reduce_min3A_91 = arith.constant dense<2147483647> : vector<256xi32>
    %reduce_min3A_92 = vector.multi_reduction <minsi>, %select_n3A_90, %reduce_min3A_91 [1] : vector<256x3968xi32> to vector<256xi32>
    %eq3A_93 = arith.constant 4 : i32
    %eq3A_94 = vector.broadcast %eq3A_93 : i32 to vector<256x16xi32>
    %eq3A_95 = arith.cmpi eq, %iota3A_16, %eq3A_94 : vector<256x16xi32>
    %and3A_96 = arith.constant 8191 : i32
    %and3A_97 = vector.broadcast %and3A_96 : i32 to vector<256xi32>
    %and3A_98 = arith.andi %reduce_min3A_92, %and3A_97 : vector<256xi32>
    %broadcast_in_dim3A_99 = vector.shape_cast %and3A_98 : vector<256xi32> to vector<256x1xi32>
    %broadcast_in_dim3A_100 = vector.shape_cast %broadcast_in_dim3A_99 : vector<256x1xi32> to vector<256x1xi32>
    %broadcast_in_dim3A_101 = vector.broadcast %broadcast_in_dim3A_100 : vector<256x1xi32> to vector<256x16xi32>
    %select_n3A_102 = arith.select %eq3A_95, %broadcast_in_dim3A_101, %select_n3A_84 : vector<256x16xi1>, vector<256x16xi32>
    %broadcast_in_dim3A_103 = vector.shape_cast %reduce_min3A_92 : vector<256xi32> to vector<256x1xi32>
    %eq3A_104 = vector.broadcast %broadcast_in_dim3A_103 : vector<256x1xi32> to vector<256x3968xi32>
    %eq3A_105 = arith.cmpi eq, %select_n3A_90, %eq3A_104 : vector<256x3968xi32>
    %jit3A_106 = arith.constant 2139095040 : i32
    %broadcast_in_dim3A_107 = vector.broadcast %jit3A_106 : i32 to vector<256x3968xi32>
    %select_n3A_108 = arith.select %eq3A_105, %broadcast_in_dim3A_107, %select_n3A_90 : vector<256x3968xi1>, vector<256x3968xi32>
    %reduce_min3A_109 = arith.constant dense<2147483647> : vector<256xi32>
    %reduce_min3A_110 = vector.multi_reduction <minsi>, %select_n3A_108, %reduce_min3A_109 [1] : vector<256x3968xi32> to vector<256xi32>
    %eq3A_111 = arith.constant 5 : i32
    %eq3A_112 = vector.broadcast %eq3A_111 : i32 to vector<256x16xi32>
    %eq3A_113 = arith.cmpi eq, %iota3A_16, %eq3A_112 : vector<256x16xi32>
    %and3A_114 = arith.constant 8191 : i32
    %and3A_115 = vector.broadcast %and3A_114 : i32 to vector<256xi32>
    %and3A_116 = arith.andi %reduce_min3A_110, %and3A_115 : vector<256xi32>
    %broadcast_in_dim3A_117 = vector.shape_cast %and3A_116 : vector<256xi32> to vector<256x1xi32>
    %broadcast_in_dim3A_118 = vector.shape_cast %broadcast_in_dim3A_117 : vector<256x1xi32> to vector<256x1xi32>
    %broadcast_in_dim3A_119 = vector.broadcast %broadcast_in_dim3A_118 : vector<256x1xi32> to vector<256x16xi32>
    %select_n3A_120 = arith.select %eq3A_113, %broadcast_in_dim3A_119, %select_n3A_102 : vector<256x16xi1>, vector<256x16xi32>
    %broadcast_in_dim3A_121 = vector.shape_cast %reduce_min3A_110 : vector<256xi32> to vector<256x1xi32>
    %eq3A_122 = vector.broadcast %broadcast_in_dim3A_121 : vector<256x1xi32> to vector<256x3968xi32>
    %eq3A_123 = arith.cmpi eq, %select_n3A_108, %eq3A_122 : vector<256x3968xi32>
    %jit3A_124 = arith.constant 2139095040 : i32
    %broadcast_in_dim3A_125 = vector.broadcast %jit3A_124 : i32 to vector<256x3968xi32>
    %select_n3A_126 = arith.select %eq3A_123, %broadcast_in_dim3A_125, %select_n3A_108 : vector<256x3968xi1>, vector<256x3968xi32>
    %reduce_min3A_127 = arith.constant dense<2147483647> : vector<256xi32>
    %reduce_min3A_128 = vector.multi_reduction <minsi>, %select_n3A_126, %reduce_min3A_127 [1] : vector<256x3968xi32> to vector<256xi32>
    %eq3A_129 = arith.constant 6 : i32
    %eq3A_130 = vector.broadcast %eq3A_129 : i32 to vector<256x16xi32>
    %eq3A_131 = arith.cmpi eq, %iota3A_16, %eq3A_130 : vector<256x16xi32>
    %and3A_132 = arith.constant 8191 : i32
    %and3A_133 = vector.broadcast %and3A_132 : i32 to vector<256xi32>
    %and3A_134 = arith.andi %reduce_min3A_128, %and3A_133 : vector<256xi32>
    %broadcast_in_dim3A_135 = vector.shape_cast %and3A_134 : vector<256xi32> to vector<256x1xi32>
    %broadcast_in_dim3A_136 = vector.shape_cast %broadcast_in_dim3A_135 : vector<256x1xi32> to vector<256x1xi32>
    %broadcast_in_dim3A_137 = vector.broadcast %broadcast_in_dim3A_136 : vector<256x1xi32> to vector<256x16xi32>
    %select_n3A_138 = arith.select %eq3A_131, %broadcast_in_dim3A_137, %select_n3A_120 : vector<256x16xi1>, vector<256x16xi32>
    %broadcast_in_dim3A_139 = vector.shape_cast %reduce_min3A_128 : vector<256xi32> to vector<256x1xi32>
    %eq3A_140 = vector.broadcast %broadcast_in_dim3A_139 : vector<256x1xi32> to vector<256x3968xi32>
    %eq3A_141 = arith.cmpi eq, %select_n3A_126, %eq3A_140 : vector<256x3968xi32>
    %jit3A_142 = arith.constant 2139095040 : i32
    %broadcast_in_dim3A_143 = vector.broadcast %jit3A_142 : i32 to vector<256x3968xi32>
    %select_n3A_144 = arith.select %eq3A_141, %broadcast_in_dim3A_143, %select_n3A_126 : vector<256x3968xi1>, vector<256x3968xi32>
    %reduce_min3A_145 = arith.constant dense<2147483647> : vector<256xi32>
    %reduce_min3A_146 = vector.multi_reduction <minsi>, %select_n3A_144, %reduce_min3A_145 [1] : vector<256x3968xi32> to vector<256xi32>
    %eq3A_147 = arith.constant 7 : i32
    %eq3A_148 = vector.broadcast %eq3A_147 : i32 to vector<256x16xi32>
    %eq3A_149 = arith.cmpi eq, %iota3A_16, %eq3A_148 : vector<256x16xi32>
    %and3A_150 = arith.constant 8191 : i32
    %and3A_151 = vector.broadcast %and3A_150 : i32 to vector<256xi32>
    %and3A_152 = arith.andi %reduce_min3A_146, %and3A_151 : vector<256xi32>
    %broadcast_in_dim3A_153 = vector.shape_cast %and3A_152 : vector<256xi32> to vector<256x1xi32>
    %broadcast_in_dim3A_154 = vector.shape_cast %broadcast_in_dim3A_153 : vector<256x1xi32> to vector<256x1xi32>
    %broadcast_in_dim3A_155 = vector.broadcast %broadcast_in_dim3A_154 : vector<256x1xi32> to vector<256x16xi32>
    %select_n3A_156 = arith.select %eq3A_149, %broadcast_in_dim3A_155, %select_n3A_138 : vector<256x16xi1>, vector<256x16xi32>
    %broadcast_in_dim3A_157 = vector.shape_cast %reduce_min3A_146 : vector<256xi32> to vector<256x1xi32>
    %eq3A_158 = vector.broadcast %broadcast_in_dim3A_157 : vector<256x1xi32> to vector<256x3968xi32>
    %eq3A_159 = arith.cmpi eq, %select_n3A_144, %eq3A_158 : vector<256x3968xi32>
    %jit3A_160 = arith.constant 2139095040 : i32
    %broadcast_in_dim3A_161 = vector.broadcast %jit3A_160 : i32 to vector<256x3968xi32>
    %select_n3A_162 = arith.select %eq3A_159, %broadcast_in_dim3A_161, %select_n3A_144 : vector<256x3968xi1>, vector<256x3968xi32>
    %reduce_min3A_163 = arith.constant dense<2147483647> : vector<256xi32>
    %reduce_min3A_164 = vector.multi_reduction <minsi>, %select_n3A_162, %reduce_min3A_163 [1] : vector<256x3968xi32> to vector<256xi32>
    %eq3A_165 = arith.constant 8 : i32
    %eq3A_166 = vector.broadcast %eq3A_165 : i32 to vector<256x16xi32>
    %eq3A_167 = arith.cmpi eq, %iota3A_16, %eq3A_166 : vector<256x16xi32>
    %and3A_168 = arith.constant 8191 : i32
    %and3A_169 = vector.broadcast %and3A_168 : i32 to vector<256xi32>
    %and3A_170 = arith.andi %reduce_min3A_164, %and3A_169 : vector<256xi32>
    %broadcast_in_dim3A_171 = vector.shape_cast %and3A_170 : vector<256xi32> to vector<256x1xi32>
    %broadcast_in_dim3A_172 = vector.shape_cast %broadcast_in_dim3A_171 : vector<256x1xi32> to vector<256x1xi32>
    %broadcast_in_dim3A_173 = vector.broadcast %broadcast_in_dim3A_172 : vector<256x1xi32> to vector<256x16xi32>
    %select_n3A_174 = arith.select %eq3A_167, %broadcast_in_dim3A_173, %select_n3A_156 : vector<256x16xi1>, vector<256x16xi32>
    %broadcast_in_dim3A_175 = vector.shape_cast %reduce_min3A_164 : vector<256xi32> to vector<256x1xi32>
    %eq3A_176 = vector.broadcast %broadcast_in_dim3A_175 : vector<256x1xi32> to vector<256x3968xi32>
    %eq3A_177 = arith.cmpi eq, %select_n3A_162, %eq3A_176 : vector<256x3968xi32>
    %jit3A_178 = arith.constant 2139095040 : i32
    %broadcast_in_dim3A_179 = vector.broadcast %jit3A_178 : i32 to vector<256x3968xi32>
    %select_n3A_180 = arith.select %eq3A_177, %broadcast_in_dim3A_179, %select_n3A_162 : vector<256x3968xi1>, vector<256x3968xi32>
    %reduce_min3A_181 = arith.constant dense<2147483647> : vector<256xi32>
    %reduce_min3A_182 = vector.multi_reduction <minsi>, %select_n3A_180, %reduce_min3A_181 [1] : vector<256x3968xi32> to vector<256xi32>
    %eq3A_183 = arith.constant 9 : i32
    %eq3A_184 = vector.broadcast %eq3A_183 : i32 to vector<256x16xi32>
    %eq3A_185 = arith.cmpi eq, %iota3A_16, %eq3A_184 : vector<256x16xi32>
    %and3A_186 = arith.constant 8191 : i32
    %and3A_187 = vector.broadcast %and3A_186 : i32 to vector<256xi32>
    %and3A_188 = arith.andi %reduce_min3A_182, %and3A_187 : vector<256xi32>
    %broadcast_in_dim3A_189 = vector.shape_cast %and3A_188 : vector<256xi32> to vector<256x1xi32>
    %broadcast_in_dim3A_190 = vector.shape_cast %broadcast_in_dim3A_189 : vector<256x1xi32> to vector<256x1xi32>
    %broadcast_in_dim3A_191 = vector.broadcast %broadcast_in_dim3A_190 : vector<256x1xi32> to vector<256x16xi32>
    %select_n3A_192 = arith.select %eq3A_185, %broadcast_in_dim3A_191, %select_n3A_174 : vector<256x16xi1>, vector<256x16xi32>
    %broadcast_in_dim3A_193 = vector.shape_cast %reduce_min3A_182 : vector<256xi32> to vector<256x1xi32>
    %eq3A_194 = vector.broadcast %broadcast_in_dim3A_193 : vector<256x1xi32> to vector<256x3968xi32>
    %eq3A_195 = arith.cmpi eq, %select_n3A_180, %eq3A_194 : vector<256x3968xi32>
    %jit3A_196 = arith.constant 2139095040 : i32
    %broadcast_in_dim3A_197 = vector.broadcast %jit3A_196 : i32 to vector<256x3968xi32>
    %select_n3A_198 = arith.select %eq3A_195, %broadcast_in_dim3A_197, %select_n3A_180 : vector<256x3968xi1>, vector<256x3968xi32>
    %reduce_min3A_199 = arith.constant dense<2147483647> : vector<256xi32>
    %reduce_min3A_200 = vector.multi_reduction <minsi>, %select_n3A_198, %reduce_min3A_199 [1] : vector<256x3968xi32> to vector<256xi32>
    %eq3A_201 = arith.constant 10 : i32
    %eq3A_202 = vector.broadcast %eq3A_201 : i32 to vector<256x16xi32>
    %eq3A_203 = arith.cmpi eq, %iota3A_16, %eq3A_202 : vector<256x16xi32>
    %and3A_204 = arith.constant 8191 : i32
    %and3A_205 = vector.broadcast %and3A_204 : i32 to vector<256xi32>
    %and3A_206 = arith.andi %reduce_min3A_200, %and3A_205 : vector<256xi32>
    %broadcast_in_dim3A_207 = vector.shape_cast %and3A_206 : vector<256xi32> to vector<256x1xi32>
    %broadcast_in_dim3A_208 = vector.shape_cast %broadcast_in_dim3A_207 : vector<256x1xi32> to vector<256x1xi32>
    %broadcast_in_dim3A_209 = vector.broadcast %broadcast_in_dim3A_208 : vector<256x1xi32> to vector<256x16xi32>
    %select_n3A_210 = arith.select %eq3A_203, %broadcast_in_dim3A_209, %select_n3A_192 : vector<256x16xi1>, vector<256x16xi32>
    %broadcast_in_dim3A_211 = vector.shape_cast %reduce_min3A_200 : vector<256xi32> to vector<256x1xi32>
    %eq3A_212 = vector.broadcast %broadcast_in_dim3A_211 : vector<256x1xi32> to vector<256x3968xi32>
    %eq3A_213 = arith.cmpi eq, %select_n3A_198, %eq3A_212 : vector<256x3968xi32>
    %jit3A_214 = arith.constant 2139095040 : i32
    %broadcast_in_dim3A_215 = vector.broadcast %jit3A_214 : i32 to vector<256x3968xi32>
    %select_n3A_216 = arith.select %eq3A_213, %broadcast_in_dim3A_215, %select_n3A_198 : vector<256x3968xi1>, vector<256x3968xi32>
    %reduce_min3A_217 = arith.constant dense<2147483647> : vector<256xi32>
    %reduce_min3A_218 = vector.multi_reduction <minsi>, %select_n3A_216, %reduce_min3A_217 [1] : vector<256x3968xi32> to vector<256xi32>
    %eq3A_219 = arith.constant 11 : i32
    %eq3A_220 = vector.broadcast %eq3A_219 : i32 to vector<256x16xi32>
    %eq3A_221 = arith.cmpi eq, %iota3A_16, %eq3A_220 : vector<256x16xi32>
    %and3A_222 = arith.constant 8191 : i32
    %and3A_223 = vector.broadcast %and3A_222 : i32 to vector<256xi32>
    %and3A_224 = arith.andi %reduce_min3A_218, %and3A_223 : vector<256xi32>
    %broadcast_in_dim3A_225 = vector.shape_cast %and3A_224 : vector<256xi32> to vector<256x1xi32>
    %broadcast_in_dim3A_226 = vector.shape_cast %broadcast_in_dim3A_225 : vector<256x1xi32> to vector<256x1xi32>
    %broadcast_in_dim3A_227 = vector.broadcast %broadcast_in_dim3A_226 : vector<256x1xi32> to vector<256x16xi32>
    %select_n3A_228 = arith.select %eq3A_221, %broadcast_in_dim3A_227, %select_n3A_210 : vector<256x16xi1>, vector<256x16xi32>
    %broadcast_in_dim3A_229 = vector.shape_cast %reduce_min3A_218 : vector<256xi32> to vector<256x1xi32>
    %eq3A_230 = vector.broadcast %broadcast_in_dim3A_229 : vector<256x1xi32> to vector<256x3968xi32>
    %eq3A_231 = arith.cmpi eq, %select_n3A_216, %eq3A_230 : vector<256x3968xi32>
    %jit3A_232 = arith.constant 2139095040 : i32
    %broadcast_in_dim3A_233 = vector.broadcast %jit3A_232 : i32 to vector<256x3968xi32>
    %select_n3A_234 = arith.select %eq3A_231, %broadcast_in_dim3A_233, %select_n3A_216 : vector<256x3968xi1>, vector<256x3968xi32>
    %reduce_min3A_235 = arith.constant dense<2147483647> : vector<256xi32>
    %reduce_min3A_236 = vector.multi_reduction <minsi>, %select_n3A_234, %reduce_min3A_235 [1] : vector<256x3968xi32> to vector<256xi32>
    %eq3A_237 = arith.constant 12 : i32
    %eq3A_238 = vector.broadcast %eq3A_237 : i32 to vector<256x16xi32>
    %eq3A_239 = arith.cmpi eq, %iota3A_16, %eq3A_238 : vector<256x16xi32>
    %and3A_240 = arith.constant 8191 : i32
    %and3A_241 = vector.broadcast %and3A_240 : i32 to vector<256xi32>
    %and3A_242 = arith.andi %reduce_min3A_236, %and3A_241 : vector<256xi32>
    %broadcast_in_dim3A_243 = vector.shape_cast %and3A_242 : vector<256xi32> to vector<256x1xi32>
    %broadcast_in_dim3A_244 = vector.shape_cast %broadcast_in_dim3A_243 : vector<256x1xi32> to vector<256x1xi32>
    %broadcast_in_dim3A_245 = vector.broadcast %broadcast_in_dim3A_244 : vector<256x1xi32> to vector<256x16xi32>
    %select_n3A_246 = arith.select %eq3A_239, %broadcast_in_dim3A_245, %select_n3A_228 : vector<256x16xi1>, vector<256x16xi32>
    %broadcast_in_dim3A_247 = vector.shape_cast %reduce_min3A_236 : vector<256xi32> to vector<256x1xi32>
    %eq3A_248 = vector.broadcast %broadcast_in_dim3A_247 : vector<256x1xi32> to vector<256x3968xi32>
    %eq3A_249 = arith.cmpi eq, %select_n3A_234, %eq3A_248 : vector<256x3968xi32>
    %jit3A_250 = arith.constant 2139095040 : i32
    %broadcast_in_dim3A_251 = vector.broadcast %jit3A_250 : i32 to vector<256x3968xi32>
    %select_n3A_252 = arith.select %eq3A_249, %broadcast_in_dim3A_251, %select_n3A_234 : vector<256x3968xi1>, vector<256x3968xi32>
    %reduce_min3A_253 = arith.constant dense<2147483647> : vector<256xi32>
    %reduce_min3A_254 = vector.multi_reduction <minsi>, %select_n3A_252, %reduce_min3A_253 [1] : vector<256x3968xi32> to vector<256xi32>
    %eq3A_255 = arith.constant 13 : i32
    %eq3A_256 = vector.broadcast %eq3A_255 : i32 to vector<256x16xi32>
    %eq3A_257 = arith.cmpi eq, %iota3A_16, %eq3A_256 : vector<256x16xi32>
    %and3A_258 = arith.constant 8191 : i32
    %and3A_259 = vector.broadcast %and3A_258 : i32 to vector<256xi32>
    %and3A_260 = arith.andi %reduce_min3A_254, %and3A_259 : vector<256xi32>
    %broadcast_in_dim3A_261 = vector.shape_cast %and3A_260 : vector<256xi32> to vector<256x1xi32>
    %broadcast_in_dim3A_262 = vector.shape_cast %broadcast_in_dim3A_261 : vector<256x1xi32> to vector<256x1xi32>
    %broadcast_in_dim3A_263 = vector.broadcast %broadcast_in_dim3A_262 : vector<256x1xi32> to vector<256x16xi32>
    %select_n3A_264 = arith.select %eq3A_257, %broadcast_in_dim3A_263, %select_n3A_246 : vector<256x16xi1>, vector<256x16xi32>
    %broadcast_in_dim3A_265 = vector.shape_cast %reduce_min3A_254 : vector<256xi32> to vector<256x1xi32>
    %eq3A_266 = vector.broadcast %broadcast_in_dim3A_265 : vector<256x1xi32> to vector<256x3968xi32>
    %eq3A_267 = arith.cmpi eq, %select_n3A_252, %eq3A_266 : vector<256x3968xi32>
    %jit3A_268 = arith.constant 2139095040 : i32
    %broadcast_in_dim3A_269 = vector.broadcast %jit3A_268 : i32 to vector<256x3968xi32>
    %select_n3A_270 = arith.select %eq3A_267, %broadcast_in_dim3A_269, %select_n3A_252 : vector<256x3968xi1>, vector<256x3968xi32>
    %reduce_min3A_271 = arith.constant dense<2147483647> : vector<256xi32>
    %reduce_min3A_272 = vector.multi_reduction <minsi>, %select_n3A_270, %reduce_min3A_271 [1] : vector<256x3968xi32> to vector<256xi32>
    %eq3A_273 = arith.constant 14 : i32
    %eq3A_274 = vector.broadcast %eq3A_273 : i32 to vector<256x16xi32>
    %eq3A_275 = arith.cmpi eq, %iota3A_16, %eq3A_274 : vector<256x16xi32>
    %and3A_276 = arith.constant 8191 : i32
    %and3A_277 = vector.broadcast %and3A_276 : i32 to vector<256xi32>
    %and3A_278 = arith.andi %reduce_min3A_272, %and3A_277 : vector<256xi32>
    %broadcast_in_dim3A_279 = vector.shape_cast %and3A_278 : vector<256xi32> to vector<256x1xi32>
    %broadcast_in_dim3A_280 = vector.shape_cast %broadcast_in_dim3A_279 : vector<256x1xi32> to vector<256x1xi32>
    %broadcast_in_dim3A_281 = vector.broadcast %broadcast_in_dim3A_280 : vector<256x1xi32> to vector<256x16xi32>
    %select_n3A_282 = arith.select %eq3A_275, %broadcast_in_dim3A_281, %select_n3A_264 : vector<256x16xi1>, vector<256x16xi32>
    %broadcast_in_dim3A_283 = vector.shape_cast %reduce_min3A_272 : vector<256xi32> to vector<256x1xi32>
    %eq3A_284 = vector.broadcast %broadcast_in_dim3A_283 : vector<256x1xi32> to vector<256x3968xi32>
    %eq3A_285 = arith.cmpi eq, %select_n3A_270, %eq3A_284 : vector<256x3968xi32>
    %jit3A_286 = arith.constant 2139095040 : i32
    %broadcast_in_dim3A_287 = vector.broadcast %jit3A_286 : i32 to vector<256x3968xi32>
    %select_n3A_288 = arith.select %eq3A_285, %broadcast_in_dim3A_287, %select_n3A_270 : vector<256x3968xi1>, vector<256x3968xi32>
    %reduce_min3A_289 = arith.constant dense<2147483647> : vector<256xi32>
    %reduce_min3A_290 = vector.multi_reduction <minsi>, %select_n3A_288, %reduce_min3A_289 [1] : vector<256x3968xi32> to vector<256xi32>
    %eq3A_291 = arith.constant 15 : i32
    %eq3A_292 = vector.broadcast %eq3A_291 : i32 to vector<256x16xi32>
    %eq3A_293 = arith.cmpi eq, %iota3A_16, %eq3A_292 : vector<256x16xi32>
    %and3A_294 = arith.constant 8191 : i32
    %and3A_295 = vector.broadcast %and3A_294 : i32 to vector<256xi32>
    %and3A_296 = arith.andi %reduce_min3A_290, %and3A_295 : vector<256xi32>
    %broadcast_in_dim3A_297 = vector.shape_cast %and3A_296 : vector<256xi32> to vector<256x1xi32>
    %broadcast_in_dim3A_298 = vector.shape_cast %broadcast_in_dim3A_297 : vector<256x1xi32> to vector<256x1xi32>
    %broadcast_in_dim3A_299 = vector.broadcast %broadcast_in_dim3A_298 : vector<256x1xi32> to vector<256x16xi32>
    %select_n3A_300 = arith.select %eq3A_293, %broadcast_in_dim3A_299, %select_n3A_282 : vector<256x16xi1>, vector<256x16xi32>
    %swap3A = arith.constant 0 : index
    %swap3A_301 = arith.constant 0 : index
    %swap3A_302 = vector.load %arg4[%swap3A, %swap3A_301] : memref<256x16xi32, #tpu.memory_space<vmem>>, vector<256x16xi32>
    tpu.vector_store %arg4[%swap3A, %swap3A_301], %select_n3A_300 {strides = array<i32>} : memref<256x16xi32, #tpu.memory_space<vmem>>, vector<256x16xi32>,
    return
  }
  func.func @transform_0(%arg0: i32) -> (i32, i32) {
    %add3A = arith.constant 15 : i32
    %add3A_0 = arith.addi %add3A, %arg0 : i32
    %c0_i32 = arith.constant 0 : i32
    %c0_i32_1 = arith.constant 0 : i32
    return %add3A_0, %c0_i32 : i32, i32
  }
  func.func @transform_1(%arg0: i32) -> (i32, i32) {
    %c0_i32 = arith.constant 0 : i32
    %c0_i32_0 = arith.constant 0 : i32
    %c0_i32_1 = arith.constant 0 : i32
    return %c0_i32, %c0_i32_0 : i32, i32
  }
  func.func @transform_3(%arg0: i32) -> (i32, i32) {
    %add3A = arith.constant 15 : i32
    %add3A_0 = arith.addi %add3A, %arg0 : i32
    %c0_i32 = arith.constant 0 : i32
    %c0_i32_1 = arith.constant 0 : i32
    return %add3A_0, %c0_i32 : i32, i32
  }
}

module attributes {stable_mosaic.version = 14 : i64} {
  func.func @_knn_body(%arg0: i32, %arg1: memref<256x8xf32, #tpu.memory_space<vmem>>, %arg2: memref<8x4992xf32, #tpu.memory_space<vmem>>, %arg3: memref<6912x16xi32, #tpu.memory_space<any>>, %arg4: memref<256x16xi32, #tpu.memory_space<vmem>>) attributes {dimension_semantics = [#tpu.dimension_semantics<arbitrary>], iteration_bounds = array<i64: 4>, scalar_prefetch = 0 : i64, scratch_operands = 0 : i64, tpu.core_type = #tpu.core_type<tc>, window_params = [{transform_indices = @transform_0, window_bounds = array<i64: 256, 8>}, {transform_indices = @transform_1, window_bounds = array<i64: 8, 4992>}, {}, {transform_indices = @transform_3, window_bounds = array<i64: 256, 16>}]} {
    %get3A = arith.constant 0 : index
    %get3A_0 = arith.constant 0 : index
    %get3A_1 = vector.load %arg1[%get3A, %get3A_0] : memref<256x8xf32, #tpu.memory_space<vmem>>, vector<256x8xf32>
    %get3A_2 = arith.constant 0 : index
    %get3A_3 = arith.constant 0 : index
    %get3A_4 = vector.load %arg2[%get3A_2, %get3A_3] : memref<8x4992xf32, #tpu.memory_space<vmem>>, vector<8x4992xf32>
    %mul3A = arith.mulf %get3A_1, %get3A_1 : vector<256x8xf32>
    %reduce_sum3A = arith.constant dense<0.000000e+00> : vector<256xf32>
    %reduce_sum3A_5 = vector.multi_reduction <add>, %mul3A, %reduce_sum3A [1] : vector<256x8xf32> to vector<256xf32>
    %broadcast_in_dim3A = vector.shape_cast %reduce_sum3A_5 : vector<256xf32> to vector<256x1xf32>
    %mul3A_6 = arith.mulf %get3A_4, %get3A_4 : vector<8x4992xf32>
    %reduce_sum3A_7 = arith.constant dense<0.000000e+00> : vector<4992xf32>
    %reduce_sum3A_8 = vector.multi_reduction <add>, %mul3A_6, %reduce_sum3A_7 [0] : vector<8x4992xf32> to vector<4992xf32>
    %broadcast_in_dim3A_9 = vector.shape_cast %reduce_sum3A_8 : vector<4992xf32> to vector<1x4992xf32>
    %add3A = vector.broadcast %broadcast_in_dim3A : vector<256x1xf32> to vector<256x4992xf32>
    %add3A_10 = vector.broadcast %broadcast_in_dim3A_9 : vector<1x4992xf32> to vector<256x4992xf32>
    %add3A_11 = arith.addf %add3A, %add3A_10 : vector<256x4992xf32>
    %dot_general3A = arith.constant dense<0.000000e+00> : vector<256x4992xf32>
    %dot_general3A_12 = tpu.matmul %get3A_1, %get3A_4, %dot_general3A {dimension_numbers = #tpu.dot_dimension_numbers<[1], [0], [0], [1], [0, 0, 1, 1], [], []>, transpose_lhs_hint = false} : vector<256x8xf32>, vector<8x4992xf32>, vector<256x4992xf32> -> vector<256x4992xf32>
    %mul3A_13 = arith.constant 2.000000e+00 : f32
    %mul3A_14 = vector.broadcast %mul3A_13 : f32 to vector<256x4992xf32>
    %mul3A_15 = arith.mulf %mul3A_14, %dot_general3A_12 : vector<256x4992xf32>
    %sub3A = arith.subf %add3A_11, %mul3A_15 : vector<256x4992xf32>
    %iota3A = tpu.iota {dimensions = array<i32: 1>} : vector<256x4992xi32>
    %iota3A_16 = tpu.iota {dimensions = array<i32: 1>} : vector<256x16xi32>
    %max3A = arith.constant 0.000000e+00 : f32
    %max3A_17 = vector.broadcast %max3A : f32 to vector<256x4992xf32>
    %max3A_18 = arith.maximumf %sub3A, %max3A_17 : vector<256x4992xf32>
    %bitcast_convert_type3A = tpu.bitcast %max3A_18 : vector<256x4992xf32> -> vector<256x4992xi32>
    %and3A = arith.constant -8192 : i32
    %and3A_19 = vector.broadcast %and3A : i32 to vector<256x4992xi32>
    %and3A_20 = arith.andi %bitcast_convert_type3A, %and3A_19 : vector<256x4992xi32>
    %or3A = arith.ori %and3A_20, %iota3A : vector<256x4992xi32>
    %broadcast_in_dim3A_21 = arith.constant 0 : i32
    %broadcast_in_dim3A_22 = vector.broadcast %broadcast_in_dim3A_21 : i32 to vector<256x16xi32>
    %reduce_min3A = arith.constant dense<2147483647> : vector<256xi32>
    %reduce_min3A_23 = vector.multi_reduction <minsi>, %or3A, %reduce_min3A [1] : vector<256x4992xi32> to vector<256xi32>
    %eq3A = arith.constant 0 : i32
    %eq3A_24 = vector.broadcast %eq3A : i32 to vector<256x16xi32>
    %eq3A_25 = arith.cmpi eq, %iota3A_16, %eq3A_24 : vector<256x16xi32>
    %and3A_26 = arith.constant 8191 : i32
    %and3A_27 = vector.broadcast %and3A_26 : i32 to vector<256xi32>
    %and3A_28 = arith.andi %reduce_min3A_23, %and3A_27 : vector<256xi32>
    %broadcast_in_dim3A_29 = vector.shape_cast %and3A_28 : vector<256xi32> to vector<256x1xi32>
    %broadcast_in_dim3A_30 = vector.shape_cast %broadcast_in_dim3A_29 : vector<256x1xi32> to vector<256x1xi32>
    %broadcast_in_dim3A_31 = vector.broadcast %broadcast_in_dim3A_30 : vector<256x1xi32> to vector<256x16xi32>
    %select_n3A = arith.select %eq3A_25, %broadcast_in_dim3A_31, %broadcast_in_dim3A_22 : vector<256x16xi1>, vector<256x16xi32>
    %broadcast_in_dim3A_32 = vector.shape_cast %reduce_min3A_23 : vector<256xi32> to vector<256x1xi32>
    %eq3A_33 = vector.broadcast %broadcast_in_dim3A_32 : vector<256x1xi32> to vector<256x4992xi32>
    %eq3A_34 = arith.cmpi eq, %or3A, %eq3A_33 : vector<256x4992xi32>
    %jit3A = arith.constant 2139095040 : i32
    %broadcast_in_dim3A_35 = vector.broadcast %jit3A : i32 to vector<256x4992xi32>
    %select_n3A_36 = arith.select %eq3A_34, %broadcast_in_dim3A_35, %or3A : vector<256x4992xi1>, vector<256x4992xi32>
    %reduce_min3A_37 = arith.constant dense<2147483647> : vector<256xi32>
    %reduce_min3A_38 = vector.multi_reduction <minsi>, %select_n3A_36, %reduce_min3A_37 [1] : vector<256x4992xi32> to vector<256xi32>
    %eq3A_39 = arith.constant 1 : i32
    %eq3A_40 = vector.broadcast %eq3A_39 : i32 to vector<256x16xi32>
    %eq3A_41 = arith.cmpi eq, %iota3A_16, %eq3A_40 : vector<256x16xi32>
    %and3A_42 = arith.constant 8191 : i32
    %and3A_43 = vector.broadcast %and3A_42 : i32 to vector<256xi32>
    %and3A_44 = arith.andi %reduce_min3A_38, %and3A_43 : vector<256xi32>
    %broadcast_in_dim3A_45 = vector.shape_cast %and3A_44 : vector<256xi32> to vector<256x1xi32>
    %broadcast_in_dim3A_46 = vector.shape_cast %broadcast_in_dim3A_45 : vector<256x1xi32> to vector<256x1xi32>
    %broadcast_in_dim3A_47 = vector.broadcast %broadcast_in_dim3A_46 : vector<256x1xi32> to vector<256x16xi32>
    %select_n3A_48 = arith.select %eq3A_41, %broadcast_in_dim3A_47, %select_n3A : vector<256x16xi1>, vector<256x16xi32>
    %broadcast_in_dim3A_49 = vector.shape_cast %reduce_min3A_38 : vector<256xi32> to vector<256x1xi32>
    %eq3A_50 = vector.broadcast %broadcast_in_dim3A_49 : vector<256x1xi32> to vector<256x4992xi32>
    %eq3A_51 = arith.cmpi eq, %select_n3A_36, %eq3A_50 : vector<256x4992xi32>
    %jit3A_52 = arith.constant 2139095040 : i32
    %broadcast_in_dim3A_53 = vector.broadcast %jit3A_52 : i32 to vector<256x4992xi32>
    %select_n3A_54 = arith.select %eq3A_51, %broadcast_in_dim3A_53, %select_n3A_36 : vector<256x4992xi1>, vector<256x4992xi32>
    %reduce_min3A_55 = arith.constant dense<2147483647> : vector<256xi32>
    %reduce_min3A_56 = vector.multi_reduction <minsi>, %select_n3A_54, %reduce_min3A_55 [1] : vector<256x4992xi32> to vector<256xi32>
    %eq3A_57 = arith.constant 2 : i32
    %eq3A_58 = vector.broadcast %eq3A_57 : i32 to vector<256x16xi32>
    %eq3A_59 = arith.cmpi eq, %iota3A_16, %eq3A_58 : vector<256x16xi32>
    %and3A_60 = arith.constant 8191 : i32
    %and3A_61 = vector.broadcast %and3A_60 : i32 to vector<256xi32>
    %and3A_62 = arith.andi %reduce_min3A_56, %and3A_61 : vector<256xi32>
    %broadcast_in_dim3A_63 = vector.shape_cast %and3A_62 : vector<256xi32> to vector<256x1xi32>
    %broadcast_in_dim3A_64 = vector.shape_cast %broadcast_in_dim3A_63 : vector<256x1xi32> to vector<256x1xi32>
    %broadcast_in_dim3A_65 = vector.broadcast %broadcast_in_dim3A_64 : vector<256x1xi32> to vector<256x16xi32>
    %select_n3A_66 = arith.select %eq3A_59, %broadcast_in_dim3A_65, %select_n3A_48 : vector<256x16xi1>, vector<256x16xi32>
    %broadcast_in_dim3A_67 = vector.shape_cast %reduce_min3A_56 : vector<256xi32> to vector<256x1xi32>
    %eq3A_68 = vector.broadcast %broadcast_in_dim3A_67 : vector<256x1xi32> to vector<256x4992xi32>
    %eq3A_69 = arith.cmpi eq, %select_n3A_54, %eq3A_68 : vector<256x4992xi32>
    %jit3A_70 = arith.constant 2139095040 : i32
    %broadcast_in_dim3A_71 = vector.broadcast %jit3A_70 : i32 to vector<256x4992xi32>
    %select_n3A_72 = arith.select %eq3A_69, %broadcast_in_dim3A_71, %select_n3A_54 : vector<256x4992xi1>, vector<256x4992xi32>
    %reduce_min3A_73 = arith.constant dense<2147483647> : vector<256xi32>
    %reduce_min3A_74 = vector.multi_reduction <minsi>, %select_n3A_72, %reduce_min3A_73 [1] : vector<256x4992xi32> to vector<256xi32>
    %eq3A_75 = arith.constant 3 : i32
    %eq3A_76 = vector.broadcast %eq3A_75 : i32 to vector<256x16xi32>
    %eq3A_77 = arith.cmpi eq, %iota3A_16, %eq3A_76 : vector<256x16xi32>
    %and3A_78 = arith.constant 8191 : i32
    %and3A_79 = vector.broadcast %and3A_78 : i32 to vector<256xi32>
    %and3A_80 = arith.andi %reduce_min3A_74, %and3A_79 : vector<256xi32>
    %broadcast_in_dim3A_81 = vector.shape_cast %and3A_80 : vector<256xi32> to vector<256x1xi32>
    %broadcast_in_dim3A_82 = vector.shape_cast %broadcast_in_dim3A_81 : vector<256x1xi32> to vector<256x1xi32>
    %broadcast_in_dim3A_83 = vector.broadcast %broadcast_in_dim3A_82 : vector<256x1xi32> to vector<256x16xi32>
    %select_n3A_84 = arith.select %eq3A_77, %broadcast_in_dim3A_83, %select_n3A_66 : vector<256x16xi1>, vector<256x16xi32>
    %broadcast_in_dim3A_85 = vector.shape_cast %reduce_min3A_74 : vector<256xi32> to vector<256x1xi32>
    %eq3A_86 = vector.broadcast %broadcast_in_dim3A_85 : vector<256x1xi32> to vector<256x4992xi32>
    %eq3A_87 = arith.cmpi eq, %select_n3A_72, %eq3A_86 : vector<256x4992xi32>
    %jit3A_88 = arith.constant 2139095040 : i32
    %broadcast_in_dim3A_89 = vector.broadcast %jit3A_88 : i32 to vector<256x4992xi32>
    %select_n3A_90 = arith.select %eq3A_87, %broadcast_in_dim3A_89, %select_n3A_72 : vector<256x4992xi1>, vector<256x4992xi32>
    %reduce_min3A_91 = arith.constant dense<2147483647> : vector<256xi32>
    %reduce_min3A_92 = vector.multi_reduction <minsi>, %select_n3A_90, %reduce_min3A_91 [1] : vector<256x4992xi32> to vector<256xi32>
    %eq3A_93 = arith.constant 4 : i32
    %eq3A_94 = vector.broadcast %eq3A_93 : i32 to vector<256x16xi32>
    %eq3A_95 = arith.cmpi eq, %iota3A_16, %eq3A_94 : vector<256x16xi32>
    %and3A_96 = arith.constant 8191 : i32
    %and3A_97 = vector.broadcast %and3A_96 : i32 to vector<256xi32>
    %and3A_98 = arith.andi %reduce_min3A_92, %and3A_97 : vector<256xi32>
    %broadcast_in_dim3A_99 = vector.shape_cast %and3A_98 : vector<256xi32> to vector<256x1xi32>
    %broadcast_in_dim3A_100 = vector.shape_cast %broadcast_in_dim3A_99 : vector<256x1xi32> to vector<256x1xi32>
    %broadcast_in_dim3A_101 = vector.broadcast %broadcast_in_dim3A_100 : vector<256x1xi32> to vector<256x16xi32>
    %select_n3A_102 = arith.select %eq3A_95, %broadcast_in_dim3A_101, %select_n3A_84 : vector<256x16xi1>, vector<256x16xi32>
    %broadcast_in_dim3A_103 = vector.shape_cast %reduce_min3A_92 : vector<256xi32> to vector<256x1xi32>
    %eq3A_104 = vector.broadcast %broadcast_in_dim3A_103 : vector<256x1xi32> to vector<256x4992xi32>
    %eq3A_105 = arith.cmpi eq, %select_n3A_90, %eq3A_104 : vector<256x4992xi32>
    %jit3A_106 = arith.constant 2139095040 : i32
    %broadcast_in_dim3A_107 = vector.broadcast %jit3A_106 : i32 to vector<256x4992xi32>
    %select_n3A_108 = arith.select %eq3A_105, %broadcast_in_dim3A_107, %select_n3A_90 : vector<256x4992xi1>, vector<256x4992xi32>
    %reduce_min3A_109 = arith.constant dense<2147483647> : vector<256xi32>
    %reduce_min3A_110 = vector.multi_reduction <minsi>, %select_n3A_108, %reduce_min3A_109 [1] : vector<256x4992xi32> to vector<256xi32>
    %eq3A_111 = arith.constant 5 : i32
    %eq3A_112 = vector.broadcast %eq3A_111 : i32 to vector<256x16xi32>
    %eq3A_113 = arith.cmpi eq, %iota3A_16, %eq3A_112 : vector<256x16xi32>
    %and3A_114 = arith.constant 8191 : i32
    %and3A_115 = vector.broadcast %and3A_114 : i32 to vector<256xi32>
    %and3A_116 = arith.andi %reduce_min3A_110, %and3A_115 : vector<256xi32>
    %broadcast_in_dim3A_117 = vector.shape_cast %and3A_116 : vector<256xi32> to vector<256x1xi32>
    %broadcast_in_dim3A_118 = vector.shape_cast %broadcast_in_dim3A_117 : vector<256x1xi32> to vector<256x1xi32>
    %broadcast_in_dim3A_119 = vector.broadcast %broadcast_in_dim3A_118 : vector<256x1xi32> to vector<256x16xi32>
    %select_n3A_120 = arith.select %eq3A_113, %broadcast_in_dim3A_119, %select_n3A_102 : vector<256x16xi1>, vector<256x16xi32>
    %broadcast_in_dim3A_121 = vector.shape_cast %reduce_min3A_110 : vector<256xi32> to vector<256x1xi32>
    %eq3A_122 = vector.broadcast %broadcast_in_dim3A_121 : vector<256x1xi32> to vector<256x4992xi32>
    %eq3A_123 = arith.cmpi eq, %select_n3A_108, %eq3A_122 : vector<256x4992xi32>
    %jit3A_124 = arith.constant 2139095040 : i32
    %broadcast_in_dim3A_125 = vector.broadcast %jit3A_124 : i32 to vector<256x4992xi32>
    %select_n3A_126 = arith.select %eq3A_123, %broadcast_in_dim3A_125, %select_n3A_108 : vector<256x4992xi1>, vector<256x4992xi32>
    %reduce_min3A_127 = arith.constant dense<2147483647> : vector<256xi32>
    %reduce_min3A_128 = vector.multi_reduction <minsi>, %select_n3A_126, %reduce_min3A_127 [1] : vector<256x4992xi32> to vector<256xi32>
    %eq3A_129 = arith.constant 6 : i32
    %eq3A_130 = vector.broadcast %eq3A_129 : i32 to vector<256x16xi32>
    %eq3A_131 = arith.cmpi eq, %iota3A_16, %eq3A_130 : vector<256x16xi32>
    %and3A_132 = arith.constant 8191 : i32
    %and3A_133 = vector.broadcast %and3A_132 : i32 to vector<256xi32>
    %and3A_134 = arith.andi %reduce_min3A_128, %and3A_133 : vector<256xi32>
    %broadcast_in_dim3A_135 = vector.shape_cast %and3A_134 : vector<256xi32> to vector<256x1xi32>
    %broadcast_in_dim3A_136 = vector.shape_cast %broadcast_in_dim3A_135 : vector<256x1xi32> to vector<256x1xi32>
    %broadcast_in_dim3A_137 = vector.broadcast %broadcast_in_dim3A_136 : vector<256x1xi32> to vector<256x16xi32>
    %select_n3A_138 = arith.select %eq3A_131, %broadcast_in_dim3A_137, %select_n3A_120 : vector<256x16xi1>, vector<256x16xi32>
    %broadcast_in_dim3A_139 = vector.shape_cast %reduce_min3A_128 : vector<256xi32> to vector<256x1xi32>
    %eq3A_140 = vector.broadcast %broadcast_in_dim3A_139 : vector<256x1xi32> to vector<256x4992xi32>
    %eq3A_141 = arith.cmpi eq, %select_n3A_126, %eq3A_140 : vector<256x4992xi32>
    %jit3A_142 = arith.constant 2139095040 : i32
    %broadcast_in_dim3A_143 = vector.broadcast %jit3A_142 : i32 to vector<256x4992xi32>
    %select_n3A_144 = arith.select %eq3A_141, %broadcast_in_dim3A_143, %select_n3A_126 : vector<256x4992xi1>, vector<256x4992xi32>
    %reduce_min3A_145 = arith.constant dense<2147483647> : vector<256xi32>
    %reduce_min3A_146 = vector.multi_reduction <minsi>, %select_n3A_144, %reduce_min3A_145 [1] : vector<256x4992xi32> to vector<256xi32>
    %eq3A_147 = arith.constant 7 : i32
    %eq3A_148 = vector.broadcast %eq3A_147 : i32 to vector<256x16xi32>
    %eq3A_149 = arith.cmpi eq, %iota3A_16, %eq3A_148 : vector<256x16xi32>
    %and3A_150 = arith.constant 8191 : i32
    %and3A_151 = vector.broadcast %and3A_150 : i32 to vector<256xi32>
    %and3A_152 = arith.andi %reduce_min3A_146, %and3A_151 : vector<256xi32>
    %broadcast_in_dim3A_153 = vector.shape_cast %and3A_152 : vector<256xi32> to vector<256x1xi32>
    %broadcast_in_dim3A_154 = vector.shape_cast %broadcast_in_dim3A_153 : vector<256x1xi32> to vector<256x1xi32>
    %broadcast_in_dim3A_155 = vector.broadcast %broadcast_in_dim3A_154 : vector<256x1xi32> to vector<256x16xi32>
    %select_n3A_156 = arith.select %eq3A_149, %broadcast_in_dim3A_155, %select_n3A_138 : vector<256x16xi1>, vector<256x16xi32>
    %broadcast_in_dim3A_157 = vector.shape_cast %reduce_min3A_146 : vector<256xi32> to vector<256x1xi32>
    %eq3A_158 = vector.broadcast %broadcast_in_dim3A_157 : vector<256x1xi32> to vector<256x4992xi32>
    %eq3A_159 = arith.cmpi eq, %select_n3A_144, %eq3A_158 : vector<256x4992xi32>
    %jit3A_160 = arith.constant 2139095040 : i32
    %broadcast_in_dim3A_161 = vector.broadcast %jit3A_160 : i32 to vector<256x4992xi32>
    %select_n3A_162 = arith.select %eq3A_159, %broadcast_in_dim3A_161, %select_n3A_144 : vector<256x4992xi1>, vector<256x4992xi32>
    %reduce_min3A_163 = arith.constant dense<2147483647> : vector<256xi32>
    %reduce_min3A_164 = vector.multi_reduction <minsi>, %select_n3A_162, %reduce_min3A_163 [1] : vector<256x4992xi32> to vector<256xi32>
    %eq3A_165 = arith.constant 8 : i32
    %eq3A_166 = vector.broadcast %eq3A_165 : i32 to vector<256x16xi32>
    %eq3A_167 = arith.cmpi eq, %iota3A_16, %eq3A_166 : vector<256x16xi32>
    %and3A_168 = arith.constant 8191 : i32
    %and3A_169 = vector.broadcast %and3A_168 : i32 to vector<256xi32>
    %and3A_170 = arith.andi %reduce_min3A_164, %and3A_169 : vector<256xi32>
    %broadcast_in_dim3A_171 = vector.shape_cast %and3A_170 : vector<256xi32> to vector<256x1xi32>
    %broadcast_in_dim3A_172 = vector.shape_cast %broadcast_in_dim3A_171 : vector<256x1xi32> to vector<256x1xi32>
    %broadcast_in_dim3A_173 = vector.broadcast %broadcast_in_dim3A_172 : vector<256x1xi32> to vector<256x16xi32>
    %select_n3A_174 = arith.select %eq3A_167, %broadcast_in_dim3A_173, %select_n3A_156 : vector<256x16xi1>, vector<256x16xi32>
    %broadcast_in_dim3A_175 = vector.shape_cast %reduce_min3A_164 : vector<256xi32> to vector<256x1xi32>
    %eq3A_176 = vector.broadcast %broadcast_in_dim3A_175 : vector<256x1xi32> to vector<256x4992xi32>
    %eq3A_177 = arith.cmpi eq, %select_n3A_162, %eq3A_176 : vector<256x4992xi32>
    %jit3A_178 = arith.constant 2139095040 : i32
    %broadcast_in_dim3A_179 = vector.broadcast %jit3A_178 : i32 to vector<256x4992xi32>
    %select_n3A_180 = arith.select %eq3A_177, %broadcast_in_dim3A_179, %select_n3A_162 : vector<256x4992xi1>, vector<256x4992xi32>
    %reduce_min3A_181 = arith.constant dense<2147483647> : vector<256xi32>
    %reduce_min3A_182 = vector.multi_reduction <minsi>, %select_n3A_180, %reduce_min3A_181 [1] : vector<256x4992xi32> to vector<256xi32>
    %eq3A_183 = arith.constant 9 : i32
    %eq3A_184 = vector.broadcast %eq3A_183 : i32 to vector<256x16xi32>
    %eq3A_185 = arith.cmpi eq, %iota3A_16, %eq3A_184 : vector<256x16xi32>
    %and3A_186 = arith.constant 8191 : i32
    %and3A_187 = vector.broadcast %and3A_186 : i32 to vector<256xi32>
    %and3A_188 = arith.andi %reduce_min3A_182, %and3A_187 : vector<256xi32>
    %broadcast_in_dim3A_189 = vector.shape_cast %and3A_188 : vector<256xi32> to vector<256x1xi32>
    %broadcast_in_dim3A_190 = vector.shape_cast %broadcast_in_dim3A_189 : vector<256x1xi32> to vector<256x1xi32>
    %broadcast_in_dim3A_191 = vector.broadcast %broadcast_in_dim3A_190 : vector<256x1xi32> to vector<256x16xi32>
    %select_n3A_192 = arith.select %eq3A_185, %broadcast_in_dim3A_191, %select_n3A_174 : vector<256x16xi1>, vector<256x16xi32>
    %broadcast_in_dim3A_193 = vector.shape_cast %reduce_min3A_182 : vector<256xi32> to vector<256x1xi32>
    %eq3A_194 = vector.broadcast %broadcast_in_dim3A_193 : vector<256x1xi32> to vector<256x4992xi32>
    %eq3A_195 = arith.cmpi eq, %select_n3A_180, %eq3A_194 : vector<256x4992xi32>
    %jit3A_196 = arith.constant 2139095040 : i32
    %broadcast_in_dim3A_197 = vector.broadcast %jit3A_196 : i32 to vector<256x4992xi32>
    %select_n3A_198 = arith.select %eq3A_195, %broadcast_in_dim3A_197, %select_n3A_180 : vector<256x4992xi1>, vector<256x4992xi32>
    %reduce_min3A_199 = arith.constant dense<2147483647> : vector<256xi32>
    %reduce_min3A_200 = vector.multi_reduction <minsi>, %select_n3A_198, %reduce_min3A_199 [1] : vector<256x4992xi32> to vector<256xi32>
    %eq3A_201 = arith.constant 10 : i32
    %eq3A_202 = vector.broadcast %eq3A_201 : i32 to vector<256x16xi32>
    %eq3A_203 = arith.cmpi eq, %iota3A_16, %eq3A_202 : vector<256x16xi32>
    %and3A_204 = arith.constant 8191 : i32
    %and3A_205 = vector.broadcast %and3A_204 : i32 to vector<256xi32>
    %and3A_206 = arith.andi %reduce_min3A_200, %and3A_205 : vector<256xi32>
    %broadcast_in_dim3A_207 = vector.shape_cast %and3A_206 : vector<256xi32> to vector<256x1xi32>
    %broadcast_in_dim3A_208 = vector.shape_cast %broadcast_in_dim3A_207 : vector<256x1xi32> to vector<256x1xi32>
    %broadcast_in_dim3A_209 = vector.broadcast %broadcast_in_dim3A_208 : vector<256x1xi32> to vector<256x16xi32>
    %select_n3A_210 = arith.select %eq3A_203, %broadcast_in_dim3A_209, %select_n3A_192 : vector<256x16xi1>, vector<256x16xi32>
    %broadcast_in_dim3A_211 = vector.shape_cast %reduce_min3A_200 : vector<256xi32> to vector<256x1xi32>
    %eq3A_212 = vector.broadcast %broadcast_in_dim3A_211 : vector<256x1xi32> to vector<256x4992xi32>
    %eq3A_213 = arith.cmpi eq, %select_n3A_198, %eq3A_212 : vector<256x4992xi32>
    %jit3A_214 = arith.constant 2139095040 : i32
    %broadcast_in_dim3A_215 = vector.broadcast %jit3A_214 : i32 to vector<256x4992xi32>
    %select_n3A_216 = arith.select %eq3A_213, %broadcast_in_dim3A_215, %select_n3A_198 : vector<256x4992xi1>, vector<256x4992xi32>
    %reduce_min3A_217 = arith.constant dense<2147483647> : vector<256xi32>
    %reduce_min3A_218 = vector.multi_reduction <minsi>, %select_n3A_216, %reduce_min3A_217 [1] : vector<256x4992xi32> to vector<256xi32>
    %eq3A_219 = arith.constant 11 : i32
    %eq3A_220 = vector.broadcast %eq3A_219 : i32 to vector<256x16xi32>
    %eq3A_221 = arith.cmpi eq, %iota3A_16, %eq3A_220 : vector<256x16xi32>
    %and3A_222 = arith.constant 8191 : i32
    %and3A_223 = vector.broadcast %and3A_222 : i32 to vector<256xi32>
    %and3A_224 = arith.andi %reduce_min3A_218, %and3A_223 : vector<256xi32>
    %broadcast_in_dim3A_225 = vector.shape_cast %and3A_224 : vector<256xi32> to vector<256x1xi32>
    %broadcast_in_dim3A_226 = vector.shape_cast %broadcast_in_dim3A_225 : vector<256x1xi32> to vector<256x1xi32>
    %broadcast_in_dim3A_227 = vector.broadcast %broadcast_in_dim3A_226 : vector<256x1xi32> to vector<256x16xi32>
    %select_n3A_228 = arith.select %eq3A_221, %broadcast_in_dim3A_227, %select_n3A_210 : vector<256x16xi1>, vector<256x16xi32>
    %broadcast_in_dim3A_229 = vector.shape_cast %reduce_min3A_218 : vector<256xi32> to vector<256x1xi32>
    %eq3A_230 = vector.broadcast %broadcast_in_dim3A_229 : vector<256x1xi32> to vector<256x4992xi32>
    %eq3A_231 = arith.cmpi eq, %select_n3A_216, %eq3A_230 : vector<256x4992xi32>
    %jit3A_232 = arith.constant 2139095040 : i32
    %broadcast_in_dim3A_233 = vector.broadcast %jit3A_232 : i32 to vector<256x4992xi32>
    %select_n3A_234 = arith.select %eq3A_231, %broadcast_in_dim3A_233, %select_n3A_216 : vector<256x4992xi1>, vector<256x4992xi32>
    %reduce_min3A_235 = arith.constant dense<2147483647> : vector<256xi32>
    %reduce_min3A_236 = vector.multi_reduction <minsi>, %select_n3A_234, %reduce_min3A_235 [1] : vector<256x4992xi32> to vector<256xi32>
    %eq3A_237 = arith.constant 12 : i32
    %eq3A_238 = vector.broadcast %eq3A_237 : i32 to vector<256x16xi32>
    %eq3A_239 = arith.cmpi eq, %iota3A_16, %eq3A_238 : vector<256x16xi32>
    %and3A_240 = arith.constant 8191 : i32
    %and3A_241 = vector.broadcast %and3A_240 : i32 to vector<256xi32>
    %and3A_242 = arith.andi %reduce_min3A_236, %and3A_241 : vector<256xi32>
    %broadcast_in_dim3A_243 = vector.shape_cast %and3A_242 : vector<256xi32> to vector<256x1xi32>
    %broadcast_in_dim3A_244 = vector.shape_cast %broadcast_in_dim3A_243 : vector<256x1xi32> to vector<256x1xi32>
    %broadcast_in_dim3A_245 = vector.broadcast %broadcast_in_dim3A_244 : vector<256x1xi32> to vector<256x16xi32>
    %select_n3A_246 = arith.select %eq3A_239, %broadcast_in_dim3A_245, %select_n3A_228 : vector<256x16xi1>, vector<256x16xi32>
    %broadcast_in_dim3A_247 = vector.shape_cast %reduce_min3A_236 : vector<256xi32> to vector<256x1xi32>
    %eq3A_248 = vector.broadcast %broadcast_in_dim3A_247 : vector<256x1xi32> to vector<256x4992xi32>
    %eq3A_249 = arith.cmpi eq, %select_n3A_234, %eq3A_248 : vector<256x4992xi32>
    %jit3A_250 = arith.constant 2139095040 : i32
    %broadcast_in_dim3A_251 = vector.broadcast %jit3A_250 : i32 to vector<256x4992xi32>
    %select_n3A_252 = arith.select %eq3A_249, %broadcast_in_dim3A_251, %select_n3A_234 : vector<256x4992xi1>, vector<256x4992xi32>
    %reduce_min3A_253 = arith.constant dense<2147483647> : vector<256xi32>
    %reduce_min3A_254 = vector.multi_reduction <minsi>, %select_n3A_252, %reduce_min3A_253 [1] : vector<256x4992xi32> to vector<256xi32>
    %eq3A_255 = arith.constant 13 : i32
    %eq3A_256 = vector.broadcast %eq3A_255 : i32 to vector<256x16xi32>
    %eq3A_257 = arith.cmpi eq, %iota3A_16, %eq3A_256 : vector<256x16xi32>
    %and3A_258 = arith.constant 8191 : i32
    %and3A_259 = vector.broadcast %and3A_258 : i32 to vector<256xi32>
    %and3A_260 = arith.andi %reduce_min3A_254, %and3A_259 : vector<256xi32>
    %broadcast_in_dim3A_261 = vector.shape_cast %and3A_260 : vector<256xi32> to vector<256x1xi32>
    %broadcast_in_dim3A_262 = vector.shape_cast %broadcast_in_dim3A_261 : vector<256x1xi32> to vector<256x1xi32>
    %broadcast_in_dim3A_263 = vector.broadcast %broadcast_in_dim3A_262 : vector<256x1xi32> to vector<256x16xi32>
    %select_n3A_264 = arith.select %eq3A_257, %broadcast_in_dim3A_263, %select_n3A_246 : vector<256x16xi1>, vector<256x16xi32>
    %broadcast_in_dim3A_265 = vector.shape_cast %reduce_min3A_254 : vector<256xi32> to vector<256x1xi32>
    %eq3A_266 = vector.broadcast %broadcast_in_dim3A_265 : vector<256x1xi32> to vector<256x4992xi32>
    %eq3A_267 = arith.cmpi eq, %select_n3A_252, %eq3A_266 : vector<256x4992xi32>
    %jit3A_268 = arith.constant 2139095040 : i32
    %broadcast_in_dim3A_269 = vector.broadcast %jit3A_268 : i32 to vector<256x4992xi32>
    %select_n3A_270 = arith.select %eq3A_267, %broadcast_in_dim3A_269, %select_n3A_252 : vector<256x4992xi1>, vector<256x4992xi32>
    %reduce_min3A_271 = arith.constant dense<2147483647> : vector<256xi32>
    %reduce_min3A_272 = vector.multi_reduction <minsi>, %select_n3A_270, %reduce_min3A_271 [1] : vector<256x4992xi32> to vector<256xi32>
    %eq3A_273 = arith.constant 14 : i32
    %eq3A_274 = vector.broadcast %eq3A_273 : i32 to vector<256x16xi32>
    %eq3A_275 = arith.cmpi eq, %iota3A_16, %eq3A_274 : vector<256x16xi32>
    %and3A_276 = arith.constant 8191 : i32
    %and3A_277 = vector.broadcast %and3A_276 : i32 to vector<256xi32>
    %and3A_278 = arith.andi %reduce_min3A_272, %and3A_277 : vector<256xi32>
    %broadcast_in_dim3A_279 = vector.shape_cast %and3A_278 : vector<256xi32> to vector<256x1xi32>
    %broadcast_in_dim3A_280 = vector.shape_cast %broadcast_in_dim3A_279 : vector<256x1xi32> to vector<256x1xi32>
    %broadcast_in_dim3A_281 = vector.broadcast %broadcast_in_dim3A_280 : vector<256x1xi32> to vector<256x16xi32>
    %select_n3A_282 = arith.select %eq3A_275, %broadcast_in_dim3A_281, %select_n3A_264 : vector<256x16xi1>, vector<256x16xi32>
    %broadcast_in_dim3A_283 = vector.shape_cast %reduce_min3A_272 : vector<256xi32> to vector<256x1xi32>
    %eq3A_284 = vector.broadcast %broadcast_in_dim3A_283 : vector<256x1xi32> to vector<256x4992xi32>
    %eq3A_285 = arith.cmpi eq, %select_n3A_270, %eq3A_284 : vector<256x4992xi32>
    %jit3A_286 = arith.constant 2139095040 : i32
    %broadcast_in_dim3A_287 = vector.broadcast %jit3A_286 : i32 to vector<256x4992xi32>
    %select_n3A_288 = arith.select %eq3A_285, %broadcast_in_dim3A_287, %select_n3A_270 : vector<256x4992xi1>, vector<256x4992xi32>
    %reduce_min3A_289 = arith.constant dense<2147483647> : vector<256xi32>
    %reduce_min3A_290 = vector.multi_reduction <minsi>, %select_n3A_288, %reduce_min3A_289 [1] : vector<256x4992xi32> to vector<256xi32>
    %eq3A_291 = arith.constant 15 : i32
    %eq3A_292 = vector.broadcast %eq3A_291 : i32 to vector<256x16xi32>
    %eq3A_293 = arith.cmpi eq, %iota3A_16, %eq3A_292 : vector<256x16xi32>
    %and3A_294 = arith.constant 8191 : i32
    %and3A_295 = vector.broadcast %and3A_294 : i32 to vector<256xi32>
    %and3A_296 = arith.andi %reduce_min3A_290, %and3A_295 : vector<256xi32>
    %broadcast_in_dim3A_297 = vector.shape_cast %and3A_296 : vector<256xi32> to vector<256x1xi32>
    %broadcast_in_dim3A_298 = vector.shape_cast %broadcast_in_dim3A_297 : vector<256x1xi32> to vector<256x1xi32>
    %broadcast_in_dim3A_299 = vector.broadcast %broadcast_in_dim3A_298 : vector<256x1xi32> to vector<256x16xi32>
    %select_n3A_300 = arith.select %eq3A_293, %broadcast_in_dim3A_299, %select_n3A_282 : vector<256x16xi1>, vector<256x16xi32>
    %swap3A = arith.constant 0 : index
    %swap3A_301 = arith.constant 0 : index
    %swap3A_302 = vector.load %arg4[%swap3A, %swap3A_301] : memref<256x16xi32, #tpu.memory_space<vmem>>, vector<256x16xi32>
    tpu.vector_store %arg4[%swap3A, %swap3A_301], %select_n3A_300 {strides = array<i32>} : memref<256x16xi32, #tpu.memory_space<vmem>>, vector<256x16xi32>,
    return
  }
  func.func @transform_0(%arg0: i32) -> (i32, i32) {
    %add3A = arith.constant 19 : i32
    %add3A_0 = arith.addi %add3A, %arg0 : i32
    %c0_i32 = arith.constant 0 : i32
    %c0_i32_1 = arith.constant 0 : i32
    return %add3A_0, %c0_i32 : i32, i32
  }
  func.func @transform_1(%arg0: i32) -> (i32, i32) {
    %c0_i32 = arith.constant 0 : i32
    %c0_i32_0 = arith.constant 0 : i32
    %c0_i32_1 = arith.constant 0 : i32
    return %c0_i32, %c0_i32_0 : i32, i32
  }
  func.func @transform_3(%arg0: i32) -> (i32, i32) {
    %add3A = arith.constant 19 : i32
    %add3A_0 = arith.addi %add3A, %arg0 : i32
    %c0_i32 = arith.constant 0 : i32
    %c0_i32_1 = arith.constant 0 : i32
    return %add3A_0, %c0_i32 : i32, i32
  }
}

module attributes {stable_mosaic.version = 14 : i64} {
  func.func @_knn_body(%arg0: i32, %arg1: memref<256x8xf32, #tpu.memory_space<vmem>>, %arg2: memref<8x6016xf32, #tpu.memory_space<vmem>>, %arg3: memref<6912x16xi32, #tpu.memory_space<any>>, %arg4: memref<256x16xi32, #tpu.memory_space<vmem>>) attributes {dimension_semantics = [#tpu.dimension_semantics<arbitrary>], iteration_bounds = array<i64: 4>, scalar_prefetch = 0 : i64, scratch_operands = 0 : i64, tpu.core_type = #tpu.core_type<tc>, window_params = [{transform_indices = @transform_0, window_bounds = array<i64: 256, 8>}, {transform_indices = @transform_1, window_bounds = array<i64: 8, 6016>}, {}, {transform_indices = @transform_3, window_bounds = array<i64: 256, 16>}]} {
    %get3A = arith.constant 0 : index
    %get3A_0 = arith.constant 0 : index
    %get3A_1 = vector.load %arg1[%get3A, %get3A_0] : memref<256x8xf32, #tpu.memory_space<vmem>>, vector<256x8xf32>
    %get3A_2 = arith.constant 0 : index
    %get3A_3 = arith.constant 0 : index
    %get3A_4 = vector.load %arg2[%get3A_2, %get3A_3] : memref<8x6016xf32, #tpu.memory_space<vmem>>, vector<8x6016xf32>
    %mul3A = arith.mulf %get3A_1, %get3A_1 : vector<256x8xf32>
    %reduce_sum3A = arith.constant dense<0.000000e+00> : vector<256xf32>
    %reduce_sum3A_5 = vector.multi_reduction <add>, %mul3A, %reduce_sum3A [1] : vector<256x8xf32> to vector<256xf32>
    %broadcast_in_dim3A = vector.shape_cast %reduce_sum3A_5 : vector<256xf32> to vector<256x1xf32>
    %mul3A_6 = arith.mulf %get3A_4, %get3A_4 : vector<8x6016xf32>
    %reduce_sum3A_7 = arith.constant dense<0.000000e+00> : vector<6016xf32>
    %reduce_sum3A_8 = vector.multi_reduction <add>, %mul3A_6, %reduce_sum3A_7 [0] : vector<8x6016xf32> to vector<6016xf32>
    %broadcast_in_dim3A_9 = vector.shape_cast %reduce_sum3A_8 : vector<6016xf32> to vector<1x6016xf32>
    %add3A = vector.broadcast %broadcast_in_dim3A : vector<256x1xf32> to vector<256x6016xf32>
    %add3A_10 = vector.broadcast %broadcast_in_dim3A_9 : vector<1x6016xf32> to vector<256x6016xf32>
    %add3A_11 = arith.addf %add3A, %add3A_10 : vector<256x6016xf32>
    %dot_general3A = arith.constant dense<0.000000e+00> : vector<256x6016xf32>
    %dot_general3A_12 = tpu.matmul %get3A_1, %get3A_4, %dot_general3A {dimension_numbers = #tpu.dot_dimension_numbers<[1], [0], [0], [1], [0, 0, 1, 1], [], []>, transpose_lhs_hint = false} : vector<256x8xf32>, vector<8x6016xf32>, vector<256x6016xf32> -> vector<256x6016xf32>
    %mul3A_13 = arith.constant 2.000000e+00 : f32
    %mul3A_14 = vector.broadcast %mul3A_13 : f32 to vector<256x6016xf32>
    %mul3A_15 = arith.mulf %mul3A_14, %dot_general3A_12 : vector<256x6016xf32>
    %sub3A = arith.subf %add3A_11, %mul3A_15 : vector<256x6016xf32>
    %iota3A = tpu.iota {dimensions = array<i32: 1>} : vector<256x6016xi32>
    %iota3A_16 = tpu.iota {dimensions = array<i32: 1>} : vector<256x16xi32>
    %max3A = arith.constant 0.000000e+00 : f32
    %max3A_17 = vector.broadcast %max3A : f32 to vector<256x6016xf32>
    %max3A_18 = arith.maximumf %sub3A, %max3A_17 : vector<256x6016xf32>
    %bitcast_convert_type3A = tpu.bitcast %max3A_18 : vector<256x6016xf32> -> vector<256x6016xi32>
    %and3A = arith.constant -8192 : i32
    %and3A_19 = vector.broadcast %and3A : i32 to vector<256x6016xi32>
    %and3A_20 = arith.andi %bitcast_convert_type3A, %and3A_19 : vector<256x6016xi32>
    %or3A = arith.ori %and3A_20, %iota3A : vector<256x6016xi32>
    %broadcast_in_dim3A_21 = arith.constant 0 : i32
    %broadcast_in_dim3A_22 = vector.broadcast %broadcast_in_dim3A_21 : i32 to vector<256x16xi32>
    %reduce_min3A = arith.constant dense<2147483647> : vector<256xi32>
    %reduce_min3A_23 = vector.multi_reduction <minsi>, %or3A, %reduce_min3A [1] : vector<256x6016xi32> to vector<256xi32>
    %eq3A = arith.constant 0 : i32
    %eq3A_24 = vector.broadcast %eq3A : i32 to vector<256x16xi32>
    %eq3A_25 = arith.cmpi eq, %iota3A_16, %eq3A_24 : vector<256x16xi32>
    %and3A_26 = arith.constant 8191 : i32
    %and3A_27 = vector.broadcast %and3A_26 : i32 to vector<256xi32>
    %and3A_28 = arith.andi %reduce_min3A_23, %and3A_27 : vector<256xi32>
    %broadcast_in_dim3A_29 = vector.shape_cast %and3A_28 : vector<256xi32> to vector<256x1xi32>
    %broadcast_in_dim3A_30 = vector.shape_cast %broadcast_in_dim3A_29 : vector<256x1xi32> to vector<256x1xi32>
    %broadcast_in_dim3A_31 = vector.broadcast %broadcast_in_dim3A_30 : vector<256x1xi32> to vector<256x16xi32>
    %select_n3A = arith.select %eq3A_25, %broadcast_in_dim3A_31, %broadcast_in_dim3A_22 : vector<256x16xi1>, vector<256x16xi32>
    %broadcast_in_dim3A_32 = vector.shape_cast %reduce_min3A_23 : vector<256xi32> to vector<256x1xi32>
    %eq3A_33 = vector.broadcast %broadcast_in_dim3A_32 : vector<256x1xi32> to vector<256x6016xi32>
    %eq3A_34 = arith.cmpi eq, %or3A, %eq3A_33 : vector<256x6016xi32>
    %jit3A = arith.constant 2139095040 : i32
    %broadcast_in_dim3A_35 = vector.broadcast %jit3A : i32 to vector<256x6016xi32>
    %select_n3A_36 = arith.select %eq3A_34, %broadcast_in_dim3A_35, %or3A : vector<256x6016xi1>, vector<256x6016xi32>
    %reduce_min3A_37 = arith.constant dense<2147483647> : vector<256xi32>
    %reduce_min3A_38 = vector.multi_reduction <minsi>, %select_n3A_36, %reduce_min3A_37 [1] : vector<256x6016xi32> to vector<256xi32>
    %eq3A_39 = arith.constant 1 : i32
    %eq3A_40 = vector.broadcast %eq3A_39 : i32 to vector<256x16xi32>
    %eq3A_41 = arith.cmpi eq, %iota3A_16, %eq3A_40 : vector<256x16xi32>
    %and3A_42 = arith.constant 8191 : i32
    %and3A_43 = vector.broadcast %and3A_42 : i32 to vector<256xi32>
    %and3A_44 = arith.andi %reduce_min3A_38, %and3A_43 : vector<256xi32>
    %broadcast_in_dim3A_45 = vector.shape_cast %and3A_44 : vector<256xi32> to vector<256x1xi32>
    %broadcast_in_dim3A_46 = vector.shape_cast %broadcast_in_dim3A_45 : vector<256x1xi32> to vector<256x1xi32>
    %broadcast_in_dim3A_47 = vector.broadcast %broadcast_in_dim3A_46 : vector<256x1xi32> to vector<256x16xi32>
    %select_n3A_48 = arith.select %eq3A_41, %broadcast_in_dim3A_47, %select_n3A : vector<256x16xi1>, vector<256x16xi32>
    %broadcast_in_dim3A_49 = vector.shape_cast %reduce_min3A_38 : vector<256xi32> to vector<256x1xi32>
    %eq3A_50 = vector.broadcast %broadcast_in_dim3A_49 : vector<256x1xi32> to vector<256x6016xi32>
    %eq3A_51 = arith.cmpi eq, %select_n3A_36, %eq3A_50 : vector<256x6016xi32>
    %jit3A_52 = arith.constant 2139095040 : i32
    %broadcast_in_dim3A_53 = vector.broadcast %jit3A_52 : i32 to vector<256x6016xi32>
    %select_n3A_54 = arith.select %eq3A_51, %broadcast_in_dim3A_53, %select_n3A_36 : vector<256x6016xi1>, vector<256x6016xi32>
    %reduce_min3A_55 = arith.constant dense<2147483647> : vector<256xi32>
    %reduce_min3A_56 = vector.multi_reduction <minsi>, %select_n3A_54, %reduce_min3A_55 [1] : vector<256x6016xi32> to vector<256xi32>
    %eq3A_57 = arith.constant 2 : i32
    %eq3A_58 = vector.broadcast %eq3A_57 : i32 to vector<256x16xi32>
    %eq3A_59 = arith.cmpi eq, %iota3A_16, %eq3A_58 : vector<256x16xi32>
    %and3A_60 = arith.constant 8191 : i32
    %and3A_61 = vector.broadcast %and3A_60 : i32 to vector<256xi32>
    %and3A_62 = arith.andi %reduce_min3A_56, %and3A_61 : vector<256xi32>
    %broadcast_in_dim3A_63 = vector.shape_cast %and3A_62 : vector<256xi32> to vector<256x1xi32>
    %broadcast_in_dim3A_64 = vector.shape_cast %broadcast_in_dim3A_63 : vector<256x1xi32> to vector<256x1xi32>
    %broadcast_in_dim3A_65 = vector.broadcast %broadcast_in_dim3A_64 : vector<256x1xi32> to vector<256x16xi32>
    %select_n3A_66 = arith.select %eq3A_59, %broadcast_in_dim3A_65, %select_n3A_48 : vector<256x16xi1>, vector<256x16xi32>
    %broadcast_in_dim3A_67 = vector.shape_cast %reduce_min3A_56 : vector<256xi32> to vector<256x1xi32>
    %eq3A_68 = vector.broadcast %broadcast_in_dim3A_67 : vector<256x1xi32> to vector<256x6016xi32>
    %eq3A_69 = arith.cmpi eq, %select_n3A_54, %eq3A_68 : vector<256x6016xi32>
    %jit3A_70 = arith.constant 2139095040 : i32
    %broadcast_in_dim3A_71 = vector.broadcast %jit3A_70 : i32 to vector<256x6016xi32>
    %select_n3A_72 = arith.select %eq3A_69, %broadcast_in_dim3A_71, %select_n3A_54 : vector<256x6016xi1>, vector<256x6016xi32>
    %reduce_min3A_73 = arith.constant dense<2147483647> : vector<256xi32>
    %reduce_min3A_74 = vector.multi_reduction <minsi>, %select_n3A_72, %reduce_min3A_73 [1] : vector<256x6016xi32> to vector<256xi32>
    %eq3A_75 = arith.constant 3 : i32
    %eq3A_76 = vector.broadcast %eq3A_75 : i32 to vector<256x16xi32>
    %eq3A_77 = arith.cmpi eq, %iota3A_16, %eq3A_76 : vector<256x16xi32>
    %and3A_78 = arith.constant 8191 : i32
    %and3A_79 = vector.broadcast %and3A_78 : i32 to vector<256xi32>
    %and3A_80 = arith.andi %reduce_min3A_74, %and3A_79 : vector<256xi32>
    %broadcast_in_dim3A_81 = vector.shape_cast %and3A_80 : vector<256xi32> to vector<256x1xi32>
    %broadcast_in_dim3A_82 = vector.shape_cast %broadcast_in_dim3A_81 : vector<256x1xi32> to vector<256x1xi32>
    %broadcast_in_dim3A_83 = vector.broadcast %broadcast_in_dim3A_82 : vector<256x1xi32> to vector<256x16xi32>
    %select_n3A_84 = arith.select %eq3A_77, %broadcast_in_dim3A_83, %select_n3A_66 : vector<256x16xi1>, vector<256x16xi32>
    %broadcast_in_dim3A_85 = vector.shape_cast %reduce_min3A_74 : vector<256xi32> to vector<256x1xi32>
    %eq3A_86 = vector.broadcast %broadcast_in_dim3A_85 : vector<256x1xi32> to vector<256x6016xi32>
    %eq3A_87 = arith.cmpi eq, %select_n3A_72, %eq3A_86 : vector<256x6016xi32>
    %jit3A_88 = arith.constant 2139095040 : i32
    %broadcast_in_dim3A_89 = vector.broadcast %jit3A_88 : i32 to vector<256x6016xi32>
    %select_n3A_90 = arith.select %eq3A_87, %broadcast_in_dim3A_89, %select_n3A_72 : vector<256x6016xi1>, vector<256x6016xi32>
    %reduce_min3A_91 = arith.constant dense<2147483647> : vector<256xi32>
    %reduce_min3A_92 = vector.multi_reduction <minsi>, %select_n3A_90, %reduce_min3A_91 [1] : vector<256x6016xi32> to vector<256xi32>
    %eq3A_93 = arith.constant 4 : i32
    %eq3A_94 = vector.broadcast %eq3A_93 : i32 to vector<256x16xi32>
    %eq3A_95 = arith.cmpi eq, %iota3A_16, %eq3A_94 : vector<256x16xi32>
    %and3A_96 = arith.constant 8191 : i32
    %and3A_97 = vector.broadcast %and3A_96 : i32 to vector<256xi32>
    %and3A_98 = arith.andi %reduce_min3A_92, %and3A_97 : vector<256xi32>
    %broadcast_in_dim3A_99 = vector.shape_cast %and3A_98 : vector<256xi32> to vector<256x1xi32>
    %broadcast_in_dim3A_100 = vector.shape_cast %broadcast_in_dim3A_99 : vector<256x1xi32> to vector<256x1xi32>
    %broadcast_in_dim3A_101 = vector.broadcast %broadcast_in_dim3A_100 : vector<256x1xi32> to vector<256x16xi32>
    %select_n3A_102 = arith.select %eq3A_95, %broadcast_in_dim3A_101, %select_n3A_84 : vector<256x16xi1>, vector<256x16xi32>
    %broadcast_in_dim3A_103 = vector.shape_cast %reduce_min3A_92 : vector<256xi32> to vector<256x1xi32>
    %eq3A_104 = vector.broadcast %broadcast_in_dim3A_103 : vector<256x1xi32> to vector<256x6016xi32>
    %eq3A_105 = arith.cmpi eq, %select_n3A_90, %eq3A_104 : vector<256x6016xi32>
    %jit3A_106 = arith.constant 2139095040 : i32
    %broadcast_in_dim3A_107 = vector.broadcast %jit3A_106 : i32 to vector<256x6016xi32>
    %select_n3A_108 = arith.select %eq3A_105, %broadcast_in_dim3A_107, %select_n3A_90 : vector<256x6016xi1>, vector<256x6016xi32>
    %reduce_min3A_109 = arith.constant dense<2147483647> : vector<256xi32>
    %reduce_min3A_110 = vector.multi_reduction <minsi>, %select_n3A_108, %reduce_min3A_109 [1] : vector<256x6016xi32> to vector<256xi32>
    %eq3A_111 = arith.constant 5 : i32
    %eq3A_112 = vector.broadcast %eq3A_111 : i32 to vector<256x16xi32>
    %eq3A_113 = arith.cmpi eq, %iota3A_16, %eq3A_112 : vector<256x16xi32>
    %and3A_114 = arith.constant 8191 : i32
    %and3A_115 = vector.broadcast %and3A_114 : i32 to vector<256xi32>
    %and3A_116 = arith.andi %reduce_min3A_110, %and3A_115 : vector<256xi32>
    %broadcast_in_dim3A_117 = vector.shape_cast %and3A_116 : vector<256xi32> to vector<256x1xi32>
    %broadcast_in_dim3A_118 = vector.shape_cast %broadcast_in_dim3A_117 : vector<256x1xi32> to vector<256x1xi32>
    %broadcast_in_dim3A_119 = vector.broadcast %broadcast_in_dim3A_118 : vector<256x1xi32> to vector<256x16xi32>
    %select_n3A_120 = arith.select %eq3A_113, %broadcast_in_dim3A_119, %select_n3A_102 : vector<256x16xi1>, vector<256x16xi32>
    %broadcast_in_dim3A_121 = vector.shape_cast %reduce_min3A_110 : vector<256xi32> to vector<256x1xi32>
    %eq3A_122 = vector.broadcast %broadcast_in_dim3A_121 : vector<256x1xi32> to vector<256x6016xi32>
    %eq3A_123 = arith.cmpi eq, %select_n3A_108, %eq3A_122 : vector<256x6016xi32>
    %jit3A_124 = arith.constant 2139095040 : i32
    %broadcast_in_dim3A_125 = vector.broadcast %jit3A_124 : i32 to vector<256x6016xi32>
    %select_n3A_126 = arith.select %eq3A_123, %broadcast_in_dim3A_125, %select_n3A_108 : vector<256x6016xi1>, vector<256x6016xi32>
    %reduce_min3A_127 = arith.constant dense<2147483647> : vector<256xi32>
    %reduce_min3A_128 = vector.multi_reduction <minsi>, %select_n3A_126, %reduce_min3A_127 [1] : vector<256x6016xi32> to vector<256xi32>
    %eq3A_129 = arith.constant 6 : i32
    %eq3A_130 = vector.broadcast %eq3A_129 : i32 to vector<256x16xi32>
    %eq3A_131 = arith.cmpi eq, %iota3A_16, %eq3A_130 : vector<256x16xi32>
    %and3A_132 = arith.constant 8191 : i32
    %and3A_133 = vector.broadcast %and3A_132 : i32 to vector<256xi32>
    %and3A_134 = arith.andi %reduce_min3A_128, %and3A_133 : vector<256xi32>
    %broadcast_in_dim3A_135 = vector.shape_cast %and3A_134 : vector<256xi32> to vector<256x1xi32>
    %broadcast_in_dim3A_136 = vector.shape_cast %broadcast_in_dim3A_135 : vector<256x1xi32> to vector<256x1xi32>
    %broadcast_in_dim3A_137 = vector.broadcast %broadcast_in_dim3A_136 : vector<256x1xi32> to vector<256x16xi32>
    %select_n3A_138 = arith.select %eq3A_131, %broadcast_in_dim3A_137, %select_n3A_120 : vector<256x16xi1>, vector<256x16xi32>
    %broadcast_in_dim3A_139 = vector.shape_cast %reduce_min3A_128 : vector<256xi32> to vector<256x1xi32>
    %eq3A_140 = vector.broadcast %broadcast_in_dim3A_139 : vector<256x1xi32> to vector<256x6016xi32>
    %eq3A_141 = arith.cmpi eq, %select_n3A_126, %eq3A_140 : vector<256x6016xi32>
    %jit3A_142 = arith.constant 2139095040 : i32
    %broadcast_in_dim3A_143 = vector.broadcast %jit3A_142 : i32 to vector<256x6016xi32>
    %select_n3A_144 = arith.select %eq3A_141, %broadcast_in_dim3A_143, %select_n3A_126 : vector<256x6016xi1>, vector<256x6016xi32>
    %reduce_min3A_145 = arith.constant dense<2147483647> : vector<256xi32>
    %reduce_min3A_146 = vector.multi_reduction <minsi>, %select_n3A_144, %reduce_min3A_145 [1] : vector<256x6016xi32> to vector<256xi32>
    %eq3A_147 = arith.constant 7 : i32
    %eq3A_148 = vector.broadcast %eq3A_147 : i32 to vector<256x16xi32>
    %eq3A_149 = arith.cmpi eq, %iota3A_16, %eq3A_148 : vector<256x16xi32>
    %and3A_150 = arith.constant 8191 : i32
    %and3A_151 = vector.broadcast %and3A_150 : i32 to vector<256xi32>
    %and3A_152 = arith.andi %reduce_min3A_146, %and3A_151 : vector<256xi32>
    %broadcast_in_dim3A_153 = vector.shape_cast %and3A_152 : vector<256xi32> to vector<256x1xi32>
    %broadcast_in_dim3A_154 = vector.shape_cast %broadcast_in_dim3A_153 : vector<256x1xi32> to vector<256x1xi32>
    %broadcast_in_dim3A_155 = vector.broadcast %broadcast_in_dim3A_154 : vector<256x1xi32> to vector<256x16xi32>
    %select_n3A_156 = arith.select %eq3A_149, %broadcast_in_dim3A_155, %select_n3A_138 : vector<256x16xi1>, vector<256x16xi32>
    %broadcast_in_dim3A_157 = vector.shape_cast %reduce_min3A_146 : vector<256xi32> to vector<256x1xi32>
    %eq3A_158 = vector.broadcast %broadcast_in_dim3A_157 : vector<256x1xi32> to vector<256x6016xi32>
    %eq3A_159 = arith.cmpi eq, %select_n3A_144, %eq3A_158 : vector<256x6016xi32>
    %jit3A_160 = arith.constant 2139095040 : i32
    %broadcast_in_dim3A_161 = vector.broadcast %jit3A_160 : i32 to vector<256x6016xi32>
    %select_n3A_162 = arith.select %eq3A_159, %broadcast_in_dim3A_161, %select_n3A_144 : vector<256x6016xi1>, vector<256x6016xi32>
    %reduce_min3A_163 = arith.constant dense<2147483647> : vector<256xi32>
    %reduce_min3A_164 = vector.multi_reduction <minsi>, %select_n3A_162, %reduce_min3A_163 [1] : vector<256x6016xi32> to vector<256xi32>
    %eq3A_165 = arith.constant 8 : i32
    %eq3A_166 = vector.broadcast %eq3A_165 : i32 to vector<256x16xi32>
    %eq3A_167 = arith.cmpi eq, %iota3A_16, %eq3A_166 : vector<256x16xi32>
    %and3A_168 = arith.constant 8191 : i32
    %and3A_169 = vector.broadcast %and3A_168 : i32 to vector<256xi32>
    %and3A_170 = arith.andi %reduce_min3A_164, %and3A_169 : vector<256xi32>
    %broadcast_in_dim3A_171 = vector.shape_cast %and3A_170 : vector<256xi32> to vector<256x1xi32>
    %broadcast_in_dim3A_172 = vector.shape_cast %broadcast_in_dim3A_171 : vector<256x1xi32> to vector<256x1xi32>
    %broadcast_in_dim3A_173 = vector.broadcast %broadcast_in_dim3A_172 : vector<256x1xi32> to vector<256x16xi32>
    %select_n3A_174 = arith.select %eq3A_167, %broadcast_in_dim3A_173, %select_n3A_156 : vector<256x16xi1>, vector<256x16xi32>
    %broadcast_in_dim3A_175 = vector.shape_cast %reduce_min3A_164 : vector<256xi32> to vector<256x1xi32>
    %eq3A_176 = vector.broadcast %broadcast_in_dim3A_175 : vector<256x1xi32> to vector<256x6016xi32>
    %eq3A_177 = arith.cmpi eq, %select_n3A_162, %eq3A_176 : vector<256x6016xi32>
    %jit3A_178 = arith.constant 2139095040 : i32
    %broadcast_in_dim3A_179 = vector.broadcast %jit3A_178 : i32 to vector<256x6016xi32>
    %select_n3A_180 = arith.select %eq3A_177, %broadcast_in_dim3A_179, %select_n3A_162 : vector<256x6016xi1>, vector<256x6016xi32>
    %reduce_min3A_181 = arith.constant dense<2147483647> : vector<256xi32>
    %reduce_min3A_182 = vector.multi_reduction <minsi>, %select_n3A_180, %reduce_min3A_181 [1] : vector<256x6016xi32> to vector<256xi32>
    %eq3A_183 = arith.constant 9 : i32
    %eq3A_184 = vector.broadcast %eq3A_183 : i32 to vector<256x16xi32>
    %eq3A_185 = arith.cmpi eq, %iota3A_16, %eq3A_184 : vector<256x16xi32>
    %and3A_186 = arith.constant 8191 : i32
    %and3A_187 = vector.broadcast %and3A_186 : i32 to vector<256xi32>
    %and3A_188 = arith.andi %reduce_min3A_182, %and3A_187 : vector<256xi32>
    %broadcast_in_dim3A_189 = vector.shape_cast %and3A_188 : vector<256xi32> to vector<256x1xi32>
    %broadcast_in_dim3A_190 = vector.shape_cast %broadcast_in_dim3A_189 : vector<256x1xi32> to vector<256x1xi32>
    %broadcast_in_dim3A_191 = vector.broadcast %broadcast_in_dim3A_190 : vector<256x1xi32> to vector<256x16xi32>
    %select_n3A_192 = arith.select %eq3A_185, %broadcast_in_dim3A_191, %select_n3A_174 : vector<256x16xi1>, vector<256x16xi32>
    %broadcast_in_dim3A_193 = vector.shape_cast %reduce_min3A_182 : vector<256xi32> to vector<256x1xi32>
    %eq3A_194 = vector.broadcast %broadcast_in_dim3A_193 : vector<256x1xi32> to vector<256x6016xi32>
    %eq3A_195 = arith.cmpi eq, %select_n3A_180, %eq3A_194 : vector<256x6016xi32>
    %jit3A_196 = arith.constant 2139095040 : i32
    %broadcast_in_dim3A_197 = vector.broadcast %jit3A_196 : i32 to vector<256x6016xi32>
    %select_n3A_198 = arith.select %eq3A_195, %broadcast_in_dim3A_197, %select_n3A_180 : vector<256x6016xi1>, vector<256x6016xi32>
    %reduce_min3A_199 = arith.constant dense<2147483647> : vector<256xi32>
    %reduce_min3A_200 = vector.multi_reduction <minsi>, %select_n3A_198, %reduce_min3A_199 [1] : vector<256x6016xi32> to vector<256xi32>
    %eq3A_201 = arith.constant 10 : i32
    %eq3A_202 = vector.broadcast %eq3A_201 : i32 to vector<256x16xi32>
    %eq3A_203 = arith.cmpi eq, %iota3A_16, %eq3A_202 : vector<256x16xi32>
    %and3A_204 = arith.constant 8191 : i32
    %and3A_205 = vector.broadcast %and3A_204 : i32 to vector<256xi32>
    %and3A_206 = arith.andi %reduce_min3A_200, %and3A_205 : vector<256xi32>
    %broadcast_in_dim3A_207 = vector.shape_cast %and3A_206 : vector<256xi32> to vector<256x1xi32>
    %broadcast_in_dim3A_208 = vector.shape_cast %broadcast_in_dim3A_207 : vector<256x1xi32> to vector<256x1xi32>
    %broadcast_in_dim3A_209 = vector.broadcast %broadcast_in_dim3A_208 : vector<256x1xi32> to vector<256x16xi32>
    %select_n3A_210 = arith.select %eq3A_203, %broadcast_in_dim3A_209, %select_n3A_192 : vector<256x16xi1>, vector<256x16xi32>
    %broadcast_in_dim3A_211 = vector.shape_cast %reduce_min3A_200 : vector<256xi32> to vector<256x1xi32>
    %eq3A_212 = vector.broadcast %broadcast_in_dim3A_211 : vector<256x1xi32> to vector<256x6016xi32>
    %eq3A_213 = arith.cmpi eq, %select_n3A_198, %eq3A_212 : vector<256x6016xi32>
    %jit3A_214 = arith.constant 2139095040 : i32
    %broadcast_in_dim3A_215 = vector.broadcast %jit3A_214 : i32 to vector<256x6016xi32>
    %select_n3A_216 = arith.select %eq3A_213, %broadcast_in_dim3A_215, %select_n3A_198 : vector<256x6016xi1>, vector<256x6016xi32>
    %reduce_min3A_217 = arith.constant dense<2147483647> : vector<256xi32>
    %reduce_min3A_218 = vector.multi_reduction <minsi>, %select_n3A_216, %reduce_min3A_217 [1] : vector<256x6016xi32> to vector<256xi32>
    %eq3A_219 = arith.constant 11 : i32
    %eq3A_220 = vector.broadcast %eq3A_219 : i32 to vector<256x16xi32>
    %eq3A_221 = arith.cmpi eq, %iota3A_16, %eq3A_220 : vector<256x16xi32>
    %and3A_222 = arith.constant 8191 : i32
    %and3A_223 = vector.broadcast %and3A_222 : i32 to vector<256xi32>
    %and3A_224 = arith.andi %reduce_min3A_218, %and3A_223 : vector<256xi32>
    %broadcast_in_dim3A_225 = vector.shape_cast %and3A_224 : vector<256xi32> to vector<256x1xi32>
    %broadcast_in_dim3A_226 = vector.shape_cast %broadcast_in_dim3A_225 : vector<256x1xi32> to vector<256x1xi32>
    %broadcast_in_dim3A_227 = vector.broadcast %broadcast_in_dim3A_226 : vector<256x1xi32> to vector<256x16xi32>
    %select_n3A_228 = arith.select %eq3A_221, %broadcast_in_dim3A_227, %select_n3A_210 : vector<256x16xi1>, vector<256x16xi32>
    %broadcast_in_dim3A_229 = vector.shape_cast %reduce_min3A_218 : vector<256xi32> to vector<256x1xi32>
    %eq3A_230 = vector.broadcast %broadcast_in_dim3A_229 : vector<256x1xi32> to vector<256x6016xi32>
    %eq3A_231 = arith.cmpi eq, %select_n3A_216, %eq3A_230 : vector<256x6016xi32>
    %jit3A_232 = arith.constant 2139095040 : i32
    %broadcast_in_dim3A_233 = vector.broadcast %jit3A_232 : i32 to vector<256x6016xi32>
    %select_n3A_234 = arith.select %eq3A_231, %broadcast_in_dim3A_233, %select_n3A_216 : vector<256x6016xi1>, vector<256x6016xi32>
    %reduce_min3A_235 = arith.constant dense<2147483647> : vector<256xi32>
    %reduce_min3A_236 = vector.multi_reduction <minsi>, %select_n3A_234, %reduce_min3A_235 [1] : vector<256x6016xi32> to vector<256xi32>
    %eq3A_237 = arith.constant 12 : i32
    %eq3A_238 = vector.broadcast %eq3A_237 : i32 to vector<256x16xi32>
    %eq3A_239 = arith.cmpi eq, %iota3A_16, %eq3A_238 : vector<256x16xi32>
    %and3A_240 = arith.constant 8191 : i32
    %and3A_241 = vector.broadcast %and3A_240 : i32 to vector<256xi32>
    %and3A_242 = arith.andi %reduce_min3A_236, %and3A_241 : vector<256xi32>
    %broadcast_in_dim3A_243 = vector.shape_cast %and3A_242 : vector<256xi32> to vector<256x1xi32>
    %broadcast_in_dim3A_244 = vector.shape_cast %broadcast_in_dim3A_243 : vector<256x1xi32> to vector<256x1xi32>
    %broadcast_in_dim3A_245 = vector.broadcast %broadcast_in_dim3A_244 : vector<256x1xi32> to vector<256x16xi32>
    %select_n3A_246 = arith.select %eq3A_239, %broadcast_in_dim3A_245, %select_n3A_228 : vector<256x16xi1>, vector<256x16xi32>
    %broadcast_in_dim3A_247 = vector.shape_cast %reduce_min3A_236 : vector<256xi32> to vector<256x1xi32>
    %eq3A_248 = vector.broadcast %broadcast_in_dim3A_247 : vector<256x1xi32> to vector<256x6016xi32>
    %eq3A_249 = arith.cmpi eq, %select_n3A_234, %eq3A_248 : vector<256x6016xi32>
    %jit3A_250 = arith.constant 2139095040 : i32
    %broadcast_in_dim3A_251 = vector.broadcast %jit3A_250 : i32 to vector<256x6016xi32>
    %select_n3A_252 = arith.select %eq3A_249, %broadcast_in_dim3A_251, %select_n3A_234 : vector<256x6016xi1>, vector<256x6016xi32>
    %reduce_min3A_253 = arith.constant dense<2147483647> : vector<256xi32>
    %reduce_min3A_254 = vector.multi_reduction <minsi>, %select_n3A_252, %reduce_min3A_253 [1] : vector<256x6016xi32> to vector<256xi32>
    %eq3A_255 = arith.constant 13 : i32
    %eq3A_256 = vector.broadcast %eq3A_255 : i32 to vector<256x16xi32>
    %eq3A_257 = arith.cmpi eq, %iota3A_16, %eq3A_256 : vector<256x16xi32>
    %and3A_258 = arith.constant 8191 : i32
    %and3A_259 = vector.broadcast %and3A_258 : i32 to vector<256xi32>
    %and3A_260 = arith.andi %reduce_min3A_254, %and3A_259 : vector<256xi32>
    %broadcast_in_dim3A_261 = vector.shape_cast %and3A_260 : vector<256xi32> to vector<256x1xi32>
    %broadcast_in_dim3A_262 = vector.shape_cast %broadcast_in_dim3A_261 : vector<256x1xi32> to vector<256x1xi32>
    %broadcast_in_dim3A_263 = vector.broadcast %broadcast_in_dim3A_262 : vector<256x1xi32> to vector<256x16xi32>
    %select_n3A_264 = arith.select %eq3A_257, %broadcast_in_dim3A_263, %select_n3A_246 : vector<256x16xi1>, vector<256x16xi32>
    %broadcast_in_dim3A_265 = vector.shape_cast %reduce_min3A_254 : vector<256xi32> to vector<256x1xi32>
    %eq3A_266 = vector.broadcast %broadcast_in_dim3A_265 : vector<256x1xi32> to vector<256x6016xi32>
    %eq3A_267 = arith.cmpi eq, %select_n3A_252, %eq3A_266 : vector<256x6016xi32>
    %jit3A_268 = arith.constant 2139095040 : i32
    %broadcast_in_dim3A_269 = vector.broadcast %jit3A_268 : i32 to vector<256x6016xi32>
    %select_n3A_270 = arith.select %eq3A_267, %broadcast_in_dim3A_269, %select_n3A_252 : vector<256x6016xi1>, vector<256x6016xi32>
    %reduce_min3A_271 = arith.constant dense<2147483647> : vector<256xi32>
    %reduce_min3A_272 = vector.multi_reduction <minsi>, %select_n3A_270, %reduce_min3A_271 [1] : vector<256x6016xi32> to vector<256xi32>
    %eq3A_273 = arith.constant 14 : i32
    %eq3A_274 = vector.broadcast %eq3A_273 : i32 to vector<256x16xi32>
    %eq3A_275 = arith.cmpi eq, %iota3A_16, %eq3A_274 : vector<256x16xi32>
    %and3A_276 = arith.constant 8191 : i32
    %and3A_277 = vector.broadcast %and3A_276 : i32 to vector<256xi32>
    %and3A_278 = arith.andi %reduce_min3A_272, %and3A_277 : vector<256xi32>
    %broadcast_in_dim3A_279 = vector.shape_cast %and3A_278 : vector<256xi32> to vector<256x1xi32>
    %broadcast_in_dim3A_280 = vector.shape_cast %broadcast_in_dim3A_279 : vector<256x1xi32> to vector<256x1xi32>
    %broadcast_in_dim3A_281 = vector.broadcast %broadcast_in_dim3A_280 : vector<256x1xi32> to vector<256x16xi32>
    %select_n3A_282 = arith.select %eq3A_275, %broadcast_in_dim3A_281, %select_n3A_264 : vector<256x16xi1>, vector<256x16xi32>
    %broadcast_in_dim3A_283 = vector.shape_cast %reduce_min3A_272 : vector<256xi32> to vector<256x1xi32>
    %eq3A_284 = vector.broadcast %broadcast_in_dim3A_283 : vector<256x1xi32> to vector<256x6016xi32>
    %eq3A_285 = arith.cmpi eq, %select_n3A_270, %eq3A_284 : vector<256x6016xi32>
    %jit3A_286 = arith.constant 2139095040 : i32
    %broadcast_in_dim3A_287 = vector.broadcast %jit3A_286 : i32 to vector<256x6016xi32>
    %select_n3A_288 = arith.select %eq3A_285, %broadcast_in_dim3A_287, %select_n3A_270 : vector<256x6016xi1>, vector<256x6016xi32>
    %reduce_min3A_289 = arith.constant dense<2147483647> : vector<256xi32>
    %reduce_min3A_290 = vector.multi_reduction <minsi>, %select_n3A_288, %reduce_min3A_289 [1] : vector<256x6016xi32> to vector<256xi32>
    %eq3A_291 = arith.constant 15 : i32
    %eq3A_292 = vector.broadcast %eq3A_291 : i32 to vector<256x16xi32>
    %eq3A_293 = arith.cmpi eq, %iota3A_16, %eq3A_292 : vector<256x16xi32>
    %and3A_294 = arith.constant 8191 : i32
    %and3A_295 = vector.broadcast %and3A_294 : i32 to vector<256xi32>
    %and3A_296 = arith.andi %reduce_min3A_290, %and3A_295 : vector<256xi32>
    %broadcast_in_dim3A_297 = vector.shape_cast %and3A_296 : vector<256xi32> to vector<256x1xi32>
    %broadcast_in_dim3A_298 = vector.shape_cast %broadcast_in_dim3A_297 : vector<256x1xi32> to vector<256x1xi32>
    %broadcast_in_dim3A_299 = vector.broadcast %broadcast_in_dim3A_298 : vector<256x1xi32> to vector<256x16xi32>
    %select_n3A_300 = arith.select %eq3A_293, %broadcast_in_dim3A_299, %select_n3A_282 : vector<256x16xi1>, vector<256x16xi32>
    %swap3A = arith.constant 0 : index
    %swap3A_301 = arith.constant 0 : index
    %swap3A_302 = vector.load %arg4[%swap3A, %swap3A_301] : memref<256x16xi32, #tpu.memory_space<vmem>>, vector<256x16xi32>
    tpu.vector_store %arg4[%swap3A, %swap3A_301], %select_n3A_300 {strides = array<i32>} : memref<256x16xi32, #tpu.memory_space<vmem>>, vector<256x16xi32>,
    return
  }
  func.func @transform_0(%arg0: i32) -> (i32, i32) {
    %add3A = arith.constant 23 : i32
    %add3A_0 = arith.addi %add3A, %arg0 : i32
    %c0_i32 = arith.constant 0 : i32
    %c0_i32_1 = arith.constant 0 : i32
    return %add3A_0, %c0_i32 : i32, i32
  }
  func.func @transform_1(%arg0: i32) -> (i32, i32) {
    %c0_i32 = arith.constant 0 : i32
    %c0_i32_0 = arith.constant 0 : i32
    %c0_i32_1 = arith.constant 0 : i32
    return %c0_i32, %c0_i32_0 : i32, i32
  }
  func.func @transform_3(%arg0: i32) -> (i32, i32) {
    %add3A = arith.constant 23 : i32
    %add3A_0 = arith.addi %add3A, %arg0 : i32
    %c0_i32 = arith.constant 0 : i32
    %c0_i32_1 = arith.constant 0 : i32
    return %add3A_0, %c0_i32 : i32, i32
  }
}

module attributes {stable_mosaic.version = 14 : i64} {
  func.func @_mlp_body(%arg0: i32, %arg1: memref<384x16x16xf32, #tpu.memory_space<vmem>>, %arg2: memref<384x16xf32, #tpu.memory_space<vmem>>, %arg3: memref<384x8xf32, #tpu.memory_space<vmem>>, %arg4: memref<16x128xf32, #tpu.memory_space<vmem>>, %arg5: memref<1x128xf32, #tpu.memory_space<vmem>>, %arg6: memref<128x128xf32, #tpu.memory_space<vmem>>, %arg7: memref<1x128xf32, #tpu.memory_space<vmem>>, %arg8: memref<128x128xf32, #tpu.memory_space<vmem>>, %arg9: memref<1x128xf32, #tpu.memory_space<vmem>>, %arg10: memref<128x128xf32, #tpu.memory_space<vmem>>, %arg11: memref<1x128xf32, #tpu.memory_space<vmem>>, %arg12: memref<128x128xf32, #tpu.memory_space<vmem>>, %arg13: memref<1x128xf32, #tpu.memory_space<vmem>>, %arg14: memref<128x64xf32, #tpu.memory_space<vmem>>, %arg15: memref<1x64xf32, #tpu.memory_space<vmem>>, %arg16: memref<64x16xf32, #tpu.memory_space<vmem>>, %arg17: memref<1x16xf32, #tpu.memory_space<vmem>>, %arg18: memref<16x8xf32, #tpu.memory_space<vmem>>, %arg19: memref<16x8xf32, #tpu.memory_space<vmem>>, %arg20: memref<1x8xf32, #tpu.memory_space<vmem>>, %arg21: memref<1x8xf32, #tpu.memory_space<vmem>>, %arg22: memref<1x1xf32, #tpu.memory_space<vmem>>) attributes {dimension_semantics = [#tpu.dimension_semantics<arbitrary>], iteration_bounds = array<i64: 3>, scalar_prefetch = 0 : i64, scratch_operands = 0 : i64, tpu.core_type = #tpu.core_type<tc>, window_params = [{transform_indices = @transform_0, window_bounds = array<i64: 384, 16, 16>}, {transform_indices = @transform_1, window_bounds = array<i64: 384, 16>}, {transform_indices = @transform_2, window_bounds = array<i64: 384, 8>}, {pipeline_mode = #tpu.pipeline_mode<synchronous>, transform_indices = @transform_3, window_bounds = array<i64: 16, 128>}, {pipeline_mode = #tpu.pipeline_mode<synchronous>, transform_indices = @transform_4, window_bounds = array<i64: 1, 128>}, {pipeline_mode = #tpu.pipeline_mode<synchronous>, transform_indices = @transform_5, window_bounds = array<i64: 128, 128>}, {pipeline_mode = #tpu.pipeline_mode<synchronous>, transform_indices = @transform_6, window_bounds = array<i64: 1, 128>}, {pipeline_mode = #tpu.pipeline_mode<synchronous>, transform_indices = @transform_7, window_bounds = array<i64: 128, 128>}, {pipeline_mode = #tpu.pipeline_mode<synchronous>, transform_indices = @transform_8, window_bounds = array<i64: 1, 128>}, {pipeline_mode = #tpu.pipeline_mode<synchronous>, transform_indices = @transform_9, window_bounds = array<i64: 128, 128>}, {pipeline_mode = #tpu.pipeline_mode<synchronous>, transform_indices = @transform_10, window_bounds = array<i64: 1, 128>}, {pipeline_mode = #tpu.pipeline_mode<synchronous>, transform_indices = @transform_11, window_bounds = array<i64: 128, 128>}, {pipeline_mode = #tpu.pipeline_mode<synchronous>, transform_indices = @transform_12, window_bounds = array<i64: 1, 128>}, {pipeline_mode = #tpu.pipeline_mode<synchronous>, transform_indices = @transform_13, window_bounds = array<i64: 128, 64>}, {pipeline_mode = #tpu.pipeline_mode<synchronous>, transform_indices = @transform_14, window_bounds = array<i64: 1, 64>}, {pipeline_mode = #tpu.pipeline_mode<synchronous>, transform_indices = @transform_15, window_bounds = array<i64: 64, 16>}, {pipeline_mode = #tpu.pipeline_mode<synchronous>, transform_indices = @transform_16, window_bounds = array<i64: 1, 16>}, {pipeline_mode = #tpu.pipeline_mode<synchronous>, transform_indices = @transform_17, window_bounds = array<i64: 16, 8>}, {pipeline_mode = #tpu.pipeline_mode<synchronous>, transform_indices = @transform_18, window_bounds = array<i64: 16, 8>}, {pipeline_mode = #tpu.pipeline_mode<synchronous>, transform_indices = @transform_19, window_bounds = array<i64: 1, 8>}, {pipeline_mode = #tpu.pipeline_mode<synchronous>, transform_indices = @transform_20, window_bounds = array<i64: 1, 8>}, {pipeline_mode = #tpu.pipeline_mode<synchronous>, transform_indices = @transform_21, window_bounds = array<i64: 1, 1>}]} {
    %get3A = arith.constant 0 : index
    %get3A_0 = arith.constant 0 : index
    %get3A_1 = arith.constant 0 : index
    %get3A_2 = vector.load %arg1[%get3A, %get3A_0, %get3A_1] : memref<384x16x16xf32, #tpu.memory_space<vmem>>, vector<384x16x16xf32>
    %get3A_3 = arith.constant 0 : index
    %get3A_4 = arith.constant 0 : index
    %get3A_5 = vector.load %arg2[%get3A_3, %get3A_4] : memref<384x16xf32, #tpu.memory_space<vmem>>, vector<384x16xf32>
    %iota3A = tpu.iota {dimensions = array<i32: 2>} : vector<384x16x16xi32>
    %lt3A = arith.constant 3 : i32
    %lt3A_6 = vector.broadcast %lt3A : i32 to vector<384x16x16xi32>
    %lt3A_7 = arith.cmpi slt, %iota3A, %lt3A_6 : vector<384x16x16xi32>
    %broadcast_in_dim3A = vector.shape_cast %get3A_5 : vector<384x16xf32> to vector<384x1x16xf32>
    %sub3A = vector.broadcast %broadcast_in_dim3A : vector<384x1x16xf32> to vector<384x16x16xf32>
    %sub3A_8 = arith.subf %get3A_2, %sub3A : vector<384x16x16xf32>
    %jit3A = arith.constant 0.000000e+00 : f32
    %broadcast_in_dim3A_9 = vector.broadcast %jit3A : f32 to vector<384x16x16xf32>
    %select_n3A = arith.select %lt3A_7, %sub3A_8, %broadcast_in_dim3A_9 : vector<384x16x16xi1>, vector<384x16x16xf32>
    %eq3A = arith.constant 3 : i32
    %eq3A_10 = vector.broadcast %eq3A : i32 to vector<384x16x16xi32>
    %eq3A_11 = arith.cmpi eq, %iota3A, %eq3A_10 : vector<384x16x16xi32>
    %div3A = arith.constant 2.550000e+02 : f32
    %div3A_12 = vector.broadcast %div3A : f32 to vector<384x16x16xf32>
    %div3A_13 = arith.divf %get3A_2, %div3A_12 : vector<384x16x16xf32>
    %gt3A = arith.constant 3 : i32
    %gt3A_14 = vector.broadcast %gt3A : i32 to vector<384x16x16xi32>
    %gt3A_15 = arith.cmpi sgt, %iota3A, %gt3A_14 : vector<384x16x16xi32>
    %lt3A_16 = arith.constant 6 : i32
    %lt3A_17 = vector.broadcast %lt3A_16 : i32 to vector<384x16x16xi32>
    %lt3A_18 = arith.cmpi slt, %iota3A, %lt3A_17 : vector<384x16x16xi32>
    %and3A = arith.andi %gt3A_15, %lt3A_18 : vector<384x16x16xi1>
    %div3A_19 = arith.constant 5.110000e+02 : f32
    %div3A_20 = vector.broadcast %div3A_19 : f32 to vector<384x16x16xf32>
    %div3A_21 = arith.divf %get3A_2, %div3A_20 : vector<384x16x16xf32>
    %jit3A_22 = arith.constant 0.000000e+00 : f32
    %broadcast_in_dim3A_23 = vector.broadcast %jit3A_22 : f32 to vector<384x16x16xf32>
    %select_n3A_24 = arith.select %and3A, %div3A_21, %broadcast_in_dim3A_23 : vector<384x16x16xi1>, vector<384x16x16xf32>
    %select_n3A_25 = arith.select %eq3A_11, %div3A_13, %select_n3A_24 : vector<384x16x16xi1>, vector<384x16x16xf32>
    %mul3A = arith.mulf %select_n3A, %select_n3A : vector<384x16x16xf32>
    %reduce_sum3A = arith.constant dense<0.000000e+00> : vector<384x16xf32>
    %reduce_sum3A_26 = vector.multi_reduction <add>, %mul3A, %reduce_sum3A [2] : vector<384x16x16xf32> to vector<384x16xf32>
    %broadcast_in_dim3A_27 = vector.shape_cast %reduce_sum3A_26 : vector<384x16xf32> to vector<384x16x1xf32>
    %reduce_max3A = arith.constant dense<0xFF800000> : vector<384x1xf32>
    %reduce_max3A_28 = vector.multi_reduction <maximumf>, %broadcast_in_dim3A_27, %reduce_max3A [1] : vector<384x16x1xf32> to vector<384x1xf32>
    %broadcast_in_dim3A_29 = vector.shape_cast %reduce_max3A_28 : vector<384x1xf32> to vector<384x1x1xf32>
    %sqrt3A = math.sqrt %broadcast_in_dim3A_29 : vector<384x1x1xf32>
    %add3A = arith.constant 9.99999993E-9 : f32
    %add3A_30 = vector.broadcast %add3A : f32 to vector<384x1x1xf32>
    %add3A_31 = arith.addf %sqrt3A, %add3A_30 : vector<384x1x1xf32>
    %div3A_32 = vector.broadcast %add3A_31 : vector<384x1x1xf32> to vector<384x16x16xf32>
    %div3A_33 = arith.divf %select_n3A, %div3A_32 : vector<384x16x16xf32>
    %add3A_34 = arith.addf %div3A_33, %select_n3A_25 : vector<384x16x16xf32>
    %reshape3A = vector.shape_cast %add3A_34 : vector<384x16x16xf32> to vector<6144x16xf32>
    %get3A_35 = arith.constant 0 : index
    %get3A_36 = arith.constant 0 : index
    %get3A_37 = vector.load %arg4[%get3A_35, %get3A_36] : memref<16x128xf32, #tpu.memory_space<vmem>>, vector<16x128xf32>
    %dot_general3A = arith.constant dense<0.000000e+00> : vector<6144x128xf32>
    %dot_general3A_38 = tpu.matmul %reshape3A, %get3A_37, %dot_general3A {dimension_numbers = #tpu.dot_dimension_numbers<[1], [0], [0], [1], [0, 0, 1, 1], [], []>, transpose_lhs_hint = false} : vector<6144x16xf32>, vector<16x128xf32>, vector<6144x128xf32> -> vector<6144x128xf32>
    %get3A_39 = arith.constant 0 : index
    %get3A_40 = arith.constant 0 : index
    %get3A_41 = vector.load %arg5[%get3A_39, %get3A_40] : memref<1x128xf32, #tpu.memory_space<vmem>>, vector<1x128xf32>
    %add3A_42 = vector.broadcast %get3A_41 : vector<1x128xf32> to vector<6144x128xf32>
    %add3A_43 = arith.addf %dot_general3A_38, %add3A_42 : vector<6144x128xf32>
    %max3A = arith.constant 0.000000e+00 : f32
    %max3A_44 = vector.broadcast %max3A : f32 to vector<6144x128xf32>
    %max3A_45 = arith.maximumf %add3A_43, %max3A_44 : vector<6144x128xf32>
    %get3A_46 = arith.constant 0 : index
    %get3A_47 = arith.constant 0 : index
    %get3A_48 = vector.load %arg6[%get3A_46, %get3A_47] : memref<128x128xf32, #tpu.memory_space<vmem>>, vector<128x128xf32>
    %dot_general3A_49 = arith.constant dense<0.000000e+00> : vector<6144x128xf32>
    %dot_general3A_50 = tpu.matmul %max3A_45, %get3A_48, %dot_general3A_49 {dimension_numbers = #tpu.dot_dimension_numbers<[1], [0], [0], [1], [0, 0, 1, 1], [], []>, transpose_lhs_hint = false} : vector<6144x128xf32>, vector<128x128xf32>, vector<6144x128xf32> -> vector<6144x128xf32>
    %get3A_51 = arith.constant 0 : index
    %get3A_52 = arith.constant 0 : index
    %get3A_53 = vector.load %arg7[%get3A_51, %get3A_52] : memref<1x128xf32, #tpu.memory_space<vmem>>, vector<1x128xf32>
    %add3A_54 = vector.broadcast %get3A_53 : vector<1x128xf32> to vector<6144x128xf32>
    %add3A_55 = arith.addf %dot_general3A_50, %add3A_54 : vector<6144x128xf32>
    %max3A_56 = arith.constant 0.000000e+00 : f32
    %max3A_57 = vector.broadcast %max3A_56 : f32 to vector<6144x128xf32>
    %max3A_58 = arith.maximumf %add3A_55, %max3A_57 : vector<6144x128xf32>
    %get3A_59 = arith.constant 0 : index
    %get3A_60 = arith.constant 0 : index
    %get3A_61 = vector.load %arg8[%get3A_59, %get3A_60] : memref<128x128xf32, #tpu.memory_space<vmem>>, vector<128x128xf32>
    %dot_general3A_62 = arith.constant dense<0.000000e+00> : vector<6144x128xf32>
    %dot_general3A_63 = tpu.matmul %max3A_58, %get3A_61, %dot_general3A_62 {dimension_numbers = #tpu.dot_dimension_numbers<[1], [0], [0], [1], [0, 0, 1, 1], [], []>, transpose_lhs_hint = false} : vector<6144x128xf32>, vector<128x128xf32>, vector<6144x128xf32> -> vector<6144x128xf32>
    %get3A_64 = arith.constant 0 : index
    %get3A_65 = arith.constant 0 : index
    %get3A_66 = vector.load %arg9[%get3A_64, %get3A_65] : memref<1x128xf32, #tpu.memory_space<vmem>>, vector<1x128xf32>
    %add3A_67 = vector.broadcast %get3A_66 : vector<1x128xf32> to vector<6144x128xf32>
    %add3A_68 = arith.addf %dot_general3A_63, %add3A_67 : vector<6144x128xf32>
    %max3A_69 = arith.constant 0.000000e+00 : f32
    %max3A_70 = vector.broadcast %max3A_69 : f32 to vector<6144x128xf32>
    %max3A_71 = arith.maximumf %add3A_68, %max3A_70 : vector<6144x128xf32>
    %get3A_72 = arith.constant 0 : index
    %get3A_73 = arith.constant 0 : index
    %get3A_74 = vector.load %arg10[%get3A_72, %get3A_73] : memref<128x128xf32, #tpu.memory_space<vmem>>, vector<128x128xf32>
    %dot_general3A_75 = arith.constant dense<0.000000e+00> : vector<6144x128xf32>
    %dot_general3A_76 = tpu.matmul %max3A_71, %get3A_74, %dot_general3A_75 {dimension_numbers = #tpu.dot_dimension_numbers<[1], [0], [0], [1], [0, 0, 1, 1], [], []>, transpose_lhs_hint = false} : vector<6144x128xf32>, vector<128x128xf32>, vector<6144x128xf32> -> vector<6144x128xf32>
    %get3A_77 = arith.constant 0 : index
    %get3A_78 = arith.constant 0 : index
    %get3A_79 = vector.load %arg11[%get3A_77, %get3A_78] : memref<1x128xf32, #tpu.memory_space<vmem>>, vector<1x128xf32>
    %add3A_80 = vector.broadcast %get3A_79 : vector<1x128xf32> to vector<6144x128xf32>
    %add3A_81 = arith.addf %dot_general3A_76, %add3A_80 : vector<6144x128xf32>
    %max3A_82 = arith.constant 0.000000e+00 : f32
    %max3A_83 = vector.broadcast %max3A_82 : f32 to vector<6144x128xf32>
    %max3A_84 = arith.maximumf %add3A_81, %max3A_83 : vector<6144x128xf32>
    %get3A_85 = arith.constant 0 : index
    %get3A_86 = arith.constant 0 : index
    %get3A_87 = vector.load %arg12[%get3A_85, %get3A_86] : memref<128x128xf32, #tpu.memory_space<vmem>>, vector<128x128xf32>
    %dot_general3A_88 = arith.constant dense<0.000000e+00> : vector<6144x128xf32>
    %dot_general3A_89 = tpu.matmul %max3A_84, %get3A_87, %dot_general3A_88 {dimension_numbers = #tpu.dot_dimension_numbers<[1], [0], [0], [1], [0, 0, 1, 1], [], []>, transpose_lhs_hint = false} : vector<6144x128xf32>, vector<128x128xf32>, vector<6144x128xf32> -> vector<6144x128xf32>
    %get3A_90 = arith.constant 0 : index
    %get3A_91 = arith.constant 0 : index
    %get3A_92 = vector.load %arg13[%get3A_90, %get3A_91] : memref<1x128xf32, #tpu.memory_space<vmem>>, vector<1x128xf32>
    %add3A_93 = vector.broadcast %get3A_92 : vector<1x128xf32> to vector<6144x128xf32>
    %add3A_94 = arith.addf %dot_general3A_89, %add3A_93 : vector<6144x128xf32>
    %max3A_95 = arith.constant 0.000000e+00 : f32
    %max3A_96 = vector.broadcast %max3A_95 : f32 to vector<6144x128xf32>
    %max3A_97 = arith.maximumf %add3A_94, %max3A_96 : vector<6144x128xf32>
    %reshape3A_98 = vector.shape_cast %max3A_97 : vector<6144x128xf32> to vector<384x16x128xf32>
    %reduce_max3A_99 = arith.constant dense<0xFF800000> : vector<384x128xf32>
    %reduce_max3A_100 = vector.multi_reduction <maximumf>, %reshape3A_98, %reduce_max3A_99 [1] : vector<384x16x128xf32> to vector<384x128xf32>
    %get3A_101 = arith.constant 0 : index
    %get3A_102 = arith.constant 0 : index
    %get3A_103 = vector.load %arg14[%get3A_101, %get3A_102] : memref<128x64xf32, #tpu.memory_space<vmem>>, vector<128x64xf32>
    %dot_general3A_104 = arith.constant dense<0.000000e+00> : vector<384x64xf32>
    %dot_general3A_105 = tpu.matmul %reduce_max3A_100, %get3A_103, %dot_general3A_104 {dimension_numbers = #tpu.dot_dimension_numbers<[1], [0], [0], [1], [0, 0, 1, 1], [], []>, transpose_lhs_hint = false} : vector<384x128xf32>, vector<128x64xf32>, vector<384x64xf32> -> vector<384x64xf32>
    %get3A_106 = arith.constant 0 : index
    %get3A_107 = arith.constant 0 : index
    %get3A_108 = vector.load %arg15[%get3A_106, %get3A_107] : memref<1x64xf32, #tpu.memory_space<vmem>>, vector<1x64xf32>
    %add3A_109 = vector.broadcast %get3A_108 : vector<1x64xf32> to vector<384x64xf32>
    %add3A_110 = arith.addf %dot_general3A_105, %add3A_109 : vector<384x64xf32>
    %max3A_111 = arith.constant 0.000000e+00 : f32
    %max3A_112 = vector.broadcast %max3A_111 : f32 to vector<384x64xf32>
    %max3A_113 = arith.maximumf %add3A_110, %max3A_112 : vector<384x64xf32>
    %get3A_114 = arith.constant 0 : index
    %get3A_115 = arith.constant 0 : index
    %get3A_116 = vector.load %arg16[%get3A_114, %get3A_115] : memref<64x16xf32, #tpu.memory_space<vmem>>, vector<64x16xf32>
    %dot_general3A_117 = arith.constant dense<0.000000e+00> : vector<384x16xf32>
    %dot_general3A_118 = tpu.matmul %max3A_113, %get3A_116, %dot_general3A_117 {dimension_numbers = #tpu.dot_dimension_numbers<[1], [0], [0], [1], [0, 0, 1, 1], [], []>, transpose_lhs_hint = false} : vector<384x64xf32>, vector<64x16xf32>, vector<384x16xf32> -> vector<384x16xf32>
    %get3A_119 = arith.constant 0 : index
    %get3A_120 = arith.constant 0 : index
    %get3A_121 = vector.load %arg17[%get3A_119, %get3A_120] : memref<1x16xf32, #tpu.memory_space<vmem>>, vector<1x16xf32>
    %add3A_122 = vector.broadcast %get3A_121 : vector<1x16xf32> to vector<384x16xf32>
    %add3A_123 = arith.addf %dot_general3A_118, %add3A_122 : vector<384x16xf32>
    %max3A_124 = arith.constant 0.000000e+00 : f32
    %max3A_125 = vector.broadcast %max3A_124 : f32 to vector<384x16xf32>
    %max3A_126 = arith.maximumf %add3A_123, %max3A_125 : vector<384x16xf32>
    %get3A_127 = arith.constant 0 : index
    %get3A_128 = arith.constant 0 : index
    %get3A_129 = vector.load %arg18[%get3A_127, %get3A_128] : memref<16x8xf32, #tpu.memory_space<vmem>>, vector<16x8xf32>
    %dot_general3A_130 = arith.constant dense<0.000000e+00> : vector<384x8xf32>
    %dot_general3A_131 = tpu.matmul %max3A_126, %get3A_129, %dot_general3A_130 {dimension_numbers = #tpu.dot_dimension_numbers<[1], [0], [0], [1], [0, 0, 1, 1], [], []>, transpose_lhs_hint = false} : vector<384x16xf32>, vector<16x8xf32>, vector<384x8xf32> -> vector<384x8xf32>
    %get3A_132 = arith.constant 0 : index
    %get3A_133 = arith.constant 0 : index
    %get3A_134 = vector.load %arg20[%get3A_132, %get3A_133] : memref<1x8xf32, #tpu.memory_space<vmem>>, vector<1x8xf32>
    %add3A_135 = vector.broadcast %get3A_134 : vector<1x8xf32> to vector<384x8xf32>
    %add3A_136 = arith.addf %dot_general3A_131, %add3A_135 : vector<384x8xf32>
    %add3A_137 = arith.constant 5.000000e-01 : f32
    %add3A_138 = vector.broadcast %add3A_137 : f32 to vector<384x8xf32>
    %add3A_139 = arith.addf %add3A_136, %add3A_138 : vector<384x8xf32>
    %mul3A_140 = arith.constant 2.550000e+02 : f32
    %mul3A_141 = vector.broadcast %mul3A_140 : f32 to vector<384x8xf32>
    %mul3A_142 = arith.mulf %add3A_139, %mul3A_141 : vector<384x8xf32>
    %get3A_143 = arith.constant 0 : index
    %get3A_144 = arith.constant 0 : index
    %get3A_145 = vector.load %arg19[%get3A_143, %get3A_144] : memref<16x8xf32, #tpu.memory_space<vmem>>, vector<16x8xf32>
    %dot_general3A_146 = arith.constant dense<0.000000e+00> : vector<384x8xf32>
    %dot_general3A_147 = tpu.matmul %max3A_126, %get3A_145, %dot_general3A_146 {dimension_numbers = #tpu.dot_dimension_numbers<[1], [0], [0], [1], [0, 0, 1, 1], [], []>, transpose_lhs_hint = false} : vector<384x16xf32>, vector<16x8xf32>, vector<384x8xf32> -> vector<384x8xf32>
    %get3A_148 = arith.constant 0 : index
    %get3A_149 = arith.constant 0 : index
    %get3A_150 = vector.load %arg21[%get3A_148, %get3A_149] : memref<1x8xf32, #tpu.memory_space<vmem>>, vector<1x8xf32>
    %add3A_151 = vector.broadcast %get3A_150 : vector<1x8xf32> to vector<384x8xf32>
    %add3A_152 = arith.addf %dot_general3A_147, %add3A_151 : vector<384x8xf32>
    %exp3A = math.exp %add3A_152 : vector<384x8xf32>
    %mul3A_153 = arith.constant 3.200000e+01 : f32
    %mul3A_154 = vector.broadcast %mul3A_153 : f32 to vector<384x8xf32>
    %mul3A_155 = arith.mulf %exp3A, %mul3A_154 : vector<384x8xf32>
    %jit3A_156 = arith.constant 1.000000e-10 : f32
    %jit3A_157 = arith.constant 1.000000e+10 : f32
    %max3A_158 = vector.broadcast %jit3A_156 : f32 to vector<384x8xf32>
    %max3A_159 = arith.maximumf %max3A_158, %mul3A_155 : vector<384x8xf32>
    %min3A = vector.broadcast %jit3A_157 : f32 to vector<384x8xf32>
    %min3A_160 = arith.minimumf %min3A, %max3A_159 : vector<384x8xf32>
    %get3A_161 = arith.constant 0 : index
    %get3A_162 = arith.constant 0 : index
    %get3A_163 = vector.load %arg3[%get3A_161, %get3A_162] : memref<384x8xf32, #tpu.memory_space<vmem>>, vector<384x8xf32>
    %add3A_164 = arith.constant 5.000000e-01 : f32
    %add3A_165 = vector.broadcast %add3A_164 : f32 to vector<384x8xf32>
    %add3A_166 = arith.addf %get3A_163, %add3A_165 : vector<384x8xf32>
    %sub3A_167 = arith.subf %add3A_166, %mul3A_142 : vector<384x8xf32>
    %div3A_168 = arith.divf %sub3A_167, %min3A_160 : vector<384x8xf32>
    %abs3A = math.absf %div3A_168 : vector<384x8xf32>
    %mul3A_169 = arith.constant 1.98412701E-4 : f32
    %mul3A_170 = vector.broadcast %mul3A_169 : f32 to vector<384x8xf32>
    %mul3A_171 = arith.mulf %abs3A, %mul3A_170 : vector<384x8xf32>
    %sub3A_172 = arith.constant 0.00138888892 : f32
    %sub3A_173 = vector.broadcast %sub3A_172 : f32 to vector<384x8xf32>
    %sub3A_174 = arith.subf %sub3A_173, %mul3A_171 : vector<384x8xf32>
    %mul3A_175 = arith.mulf %abs3A, %sub3A_174 : vector<384x8xf32>
    %sub3A_176 = arith.constant 0.00833333377 : f32
    %sub3A_177 = vector.broadcast %sub3A_176 : f32 to vector<384x8xf32>
    %sub3A_178 = arith.subf %sub3A_177, %mul3A_175 : vector<384x8xf32>
    %mul3A_179 = arith.mulf %abs3A, %sub3A_178 : vector<384x8xf32>
    %sub3A_180 = arith.constant 0.0416666679 : f32
    %sub3A_181 = vector.broadcast %sub3A_180 : f32 to vector<384x8xf32>
    %sub3A_182 = arith.subf %sub3A_181, %mul3A_179 : vector<384x8xf32>
    %mul3A_183 = arith.mulf %abs3A, %sub3A_182 : vector<384x8xf32>
    %sub3A_184 = arith.constant 0.166666672 : f32
    %sub3A_185 = vector.broadcast %sub3A_184 : f32 to vector<384x8xf32>
    %sub3A_186 = arith.subf %sub3A_185, %mul3A_183 : vector<384x8xf32>
    %mul3A_187 = arith.mulf %abs3A, %sub3A_186 : vector<384x8xf32>
    %sub3A_188 = arith.constant 5.000000e-01 : f32
    %sub3A_189 = vector.broadcast %sub3A_188 : f32 to vector<384x8xf32>
    %sub3A_190 = arith.subf %sub3A_189, %mul3A_187 : vector<384x8xf32>
    %mul3A_191 = arith.mulf %abs3A, %sub3A_190 : vector<384x8xf32>
    %sub3A_192 = arith.constant 1.000000e+00 : f32
    %sub3A_193 = vector.broadcast %sub3A_192 : f32 to vector<384x8xf32>
    %sub3A_194 = arith.subf %sub3A_193, %mul3A_191 : vector<384x8xf32>
    %mul3A_195 = arith.mulf %abs3A, %sub3A_194 : vector<384x8xf32>
    %lt3A_196 = arith.constant 3.500000e-01 : f32
    %lt3A_197 = vector.broadcast %lt3A_196 : f32 to vector<384x8xf32>
    %lt3A_198 = arith.cmpf olt, %abs3A, %lt3A_197 : vector<384x8xf32>
    %neg3A = arith.constant 0.000000e+00 : f32
    %neg3A_199 = vector.broadcast %neg3A : f32 to vector<384x8xf32>
    %neg3A_200 = arith.subf %neg3A_199, %mul3A_195 : vector<384x8xf32>
    %neg3A_201 = arith.constant 0.000000e+00 : f32
    %neg3A_202 = vector.broadcast %neg3A_201 : f32 to vector<384x8xf32>
    %neg3A_203 = arith.subf %neg3A_202, %abs3A : vector<384x8xf32>
    %exp3A_204 = math.exp %neg3A_203 : vector<384x8xf32>
    %sub3A_205 = arith.constant 1.000000e+00 : f32
    %sub3A_206 = vector.broadcast %sub3A_205 : f32 to vector<384x8xf32>
    %sub3A_207 = arith.subf %exp3A_204, %sub3A_206 : vector<384x8xf32>
    %select_n3A_208 = arith.select %lt3A_198, %neg3A_200, %sub3A_207 : vector<384x8xi1>, vector<384x8xf32>
    %sign3A = tpu.bitcast %div3A_168 : vector<384x8xf32> -> vector<384x8xi32>
    %sign3A_209 = arith.constant -2147483648 : i32
    %sign3A_210 = vector.broadcast %sign3A_209 : i32 to vector<384x8xi32>
    %sign3A_211 = arith.andi %sign3A, %sign3A_210 : vector<384x8xi32>
    %sign3A_212 = arith.constant 1065353216 : i32
    %sign3A_213 = vector.broadcast %sign3A_212 : i32 to vector<384x8xi32>
    %sign3A_214 = arith.ori %sign3A_213, %sign3A_211 : vector<384x8xi32>
    %sign3A_215 = tpu.bitcast %sign3A_214 : vector<384x8xi32> -> vector<384x8xf32>
    %sign3A_216 = math.absf %div3A_168 : vector<384x8xf32>
    %sign3A_217 = arith.constant 0.000000e+00 : f32
    %sign3A_218 = vector.broadcast %sign3A_217 : f32 to vector<384x8xf32>
    %sign3A_219 = arith.cmpf ogt, %sign3A_216, %sign3A_218 : vector<384x8xf32>
    %sign3A_220 = arith.select %sign3A_219, %sign3A_215, %div3A_168 : vector<384x8xi1>, vector<384x8xf32>
    %mul3A_221 = arith.constant 5.000000e-01 : f32
    %mul3A_222 = vector.broadcast %mul3A_221 : f32 to vector<384x8xf32>
    %mul3A_223 = arith.mulf %mul3A_222, %sign3A_220 : vector<384x8xf32>
    %mul3A_224 = arith.mulf %mul3A_223, %select_n3A_208 : vector<384x8xf32>
    %sub3A_225 = arith.constant 5.000000e-01 : f32
    %sub3A_226 = vector.broadcast %sub3A_225 : f32 to vector<384x8xf32>
    %sub3A_227 = arith.subf %sub3A_226, %mul3A_224 : vector<384x8xf32>
    %sub3A_228 = arith.constant 5.000000e-01 : f32
    %sub3A_229 = vector.broadcast %sub3A_228 : f32 to vector<384x8xf32>
    %sub3A_230 = arith.subf %get3A_163, %sub3A_229 : vector<384x8xf32>
    %sub3A_231 = arith.subf %sub3A_230, %mul3A_142 : vector<384x8xf32>
    %div3A_232 = arith.divf %sub3A_231, %min3A_160 : vector<384x8xf32>
    %abs3A_233 = math.absf %div3A_232 : vector<384x8xf32>
    %mul3A_234 = arith.constant 1.98412701E-4 : f32
    %mul3A_235 = vector.broadcast %mul3A_234 : f32 to vector<384x8xf32>
    %mul3A_236 = arith.mulf %abs3A_233, %mul3A_235 : vector<384x8xf32>
    %sub3A_237 = arith.constant 0.00138888892 : f32
    %sub3A_238 = vector.broadcast %sub3A_237 : f32 to vector<384x8xf32>
    %sub3A_239 = arith.subf %sub3A_238, %mul3A_236 : vector<384x8xf32>
    %mul3A_240 = arith.mulf %abs3A_233, %sub3A_239 : vector<384x8xf32>
    %sub3A_241 = arith.constant 0.00833333377 : f32
    %sub3A_242 = vector.broadcast %sub3A_241 : f32 to vector<384x8xf32>
    %sub3A_243 = arith.subf %sub3A_242, %mul3A_240 : vector<384x8xf32>
    %mul3A_244 = arith.mulf %abs3A_233, %sub3A_243 : vector<384x8xf32>
    %sub3A_245 = arith.constant 0.0416666679 : f32
    %sub3A_246 = vector.broadcast %sub3A_245 : f32 to vector<384x8xf32>
    %sub3A_247 = arith.subf %sub3A_246, %mul3A_244 : vector<384x8xf32>
    %mul3A_248 = arith.mulf %abs3A_233, %sub3A_247 : vector<384x8xf32>
    %sub3A_249 = arith.constant 0.166666672 : f32
    %sub3A_250 = vector.broadcast %sub3A_249 : f32 to vector<384x8xf32>
    %sub3A_251 = arith.subf %sub3A_250, %mul3A_248 : vector<384x8xf32>
    %mul3A_252 = arith.mulf %abs3A_233, %sub3A_251 : vector<384x8xf32>
    %sub3A_253 = arith.constant 5.000000e-01 : f32
    %sub3A_254 = vector.broadcast %sub3A_253 : f32 to vector<384x8xf32>
    %sub3A_255 = arith.subf %sub3A_254, %mul3A_252 : vector<384x8xf32>
    %mul3A_256 = arith.mulf %abs3A_233, %sub3A_255 : vector<384x8xf32>
    %sub3A_257 = arith.constant 1.000000e+00 : f32
    %sub3A_258 = vector.broadcast %sub3A_257 : f32 to vector<384x8xf32>
    %sub3A_259 = arith.subf %sub3A_258, %mul3A_256 : vector<384x8xf32>
    %mul3A_260 = arith.mulf %abs3A_233, %sub3A_259 : vector<384x8xf32>
    %lt3A_261 = arith.constant 3.500000e-01 : f32
    %lt3A_262 = vector.broadcast %lt3A_261 : f32 to vector<384x8xf32>
    %lt3A_263 = arith.cmpf olt, %abs3A_233, %lt3A_262 : vector<384x8xf32>
    %neg3A_264 = arith.constant 0.000000e+00 : f32
    %neg3A_265 = vector.broadcast %neg3A_264 : f32 to vector<384x8xf32>
    %neg3A_266 = arith.subf %neg3A_265, %mul3A_260 : vector<384x8xf32>
    %neg3A_267 = arith.constant 0.000000e+00 : f32
    %neg3A_268 = vector.broadcast %neg3A_267 : f32 to vector<384x8xf32>
    %neg3A_269 = arith.subf %neg3A_268, %abs3A_233 : vector<384x8xf32>
    %exp3A_270 = math.exp %neg3A_269 : vector<384x8xf32>
    %sub3A_271 = arith.constant 1.000000e+00 : f32
    %sub3A_272 = vector.broadcast %sub3A_271 : f32 to vector<384x8xf32>
    %sub3A_273 = arith.subf %exp3A_270, %sub3A_272 : vector<384x8xf32>
    %select_n3A_274 = arith.select %lt3A_263, %neg3A_266, %sub3A_273 : vector<384x8xi1>, vector<384x8xf32>
    %sign3A_275 = tpu.bitcast %div3A_232 : vector<384x8xf32> -> vector<384x8xi32>
    %sign3A_276 = arith.constant -2147483648 : i32
    %sign3A_277 = vector.broadcast %sign3A_276 : i32 to vector<384x8xi32>
    %sign3A_278 = arith.andi %sign3A_275, %sign3A_277 : vector<384x8xi32>
    %sign3A_279 = arith.constant 1065353216 : i32
    %sign3A_280 = vector.broadcast %sign3A_279 : i32 to vector<384x8xi32>
    %sign3A_281 = arith.ori %sign3A_280, %sign3A_278 : vector<384x8xi32>
    %sign3A_282 = tpu.bitcast %sign3A_281 : vector<384x8xi32> -> vector<384x8xf32>
    %sign3A_283 = math.absf %div3A_232 : vector<384x8xf32>
    %sign3A_284 = arith.constant 0.000000e+00 : f32
    %sign3A_285 = vector.broadcast %sign3A_284 : f32 to vector<384x8xf32>
    %sign3A_286 = arith.cmpf ogt, %sign3A_283, %sign3A_285 : vector<384x8xf32>
    %sign3A_287 = arith.select %sign3A_286, %sign3A_282, %div3A_232 : vector<384x8xi1>, vector<384x8xf32>
    %mul3A_288 = arith.constant 5.000000e-01 : f32
    %mul3A_289 = vector.broadcast %mul3A_288 : f32 to vector<384x8xf32>
    %mul3A_290 = arith.mulf %mul3A_289, %sign3A_287 : vector<384x8xf32>
    %mul3A_291 = arith.mulf %mul3A_290, %select_n3A_274 : vector<384x8xf32>
    %sub3A_292 = arith.constant 5.000000e-01 : f32
    %sub3A_293 = vector.broadcast %sub3A_292 : f32 to vector<384x8xf32>
    %sub3A_294 = arith.subf %sub3A_293, %mul3A_291 : vector<384x8xf32>
    %sub3A_295 = arith.subf %sub3A_227, %sub3A_294 : vector<384x8xf32>
    %add3A_296 = arith.constant 1.000000e-10 : f32
    %add3A_297 = vector.broadcast %add3A_296 : f32 to vector<384x8xf32>
    %add3A_298 = arith.addf %sub3A_295, %add3A_297 : vector<384x8xf32>
    %log3A = math.log %add3A_298 : vector<384x8xf32>
    %neg3A_299 = arith.constant 0.000000e+00 : f32
    %neg3A_300 = vector.broadcast %neg3A_299 : f32 to vector<384x8xf32>
    %neg3A_301 = arith.subf %neg3A_300, %log3A : vector<384x8xf32>
    %div3A_302 = arith.constant 0.693147182 : f32
    %div3A_303 = vector.broadcast %div3A_302 : f32 to vector<384x8xf32>
    %div3A_304 = arith.divf %neg3A_301, %div3A_303 : vector<384x8xf32>
    %jit3A_305 = arith.constant 0.000000e+00 : f32
    %jit3A_306 = arith.constant 5.000000e+01 : f32
    %max3A_307 = vector.broadcast %jit3A_305 : f32 to vector<384x8xf32>
    %max3A_308 = arith.maximumf %max3A_307, %div3A_304 : vector<384x8xf32>
    %min3A_309 = vector.broadcast %jit3A_306 : f32 to vector<384x8xf32>
    %min3A_310 = arith.minimumf %min3A_309, %max3A_308 : vector<384x8xf32>
    %iota3A_311 = tpu.iota {dimensions = array<i32: 1>} : vector<384x8xi32>
    %lt3A_312 = arith.constant 3 : i32
    %lt3A_313 = vector.broadcast %lt3A_312 : i32 to vector<384x8xi32>
    %lt3A_314 = arith.cmpi slt, %iota3A_311, %lt3A_313 : vector<384x8xi32>
    %jit3A_315 = arith.constant 0.000000e+00 : f32
    %broadcast_in_dim3A_316 = vector.broadcast %jit3A_315 : f32 to vector<384x8xf32>
    %select_n3A_317 = arith.select %lt3A_314, %min3A_310, %broadcast_in_dim3A_316 : vector<384x8xi1>, vector<384x8xf32>
    %reduce_sum3A_318 = vector.shape_cast %select_n3A_317 : vector<384x8xf32> to vector<1x384x8xf32>
    %reduce_sum3A_319 = arith.constant dense<0.000000e+00> : vector<1xf32>
    %reduce_sum3A_320 = vector.multi_reduction <add>, %reduce_sum3A_318, %reduce_sum3A_319 [1, 2] : vector<1x384x8xf32> to vector<1xf32>
    %reduce_sum3A_321 = vector.shape_cast %reduce_sum3A_320 : vector<1xf32> to vector<1x1x1xf32>
    %reduce_sum3A_322 = vector.extract %reduce_sum3A_321[0, 0, 0] : f32 from vector<1x1x1xf32>
    %broadcast_in_dim3A_323 = vector.broadcast %reduce_sum3A_322 : f32 to vector<1x1xf32>
    %eq3A_324 = arith.constant 0 : i32
    %eq3A_325 = arith.cmpi eq, %arg0, %eq3A_324 : i32
    %convert_element_type3A = arith.extui %eq3A_325 : i1 to i32
    %cond3A = arith.constant 0 : i32
    %cond3A_326 = arith.cmpi ne, %convert_element_type3A, %cond3A : i32
    scf.if %cond3A_326 {
      %broadcast_in_dim3A_333 = arith.constant 0.000000e+00 : f32
      %broadcast_in_dim3A_334 = vector.broadcast %broadcast_in_dim3A_333 : f32 to vector<1x1xf32>
      %swap3A_335 = arith.constant 0 : index
      %swap3A_336 = arith.constant 0 : index
      %swap3A_337 = vector.load %arg22[%swap3A_335, %swap3A_336] : memref<1x1xf32, #tpu.memory_space<vmem>>, vector<1x1xf32>
      tpu.vector_store %arg22[%swap3A_335, %swap3A_336], %broadcast_in_dim3A_334 {strides = array<i32>} : memref<1x1xf32, #tpu.memory_space<vmem>>, vector<1x1xf32>,
    } else {
    }
    %get3A_327 = arith.constant 0 : index
    %get3A_328 = arith.constant 0 : index
    %get3A_329 = vector.load %arg22[%get3A_327, %get3A_328] : memref<1x1xf32, #tpu.memory_space<vmem>>, vector<1x1xf32>
    %add3A_330 = arith.addf %get3A_329, %broadcast_in_dim3A_323 : vector<1x1xf32>
    %swap3A = arith.constant 0 : index
    %swap3A_331 = arith.constant 0 : index
    %swap3A_332 = vector.load %arg22[%swap3A, %swap3A_331] : memref<1x1xf32, #tpu.memory_space<vmem>>, vector<1x1xf32>
    tpu.vector_store %arg22[%swap3A, %swap3A_331], %add3A_330 {strides = array<i32>} : memref<1x1xf32, #tpu.memory_space<vmem>>, vector<1x1xf32>,
    return
  }
  func.func @transform_0(%arg0: i32) -> (i32, i32, i32) {
    %c0_i32 = arith.constant 0 : i32
    %c0_i32_0 = arith.constant 0 : i32
    %c0_i32_1 = arith.constant 0 : i32
    return %arg0, %c0_i32, %c0_i32_0 : i32, i32, i32
  }
  func.func @transform_1(%arg0: i32) -> (i32, i32) {
    %c0_i32 = arith.constant 0 : i32
    %c0_i32_0 = arith.constant 0 : i32
    return %arg0, %c0_i32 : i32, i32
  }
  func.func @transform_2(%arg0: i32) -> (i32, i32) {
    %c0_i32 = arith.constant 0 : i32
    %c0_i32_0 = arith.constant 0 : i32
    return %arg0, %c0_i32 : i32, i32
  }
  func.func @transform_3(%arg0: i32) -> (i32, i32) {
    %c0_i32 = arith.constant 0 : i32
    %c0_i32_0 = arith.constant 0 : i32
    %c0_i32_1 = arith.constant 0 : i32
    return %c0_i32, %c0_i32_0 : i32, i32
  }
  func.func @transform_4(%arg0: i32) -> (i32, i32) {
    %c0_i32 = arith.constant 0 : i32
    %c0_i32_0 = arith.constant 0 : i32
    %c0_i32_1 = arith.constant 0 : i32
    return %c0_i32, %c0_i32_0 : i32, i32
  }
  func.func @transform_5(%arg0: i32) -> (i32, i32) {
    %c0_i32 = arith.constant 0 : i32
    %c0_i32_0 = arith.constant 0 : i32
    %c0_i32_1 = arith.constant 0 : i32
    return %c0_i32, %c0_i32_0 : i32, i32
  }
  func.func @transform_6(%arg0: i32) -> (i32, i32) {
    %c0_i32 = arith.constant 0 : i32
    %c0_i32_0 = arith.constant 0 : i32
    %c0_i32_1 = arith.constant 0 : i32
    return %c0_i32, %c0_i32_0 : i32, i32
  }
  func.func @transform_7(%arg0: i32) -> (i32, i32) {
    %c0_i32 = arith.constant 0 : i32
    %c0_i32_0 = arith.constant 0 : i32
    %c0_i32_1 = arith.constant 0 : i32
    return %c0_i32, %c0_i32_0 : i32, i32
  }
  func.func @transform_8(%arg0: i32) -> (i32, i32) {
    %c0_i32 = arith.constant 0 : i32
    %c0_i32_0 = arith.constant 0 : i32
    %c0_i32_1 = arith.constant 0 : i32
    return %c0_i32, %c0_i32_0 : i32, i32
  }
  func.func @transform_9(%arg0: i32) -> (i32, i32) {
    %c0_i32 = arith.constant 0 : i32
    %c0_i32_0 = arith.constant 0 : i32
    %c0_i32_1 = arith.constant 0 : i32
    return %c0_i32, %c0_i32_0 : i32, i32
  }
  func.func @transform_10(%arg0: i32) -> (i32, i32) {
    %c0_i32 = arith.constant 0 : i32
    %c0_i32_0 = arith.constant 0 : i32
    %c0_i32_1 = arith.constant 0 : i32
    return %c0_i32, %c0_i32_0 : i32, i32
  }
  func.func @transform_11(%arg0: i32) -> (i32, i32) {
    %c0_i32 = arith.constant 0 : i32
    %c0_i32_0 = arith.constant 0 : i32
    %c0_i32_1 = arith.constant 0 : i32
    return %c0_i32, %c0_i32_0 : i32, i32
  }
  func.func @transform_12(%arg0: i32) -> (i32, i32) {
    %c0_i32 = arith.constant 0 : i32
    %c0_i32_0 = arith.constant 0 : i32
    %c0_i32_1 = arith.constant 0 : i32
    return %c0_i32, %c0_i32_0 : i32, i32
  }
  func.func @transform_13(%arg0: i32) -> (i32, i32) {
    %c0_i32 = arith.constant 0 : i32
    %c0_i32_0 = arith.constant 0 : i32
    %c0_i32_1 = arith.constant 0 : i32
    return %c0_i32, %c0_i32_0 : i32, i32
  }
  func.func @transform_14(%arg0: i32) -> (i32, i32) {
    %c0_i32 = arith.constant 0 : i32
    %c0_i32_0 = arith.constant 0 : i32
    %c0_i32_1 = arith.constant 0 : i32
    return %c0_i32, %c0_i32_0 : i32, i32
  }
  func.func @transform_15(%arg0: i32) -> (i32, i32) {
    %c0_i32 = arith.constant 0 : i32
    %c0_i32_0 = arith.constant 0 : i32
    %c0_i32_1 = arith.constant 0 : i32
    return %c0_i32, %c0_i32_0 : i32, i32
  }
  func.func @transform_16(%arg0: i32) -> (i32, i32) {
    %c0_i32 = arith.constant 0 : i32
    %c0_i32_0 = arith.constant 0 : i32
    %c0_i32_1 = arith.constant 0 : i32
    return %c0_i32, %c0_i32_0 : i32, i32
  }
  func.func @transform_17(%arg0: i32) -> (i32, i32) {
    %c0_i32 = arith.constant 0 : i32
    %c0_i32_0 = arith.constant 0 : i32
    %c0_i32_1 = arith.constant 0 : i32
    return %c0_i32, %c0_i32_0 : i32, i32
  }
  func.func @transform_18(%arg0: i32) -> (i32, i32) {
    %c0_i32 = arith.constant 0 : i32
    %c0_i32_0 = arith.constant 0 : i32
    %c0_i32_1 = arith.constant 0 : i32
    return %c0_i32, %c0_i32_0 : i32, i32
  }
  func.func @transform_19(%arg0: i32) -> (i32, i32) {
    %c0_i32 = arith.constant 0 : i32
    %c0_i32_0 = arith.constant 0 : i32
    %c0_i32_1 = arith.constant 0 : i32
    return %c0_i32, %c0_i32_0 : i32, i32
  }
  func.func @transform_20(%arg0: i32) -> (i32, i32) {
    %c0_i32 = arith.constant 0 : i32
    %c0_i32_0 = arith.constant 0 : i32
    %c0_i32_1 = arith.constant 0 : i32
    return %c0_i32, %c0_i32_0 : i32, i32
  }
  func.func @transform_21(%arg0: i32) -> (i32, i32) {
    %c0_i32 = arith.constant 0 : i32
    %c0_i32_0 = arith.constant 0 : i32
    %c0_i32_1 = arith.constant 0 : i32
    return %c0_i32, %c0_i32_0 : i32, i32
  }
}

module attributes {stable_mosaic.version = 14 : i64} {
  func.func @_mlp_body(%arg0: i32, %arg1: memref<384x16x16xf32, #tpu.memory_space<vmem>>, %arg2: memref<384x16xf32, #tpu.memory_space<vmem>>, %arg3: memref<384x8xf32, #tpu.memory_space<vmem>>, %arg4: memref<16x128xf32, #tpu.memory_space<vmem>>, %arg5: memref<1x128xf32, #tpu.memory_space<vmem>>, %arg6: memref<128x128xf32, #tpu.memory_space<vmem>>, %arg7: memref<1x128xf32, #tpu.memory_space<vmem>>, %arg8: memref<128x128xf32, #tpu.memory_space<vmem>>, %arg9: memref<1x128xf32, #tpu.memory_space<vmem>>, %arg10: memref<128x128xf32, #tpu.memory_space<vmem>>, %arg11: memref<1x128xf32, #tpu.memory_space<vmem>>, %arg12: memref<128x128xf32, #tpu.memory_space<vmem>>, %arg13: memref<1x128xf32, #tpu.memory_space<vmem>>, %arg14: memref<128x64xf32, #tpu.memory_space<vmem>>, %arg15: memref<1x64xf32, #tpu.memory_space<vmem>>, %arg16: memref<64x16xf32, #tpu.memory_space<vmem>>, %arg17: memref<1x16xf32, #tpu.memory_space<vmem>>, %arg18: memref<16x8xf32, #tpu.memory_space<vmem>>, %arg19: memref<16x8xf32, #tpu.memory_space<vmem>>, %arg20: memref<1x8xf32, #tpu.memory_space<vmem>>, %arg21: memref<1x8xf32, #tpu.memory_space<vmem>>, %arg22: memref<1x1xf32, #tpu.memory_space<vmem>>) attributes {dimension_semantics = [#tpu.dimension_semantics<arbitrary>], iteration_bounds = array<i64: 18>, scalar_prefetch = 0 : i64, scratch_operands = 0 : i64, tpu.core_type = #tpu.core_type<tc>, window_params = [{transform_indices = @transform_0, window_bounds = array<i64: 384, 16, 16>}, {transform_indices = @transform_1, window_bounds = array<i64: 384, 16>}, {transform_indices = @transform_2, window_bounds = array<i64: 384, 8>}, {pipeline_mode = #tpu.pipeline_mode<synchronous>, transform_indices = @transform_3, window_bounds = array<i64: 16, 128>}, {pipeline_mode = #tpu.pipeline_mode<synchronous>, transform_indices = @transform_4, window_bounds = array<i64: 1, 128>}, {pipeline_mode = #tpu.pipeline_mode<synchronous>, transform_indices = @transform_5, window_bounds = array<i64: 128, 128>}, {pipeline_mode = #tpu.pipeline_mode<synchronous>, transform_indices = @transform_6, window_bounds = array<i64: 1, 128>}, {pipeline_mode = #tpu.pipeline_mode<synchronous>, transform_indices = @transform_7, window_bounds = array<i64: 128, 128>}, {pipeline_mode = #tpu.pipeline_mode<synchronous>, transform_indices = @transform_8, window_bounds = array<i64: 1, 128>}, {pipeline_mode = #tpu.pipeline_mode<synchronous>, transform_indices = @transform_9, window_bounds = array<i64: 128, 128>}, {pipeline_mode = #tpu.pipeline_mode<synchronous>, transform_indices = @transform_10, window_bounds = array<i64: 1, 128>}, {pipeline_mode = #tpu.pipeline_mode<synchronous>, transform_indices = @transform_11, window_bounds = array<i64: 128, 128>}, {pipeline_mode = #tpu.pipeline_mode<synchronous>, transform_indices = @transform_12, window_bounds = array<i64: 1, 128>}, {pipeline_mode = #tpu.pipeline_mode<synchronous>, transform_indices = @transform_13, window_bounds = array<i64: 128, 64>}, {pipeline_mode = #tpu.pipeline_mode<synchronous>, transform_indices = @transform_14, window_bounds = array<i64: 1, 64>}, {pipeline_mode = #tpu.pipeline_mode<synchronous>, transform_indices = @transform_15, window_bounds = array<i64: 64, 16>}, {pipeline_mode = #tpu.pipeline_mode<synchronous>, transform_indices = @transform_16, window_bounds = array<i64: 1, 16>}, {pipeline_mode = #tpu.pipeline_mode<synchronous>, transform_indices = @transform_17, window_bounds = array<i64: 16, 8>}, {pipeline_mode = #tpu.pipeline_mode<synchronous>, transform_indices = @transform_18, window_bounds = array<i64: 16, 8>}, {pipeline_mode = #tpu.pipeline_mode<synchronous>, transform_indices = @transform_19, window_bounds = array<i64: 1, 8>}, {pipeline_mode = #tpu.pipeline_mode<synchronous>, transform_indices = @transform_20, window_bounds = array<i64: 1, 8>}, {pipeline_mode = #tpu.pipeline_mode<synchronous>, transform_indices = @transform_21, window_bounds = array<i64: 1, 1>}]} {
    %get3A = arith.constant 0 : index
    %get3A_0 = arith.constant 0 : index
    %get3A_1 = arith.constant 0 : index
    %get3A_2 = vector.load %arg1[%get3A, %get3A_0, %get3A_1] : memref<384x16x16xf32, #tpu.memory_space<vmem>>, vector<384x16x16xf32>
    %get3A_3 = arith.constant 0 : index
    %get3A_4 = arith.constant 0 : index
    %get3A_5 = vector.load %arg2[%get3A_3, %get3A_4] : memref<384x16xf32, #tpu.memory_space<vmem>>, vector<384x16xf32>
    %iota3A = tpu.iota {dimensions = array<i32: 2>} : vector<384x16x16xi32>
    %lt3A = arith.constant 3 : i32
    %lt3A_6 = vector.broadcast %lt3A : i32 to vector<384x16x16xi32>
    %lt3A_7 = arith.cmpi slt, %iota3A, %lt3A_6 : vector<384x16x16xi32>
    %broadcast_in_dim3A = vector.shape_cast %get3A_5 : vector<384x16xf32> to vector<384x1x16xf32>
    %sub3A = vector.broadcast %broadcast_in_dim3A : vector<384x1x16xf32> to vector<384x16x16xf32>
    %sub3A_8 = arith.subf %get3A_2, %sub3A : vector<384x16x16xf32>
    %jit3A = arith.constant 0.000000e+00 : f32
    %broadcast_in_dim3A_9 = vector.broadcast %jit3A : f32 to vector<384x16x16xf32>
    %select_n3A = arith.select %lt3A_7, %sub3A_8, %broadcast_in_dim3A_9 : vector<384x16x16xi1>, vector<384x16x16xf32>
    %eq3A = arith.constant 3 : i32
    %eq3A_10 = vector.broadcast %eq3A : i32 to vector<384x16x16xi32>
    %eq3A_11 = arith.cmpi eq, %iota3A, %eq3A_10 : vector<384x16x16xi32>
    %div3A = arith.constant 2.550000e+02 : f32
    %div3A_12 = vector.broadcast %div3A : f32 to vector<384x16x16xf32>
    %div3A_13 = arith.divf %get3A_2, %div3A_12 : vector<384x16x16xf32>
    %gt3A = arith.constant 3 : i32
    %gt3A_14 = vector.broadcast %gt3A : i32 to vector<384x16x16xi32>
    %gt3A_15 = arith.cmpi sgt, %iota3A, %gt3A_14 : vector<384x16x16xi32>
    %lt3A_16 = arith.constant 6 : i32
    %lt3A_17 = vector.broadcast %lt3A_16 : i32 to vector<384x16x16xi32>
    %lt3A_18 = arith.cmpi slt, %iota3A, %lt3A_17 : vector<384x16x16xi32>
    %and3A = arith.andi %gt3A_15, %lt3A_18 : vector<384x16x16xi1>
    %div3A_19 = arith.constant 5.110000e+02 : f32
    %div3A_20 = vector.broadcast %div3A_19 : f32 to vector<384x16x16xf32>
    %div3A_21 = arith.divf %get3A_2, %div3A_20 : vector<384x16x16xf32>
    %jit3A_22 = arith.constant 0.000000e+00 : f32
    %broadcast_in_dim3A_23 = vector.broadcast %jit3A_22 : f32 to vector<384x16x16xf32>
    %select_n3A_24 = arith.select %and3A, %div3A_21, %broadcast_in_dim3A_23 : vector<384x16x16xi1>, vector<384x16x16xf32>
    %select_n3A_25 = arith.select %eq3A_11, %div3A_13, %select_n3A_24 : vector<384x16x16xi1>, vector<384x16x16xf32>
    %mul3A = arith.mulf %select_n3A, %select_n3A : vector<384x16x16xf32>
    %reduce_sum3A = arith.constant dense<0.000000e+00> : vector<384x16xf32>
    %reduce_sum3A_26 = vector.multi_reduction <add>, %mul3A, %reduce_sum3A [2] : vector<384x16x16xf32> to vector<384x16xf32>
    %broadcast_in_dim3A_27 = vector.shape_cast %reduce_sum3A_26 : vector<384x16xf32> to vector<384x16x1xf32>
    %reduce_max3A = arith.constant dense<0xFF800000> : vector<384x1xf32>
    %reduce_max3A_28 = vector.multi_reduction <maximumf>, %broadcast_in_dim3A_27, %reduce_max3A [1] : vector<384x16x1xf32> to vector<384x1xf32>
    %broadcast_in_dim3A_29 = vector.shape_cast %reduce_max3A_28 : vector<384x1xf32> to vector<384x1x1xf32>
    %sqrt3A = math.sqrt %broadcast_in_dim3A_29 : vector<384x1x1xf32>
    %add3A = arith.constant 9.99999993E-9 : f32
    %add3A_30 = vector.broadcast %add3A : f32 to vector<384x1x1xf32>
    %add3A_31 = arith.addf %sqrt3A, %add3A_30 : vector<384x1x1xf32>
    %div3A_32 = vector.broadcast %add3A_31 : vector<384x1x1xf32> to vector<384x16x16xf32>
    %div3A_33 = arith.divf %select_n3A, %div3A_32 : vector<384x16x16xf32>
    %add3A_34 = arith.addf %div3A_33, %select_n3A_25 : vector<384x16x16xf32>
    %reshape3A = vector.shape_cast %add3A_34 : vector<384x16x16xf32> to vector<6144x16xf32>
    %get3A_35 = arith.constant 0 : index
    %get3A_36 = arith.constant 0 : index
    %get3A_37 = vector.load %arg4[%get3A_35, %get3A_36] : memref<16x128xf32, #tpu.memory_space<vmem>>, vector<16x128xf32>
    %dot_general3A = arith.constant dense<0.000000e+00> : vector<6144x128xf32>
    %dot_general3A_38 = tpu.matmul %reshape3A, %get3A_37, %dot_general3A {dimension_numbers = #tpu.dot_dimension_numbers<[1], [0], [0], [1], [0, 0, 1, 1], [], []>, transpose_lhs_hint = false} : vector<6144x16xf32>, vector<16x128xf32>, vector<6144x128xf32> -> vector<6144x128xf32>
    %get3A_39 = arith.constant 0 : index
    %get3A_40 = arith.constant 0 : index
    %get3A_41 = vector.load %arg5[%get3A_39, %get3A_40] : memref<1x128xf32, #tpu.memory_space<vmem>>, vector<1x128xf32>
    %add3A_42 = vector.broadcast %get3A_41 : vector<1x128xf32> to vector<6144x128xf32>
    %add3A_43 = arith.addf %dot_general3A_38, %add3A_42 : vector<6144x128xf32>
    %max3A = arith.constant 0.000000e+00 : f32
    %max3A_44 = vector.broadcast %max3A : f32 to vector<6144x128xf32>
    %max3A_45 = arith.maximumf %add3A_43, %max3A_44 : vector<6144x128xf32>
    %get3A_46 = arith.constant 0 : index
    %get3A_47 = arith.constant 0 : index
    %get3A_48 = vector.load %arg6[%get3A_46, %get3A_47] : memref<128x128xf32, #tpu.memory_space<vmem>>, vector<128x128xf32>
    %dot_general3A_49 = arith.constant dense<0.000000e+00> : vector<6144x128xf32>
    %dot_general3A_50 = tpu.matmul %max3A_45, %get3A_48, %dot_general3A_49 {dimension_numbers = #tpu.dot_dimension_numbers<[1], [0], [0], [1], [0, 0, 1, 1], [], []>, transpose_lhs_hint = false} : vector<6144x128xf32>, vector<128x128xf32>, vector<6144x128xf32> -> vector<6144x128xf32>
    %get3A_51 = arith.constant 0 : index
    %get3A_52 = arith.constant 0 : index
    %get3A_53 = vector.load %arg7[%get3A_51, %get3A_52] : memref<1x128xf32, #tpu.memory_space<vmem>>, vector<1x128xf32>
    %add3A_54 = vector.broadcast %get3A_53 : vector<1x128xf32> to vector<6144x128xf32>
    %add3A_55 = arith.addf %dot_general3A_50, %add3A_54 : vector<6144x128xf32>
    %max3A_56 = arith.constant 0.000000e+00 : f32
    %max3A_57 = vector.broadcast %max3A_56 : f32 to vector<6144x128xf32>
    %max3A_58 = arith.maximumf %add3A_55, %max3A_57 : vector<6144x128xf32>
    %get3A_59 = arith.constant 0 : index
    %get3A_60 = arith.constant 0 : index
    %get3A_61 = vector.load %arg8[%get3A_59, %get3A_60] : memref<128x128xf32, #tpu.memory_space<vmem>>, vector<128x128xf32>
    %dot_general3A_62 = arith.constant dense<0.000000e+00> : vector<6144x128xf32>
    %dot_general3A_63 = tpu.matmul %max3A_58, %get3A_61, %dot_general3A_62 {dimension_numbers = #tpu.dot_dimension_numbers<[1], [0], [0], [1], [0, 0, 1, 1], [], []>, transpose_lhs_hint = false} : vector<6144x128xf32>, vector<128x128xf32>, vector<6144x128xf32> -> vector<6144x128xf32>
    %get3A_64 = arith.constant 0 : index
    %get3A_65 = arith.constant 0 : index
    %get3A_66 = vector.load %arg9[%get3A_64, %get3A_65] : memref<1x128xf32, #tpu.memory_space<vmem>>, vector<1x128xf32>
    %add3A_67 = vector.broadcast %get3A_66 : vector<1x128xf32> to vector<6144x128xf32>
    %add3A_68 = arith.addf %dot_general3A_63, %add3A_67 : vector<6144x128xf32>
    %max3A_69 = arith.constant 0.000000e+00 : f32
    %max3A_70 = vector.broadcast %max3A_69 : f32 to vector<6144x128xf32>
    %max3A_71 = arith.maximumf %add3A_68, %max3A_70 : vector<6144x128xf32>
    %get3A_72 = arith.constant 0 : index
    %get3A_73 = arith.constant 0 : index
    %get3A_74 = vector.load %arg10[%get3A_72, %get3A_73] : memref<128x128xf32, #tpu.memory_space<vmem>>, vector<128x128xf32>
    %dot_general3A_75 = arith.constant dense<0.000000e+00> : vector<6144x128xf32>
    %dot_general3A_76 = tpu.matmul %max3A_71, %get3A_74, %dot_general3A_75 {dimension_numbers = #tpu.dot_dimension_numbers<[1], [0], [0], [1], [0, 0, 1, 1], [], []>, transpose_lhs_hint = false} : vector<6144x128xf32>, vector<128x128xf32>, vector<6144x128xf32> -> vector<6144x128xf32>
    %get3A_77 = arith.constant 0 : index
    %get3A_78 = arith.constant 0 : index
    %get3A_79 = vector.load %arg11[%get3A_77, %get3A_78] : memref<1x128xf32, #tpu.memory_space<vmem>>, vector<1x128xf32>
    %add3A_80 = vector.broadcast %get3A_79 : vector<1x128xf32> to vector<6144x128xf32>
    %add3A_81 = arith.addf %dot_general3A_76, %add3A_80 : vector<6144x128xf32>
    %max3A_82 = arith.constant 0.000000e+00 : f32
    %max3A_83 = vector.broadcast %max3A_82 : f32 to vector<6144x128xf32>
    %max3A_84 = arith.maximumf %add3A_81, %max3A_83 : vector<6144x128xf32>
    %get3A_85 = arith.constant 0 : index
    %get3A_86 = arith.constant 0 : index
    %get3A_87 = vector.load %arg12[%get3A_85, %get3A_86] : memref<128x128xf32, #tpu.memory_space<vmem>>, vector<128x128xf32>
    %dot_general3A_88 = arith.constant dense<0.000000e+00> : vector<6144x128xf32>
    %dot_general3A_89 = tpu.matmul %max3A_84, %get3A_87, %dot_general3A_88 {dimension_numbers = #tpu.dot_dimension_numbers<[1], [0], [0], [1], [0, 0, 1, 1], [], []>, transpose_lhs_hint = false} : vector<6144x128xf32>, vector<128x128xf32>, vector<6144x128xf32> -> vector<6144x128xf32>
    %get3A_90 = arith.constant 0 : index
    %get3A_91 = arith.constant 0 : index
    %get3A_92 = vector.load %arg13[%get3A_90, %get3A_91] : memref<1x128xf32, #tpu.memory_space<vmem>>, vector<1x128xf32>
    %add3A_93 = vector.broadcast %get3A_92 : vector<1x128xf32> to vector<6144x128xf32>
    %add3A_94 = arith.addf %dot_general3A_89, %add3A_93 : vector<6144x128xf32>
    %max3A_95 = arith.constant 0.000000e+00 : f32
    %max3A_96 = vector.broadcast %max3A_95 : f32 to vector<6144x128xf32>
    %max3A_97 = arith.maximumf %add3A_94, %max3A_96 : vector<6144x128xf32>
    %reshape3A_98 = vector.shape_cast %max3A_97 : vector<6144x128xf32> to vector<384x16x128xf32>
    %reduce_max3A_99 = arith.constant dense<0xFF800000> : vector<384x128xf32>
    %reduce_max3A_100 = vector.multi_reduction <maximumf>, %reshape3A_98, %reduce_max3A_99 [1] : vector<384x16x128xf32> to vector<384x128xf32>
    %get3A_101 = arith.constant 0 : index
    %get3A_102 = arith.constant 0 : index
    %get3A_103 = vector.load %arg14[%get3A_101, %get3A_102] : memref<128x64xf32, #tpu.memory_space<vmem>>, vector<128x64xf32>
    %dot_general3A_104 = arith.constant dense<0.000000e+00> : vector<384x64xf32>
    %dot_general3A_105 = tpu.matmul %reduce_max3A_100, %get3A_103, %dot_general3A_104 {dimension_numbers = #tpu.dot_dimension_numbers<[1], [0], [0], [1], [0, 0, 1, 1], [], []>, transpose_lhs_hint = false} : vector<384x128xf32>, vector<128x64xf32>, vector<384x64xf32> -> vector<384x64xf32>
    %get3A_106 = arith.constant 0 : index
    %get3A_107 = arith.constant 0 : index
    %get3A_108 = vector.load %arg15[%get3A_106, %get3A_107] : memref<1x64xf32, #tpu.memory_space<vmem>>, vector<1x64xf32>
    %add3A_109 = vector.broadcast %get3A_108 : vector<1x64xf32> to vector<384x64xf32>
    %add3A_110 = arith.addf %dot_general3A_105, %add3A_109 : vector<384x64xf32>
    %max3A_111 = arith.constant 0.000000e+00 : f32
    %max3A_112 = vector.broadcast %max3A_111 : f32 to vector<384x64xf32>
    %max3A_113 = arith.maximumf %add3A_110, %max3A_112 : vector<384x64xf32>
    %get3A_114 = arith.constant 0 : index
    %get3A_115 = arith.constant 0 : index
    %get3A_116 = vector.load %arg16[%get3A_114, %get3A_115] : memref<64x16xf32, #tpu.memory_space<vmem>>, vector<64x16xf32>
    %dot_general3A_117 = arith.constant dense<0.000000e+00> : vector<384x16xf32>
    %dot_general3A_118 = tpu.matmul %max3A_113, %get3A_116, %dot_general3A_117 {dimension_numbers = #tpu.dot_dimension_numbers<[1], [0], [0], [1], [0, 0, 1, 1], [], []>, transpose_lhs_hint = false} : vector<384x64xf32>, vector<64x16xf32>, vector<384x16xf32> -> vector<384x16xf32>
    %get3A_119 = arith.constant 0 : index
    %get3A_120 = arith.constant 0 : index
    %get3A_121 = vector.load %arg17[%get3A_119, %get3A_120] : memref<1x16xf32, #tpu.memory_space<vmem>>, vector<1x16xf32>
    %add3A_122 = vector.broadcast %get3A_121 : vector<1x16xf32> to vector<384x16xf32>
    %add3A_123 = arith.addf %dot_general3A_118, %add3A_122 : vector<384x16xf32>
    %max3A_124 = arith.constant 0.000000e+00 : f32
    %max3A_125 = vector.broadcast %max3A_124 : f32 to vector<384x16xf32>
    %max3A_126 = arith.maximumf %add3A_123, %max3A_125 : vector<384x16xf32>
    %get3A_127 = arith.constant 0 : index
    %get3A_128 = arith.constant 0 : index
    %get3A_129 = vector.load %arg18[%get3A_127, %get3A_128] : memref<16x8xf32, #tpu.memory_space<vmem>>, vector<16x8xf32>
    %dot_general3A_130 = arith.constant dense<0.000000e+00> : vector<384x8xf32>
    %dot_general3A_131 = tpu.matmul %max3A_126, %get3A_129, %dot_general3A_130 {dimension_numbers = #tpu.dot_dimension_numbers<[1], [0], [0], [1], [0, 0, 1, 1], [], []>, transpose_lhs_hint = false} : vector<384x16xf32>, vector<16x8xf32>, vector<384x8xf32> -> vector<384x8xf32>
    %get3A_132 = arith.constant 0 : index
    %get3A_133 = arith.constant 0 : index
    %get3A_134 = vector.load %arg20[%get3A_132, %get3A_133] : memref<1x8xf32, #tpu.memory_space<vmem>>, vector<1x8xf32>
    %add3A_135 = vector.broadcast %get3A_134 : vector<1x8xf32> to vector<384x8xf32>
    %add3A_136 = arith.addf %dot_general3A_131, %add3A_135 : vector<384x8xf32>
    %add3A_137 = arith.constant 5.000000e-01 : f32
    %add3A_138 = vector.broadcast %add3A_137 : f32 to vector<384x8xf32>
    %add3A_139 = arith.addf %add3A_136, %add3A_138 : vector<384x8xf32>
    %mul3A_140 = arith.constant 2.550000e+02 : f32
    %mul3A_141 = vector.broadcast %mul3A_140 : f32 to vector<384x8xf32>
    %mul3A_142 = arith.mulf %add3A_139, %mul3A_141 : vector<384x8xf32>
    %get3A_143 = arith.constant 0 : index
    %get3A_144 = arith.constant 0 : index
    %get3A_145 = vector.load %arg19[%get3A_143, %get3A_144] : memref<16x8xf32, #tpu.memory_space<vmem>>, vector<16x8xf32>
    %dot_general3A_146 = arith.constant dense<0.000000e+00> : vector<384x8xf32>
    %dot_general3A_147 = tpu.matmul %max3A_126, %get3A_145, %dot_general3A_146 {dimension_numbers = #tpu.dot_dimension_numbers<[1], [0], [0], [1], [0, 0, 1, 1], [], []>, transpose_lhs_hint = false} : vector<384x16xf32>, vector<16x8xf32>, vector<384x8xf32> -> vector<384x8xf32>
    %get3A_148 = arith.constant 0 : index
    %get3A_149 = arith.constant 0 : index
    %get3A_150 = vector.load %arg21[%get3A_148, %get3A_149] : memref<1x8xf32, #tpu.memory_space<vmem>>, vector<1x8xf32>
    %add3A_151 = vector.broadcast %get3A_150 : vector<1x8xf32> to vector<384x8xf32>
    %add3A_152 = arith.addf %dot_general3A_147, %add3A_151 : vector<384x8xf32>
    %exp3A = math.exp %add3A_152 : vector<384x8xf32>
    %mul3A_153 = arith.constant 3.200000e+01 : f32
    %mul3A_154 = vector.broadcast %mul3A_153 : f32 to vector<384x8xf32>
    %mul3A_155 = arith.mulf %exp3A, %mul3A_154 : vector<384x8xf32>
    %jit3A_156 = arith.constant 1.000000e-10 : f32
    %jit3A_157 = arith.constant 1.000000e+10 : f32
    %max3A_158 = vector.broadcast %jit3A_156 : f32 to vector<384x8xf32>
    %max3A_159 = arith.maximumf %max3A_158, %mul3A_155 : vector<384x8xf32>
    %min3A = vector.broadcast %jit3A_157 : f32 to vector<384x8xf32>
    %min3A_160 = arith.minimumf %min3A, %max3A_159 : vector<384x8xf32>
    %get3A_161 = arith.constant 0 : index
    %get3A_162 = arith.constant 0 : index
    %get3A_163 = vector.load %arg3[%get3A_161, %get3A_162] : memref<384x8xf32, #tpu.memory_space<vmem>>, vector<384x8xf32>
    %add3A_164 = arith.constant 5.000000e-01 : f32
    %add3A_165 = vector.broadcast %add3A_164 : f32 to vector<384x8xf32>
    %add3A_166 = arith.addf %get3A_163, %add3A_165 : vector<384x8xf32>
    %sub3A_167 = arith.subf %add3A_166, %mul3A_142 : vector<384x8xf32>
    %div3A_168 = arith.divf %sub3A_167, %min3A_160 : vector<384x8xf32>
    %abs3A = math.absf %div3A_168 : vector<384x8xf32>
    %mul3A_169 = arith.constant 1.98412701E-4 : f32
    %mul3A_170 = vector.broadcast %mul3A_169 : f32 to vector<384x8xf32>
    %mul3A_171 = arith.mulf %abs3A, %mul3A_170 : vector<384x8xf32>
    %sub3A_172 = arith.constant 0.00138888892 : f32
    %sub3A_173 = vector.broadcast %sub3A_172 : f32 to vector<384x8xf32>
    %sub3A_174 = arith.subf %sub3A_173, %mul3A_171 : vector<384x8xf32>
    %mul3A_175 = arith.mulf %abs3A, %sub3A_174 : vector<384x8xf32>
    %sub3A_176 = arith.constant 0.00833333377 : f32
    %sub3A_177 = vector.broadcast %sub3A_176 : f32 to vector<384x8xf32>
    %sub3A_178 = arith.subf %sub3A_177, %mul3A_175 : vector<384x8xf32>
    %mul3A_179 = arith.mulf %abs3A, %sub3A_178 : vector<384x8xf32>
    %sub3A_180 = arith.constant 0.0416666679 : f32
    %sub3A_181 = vector.broadcast %sub3A_180 : f32 to vector<384x8xf32>
    %sub3A_182 = arith.subf %sub3A_181, %mul3A_179 : vector<384x8xf32>
    %mul3A_183 = arith.mulf %abs3A, %sub3A_182 : vector<384x8xf32>
    %sub3A_184 = arith.constant 0.166666672 : f32
    %sub3A_185 = vector.broadcast %sub3A_184 : f32 to vector<384x8xf32>
    %sub3A_186 = arith.subf %sub3A_185, %mul3A_183 : vector<384x8xf32>
    %mul3A_187 = arith.mulf %abs3A, %sub3A_186 : vector<384x8xf32>
    %sub3A_188 = arith.constant 5.000000e-01 : f32
    %sub3A_189 = vector.broadcast %sub3A_188 : f32 to vector<384x8xf32>
    %sub3A_190 = arith.subf %sub3A_189, %mul3A_187 : vector<384x8xf32>
    %mul3A_191 = arith.mulf %abs3A, %sub3A_190 : vector<384x8xf32>
    %sub3A_192 = arith.constant 1.000000e+00 : f32
    %sub3A_193 = vector.broadcast %sub3A_192 : f32 to vector<384x8xf32>
    %sub3A_194 = arith.subf %sub3A_193, %mul3A_191 : vector<384x8xf32>
    %mul3A_195 = arith.mulf %abs3A, %sub3A_194 : vector<384x8xf32>
    %lt3A_196 = arith.constant 3.500000e-01 : f32
    %lt3A_197 = vector.broadcast %lt3A_196 : f32 to vector<384x8xf32>
    %lt3A_198 = arith.cmpf olt, %abs3A, %lt3A_197 : vector<384x8xf32>
    %neg3A = arith.constant 0.000000e+00 : f32
    %neg3A_199 = vector.broadcast %neg3A : f32 to vector<384x8xf32>
    %neg3A_200 = arith.subf %neg3A_199, %mul3A_195 : vector<384x8xf32>
    %neg3A_201 = arith.constant 0.000000e+00 : f32
    %neg3A_202 = vector.broadcast %neg3A_201 : f32 to vector<384x8xf32>
    %neg3A_203 = arith.subf %neg3A_202, %abs3A : vector<384x8xf32>
    %exp3A_204 = math.exp %neg3A_203 : vector<384x8xf32>
    %sub3A_205 = arith.constant 1.000000e+00 : f32
    %sub3A_206 = vector.broadcast %sub3A_205 : f32 to vector<384x8xf32>
    %sub3A_207 = arith.subf %exp3A_204, %sub3A_206 : vector<384x8xf32>
    %select_n3A_208 = arith.select %lt3A_198, %neg3A_200, %sub3A_207 : vector<384x8xi1>, vector<384x8xf32>
    %sign3A = tpu.bitcast %div3A_168 : vector<384x8xf32> -> vector<384x8xi32>
    %sign3A_209 = arith.constant -2147483648 : i32
    %sign3A_210 = vector.broadcast %sign3A_209 : i32 to vector<384x8xi32>
    %sign3A_211 = arith.andi %sign3A, %sign3A_210 : vector<384x8xi32>
    %sign3A_212 = arith.constant 1065353216 : i32
    %sign3A_213 = vector.broadcast %sign3A_212 : i32 to vector<384x8xi32>
    %sign3A_214 = arith.ori %sign3A_213, %sign3A_211 : vector<384x8xi32>
    %sign3A_215 = tpu.bitcast %sign3A_214 : vector<384x8xi32> -> vector<384x8xf32>
    %sign3A_216 = math.absf %div3A_168 : vector<384x8xf32>
    %sign3A_217 = arith.constant 0.000000e+00 : f32
    %sign3A_218 = vector.broadcast %sign3A_217 : f32 to vector<384x8xf32>
    %sign3A_219 = arith.cmpf ogt, %sign3A_216, %sign3A_218 : vector<384x8xf32>
    %sign3A_220 = arith.select %sign3A_219, %sign3A_215, %div3A_168 : vector<384x8xi1>, vector<384x8xf32>
    %mul3A_221 = arith.constant 5.000000e-01 : f32
    %mul3A_222 = vector.broadcast %mul3A_221 : f32 to vector<384x8xf32>
    %mul3A_223 = arith.mulf %mul3A_222, %sign3A_220 : vector<384x8xf32>
    %mul3A_224 = arith.mulf %mul3A_223, %select_n3A_208 : vector<384x8xf32>
    %sub3A_225 = arith.constant 5.000000e-01 : f32
    %sub3A_226 = vector.broadcast %sub3A_225 : f32 to vector<384x8xf32>
    %sub3A_227 = arith.subf %sub3A_226, %mul3A_224 : vector<384x8xf32>
    %sub3A_228 = arith.constant 5.000000e-01 : f32
    %sub3A_229 = vector.broadcast %sub3A_228 : f32 to vector<384x8xf32>
    %sub3A_230 = arith.subf %get3A_163, %sub3A_229 : vector<384x8xf32>
    %sub3A_231 = arith.subf %sub3A_230, %mul3A_142 : vector<384x8xf32>
    %div3A_232 = arith.divf %sub3A_231, %min3A_160 : vector<384x8xf32>
    %abs3A_233 = math.absf %div3A_232 : vector<384x8xf32>
    %mul3A_234 = arith.constant 1.98412701E-4 : f32
    %mul3A_235 = vector.broadcast %mul3A_234 : f32 to vector<384x8xf32>
    %mul3A_236 = arith.mulf %abs3A_233, %mul3A_235 : vector<384x8xf32>
    %sub3A_237 = arith.constant 0.00138888892 : f32
    %sub3A_238 = vector.broadcast %sub3A_237 : f32 to vector<384x8xf32>
    %sub3A_239 = arith.subf %sub3A_238, %mul3A_236 : vector<384x8xf32>
    %mul3A_240 = arith.mulf %abs3A_233, %sub3A_239 : vector<384x8xf32>
    %sub3A_241 = arith.constant 0.00833333377 : f32
    %sub3A_242 = vector.broadcast %sub3A_241 : f32 to vector<384x8xf32>
    %sub3A_243 = arith.subf %sub3A_242, %mul3A_240 : vector<384x8xf32>
    %mul3A_244 = arith.mulf %abs3A_233, %sub3A_243 : vector<384x8xf32>
    %sub3A_245 = arith.constant 0.0416666679 : f32
    %sub3A_246 = vector.broadcast %sub3A_245 : f32 to vector<384x8xf32>
    %sub3A_247 = arith.subf %sub3A_246, %mul3A_244 : vector<384x8xf32>
    %mul3A_248 = arith.mulf %abs3A_233, %sub3A_247 : vector<384x8xf32>
    %sub3A_249 = arith.constant 0.166666672 : f32
    %sub3A_250 = vector.broadcast %sub3A_249 : f32 to vector<384x8xf32>
    %sub3A_251 = arith.subf %sub3A_250, %mul3A_248 : vector<384x8xf32>
    %mul3A_252 = arith.mulf %abs3A_233, %sub3A_251 : vector<384x8xf32>
    %sub3A_253 = arith.constant 5.000000e-01 : f32
    %sub3A_254 = vector.broadcast %sub3A_253 : f32 to vector<384x8xf32>
    %sub3A_255 = arith.subf %sub3A_254, %mul3A_252 : vector<384x8xf32>
    %mul3A_256 = arith.mulf %abs3A_233, %sub3A_255 : vector<384x8xf32>
    %sub3A_257 = arith.constant 1.000000e+00 : f32
    %sub3A_258 = vector.broadcast %sub3A_257 : f32 to vector<384x8xf32>
    %sub3A_259 = arith.subf %sub3A_258, %mul3A_256 : vector<384x8xf32>
    %mul3A_260 = arith.mulf %abs3A_233, %sub3A_259 : vector<384x8xf32>
    %lt3A_261 = arith.constant 3.500000e-01 : f32
    %lt3A_262 = vector.broadcast %lt3A_261 : f32 to vector<384x8xf32>
    %lt3A_263 = arith.cmpf olt, %abs3A_233, %lt3A_262 : vector<384x8xf32>
    %neg3A_264 = arith.constant 0.000000e+00 : f32
    %neg3A_265 = vector.broadcast %neg3A_264 : f32 to vector<384x8xf32>
    %neg3A_266 = arith.subf %neg3A_265, %mul3A_260 : vector<384x8xf32>
    %neg3A_267 = arith.constant 0.000000e+00 : f32
    %neg3A_268 = vector.broadcast %neg3A_267 : f32 to vector<384x8xf32>
    %neg3A_269 = arith.subf %neg3A_268, %abs3A_233 : vector<384x8xf32>
    %exp3A_270 = math.exp %neg3A_269 : vector<384x8xf32>
    %sub3A_271 = arith.constant 1.000000e+00 : f32
    %sub3A_272 = vector.broadcast %sub3A_271 : f32 to vector<384x8xf32>
    %sub3A_273 = arith.subf %exp3A_270, %sub3A_272 : vector<384x8xf32>
    %select_n3A_274 = arith.select %lt3A_263, %neg3A_266, %sub3A_273 : vector<384x8xi1>, vector<384x8xf32>
    %sign3A_275 = tpu.bitcast %div3A_232 : vector<384x8xf32> -> vector<384x8xi32>
    %sign3A_276 = arith.constant -2147483648 : i32
    %sign3A_277 = vector.broadcast %sign3A_276 : i32 to vector<384x8xi32>
    %sign3A_278 = arith.andi %sign3A_275, %sign3A_277 : vector<384x8xi32>
    %sign3A_279 = arith.constant 1065353216 : i32
    %sign3A_280 = vector.broadcast %sign3A_279 : i32 to vector<384x8xi32>
    %sign3A_281 = arith.ori %sign3A_280, %sign3A_278 : vector<384x8xi32>
    %sign3A_282 = tpu.bitcast %sign3A_281 : vector<384x8xi32> -> vector<384x8xf32>
    %sign3A_283 = math.absf %div3A_232 : vector<384x8xf32>
    %sign3A_284 = arith.constant 0.000000e+00 : f32
    %sign3A_285 = vector.broadcast %sign3A_284 : f32 to vector<384x8xf32>
    %sign3A_286 = arith.cmpf ogt, %sign3A_283, %sign3A_285 : vector<384x8xf32>
    %sign3A_287 = arith.select %sign3A_286, %sign3A_282, %div3A_232 : vector<384x8xi1>, vector<384x8xf32>
    %mul3A_288 = arith.constant 5.000000e-01 : f32
    %mul3A_289 = vector.broadcast %mul3A_288 : f32 to vector<384x8xf32>
    %mul3A_290 = arith.mulf %mul3A_289, %sign3A_287 : vector<384x8xf32>
    %mul3A_291 = arith.mulf %mul3A_290, %select_n3A_274 : vector<384x8xf32>
    %sub3A_292 = arith.constant 5.000000e-01 : f32
    %sub3A_293 = vector.broadcast %sub3A_292 : f32 to vector<384x8xf32>
    %sub3A_294 = arith.subf %sub3A_293, %mul3A_291 : vector<384x8xf32>
    %sub3A_295 = arith.subf %sub3A_227, %sub3A_294 : vector<384x8xf32>
    %add3A_296 = arith.constant 1.000000e-10 : f32
    %add3A_297 = vector.broadcast %add3A_296 : f32 to vector<384x8xf32>
    %add3A_298 = arith.addf %sub3A_295, %add3A_297 : vector<384x8xf32>
    %log3A = math.log %add3A_298 : vector<384x8xf32>
    %neg3A_299 = arith.constant 0.000000e+00 : f32
    %neg3A_300 = vector.broadcast %neg3A_299 : f32 to vector<384x8xf32>
    %neg3A_301 = arith.subf %neg3A_300, %log3A : vector<384x8xf32>
    %div3A_302 = arith.constant 0.693147182 : f32
    %div3A_303 = vector.broadcast %div3A_302 : f32 to vector<384x8xf32>
    %div3A_304 = arith.divf %neg3A_301, %div3A_303 : vector<384x8xf32>
    %jit3A_305 = arith.constant 0.000000e+00 : f32
    %jit3A_306 = arith.constant 5.000000e+01 : f32
    %max3A_307 = vector.broadcast %jit3A_305 : f32 to vector<384x8xf32>
    %max3A_308 = arith.maximumf %max3A_307, %div3A_304 : vector<384x8xf32>
    %min3A_309 = vector.broadcast %jit3A_306 : f32 to vector<384x8xf32>
    %min3A_310 = arith.minimumf %min3A_309, %max3A_308 : vector<384x8xf32>
    %iota3A_311 = tpu.iota {dimensions = array<i32: 1>} : vector<384x8xi32>
    %lt3A_312 = arith.constant 3 : i32
    %lt3A_313 = vector.broadcast %lt3A_312 : i32 to vector<384x8xi32>
    %lt3A_314 = arith.cmpi slt, %iota3A_311, %lt3A_313 : vector<384x8xi32>
    %jit3A_315 = arith.constant 0.000000e+00 : f32
    %broadcast_in_dim3A_316 = vector.broadcast %jit3A_315 : f32 to vector<384x8xf32>
    %select_n3A_317 = arith.select %lt3A_314, %min3A_310, %broadcast_in_dim3A_316 : vector<384x8xi1>, vector<384x8xf32>
    %reduce_sum3A_318 = vector.shape_cast %select_n3A_317 : vector<384x8xf32> to vector<1x384x8xf32>
    %reduce_sum3A_319 = arith.constant dense<0.000000e+00> : vector<1xf32>
    %reduce_sum3A_320 = vector.multi_reduction <add>, %reduce_sum3A_318, %reduce_sum3A_319 [1, 2] : vector<1x384x8xf32> to vector<1xf32>
    %reduce_sum3A_321 = vector.shape_cast %reduce_sum3A_320 : vector<1xf32> to vector<1x1x1xf32>
    %reduce_sum3A_322 = vector.extract %reduce_sum3A_321[0, 0, 0] : f32 from vector<1x1x1xf32>
    %broadcast_in_dim3A_323 = vector.broadcast %reduce_sum3A_322 : f32 to vector<1x1xf32>
    %eq3A_324 = arith.constant 0 : i32
    %eq3A_325 = arith.cmpi eq, %arg0, %eq3A_324 : i32
    %convert_element_type3A = arith.extui %eq3A_325 : i1 to i32
    %cond3A = arith.constant 0 : i32
    %cond3A_326 = arith.cmpi ne, %convert_element_type3A, %cond3A : i32
    scf.if %cond3A_326 {
      %broadcast_in_dim3A_333 = arith.constant 0.000000e+00 : f32
      %broadcast_in_dim3A_334 = vector.broadcast %broadcast_in_dim3A_333 : f32 to vector<1x1xf32>
      %swap3A_335 = arith.constant 0 : index
      %swap3A_336 = arith.constant 0 : index
      %swap3A_337 = vector.load %arg22[%swap3A_335, %swap3A_336] : memref<1x1xf32, #tpu.memory_space<vmem>>, vector<1x1xf32>
      tpu.vector_store %arg22[%swap3A_335, %swap3A_336], %broadcast_in_dim3A_334 {strides = array<i32>} : memref<1x1xf32, #tpu.memory_space<vmem>>, vector<1x1xf32>,
    } else {
    }
    %get3A_327 = arith.constant 0 : index
    %get3A_328 = arith.constant 0 : index
    %get3A_329 = vector.load %arg22[%get3A_327, %get3A_328] : memref<1x1xf32, #tpu.memory_space<vmem>>, vector<1x1xf32>
    %add3A_330 = arith.addf %get3A_329, %broadcast_in_dim3A_323 : vector<1x1xf32>
    %swap3A = arith.constant 0 : index
    %swap3A_331 = arith.constant 0 : index
    %swap3A_332 = vector.load %arg22[%swap3A, %swap3A_331] : memref<1x1xf32, #tpu.memory_space<vmem>>, vector<1x1xf32>
    tpu.vector_store %arg22[%swap3A, %swap3A_331], %add3A_330 {strides = array<i32>} : memref<1x1xf32, #tpu.memory_space<vmem>>, vector<1x1xf32>,
    return
  }
  func.func @transform_0(%arg0: i32) -> (i32, i32, i32) {
    %c0_i32 = arith.constant 0 : i32
    %c0_i32_0 = arith.constant 0 : i32
    %c0_i32_1 = arith.constant 0 : i32
    return %arg0, %c0_i32, %c0_i32_0 : i32, i32, i32
  }
  func.func @transform_1(%arg0: i32) -> (i32, i32) {
    %c0_i32 = arith.constant 0 : i32
    %c0_i32_0 = arith.constant 0 : i32
    return %arg0, %c0_i32 : i32, i32
  }
  func.func @transform_2(%arg0: i32) -> (i32, i32) {
    %c0_i32 = arith.constant 0 : i32
    %c0_i32_0 = arith.constant 0 : i32
    return %arg0, %c0_i32 : i32, i32
  }
  func.func @transform_3(%arg0: i32) -> (i32, i32) {
    %c0_i32 = arith.constant 0 : i32
    %c0_i32_0 = arith.constant 0 : i32
    %c0_i32_1 = arith.constant 0 : i32
    return %c0_i32, %c0_i32_0 : i32, i32
  }
  func.func @transform_4(%arg0: i32) -> (i32, i32) {
    %c0_i32 = arith.constant 0 : i32
    %c0_i32_0 = arith.constant 0 : i32
    %c0_i32_1 = arith.constant 0 : i32
    return %c0_i32, %c0_i32_0 : i32, i32
  }
  func.func @transform_5(%arg0: i32) -> (i32, i32) {
    %c0_i32 = arith.constant 0 : i32
    %c0_i32_0 = arith.constant 0 : i32
    %c0_i32_1 = arith.constant 0 : i32
    return %c0_i32, %c0_i32_0 : i32, i32
  }
  func.func @transform_6(%arg0: i32) -> (i32, i32) {
    %c0_i32 = arith.constant 0 : i32
    %c0_i32_0 = arith.constant 0 : i32
    %c0_i32_1 = arith.constant 0 : i32
    return %c0_i32, %c0_i32_0 : i32, i32
  }
  func.func @transform_7(%arg0: i32) -> (i32, i32) {
    %c0_i32 = arith.constant 0 : i32
    %c0_i32_0 = arith.constant 0 : i32
    %c0_i32_1 = arith.constant 0 : i32
    return %c0_i32, %c0_i32_0 : i32, i32
  }
  func.func @transform_8(%arg0: i32) -> (i32, i32) {
    %c0_i32 = arith.constant 0 : i32
    %c0_i32_0 = arith.constant 0 : i32
    %c0_i32_1 = arith.constant 0 : i32
    return %c0_i32, %c0_i32_0 : i32, i32
  }
  func.func @transform_9(%arg0: i32) -> (i32, i32) {
    %c0_i32 = arith.constant 0 : i32
    %c0_i32_0 = arith.constant 0 : i32
    %c0_i32_1 = arith.constant 0 : i32
    return %c0_i32, %c0_i32_0 : i32, i32
  }
  func.func @transform_10(%arg0: i32) -> (i32, i32) {
    %c0_i32 = arith.constant 0 : i32
    %c0_i32_0 = arith.constant 0 : i32
    %c0_i32_1 = arith.constant 0 : i32
    return %c0_i32, %c0_i32_0 : i32, i32
  }
  func.func @transform_11(%arg0: i32) -> (i32, i32) {
    %c0_i32 = arith.constant 0 : i32
    %c0_i32_0 = arith.constant 0 : i32
    %c0_i32_1 = arith.constant 0 : i32
    return %c0_i32, %c0_i32_0 : i32, i32
  }
  func.func @transform_12(%arg0: i32) -> (i32, i32) {
    %c0_i32 = arith.constant 0 : i32
    %c0_i32_0 = arith.constant 0 : i32
    %c0_i32_1 = arith.constant 0 : i32
    return %c0_i32, %c0_i32_0 : i32, i32
  }
  func.func @transform_13(%arg0: i32) -> (i32, i32) {
    %c0_i32 = arith.constant 0 : i32
    %c0_i32_0 = arith.constant 0 : i32
    %c0_i32_1 = arith.constant 0 : i32
    return %c0_i32, %c0_i32_0 : i32, i32
  }
  func.func @transform_14(%arg0: i32) -> (i32, i32) {
    %c0_i32 = arith.constant 0 : i32
    %c0_i32_0 = arith.constant 0 : i32
    %c0_i32_1 = arith.constant 0 : i32
    return %c0_i32, %c0_i32_0 : i32, i32
  }
  func.func @transform_15(%arg0: i32) -> (i32, i32) {
    %c0_i32 = arith.constant 0 : i32
    %c0_i32_0 = arith.constant 0 : i32
    %c0_i32_1 = arith.constant 0 : i32
    return %c0_i32, %c0_i32_0 : i32, i32
  }
  func.func @transform_16(%arg0: i32) -> (i32, i32) {
    %c0_i32 = arith.constant 0 : i32
    %c0_i32_0 = arith.constant 0 : i32
    %c0_i32_1 = arith.constant 0 : i32
    return %c0_i32, %c0_i32_0 : i32, i32
  }
  func.func @transform_17(%arg0: i32) -> (i32, i32) {
    %c0_i32 = arith.constant 0 : i32
    %c0_i32_0 = arith.constant 0 : i32
    %c0_i32_1 = arith.constant 0 : i32
    return %c0_i32, %c0_i32_0 : i32, i32
  }
  func.func @transform_18(%arg0: i32) -> (i32, i32) {
    %c0_i32 = arith.constant 0 : i32
    %c0_i32_0 = arith.constant 0 : i32
    %c0_i32_1 = arith.constant 0 : i32
    return %c0_i32, %c0_i32_0 : i32, i32
  }
  func.func @transform_19(%arg0: i32) -> (i32, i32) {
    %c0_i32 = arith.constant 0 : i32
    %c0_i32_0 = arith.constant 0 : i32
    %c0_i32_1 = arith.constant 0 : i32
    return %c0_i32, %c0_i32_0 : i32, i32
  }
  func.func @transform_20(%arg0: i32) -> (i32, i32) {
    %c0_i32 = arith.constant 0 : i32
    %c0_i32_0 = arith.constant 0 : i32
    %c0_i32_1 = arith.constant 0 : i32
    return %c0_i32, %c0_i32_0 : i32, i32
  }
  func.func @transform_21(%arg0: i32) -> (i32, i32) {
    %c0_i32 = arith.constant 0 : i32
    %c0_i32_0 = arith.constant 0 : i32
    %c0_i32_1 = arith.constant 0 : i32
    return %c0_i32, %c0_i32_0 : i32, i32
  }
}

</mosaic_0001>

<sc_bundles>
// kernel: kernel.16.cloned.1.call-start
scs
__scs_entry_jumppad:
0x0: {  	(pc) =	sbr.rel $0x88, $3  }
0x1: {  	(tag) =	ssettag $0x0;
	lr =	simm.s32 $0x1  }
0x2: {  	[smem:$0x3F90] =	sst lr;
	_ =	strace $0xD0000000  }
0x3: {  	_ = 	snop  }
0x4: {  	_ = 	snop  }
0x5: {  	_ = 	snop  }
0x6: {  	_ = 	snop  }
0x7: {  	_ = 	snop  }
__scs_overlays_trampoline_lowered:
0x8: {  	[smem:$0x3F9F] =	sst s0  }
0x9: {  	[smem:$0x3FA0] =	sst s1  }
0xa: {  	[smem:$0x3FA1] =	sst s2  }
0xb: {  	[smem:$0x3FA2] =	sst s3  }
0xc: {  	[smem:$0x3FA3] =	sst s4  }
0xd: {  	[smem:$0x3FA4] =	sst s5  }
0xe: {  	[smem:$0x3FA5] =	sst s6  }
0xf: {  	[smem:$0x3FA6] =	sst s7  }
0x10: {  	[smem:$0x3FA7] =	sst s8  }
0x11: {  	[smem:$0x3FA8] =	sst s9;
	s0 =	simm.s32 @!p0 $0x0  }
0x12: {  	s1 =	sld [smem:$0x3F8E];
	s0 =	simm.s32 @p0 $0x1  }
0x13: {  	[smem:$0x3FA9] =	sst s0;
	s0 =	simm.s32 @!p1 $0x0  }
0x14: {  	s2 =	sld [smem:$0x3F8D];
	s0 =	simm.s32 @p1 $0x1  }
0x15: {  	[smem:$0x3FAA] =	sst s0;
	s0 =	simm.s32 @!p2 $0x0  }
0x16: {  	s3 =	sld [smem:$0x3FDB];
	s0 =	simm.s32 @p2 $0x1  }
0x17: {  	s4 =	simm.s32 $0x1BF5;
	[smem:$0x3FAC] =	sst s0  }
0x18: {  	s0 =	sld [smem:$0x3F8F];
	_ =	swait.ge [sflag:s4], $0x0  }
0x19: {  	s7 =	sld [smem:$0x3F90]  }
0x1a: {  	s8 =	sadd.s32 $0xFFFFE003, lr  }
0x1b: {  	s9 =	sadd.s32 $0xFFFFFEF7, lr;
	s5 =	simm.s32 $0xFFFFFFFF;
	p2 =	slt.u32 s8, $0xFFFFF086  }
0x1c: {  	p1 =	slt.u32 s9, $0xF7A;
	s5 =	simm.s32 @!p2 $0x0  }
0x1d: {  	s5 =	simm.s32 @p1 $0x1;
	p0 =	seq.s32 s7, s2  }
0x1e: {  	s7 =	smul.u32 @!p0 $0xF7A, s2;
	p2 =	seq.s32 @!p0 s5, $0x0  }
0x1f: {  	s9 =	smul.u32 $0xF7A, s1;
	s8 =	simm.s32 @!p0 $0x1BF5;
	p2 =	por !p2, p0  }
0x20: {  	[sflag:s8] =	ssyncset.s32 @!p0 $0xFFFFF086;
	s6 =	sadd.s32 @!p0 s3, s7;
	s7 =	simm.s32 @!p0 $0x108  }
0x21: {  	s3 =	sadd.s32 s3, s9;
	s6 =	sadd.s32 @!p0 $0x88, s6;
	s7 =	simm.s32 @p2 $0x1082  }
0x22: {  	[simem:s7], [sflag:s8] =	dma.local @!p0 [hbm:s6], $0xF7A  }
0x23: {  	s9 =	sor.u32 $0xD0000000, s2;
	s6 =	simm.s32 $0x108;
	_ =	swait.ge @!p0 [sflag:s8], $0x0  }
0x24: {  	s3 =	sadd.s32 $0x88, s3;
	s6 =	simm.s32 @!p1 $0x1082;
	[sflag:s4] =	ssyncset.s32 $0xFFFFF086  }
0x25: {  	[simem:s6], [sflag:s4] =	dma.local [hbm:s3], $0xF7A  }
0x26: {  	[smem:$0x3F90] =	sst s1;
	(tag) =	ssettag s2;
	_ =	strace s9  }
0x27: {  	s1 =	sld [smem:$0x3FA0]  }
0x28: {  	s2 =	sld [smem:$0x3FA1]  }
0x29: {  	s4 =	sld [smem:$0x3FA3]  }
0x2a: {  	p0 =	seq.s32 s5, $0x0;
	s5 =	sld [smem:$0x3FA4]  }
0x2b: {  	s6 =	sld [smem:$0x3FA5]  }
0x2c: {  	s7 =	sld [smem:$0x3FA6]  }
0x2d: {  	s3 =	simm.s32 $0x108;
	s8 =	sld [smem:$0x3FA7]  }
0x2e: {  	s3 =	simm.s32 @!p0 $0x1082;
	s9 =	sld [smem:$0x3FA8]  }
0x2f: {  	lr =	sadd.s32 s0, s3;
	s0 =	sld [smem:$0x3F9F]  }
0x30: {  	s3 =	sld [smem:$0x3FA2]  }
0x31: {  	[smem:$0x3FAB] =	sst s10  }
0x32: {  	s10 =	sld [smem:$0x3FA9];
	_ =	sdelay $0x3  }
0x33: {  	p0 =	seq.s32 s10, $0x1;
	s10 =	sld [smem:$0x3FAB];
	_ =	sdelay $0x3  }
0x34: {  	[smem:$0x3FAB] =	sst s10  }
0x35: {  	s10 =	sld [smem:$0x3FAA];
	_ =	sdelay $0x3  }
0x36: {  	p1 =	seq.s32 s10, $0x1;
	s10 =	sld [smem:$0x3FAB];
	_ =	sdelay $0x3  }
0x37: {  	[smem:$0x3FAB] =	sst s10  }
0x38: {  	s10 =	sld [smem:$0x3FAC]  }
0x39: {  	_ = 	snop;
	(pc) =	sbr.ind lr, $3  }
0x3a: {  	_ = 	snop  }
0x3b: {  	_ = 	snop  }
0x3c: {  	p2 =	seq.s32 s10, $0x1;
	s10 =	sld [smem:$0x3FAB]  }
0x3d: {  	_ =	shalt  }
0x3e: {  	_ =	shalt  }
0x3f: {  	_ =	shalt  }
0x40: {  	_ =	shalt  }
0x41: {  	_ =	shalt  }
0x42: {  	_ =	shalt  }
0x43: {  	_ =	shalt  }
0x44: {  	_ =	shalt  }
0x45: {  	_ =	shalt  }
0x46: {  	_ =	shalt  }
0x47: {  	_ =	shalt  }
0x48: {  	_ =	shalt  }
0x49: {  	_ =	shalt  }
0x4a: {  	_ =	shalt  }
0x4b: {  	_ =	shalt  }
0x4c: {  	_ =	shalt  }
0x4d: {  	_ =	shalt  }
0x4e: {  	_ =	shalt  }
0x4f: {  	_ =	shalt  }
0x50: {  	_ =	shalt  }
0x51: {  	_ =	shalt  }
0x52: {  	_ =	shalt  }
0x53: {  	_ =	shalt  }
0x54: {  	_ =	shalt  }
0x55: {  	_ =	shalt  }
0x56: {  	_ =	shalt  }
0x57: {  	_ =	shalt  }
0x58: {  	_ =	shalt  }
0x59: {  	_ =	shalt  }
0x5a: {  	_ =	shalt  }
0x5b: {  	_ =	shalt  }
0x5c: {  	_ =	shalt  }
0x5d: {  	_ =	shalt  }
0x5e: {  	_ =	shalt  }
0x5f: {  	_ =	shalt  }
0x60: {  	_ =	shalt  }
0x61: {  	_ =	shalt  }
0x62: {  	_ =	shalt  }
0x63: {  	_ =	shalt  }
0x64: {  	_ =	shalt  }
0x65: {  	_ =	shalt  }
0x66: {  	_ =	shalt  }
0x67: {  	_ =	shalt  }
0x68: {  	_ =	shalt  }
0x69: {  	_ =	shalt  }
0x6a: {  	_ =	shalt  }
0x6b: {  	_ =	shalt  }
0x6c: {  	_ =	shalt  }
0x6d: {  	_ =	shalt  }
0x6e: {  	_ =	shalt  }
0x6f: {  	_ =	shalt  }
0x70: {  	_ =	shalt  }
0x71: {  	_ =	shalt  }
0x72: {  	_ =	shalt  }
0x73: {  	_ =	shalt  }
0x74: {  	_ =	shalt  }
0x75: {  	_ =	shalt  }
0x76: {  	_ =	shalt  }
0x77: {  	_ =	shalt  }
0x78: {  	_ =	shalt  }
0x79: {  	_ =	shalt  }
0x7a: {  	_ =	shalt  }
0x7b: {  	_ =	shalt  }
0x7c: {  	_ =	shalt  }
0x7d: {  	_ =	shalt  }
0x7e: {  	_ =	shalt  }
0x7f: {  	_ =	shalt  }
0x80: {  	_ =	shalt  }
0x81: {  	_ =	shalt  }
0x82: {  	_ =	shalt  }
0x83: {  	_ =	shalt  }
0x84: {  	_ =	shalt  }
0x85: {  	_ =	shalt  }
0x86: {  	_ =	shalt  }
0x87: {  	_ =	shalt  }
.Lfunc_end0:
.L_simem_size_0:
called_computation_lowered:
.L_overlay_start_0:
0x88: {  	s2 =	sld [smem:$0x3FD9]  }
0x89: {  	s3 =	sld [smem:$0x3FFE];
	_ =	sdelay $0x1  }
0x8a: {  	s1 =	srdreg.scid  }
0x8b: {  	s0 =	sand.u32 $0x1, s1  }
0x8c: {  	s17 =	sshll.u32 s0, $0xA;
	s2 =	sadd.s32 s3, s2  }
0x8d: {  	s2 =	sadd.s32 s2, s17  }
0x8e: {  	[smem:$0x3FB7] =	sst s2  }
0x8f: {  	_ = 	snop  }
0x90: {  	(tm) =	ssettm $0x1  }
0x91: {  	s18 =	sld [smem:$0x3FFB];
	_ =	sdelay $0x3  }
0x92: {  	_ =	strace s18  }
0x93: {  	s2 =	sld [smem:$0x3FFC];
	_ =	sdelay $0x3  }
0x94: {  	_ =	strace s2  }
0x95: {  	s2 =	sld [smem:$0x3FFD];
	_ =	sdelay $0x3  }
0x96: {  	_ =	strace s2  }
0x97: {  	_ =	strace $0x8FFFFFFF  }
0x98: {  	s19 =	sld [smem:$0x3FDB];
	_ =	sdelay $0x1  }
0x99: {  	s20 =	simm.s32 $_scs_section_size  }
0x9a: {  	s4 =	simm.s32 $_size__tile_overlayer_lowered;
	s5 =	simm.s32 $_tile_overlayer_lowered  }
0x9b: {  	s6 =	simm.s32 $0x1BFF;
	s21 =	sshll.u32 s5, $0x1;
	s3 =	sadd.s32 s20, s19  }
0x9c: {  	s22 =	simm.s32 $0x0;
	s4 =	sshll.u32 s4, $0x1;
	s5 =	sadd.s32 s21, s3  }
0x9d: {  	[timem:s22], [sflag:s6] =	dma.local [hbm:s5], s4  }
0x9e: {  	_ =	swait.ge [sflag:s6], s4  }
0x9f: {  	s4 =	ssub.s32 $0x0, s4;
	[sflag:s6] =	ssyncset.done $0x0  }
0xa0: {  	[sflag:s6] =	ssyncadd.s32 s4;
	_ =	sdelay $0x1  }
0xa1: {  	s23 =	simm.s32 $0x1B8B  }
0xa2: {  	_ =	swait.ge [sflag:s23], $0x1  }
0xa3: {  	[sflag:s23] =	ssyncset.done $0x0  }
0xa4: {  	[sflag:s23] =	ssyncadd.s32 $0xFFFFFFFF  }
0xa5: {  	s4 =	sld [smem:$0x0]  }
0xa6: {  	s5 =	sand.u32 $0xFFFFFFFE, s1  }
0xa7: {  	p0 =	sne.s32 s1, s5  }
0xa8: {  	s5 =	sshll.u32 @p0 s5, $0xE  }
0xa9: {  	s5 =	sadd.s32 @p0 $0x11B8D, s5;
	s6 =	sshll.u32 @p0 s4, $0x11  }
0xaa: {  	s5 =	sor.u32 @p0 s6, s5  }
0xab: {  	[sflag:s5] =	ssyncadd.remote.s32 @p0 $0x1;
	_ =	sdelay $0x1  }
0xac: {  	s5 =	simm.s32 @p0 $0x1B8D  }
0xad: {  	_ =	swait.eq @p0 [sflag:s5], $0x1  }
0xae: {  	[sflag:s5] =	ssyncadd.s32 @p0 $0xFFFFFFFF  }
0xaf: {  	s6 =	sshll.u32 @!p0 s1, $0xE  }
0xb0: {  	s6 =	sor.u32 @!p0 $0x4000, s6;
	s5 =	simm.s32 @!p0 $0x1B8D  }
0xb1: {  	s4 =	sshll.u32 @!p0 s4, $0x11;
	s6 =	sadd.s32 @!p0 $0x11B8D, s6;
	_ =	swait.eq @!p0 [sflag:s5], $0x1  }
0xb2: {  	s4 =	sor.u32 @!p0 s4, s6;
	[sflag:s5] =	ssyncadd.s32 @!p0 $0xFFFFFFFF  }
0xb3: {  	s25 =	simm.s32 $0x1B8E;
	s24 =	sld [smem:$0x3FFE];
	[sflag:s4] =	ssyncadd.remote.s32 @!p0 $0x1  }
0xb4: {  	s26 =	simm.s32 $execute0_lowered;
	[smem:$0x3FD2] =	sst s25  }
0xb5: {  	s5 =	sshll.u32 s26, $0x1;
	_ =	strace $0x80000049;
	[dreg:$0x1] =	wrdreg $0xFFFFFFFF  }
0xb6: {  	s28 =	simm.s32 $_size_execute0_lowered;
	s3 =	sadd.s32 s3, s5;
	[dreg:$0x0] =	wrdreg $0x0  }
0xb7: {  	s5 =	sshll.u32 s28, $0x1;
	[dreg:$0x2] =	wrdreg s3  }
0xb8: {  	[dreg:$0x3] =	wrdreg s5  }
0xb9: {  	[dreg:$0x4] =	wrdreg $0xC0  }
0xba: {  	_ =	task [dreg:s22], $0x5FFFF  }
0xbb: {  	[dreg:$0x1] =	wrdreg $0xFFFFFFFF  }
0xbc: {  	[dreg:$0x0] =	wrdreg $0x60  }
0xbd: {  	[dreg:$0x2] =	wrdreg s24  }
0xbe: {  	[dreg:$0x3] =	wrdreg $0x9  }
0xbf: {  	_ =	task.clear_ibuf [dreg:s22], $0x4FFFF;
	_ =	strace $0x90000049  }
0xc0: {  	s29 =	simm.s32 $0x9;
	_ =	strace $0x8000004B  }
0xc1: {  	_ =	swait.ge [sflag:s29], $0x1  }
0xc2: {  	[sflag:s29] =	ssyncadd.s32 $0xFFFFFFFF  }
0xc3: {  	_ =	strace $0x9000004B  }
0xc4: {  	_ =	sfence  }
0xc5: {  	s30 =	sld [smem:$0x0];
	_ =	sdelay $0x2  }
0xc6: {  	s31 =	sshll.u32 s1, $0xD;
	s1 =	sshrl.u32 s1, $0x2  }
0xc7: {  	s4 =	sand.u32 $0x4000, s31;
	s1 =	sadd.s32 s1, s30  }
0xc8: {  	s0 =	sor.u32 s4, s0;
	s1 =	sshll.u32 s1, $0x11  }
0xc9: {  	s0 =	sor.u32 s1, s0  }
0xca: {  	s0 =	sadd.s32 $0x8F2B, s0  }
0xcb: {  	[sflag:s0] =	ssyncadd.remote.s32 $0x1  }
0xcc: {  	_ =	sfence.sel $0xFFFF  }
0xcd: {  	[dreg:$0x0] =	wrdreg $0xFFFFFFFF;
	(pc) =	sbr.abs _section_cstart, $3  }
0xce: {  	[dreg:$0x1] =	wrdreg $0xFFFFFFFF  }
0xcf: {  	_ =	task.clear_ibuf [dreg:s22], $0x2FFFF;
	_ =	strace $0x9FFFFFFF  }
0xd0: {  	(tm) =	ssettm $0x7FFFFFFF  }
0xd1: {  	_ =	shalt  }
tec
execute0_lowered:
.L_overlay_start_1:
0x0: {  	(tag) =	ssettag $0x1  }
0x1: {  	s0 =	srdreg.scid  }
0x2: {  	s1 =	sand.u32 $0x1, s0  }
0x3: {  	s10 =	stileid.u32;
	s2 =	sshll.u32 s1, $0x4  }
0x4: {  	s4 =	rddreg [dreg:$0x0];
	s3 =	sor.u32 s10, s2;
	s2 =	simm.s32 $0x0  }
0x5: {  	s11 =	simm.s32 $0x1580;
	[smem:$0x7FF] =	sst s2  }
0x6: {  	s12 =	simm.s32 $0x100;
	_ =	strace $0x8000004A;
	[dreg:$0x4] =	wrdreg s11  }
0x7: {  	s13 =	simm.s32 $0x1D80;
	[dreg:$0x5] =	wrdreg s12  }
0x8: {  	s14 =	simm.s32 $0x180;
	[dreg:$0x6] =	wrdreg s13  }
0x9: {  	s15 =	simm.s32 $0x2580;
	[dreg:$0x7] =	wrdreg s14  }
0xa: {  	s16 =	simm.s32 $0x200;
	[dreg:$0x8] =	wrdreg s15  }
0xb: {  	s17 =	simm.s32 $0x2D80;
	[dreg:$0x9] =	wrdreg s16  }
0xc: {  	s18 =	simm.s32 $0x280;
	[dreg:$0xa] =	wrdreg s17  }
0xd: {  	s19 =	simm.s32 $0x3580;
	[dreg:$0xb] =	wrdreg s18  }
0xe: {  	s20 =	simm.s32 $0x300;
	[dreg:$0xc] =	wrdreg s19  }
0xf: {  	s21 =	simm.s32 $0x3D80;
	[dreg:$0xd] =	wrdreg s20  }
0x10: {  	s22 =	simm.s32 $0x380;
	[dreg:$0xe] =	wrdreg s21  }
0x11: {  	s23 =	simm.s32 $0x4580;
	[dreg:$0xf] =	wrdreg s22  }
0x12: {  	s24 =	simm.s32 $0x400;
	[dreg:$0x10] =	wrdreg s23  }
0x13: {  	s25 =	simm.s32 $0x4D80;
	[dreg:$0x11] =	wrdreg s24  }
0x14: {  	s26 =	simm.s32 $0x480;
	[dreg:$0x12] =	wrdreg s25  }
0x15: {  	s0 =	simm.s32 $0x5580;
	[dreg:$0x13] =	wrdreg s26  }
0x16: {  	s6 =	simm.s32 $0x5D80;
	[dreg:$0x14] =	wrdreg s0  }
0x17: {  	s7 =	simm.s32 $0x580;
	[dreg:$0x16] =	wrdreg s6  }
0x18: {  	s8 =	simm.s32 $0x6580;
	[dreg:$0x17] =	wrdreg s7  }
0x19: {  	s9 =	simm.s32 $0x600;
	[dreg:$0x18] =	wrdreg s8  }
0x1a: {  	s10 =	simm.s32 $0x6D80;
	[dreg:$0x19] =	wrdreg s9  }
0x1b: {  	[dreg:$0x1a] =	wrdreg s10;
	s11 =	simm.s32 $0x680  }
0x1c: {  	s12 =	simm.s32 $0x7580;
	[dreg:$0x1b] =	wrdreg s11  }
0x1d: {  	s5 =	smul.u32 $0x1B0, s3;
	s13 =	simm.s32 $0x700;
	[dreg:$0x1c] =	wrdreg s12  }
0x1e: {  	s3 =	smul.u32 $0x1B00, s3;
	s14 =	simm.s32 $0x7D80;
	[dreg:$0x1d] =	wrdreg s13  }
0x1f: {  	s6 =	simm.s32 $0x780;
	s5 =	sadd.s32 s5, s4;
	[dreg:$0x1e] =	wrdreg s14  }
0x20: {  	s3 =	sadd.s32 s3, s4;
	[dreg:$0x1f] =	wrdreg s6;
	s5 =	sadd.s32 $0x11A00, s5  }
0x21: {  	s3 =	sadd.s32 $0x15000, s3;
	[dreg:$0x2] =	wrdreg s5  }
0x22: {  	[dreg:$0x3] =	wrdreg s3;
	s5 =	simm.s32 $0x500  }
0x23: {  	[dreg:$0x15] =	wrdreg s5  }
0x24: {  	s3 =	simm.s32 $0x2;
	s5 =	rddreg [dreg:$0x2]  }
0x25: {  	[tilespmem:s2], [sflag:$0x2] =	stream.linear.gather [hbm4b:s5+s2], $0xD80, $0x38;
	[tilespmem:$0xE580] =	vst v63  }
0x26: {  	_ =	swait.ge [sflag:s3], $0xD80  }
0x27: {  	s7 =	rddreg [dreg:$0x7]  }
0x28: {  	s8 =	rddreg [dreg:$0xa]  }
0x29: {  	s9 =	rddreg [dreg:$0xc]  }
0x2a: {  	s6 =	simm.s32 $0x80;
	s10 =	rddreg [dreg:$0x5]  }
0x2b: {  	s5 =	sadd.s32 $0x3000, s4;
	[sflag:s3] =	ssyncset.done $0x0;
	s11 =	rddreg [dreg:$0x4]  }
0x2c: {  	s4 =	simm.s32 $0xD80;
	s12 =	rddreg [dreg:$0x6];
	[sflag:s3] =	ssyncadd.s32 $0xFFFFF280  }
0x2d: {  	[tilespmem:s4], [sflag:$0x1] =	stream.indirect.gather [hbm4b:s5+s6], $0x10, s2, s6, $0xb8;
	[tilespmem:$0xE580] =	vst v63  }
0x2e: {  	s13 =	rddreg [dreg:$0x8]  }
0x2f: {  	[tilespmem:s11], [sflag:$0x1] =	stream.indirect.gather [hbm4b:s5+s6], $0x10, s6, s6, $0xb8;
	[tilespmem:$0xE580] =	vst v63  }
0x30: {  	s14 =	rddreg [dreg:$0x9]  }
0x31: {  	[tilespmem:s12], [sflag:$0x1] =	stream.indirect.gather [hbm4b:s5+s6], $0x10, s10, s6, $0xb8;
	[tilespmem:$0xE580] =	vst v63  }
0x32: {  	s15 =	rddreg [dreg:$0xb]  }
0x33: {  	[tilespmem:s13], [sflag:$0x1] =	stream.indirect.gather [hbm4b:s5+s6], $0x10, s7, s6, $0xb8;
	[tilespmem:$0xE580] =	vst v63  }
0x34: {  	s16 =	rddreg [dreg:$0xe]  }
0x35: {  	[tilespmem:s8], [sflag:$0x1] =	stream.indirect.gather [hbm4b:s5+s6], $0x10, s14, s6, $0xb8;
	[tilespmem:$0xE580] =	vst v63  }
0x36: {  	s17 =	rddreg [dreg:$0xd]  }
0x37: {  	[tilespmem:s9], [sflag:$0x1] =	stream.indirect.gather [hbm4b:s5+s6], $0x10, s15, s6, $0xb8;
	[tilespmem:$0xE580] =	vst v63  }
0x38: {  	s18 =	rddreg [dreg:$0xf]  }
0x39: {  	[tilespmem:s16], [sflag:$0x1] =	stream.indirect.gather [hbm4b:s5+s6], $0x10, s17, s6, $0xb8;
	[tilespmem:$0xE580] =	vst v63  }
0x3a: {  	s19 =	rddreg [dreg:$0x10];
	s7 =	simm.s32 $0x1  }
0x3b: {  	[tilespmem:s19], [sflag:$0x1] =	stream.indirect.gather [hbm4b:s5+s6], $0x10, s18, s6, $0xb8;
	[tilespmem:$0xE580] =	vst v63  }
0x3c: {  	_ =	swait.ge [sflag:s7], $0x800  }
0x3d: {  	[sflag:s7] =	ssyncset.done $0x0  }
0x3e: {  	[sflag:s7] =	ssyncadd.s32 $0xFFFFF800  }
0x3f: {  	_ =	swait.ge [sflag:s7], $0x800  }
0x40: {  	[sflag:s7] =	ssyncset.done $0x0  }
0x41: {  	[sflag:s7] =	ssyncadd.s32 $0xFFFFF800  }
0x42: {  	_ =	swait.ge [sflag:s7], $0x800  }
0x43: {  	[sflag:s7] =	ssyncset.done $0x0  }
0x44: {  	[sflag:s7] =	ssyncadd.s32 $0xFFFFF800  }
0x45: {  	_ =	swait.ge [sflag:s7], $0x800  }
0x46: {  	[sflag:s7] =	ssyncset.done $0x0  }
0x47: {  	[sflag:s7] =	ssyncadd.s32 $0xFFFFF800  }
0x48: {  	_ =	swait.ge [sflag:s7], $0x800  }
0x49: {  	[sflag:s7] =	ssyncset.done $0x0  }
0x4a: {  	[sflag:s7] =	ssyncadd.s32 $0xFFFFF800  }
0x4b: {  	_ =	swait.ge [sflag:s7], $0x800  }
0x4c: {  	[sflag:s7] =	ssyncset.done $0x0  }
0x4d: {  	[sflag:s7] =	ssyncadd.s32 $0xFFFFF800  }
0x4e: {  	_ =	swait.ge [sflag:s7], $0x800  }
0x4f: {  	[sflag:s7] =	ssyncset.done $0x0  }
0x50: {  	[sflag:s7] =	ssyncadd.s32 $0xFFFFF800  }
0x51: {  	_ =	swait.ge [sflag:s7], $0x800  }
0x52: {  	s20 =	rddreg [dreg:$0x1e]  }
0x53: {  	s21 =	rddreg [dreg:$0x1c]  }
0x54: {  	s22 =	rddreg [dreg:$0x1a]  }
0x55: {  	s23 =	rddreg [dreg:$0x14]  }
0x56: {  	s24 =	rddreg [dreg:$0x13]  }
0x57: {  	s25 =	rddreg [dreg:$0x11]  }
0x58: {  	s26 =	rddreg [dreg:$0x12];
	[sflag:s7] =	ssyncset.done $0x0  }
0x59: {  	s15 =	rddreg [dreg:$0x16];
	[sflag:s7] =	ssyncadd.s32 $0xFFFFF800  }
0x5a: {  	[tilespmem:s26], [sflag:$0x1] =	stream.indirect.gather [hbm4b:s5+s6], $0x10, s25, s6, $0xb8;
	[tilespmem:$0xE580] =	vst v63  }
0x5b: {  	s16 =	rddreg [dreg:$0x15]  }
0x5c: {  	[tilespmem:s23], [sflag:$0x1] =	stream.indirect.gather [hbm4b:s5+s6], $0x10, s24, s6, $0xb8;
	[tilespmem:$0xE580] =	vst v63  }
0x5d: {  	s0 =	rddreg [dreg:$0x18]  }
0x5e: {  	[tilespmem:s15], [sflag:$0x1] =	stream.indirect.gather [hbm4b:s5+s6], $0x10, s16, s6, $0xb8;
	[tilespmem:$0xE580] =	vst v63  }
0x5f: {  	s12 =	rddreg [dreg:$0x17]  }
0x60: {  	[tilespmem:s0], [sflag:$0x1] =	stream.indirect.gather [hbm4b:s5+s6], $0x10, s12, s6, $0xb8;
	[tilespmem:$0xE580] =	vst v63  }
0x61: {  	s14 =	rddreg [dreg:$0x19]  }
0x62: {  	[tilespmem:s22], [sflag:$0x1] =	stream.indirect.gather [hbm4b:s5+s6], $0x10, s14, s6, $0xb8;
	[tilespmem:$0xE580] =	vst v63  }
0x63: {  	s15 =	rddreg [dreg:$0x1b]  }
0x64: {  	[tilespmem:s21], [sflag:$0x1] =	stream.indirect.gather [hbm4b:s5+s6], $0x10, s15, s6, $0xb8;
	[tilespmem:$0xE580] =	vst v63  }
0x65: {  	s16 =	rddreg [dreg:$0x1d]  }
0x66: {  	[tilespmem:s20], [sflag:$0x1] =	stream.indirect.gather [hbm4b:s5+s6], $0x10, s16, s6, $0xb8;
	[tilespmem:$0xE580] =	vst v63  }
0x67: {  	s18 =	simm.s32 $0x8580;
	s17 =	rddreg [dreg:$0x1f]  }
0x68: {  	[tilespmem:s18], [sflag:$0x1] =	stream.indirect.gather [hbm4b:s5+s6], $0x10, s17, s6, $0xb8;
	[tilespmem:$0xE580] =	vst v63  }
0x69: {  	_ =	swait.ge [sflag:s7], $0x800  }
0x6a: {  	[sflag:s7] =	ssyncset.done $0x0  }
0x6b: {  	[sflag:s7] =	ssyncadd.s32 $0xFFFFF800  }
0x6c: {  	_ =	swait.ge [sflag:s7], $0x800  }
0x6d: {  	[sflag:s7] =	ssyncset.done $0x0  }
0x6e: {  	[sflag:s7] =	ssyncadd.s32 $0xFFFFF800  }
0x6f: {  	_ =	swait.ge [sflag:s7], $0x800  }
0x70: {  	[sflag:s7] =	ssyncset.done $0x0  }
0x71: {  	[sflag:s7] =	ssyncadd.s32 $0xFFFFF800  }
0x72: {  	_ =	swait.ge [sflag:s7], $0x800  }
0x73: {  	[sflag:s7] =	ssyncset.done $0x0  }
0x74: {  	[sflag:s7] =	ssyncadd.s32 $0xFFFFF800  }
0x75: {  	_ =	swait.ge [sflag:s7], $0x800  }
0x76: {  	[sflag:s7] =	ssyncset.done $0x0  }
0x77: {  	[sflag:s7] =	ssyncadd.s32 $0xFFFFF800  }
0x78: {  	_ =	swait.ge [sflag:s7], $0x800  }
0x79: {  	[sflag:s7] =	ssyncset.done $0x0  }
0x7a: {  	[sflag:s7] =	ssyncadd.s32 $0xFFFFF800  }
0x7b: {  	_ =	swait.ge [sflag:s7], $0x800  }
0x7c: {  	[sflag:s7] =	ssyncset.done $0x0  }
0x7d: {  	[sflag:s7] =	ssyncadd.s32 $0xFFFFF800  }
0x7e: {  	_ =	swait.ge [sflag:s7], $0x800  }
0x7f: {  	[sflag:s7] =	ssyncset.done $0x0  }
0x80: {  	s19 =	simm.s32 $0x800;
	s20 =	simm.s32 $0x8D80;
	[sflag:s7] =	ssyncadd.s32 $0xFFFFF800  }
0x81: {  	[tilespmem:s20], [sflag:$0x1] =	stream.indirect.gather [hbm4b:s5+s6], $0x10, s19, s6, $0xb8;
	[tilespmem:$0xE580] =	vst v63  }
0x82: {  	s22 =	simm.s32 $0x9580;
	s21 =	simm.s32 $0x880  }
0x83: {  	[tilespmem:s22], [sflag:$0x1] =	stream.indirect.gather [hbm4b:s5+s6], $0x10, s21, s6, $0xb8;
	[tilespmem:$0xE580] =	vst v63  }
0x84: {  	s23 =	simm.s32 $0x900;
	s24 =	simm.s32 $0x9D80  }
0x85: {  	[tilespmem:s24], [sflag:$0x1] =	stream.indirect.gather [hbm4b:s5+s6], $0x10, s23, s6, $0xb8;
	[tilespmem:$0xE580] =	vst v63  }
0x86: {  	s25 =	simm.s32 $0x980;
	s26 =	simm.s32 $0xA580  }
0x87: {  	[tilespmem:s26], [sflag:$0x1] =	stream.indirect.gather [hbm4b:s5+s6], $0x10, s25, s6, $0xb8;
	[tilespmem:$0xE580] =	vst v63  }
0x88: {  	s17 =	simm.s32 $0xA00;
	s18 =	simm.s32 $0xAD80  }
0x89: {  	[tilespmem:s18], [sflag:$0x1] =	stream.indirect.gather [hbm4b:s5+s6], $0x10, s17, s6, $0xb8;
	[tilespmem:$0xE580] =	vst v63  }
0x8a: {  	s19 =	simm.s32 $0xA80;
	s20 =	simm.s32 $0xB580  }
0x8b: {  	[tilespmem:s20], [sflag:$0x1] =	stream.indirect.gather [hbm4b:s5+s6], $0x10, s19, s6, $0xb8;
	[tilespmem:$0xE580] =	vst v63  }
0x8c: {  	s21 =	simm.s32 $0xB00;
	s22 =	simm.s32 $0xBD80  }
0x8d: {  	[tilespmem:s22], [sflag:$0x1] =	stream.indirect.gather [hbm4b:s5+s6], $0x10, s21, s6, $0xb8;
	[tilespmem:$0xE580] =	vst v63  }
0x8e: {  	s23 =	simm.s32 $0xB80;
	s24 =	simm.s32 $0xC580  }
0x8f: {  	[tilespmem:s24], [sflag:$0x1] =	stream.indirect.gather [hbm4b:s5+s6], $0x10, s23, s6, $0xb8;
	[tilespmem:$0xE580] =	vst v63  }
0x90: {  	_ =	swait.ge [sflag:s7], $0x800  }
0x91: {  	[sflag:s7] =	ssyncset.done $0x0  }
0x92: {  	[sflag:s7] =	ssyncadd.s32 $0xFFFFF800  }
0x93: {  	_ =	swait.ge [sflag:s7], $0x800  }
0x94: {  	[sflag:s7] =	ssyncset.done $0x0  }
0x95: {  	[sflag:s7] =	ssyncadd.s32 $0xFFFFF800  }
0x96: {  	_ =	swait.ge [sflag:s7], $0x800  }
0x97: {  	[sflag:s7] =	ssyncset.done $0x0  }
0x98: {  	[sflag:s7] =	ssyncadd.s32 $0xFFFFF800  }
0x99: {  	_ =	swait.ge [sflag:s7], $0x800  }
0x9a: {  	[sflag:s7] =	ssyncset.done $0x0  }
0x9b: {  	[sflag:s7] =	ssyncadd.s32 $0xFFFFF800  }
0x9c: {  	_ =	swait.ge [sflag:s7], $0x800  }
0x9d: {  	[sflag:s7] =	ssyncset.done $0x0  }
0x9e: {  	[sflag:s7] =	ssyncadd.s32 $0xFFFFF800  }
0x9f: {  	_ =	swait.ge [sflag:s7], $0x800  }
0xa0: {  	[sflag:s7] =	ssyncset.done $0x0  }
0xa1: {  	[sflag:s7] =	ssyncadd.s32 $0xFFFFF800  }
0xa2: {  	s1 =	ssub.s32 $0x2, s1;
	_ =	swait.ge [sflag:s7], $0x800  }
0xa3: {  	s28 =	sshrl.u32 s1, $0x1;
	[sflag:s7] =	ssyncset.done $0x0  }
0xa4: {  	s1 =	ssub.s32 s1, s28;
	[sflag:s7] =	ssyncadd.s32 $0xFFFFF800  }
0xa5: {  	s1 =	smax.u32 s1, $0x1;
	_ =	swait.ge [sflag:s7], $0x800  }
0xa6: {  	p0 =	sne.s32 s1, $0x1;
	[sflag:s7] =	ssyncset.done $0x0  }
0xa7: {  	s25 =	simm.s32 $0xC00;
	s26 =	simm.s32 $0xCD80;
	[sflag:s7] =	ssyncadd.s32 $0xFFFFF800  }
0xa8: {  	[tilespmem:s26], [sflag:$0x1] =	stream.indirect.gather [hbm4b:s5+s6], $0x10, s25, s6, $0xb8;
	[tilespmem:$0xE580] =	vst v63  }
.Ltmp0:
0xa9: {  	_ = 	snop;
	(pc) =	sbr.rel @!p0 .LBB2_2-.Ltmp0, $4  }
0xaa: {  	s29 =	simm.s32 $0xD580;
	s28 =	simm.s32 $0xC80  }
0xab: {  	[tilespmem:s29], [sflag:$0x1] =	stream.indirect.gather [hbm4b:s5+s6], $0x10, s28, s6, $0xb8;
	[tilespmem:$0xE580] =	vst v63  }
0xac: {  	s30 =	simm.s32 $0xD00;
	s31 =	simm.s32 $0xDD80;
	s1 =	sadd.s32 $0xFFFFFFFF, s1  }
0xad: {  	[tilespmem:s31], [sflag:$0x1] =	stream.indirect.gather [hbm4b:s5+s6], $0x10, s30, s6, $0xb8;
	[tilespmem:$0xE580] =	vst v63  }
.LBB2_1:
0xae: {  	_ =	swait.ge [sflag:s7], $0x800  }
0xaf: {  	[sflag:s7] =	ssyncset.done $0x0  }
0xb0: {  	[sflag:s7] =	ssyncadd.s32 $0xFFFFF800  }
0xb1: {  	_ =	swait.ge [sflag:s7], $0x800  }
0xb2: {  	[sflag:s7] =	ssyncset.done $0x0  }
0xb3: {  	[sflag:s7] =	ssyncadd.s32 $0xFFFFF800  }
0xb4: {  	_ =	swait.ge [sflag:s7], $0x800  }
0xb5: {  	[sflag:s7] =	ssyncset.done $0x0  }
0xb6: {  	s0 =	rddreg [dreg:$0x3];
	[sflag:s7] =	ssyncadd.s32 $0xFFFFF800  }
0xb7: {  	[hbm4b:s0+s2] =	stream.linear.scatter [tilespmem:s4], [sflag:$0x2], $0xD800, $0x38;
	[tilespmem:$0xE580] =	vst v63  }
0xb8: {  	_ =	swait.ge [sflag:s3], $0xD800  }
0xb9: {  	[sflag:s3] =	ssyncset.done $0x0  }
0xba: {  	s15 =	rddreg [dreg:$0x2];
	[sflag:s3] =	ssyncadd.s32 $0xFFFF2800  }
0xbb: {  	[tilespmem:s2], [sflag:$0x2] =	stream.linear.gather [hbm4b:s15+s2], $0xD80, $0x38;
	[tilespmem:$0xE580] =	vst v63  }
0xbc: {  	_ =	swait.ge [sflag:s3], $0xD80  }
0xbd: {  	s16 =	rddreg [dreg:$0x7]  }
0xbe: {  	s8 =	rddreg [dreg:$0xa]  }
0xbf: {  	s9 =	rddreg [dreg:$0xc]  }
0xc0: {  	s10 =	rddreg [dreg:$0x5]  }
0xc1: {  	[sflag:s3] =	ssyncset.done $0x0;
	s11 =	rddreg [dreg:$0x4]  }
0xc2: {  	s12 =	rddreg [dreg:$0x6];
	[sflag:s3] =	ssyncadd.s32 $0xFFFFF280  }
0xc3: {  	[tilespmem:s4], [sflag:$0x1] =	stream.indirect.gather [hbm4b:s5+s6], $0x10, s2, s6, $0xb8;
	[tilespmem:$0xE580] =	vst v63  }
0xc4: {  	s13 =	rddreg [dreg:$0x8]  }
0xc5: {  	[tilespmem:s11], [sflag:$0x1] =	stream.indirect.gather [hbm4b:s5+s6], $0x10, s6, s6, $0xb8;
	[tilespmem:$0xE580] =	vst v63  }
0xc6: {  	s14 =	rddreg [dreg:$0x9]  }
0xc7: {  	[tilespmem:s12], [sflag:$0x1] =	stream.indirect.gather [hbm4b:s5+s6], $0x10, s10, s6, $0xb8;
	[tilespmem:$0xE580] =	vst v63  }
0xc8: {  	s15 =	rddreg [dreg:$0xe]  }
0xc9: {  	[tilespmem:s13], [sflag:$0x1] =	stream.indirect.gather [hbm4b:s5+s6], $0x10, s16, s6, $0xb8;
	[tilespmem:$0xE580] =	vst v63  }
0xca: {  	s11 =	rddreg [dreg:$0xb]  }
0xcb: {  	[tilespmem:s8], [sflag:$0x1] =	stream.indirect.gather [hbm4b:s5+s6], $0x10, s14, s6, $0xb8;
	[tilespmem:$0xE580] =	vst v63  }
0xcc: {  	s12 =	rddreg [dreg:$0xf]  }
0xcd: {  	[tilespmem:s9], [sflag:$0x1] =	stream.indirect.gather [hbm4b:s5+s6], $0x10, s11, s6, $0xb8;
	[tilespmem:$0xE580] =	vst v63  }
0xce: {  	s16 =	rddreg [dreg:$0xd]  }
0xcf: {  	[tilespmem:s15], [sflag:$0x1] =	stream.indirect.gather [hbm4b:s5+s6], $0x10, s16, s6, $0xb8;
	[tilespmem:$0xE580] =	vst v63  }
0xd0: {  	s13 =	rddreg [dreg:$0x10]  }
0xd1: {  	[tilespmem:s13], [sflag:$0x1] =	stream.indirect.gather [hbm4b:s5+s6], $0x10, s12, s6, $0xb8;
	[tilespmem:$0xE580] =	vst v63  }
0xd2: {  	_ =	swait.ge [sflag:s7], $0x800  }
0xd3: {  	[sflag:s7] =	ssyncset.done $0x0  }
0xd4: {  	[sflag:s7] =	ssyncadd.s32 $0xFFFFF800  }
0xd5: {  	_ =	swait.ge [sflag:s7], $0x800  }
0xd6: {  	[sflag:s7] =	ssyncset.done $0x0  }
0xd7: {  	[sflag:s7] =	ssyncadd.s32 $0xFFFFF800  }
0xd8: {  	_ =	swait.ge [sflag:s7], $0x800  }
0xd9: {  	[sflag:s7] =	ssyncset.done $0x0  }
0xda: {  	[sflag:s7] =	ssyncadd.s32 $0xFFFFF800  }
0xdb: {  	_ =	swait.ge [sflag:s7], $0x800  }
0xdc: {  	[sflag:s7] =	ssyncset.done $0x0  }
0xdd: {  	[sflag:s7] =	ssyncadd.s32 $0xFFFFF800  }
0xde: {  	_ =	swait.ge [sflag:s7], $0x800  }
0xdf: {  	[sflag:s7] =	ssyncset.done $0x0  }
0xe0: {  	[sflag:s7] =	ssyncadd.s32 $0xFFFFF800  }
0xe1: {  	_ =	swait.ge [sflag:s7], $0x800  }
0xe2: {  	[sflag:s7] =	ssyncset.done $0x0  }
0xe3: {  	[sflag:s7] =	ssyncadd.s32 $0xFFFFF800  }
0xe4: {  	_ =	swait.ge [sflag:s7], $0x800  }
0xe5: {  	[sflag:s7] =	ssyncset.done $0x0  }
0xe6: {  	[sflag:s7] =	ssyncadd.s32 $0xFFFFF800  }
0xe7: {  	_ =	swait.ge [sflag:s7], $0x800  }
0xe8: {  	s0 =	rddreg [dreg:$0x1e]  }
0xe9: {  	s8 =	rddreg [dreg:$0x1c]  }
0xea: {  	s9 =	rddreg [dreg:$0x1a]  }
0xeb: {  	s10 =	rddreg [dreg:$0x14]  }
0xec: {  	s11 =	rddreg [dreg:$0x13]  }
0xed: {  	s12 =	rddreg [dreg:$0x16]  }
0xee: {  	[sflag:s7] =	ssyncset.done $0x0;
	s13 =	rddreg [dreg:$0x11]  }
0xef: {  	s14 =	rddreg [dreg:$0x12];
	[sflag:s7] =	ssyncadd.s32 $0xFFFFF800  }
0xf0: {  	[tilespmem:s14], [sflag:$0x1] =	stream.indirect.gather [hbm4b:s5+s6], $0x10, s13, s6, $0xb8;
	[tilespmem:$0xE580] =	vst v63  }
0xf1: {  	s16 =	rddreg [dreg:$0x15]  }
0xf2: {  	[tilespmem:s10], [sflag:$0x1] =	stream.indirect.gather [hbm4b:s5+s6], $0x10, s11, s6, $0xb8;
	[tilespmem:$0xE580] =	vst v63  }
0xf3: {  	s14 =	rddreg [dreg:$0x18]  }
0xf4: {  	[tilespmem:s12], [sflag:$0x1] =	stream.indirect.gather [hbm4b:s5+s6], $0x10, s16, s6, $0xb8;
	[tilespmem:$0xE580] =	vst v63  }
0xf5: {  	s11 =	rddreg [dreg:$0x17]  }
0xf6: {  	[tilespmem:s14], [sflag:$0x1] =	stream.indirect.gather [hbm4b:s5+s6], $0x10, s11, s6, $0xb8;
	[tilespmem:$0xE580] =	vst v63  }
0xf7: {  	s12 =	rddreg [dreg:$0x19]  }
0xf8: {  	[tilespmem:s9], [sflag:$0x1] =	stream.indirect.gather [hbm4b:s5+s6], $0x10, s12, s6, $0xb8;
	[tilespmem:$0xE580] =	vst v63  }
0xf9: {  	s14 =	rddreg [dreg:$0x1b]  }
0xfa: {  	[tilespmem:s8], [sflag:$0x1] =	stream.indirect.gather [hbm4b:s5+s6], $0x10, s14, s6, $0xb8;
	[tilespmem:$0xE580] =	vst v63  }
0xfb: {  	s15 =	rddreg [dreg:$0x1d]  }
0xfc: {  	[tilespmem:s0], [sflag:$0x1] =	stream.indirect.gather [hbm4b:s5+s6], $0x10, s15, s6, $0xb8;
	[tilespmem:$0xE580] =	vst v63  }
0xfd: {  	s16 =	rddreg [dreg:$0x1f];
	s8 =	simm.s32 $0x8580  }
0xfe: {  	[tilespmem:s8], [sflag:$0x1] =	stream.indirect.gather [hbm4b:s5+s6], $0x10, s16, s6, $0xb8;
	[tilespmem:$0xE580] =	vst v63  }
0xff: {  	_ =	swait.ge [sflag:s7], $0x800  }
0x100: {  	[sflag:s7] =	ssyncset.done $0x0  }
0x101: {  	[sflag:s7] =	ssyncadd.s32 $0xFFFFF800  }
0x102: {  	_ =	swait.ge [sflag:s7], $0x800  }
0x103: {  	[sflag:s7] =	ssyncset.done $0x0  }
0x104: {  	[sflag:s7] =	ssyncadd.s32 $0xFFFFF800  }
0x105: {  	_ =	swait.ge [sflag:s7], $0x800  }
0x106: {  	[sflag:s7] =	ssyncset.done $0x0  }
0x107: {  	[sflag:s7] =	ssyncadd.s32 $0xFFFFF800  }
0x108: {  	_ =	swait.ge [sflag:s7], $0x800  }
0x109: {  	[sflag:s7] =	ssyncset.done $0x0  }
0x10a: {  	[sflag:s7] =	ssyncadd.s32 $0xFFFFF800  }
0x10b: {  	_ =	swait.ge [sflag:s7], $0x800  }
0x10c: {  	[sflag:s7] =	ssyncset.done $0x0  }
0x10d: {  	[sflag:s7] =	ssyncadd.s32 $0xFFFFF800  }
0x10e: {  	_ =	swait.ge [sflag:s7], $0x800  }
0x10f: {  	[sflag:s7] =	ssyncset.done $0x0  }
0x110: {  	[sflag:s7] =	ssyncadd.s32 $0xFFFFF800  }
0x111: {  	_ =	swait.ge [sflag:s7], $0x800  }
0x112: {  	[sflag:s7] =	ssyncset.done $0x0  }
0x113: {  	[sflag:s7] =	ssyncadd.s32 $0xFFFFF800  }
0x114: {  	_ =	swait.ge [sflag:s7], $0x800  }
0x115: {  	[sflag:s7] =	ssyncset.done $0x0  }
0x116: {  	s10 =	simm.s32 $0x8D80;
	s9 =	simm.s32 $0x800;
	[sflag:s7] =	ssyncadd.s32 $0xFFFFF800  }
0x117: {  	[tilespmem:s10], [sflag:$0x1] =	stream.indirect.gather [hbm4b:s5+s6], $0x10, s9, s6, $0xb8;
	[tilespmem:$0xE580] =	vst v63  }
0x118: {  	s11 =	simm.s32 $0x880;
	s12 =	simm.s32 $0x9580  }
0x119: {  	[tilespmem:s12], [sflag:$0x1] =	stream.indirect.gather [hbm4b:s5+s6], $0x10, s11, s6, $0xb8;
	[tilespmem:$0xE580] =	vst v63  }
0x11a: {  	s13 =	simm.s32 $0x900;
	s14 =	simm.s32 $0x9D80  }
0x11b: {  	[tilespmem:s14], [sflag:$0x1] =	stream.indirect.gather [hbm4b:s5+s6], $0x10, s13, s6, $0xb8;
	[tilespmem:$0xE580] =	vst v63  }
0x11c: {  	s15 =	simm.s32 $0x980;
	s16 =	simm.s32 $0xA580  }
0x11d: {  	[tilespmem:s16], [sflag:$0x1] =	stream.indirect.gather [hbm4b:s5+s6], $0x10, s15, s6, $0xb8;
	[tilespmem:$0xE580] =	vst v63  }
0x11e: {  	_ = 	snop  }
0x11f: {  	[tilespmem:s18], [sflag:$0x1] =	stream.indirect.gather [hbm4b:s5+s6], $0x10, s17, s6, $0xb8;
	[tilespmem:$0xE580] =	vst v63  }
0x120: {  	_ = 	snop  }
0x121: {  	[tilespmem:s20], [sflag:$0x1] =	stream.indirect.gather [hbm4b:s5+s6], $0x10, s19, s6, $0xb8;
	[tilespmem:$0xE580] =	vst v63  }
0x122: {  	_ = 	snop  }
0x123: {  	[tilespmem:s22], [sflag:$0x1] =	stream.indirect.gather [hbm4b:s5+s6], $0x10, s21, s6, $0xb8;
	[tilespmem:$0xE580] =	vst v63  }
0x124: {  	_ = 	snop  }
0x125: {  	[tilespmem:s24], [sflag:$0x1] =	stream.indirect.gather [hbm4b:s5+s6], $0x10, s23, s6, $0xb8;
	[tilespmem:$0xE580] =	vst v63  }
0x126: {  	_ =	swait.ge [sflag:s7], $0x800  }
0x127: {  	[sflag:s7] =	ssyncset.done $0x0  }
0x128: {  	[sflag:s7] =	ssyncadd.s32 $0xFFFFF800  }
0x129: {  	_ =	swait.ge [sflag:s7], $0x800  }
0x12a: {  	[sflag:s7] =	ssyncset.done $0x0  }
0x12b: {  	[sflag:s7] =	ssyncadd.s32 $0xFFFFF800  }
0x12c: {  	_ =	swait.ge [sflag:s7], $0x800  }
0x12d: {  	[sflag:s7] =	ssyncset.done $0x0  }
0x12e: {  	[sflag:s7] =	ssyncadd.s32 $0xFFFFF800  }
0x12f: {  	_ =	swait.ge [sflag:s7], $0x800  }
0x130: {  	[sflag:s7] =	ssyncset.done $0x0  }
0x131: {  	[sflag:s7] =	ssyncadd.s32 $0xFFFFF800  }
0x132: {  	_ =	swait.ge [sflag:s7], $0x800  }
0x133: {  	[sflag:s7] =	ssyncset.done $0x0  }
0x134: {  	[sflag:s7] =	ssyncadd.s32 $0xFFFFF800  }
0x135: {  	_ =	swait.ge [sflag:s7], $0x800  }
0x136: {  	[sflag:s7] =	ssyncset.done $0x0  }
0x137: {  	[sflag:s7] =	ssyncadd.s32 $0xFFFFF800  }
0x138: {  	_ =	swait.ge [sflag:s7], $0x800  }
0x139: {  	[sflag:s7] =	ssyncset.done $0x0  }
0x13a: {  	[sflag:s7] =	ssyncadd.s32 $0xFFFFF800  }
0x13b: {  	_ =	swait.ge [sflag:s7], $0x800  }
0x13c: {  	[sflag:s7] =	ssyncset.done $0x0  }
0x13d: {  	p0 =	sne.s32 s1, $0x1;
	[sflag:s7] =	ssyncadd.s32 $0xFFFFF800  }
0x13e: {  	[tilespmem:s26], [sflag:$0x1] =	stream.indirect.gather [hbm4b:s5+s6], $0x10, s25, s6, $0xb8;
	[tilespmem:$0xE580] =	vst v63  }
.Ltmp1:
0x13f: {  	_ = 	snop;
	(pc) =	sbr.rel @p0 .LBB2_1-.Ltmp1, $4  }
0x140: {  	_ = 	snop  }
0x141: {  	[tilespmem:s29], [sflag:$0x1] =	stream.indirect.gather [hbm4b:s5+s6], $0x10, s28, s6, $0xb8;
	[tilespmem:$0xE580] =	vst v63  }
0x142: {  	s1 =	sadd.s32 $0xFFFFFFFF, s1  }
0x143: {  	[tilespmem:s31], [sflag:$0x1] =	stream.indirect.gather [hbm4b:s5+s6], $0x10, s30, s6, $0xb8;
	[tilespmem:$0xE580] =	vst v63  }
.LBB2_2:
0x144: {  	_ =	swait.ge [sflag:s7], $0x800  }
0x145: {  	[sflag:s7] =	ssyncset.done $0x0  }
0x146: {  	[sflag:s7] =	ssyncadd.s32 $0xFFFFF800  }
0x147: {  	_ =	swait.ge [sflag:s7], $0x800  }
0x148: {  	[sflag:s7] =	ssyncset.done $0x0  }
0x149: {  	[sflag:s7] =	ssyncadd.s32 $0xFFFFF800  }
0x14a: {  	_ =	swait.ge [sflag:s7], $0x800  }
0x14b: {  	[sflag:s7] =	ssyncset.done $0x0  }
0x14c: {  	s0 =	rddreg [dreg:$0x3];
	[sflag:s7] =	ssyncadd.s32 $0xFFFFF800  }
0x14d: {  	[hbm4b:s0+s2] =	stream.linear.scatter [tilespmem:s4], [sflag:$0x2], $0xD800, $0x38;
	[tilespmem:$0xE580] =	vst v63  }
0x14e: {  	_ =	swait.ge [sflag:s3], $0xD800  }
0x14f: {  	[sflag:s3] =	ssyncset.done $0x0  }
0x150: {  	[sflag:s3] =	ssyncadd.s32 $0xFFFF2800  }
0x151: {  	_ =	sfence.sel $0x180000  }
0x152: {  	[bflag:$0x0] =	sbarrier.arrive $0xFFFF  }
0x153: {  	_ =	strace $0x9000004A  }
0x154: {  	s31 =	stileid.u32;
	[bflag:$0x2] =	sbarrier.arrive $0xFFFF  }
0x155: {  	p0 =	sne.s32 s31, $0x0;
	s0 =	rddreg [dreg:$0x1]  }
0x156: {  	s0 =	sadd.s32 @!p0 $0x100000, s0  }
0x157: {  	[sflag:s0] =	ssyncadd.tile.s32 @!p0 $0x1;
	_ =	shalt  }
.Lfunc_end2:
_tile_overlayer_lowered:
.L_overlay_start_2:
0x158: {  	(tag) =	ssettag $0x2  }
0x159: {  	s0 =	rddreg [dreg:$0x0];
	s2 =	stileid.u32  }
0x15a: {  	s1 =	rddreg [dreg:$0x1];
	p0 =	sne.s32 s2, $0x0  }
0x15b: {  	s3 =	rddreg [dreg:$0x2];
	[bflag:$0x3] =	sbarrier.arrive $0xFFFF;
	s2 =	simm.s32 @!p0 $0x1C02  }
0x15c: {  	[timem:s3], [sflag:s2] =	dma.local @!p0 [hbm:s0], s1  }
0x15d: {  	s0 =	simm.s32 @!p0 $0x2  }
0x15e: {  	_ =	swait.ge @!p0 [sflag:s0], s1  }
0x15f: {  	s1 =	ssub.s32 @!p0 $0x0, s1;
	[sflag:s0] =	ssyncset.done @!p0 $0x0  }
0x160: {  	[sflag:s0] =	ssyncadd.s32 @!p0 s1  }
0x161: {  	[bflag:$0x3] =	sbarrier.arrive $0xFFFF  }
0x162: {  	_ =	shalt  }

// kernel: kernel.19.cloned.1.call-start
scs
__scs_entry_jumppad:
0x0: {  	(pc) =	sbr.rel $0x88, $3  }
0x1: {  	(tag) =	ssettag $0x0;
	lr =	simm.s32 $0x1  }
0x2: {  	[smem:$0x3F90] =	sst lr;
	_ =	strace $0xD0000000  }
0x3: {  	_ = 	snop  }
0x4: {  	_ = 	snop  }
0x5: {  	_ = 	snop  }
0x6: {  	_ = 	snop  }
0x7: {  	_ = 	snop  }
__scs_overlays_trampoline_lowered:
0x8: {  	[smem:$0x3F9F] =	sst s0  }
0x9: {  	[smem:$0x3FA0] =	sst s1  }
0xa: {  	[smem:$0x3FA1] =	sst s2  }
0xb: {  	[smem:$0x3FA2] =	sst s3  }
0xc: {  	[smem:$0x3FA3] =	sst s4  }
0xd: {  	[smem:$0x3FA4] =	sst s5  }
0xe: {  	[smem:$0x3FA5] =	sst s6  }
0xf: {  	[smem:$0x3FA6] =	sst s7  }
0x10: {  	[smem:$0x3FA7] =	sst s8  }
0x11: {  	[smem:$0x3FA8] =	sst s9;
	s0 =	simm.s32 @!p0 $0x0  }
0x12: {  	s1 =	sld [smem:$0x3F8E];
	s0 =	simm.s32 @p0 $0x1  }
0x13: {  	[smem:$0x3FA9] =	sst s0;
	s0 =	simm.s32 @!p1 $0x0  }
0x14: {  	s2 =	sld [smem:$0x3F8D];
	s0 =	simm.s32 @p1 $0x1  }
0x15: {  	[smem:$0x3FAA] =	sst s0;
	s0 =	simm.s32 @!p2 $0x0  }
0x16: {  	s3 =	sld [smem:$0x3FDB];
	s0 =	simm.s32 @p2 $0x1  }
0x17: {  	s4 =	simm.s32 $0x1BF5;
	[smem:$0x3FAC] =	sst s0  }
0x18: {  	s0 =	sld [smem:$0x3F8F];
	_ =	swait.ge [sflag:s4], $0x0  }
0x19: {  	s7 =	sld [smem:$0x3F90]  }
0x1a: {  	s8 =	sadd.s32 $0xFFFFE003, lr  }
0x1b: {  	s9 =	sadd.s32 $0xFFFFFEF7, lr;
	s5 =	simm.s32 $0xFFFFFFFF;
	p2 =	slt.u32 s8, $0xFFFFF086  }
0x1c: {  	p1 =	slt.u32 s9, $0xF7A;
	s5 =	simm.s32 @!p2 $0x0  }
0x1d: {  	s5 =	simm.s32 @p1 $0x1;
	p0 =	seq.s32 s7, s2  }
0x1e: {  	s7 =	smul.u32 @!p0 $0xF7A, s2;
	p2 =	seq.s32 @!p0 s5, $0x0  }
0x1f: {  	s9 =	smul.u32 $0xF7A, s1;
	s8 =	simm.s32 @!p0 $0x1BF5;
	p2 =	por !p2, p0  }
0x20: {  	[sflag:s8] =	ssyncset.s32 @!p0 $0xFFFFF086;
	s6 =	sadd.s32 @!p0 s3, s7;
	s7 =	simm.s32 @!p0 $0x108  }
0x21: {  	s3 =	sadd.s32 s3, s9;
	s6 =	sadd.s32 @!p0 $0x88, s6;
	s7 =	simm.s32 @p2 $0x1082  }
0x22: {  	[simem:s7], [sflag:s8] =	dma.local @!p0 [hbm:s6], $0xF7A  }
0x23: {  	s9 =	sor.u32 $0xD0000000, s2;
	s6 =	simm.s32 $0x108;
	_ =	swait.ge @!p0 [sflag:s8], $0x0  }
0x24: {  	s3 =	sadd.s32 $0x88, s3;
	s6 =	simm.s32 @!p1 $0x1082;
	[sflag:s4] =	ssyncset.s32 $0xFFFFF086  }
0x25: {  	[simem:s6], [sflag:s4] =	dma.local [hbm:s3], $0xF7A  }
0x26: {  	[smem:$0x3F90] =	sst s1;
	(tag) =	ssettag s2;
	_ =	strace s9  }
0x27: {  	s1 =	sld [smem:$0x3FA0]  }
0x28: {  	s2 =	sld [smem:$0x3FA1]  }
0x29: {  	s4 =	sld [smem:$0x3FA3]  }
0x2a: {  	p0 =	seq.s32 s5, $0x0;
	s5 =	sld [smem:$0x3FA4]  }
0x2b: {  	s6 =	sld [smem:$0x3FA5]  }
0x2c: {  	s7 =	sld [smem:$0x3FA6]  }
0x2d: {  	s3 =	simm.s32 $0x108;
	s8 =	sld [smem:$0x3FA7]  }
0x2e: {  	s3 =	simm.s32 @!p0 $0x1082;
	s9 =	sld [smem:$0x3FA8]  }
0x2f: {  	lr =	sadd.s32 s0, s3;
	s0 =	sld [smem:$0x3F9F]  }
0x30: {  	s3 =	sld [smem:$0x3FA2]  }
0x31: {  	[smem:$0x3FAB] =	sst s10  }
0x32: {  	s10 =	sld [smem:$0x3FA9];
	_ =	sdelay $0x3  }
0x33: {  	p0 =	seq.s32 s10, $0x1;
	s10 =	sld [smem:$0x3FAB];
	_ =	sdelay $0x3  }
0x34: {  	[smem:$0x3FAB] =	sst s10  }
0x35: {  	s10 =	sld [smem:$0x3FAA];
	_ =	sdelay $0x3  }
0x36: {  	p1 =	seq.s32 s10, $0x1;
	s10 =	sld [smem:$0x3FAB];
	_ =	sdelay $0x3  }
0x37: {  	[smem:$0x3FAB] =	sst s10  }
0x38: {  	s10 =	sld [smem:$0x3FAC]  }
0x39: {  	_ = 	snop;
	(pc) =	sbr.ind lr, $3  }
0x3a: {  	_ = 	snop  }
0x3b: {  	_ = 	snop  }
0x3c: {  	p2 =	seq.s32 s10, $0x1;
	s10 =	sld [smem:$0x3FAB]  }
0x3d: {  	_ =	shalt  }
0x3e: {  	_ =	shalt  }
0x3f: {  	_ =	shalt  }
0x40: {  	_ =	shalt  }
0x41: {  	_ =	shalt  }
0x42: {  	_ =	shalt  }
0x43: {  	_ =	shalt  }
0x44: {  	_ =	shalt  }
0x45: {  	_ =	shalt  }
0x46: {  	_ =	shalt  }
0x47: {  	_ =	shalt  }
0x48: {  	_ =	shalt  }
0x49: {  	_ =	shalt  }
0x4a: {  	_ =	shalt  }
0x4b: {  	_ =	shalt  }
0x4c: {  	_ =	shalt  }
0x4d: {  	_ =	shalt  }
0x4e: {  	_ =	shalt  }
0x4f: {  	_ =	shalt  }
0x50: {  	_ =	shalt  }
0x51: {  	_ =	shalt  }
0x52: {  	_ =	shalt  }
0x53: {  	_ =	shalt  }
0x54: {  	_ =	shalt  }
0x55: {  	_ =	shalt  }
0x56: {  	_ =	shalt  }
0x57: {  	_ =	shalt  }
0x58: {  	_ =	shalt  }
0x59: {  	_ =	shalt  }
0x5a: {  	_ =	shalt  }
0x5b: {  	_ =	shalt  }
0x5c: {  	_ =	shalt  }
0x5d: {  	_ =	shalt  }
0x5e: {  	_ =	shalt  }
0x5f: {  	_ =	shalt  }
0x60: {  	_ =	shalt  }
0x61: {  	_ =	shalt  }
0x62: {  	_ =	shalt  }
0x63: {  	_ =	shalt  }
0x64: {  	_ =	shalt  }
0x65: {  	_ =	shalt  }
0x66: {  	_ =	shalt  }
0x67: {  	_ =	shalt  }
0x68: {  	_ =	shalt  }
0x69: {  	_ =	shalt  }
0x6a: {  	_ =	shalt  }
0x6b: {  	_ =	shalt  }
0x6c: {  	_ =	shalt  }
0x6d: {  	_ =	shalt  }
0x6e: {  	_ =	shalt  }
0x6f: {  	_ =	shalt  }
0x70: {  	_ =	shalt  }
0x71: {  	_ =	shalt  }
0x72: {  	_ =	shalt  }
0x73: {  	_ =	shalt  }
0x74: {  	_ =	shalt  }
0x75: {  	_ =	shalt  }
0x76: {  	_ =	shalt  }
0x77: {  	_ =	shalt  }
0x78: {  	_ =	shalt  }
0x79: {  	_ =	shalt  }
0x7a: {  	_ =	shalt  }
0x7b: {  	_ =	shalt  }
0x7c: {  	_ =	shalt  }
0x7d: {  	_ =	shalt  }
0x7e: {  	_ =	shalt  }
0x7f: {  	_ =	shalt  }
0x80: {  	_ =	shalt  }
0x81: {  	_ =	shalt  }
0x82: {  	_ =	shalt  }
0x83: {  	_ =	shalt  }
0x84: {  	_ =	shalt  }
0x85: {  	_ =	shalt  }
0x86: {  	_ =	shalt  }
0x87: {  	_ =	shalt  }
.Lfunc_end0:
.L_simem_size_0:
called_computation.1_lowered:
.L_overlay_start_0:
0x88: {  	s2 =	sld [smem:$0x3FD9]  }
0x89: {  	s3 =	sld [smem:$0x3FFE];
	_ =	sdelay $0x1  }
0x8a: {  	s1 =	srdreg.scid  }
0x8b: {  	s0 =	sand.u32 $0x1, s1  }
0x8c: {  	s16 =	sshll.u32 s0, $0xA;
	s2 =	sadd.s32 s3, s2  }
0x8d: {  	s2 =	sadd.s32 s2, s16  }
0x8e: {  	[smem:$0x3FB7] =	sst s2  }
0x8f: {  	_ = 	snop  }
0x90: {  	(tm) =	ssettm $0x1  }
0x91: {  	s17 =	sld [smem:$0x3FFB];
	_ =	sdelay $0x3  }
0x92: {  	_ =	strace s17  }
0x93: {  	s2 =	sld [smem:$0x3FFC];
	_ =	sdelay $0x3  }
0x94: {  	_ =	strace s2  }
0x95: {  	s2 =	sld [smem:$0x3FFD];
	_ =	sdelay $0x3  }
0x96: {  	_ =	strace s2  }
0x97: {  	_ =	strace $0x8FFFFFFF  }
0x98: {  	s18 =	sld [smem:$0x3FDB];
	_ =	sdelay $0x1  }
0x99: {  	s19 =	simm.s32 $_scs_section_size  }
0x9a: {  	s4 =	simm.s32 $_size__tile_overlayer_lowered;
	s5 =	simm.s32 $_tile_overlayer_lowered  }
0x9b: {  	s22 =	simm.s32 $0x1BFF;
	s21 =	sshll.u32 s5, $0x1;
	s2 =	sadd.s32 s19, s18  }
0x9c: {  	s6 =	simm.s32 $0x0;
	s20 =	sshll.u32 s4, $0x1;
	s4 =	sadd.s32 s21, s2  }
0x9d: {  	[timem:s6], [sflag:s22] =	dma.local [hbm:s4], s20  }
0x9e: {  	_ =	swait.ge [sflag:s22], s20  }
0x9f: {  	s3 =	ssub.s32 $0x0, s20;
	[sflag:s22] =	ssyncset.done $0x0  }
0xa0: {  	[sflag:s22] =	ssyncadd.s32 s3;
	_ =	sdelay $0x1  }
0xa1: {  	s23 =	simm.s32 $0x1B8B  }
0xa2: {  	_ =	swait.ge [sflag:s23], $0x1  }
0xa3: {  	[sflag:s23] =	ssyncset.done $0x0  }
0xa4: {  	s25 =	simm.s32 $0x1B8E;
	s24 =	sld [smem:$0x3FFE];
	[sflag:s23] =	ssyncadd.s32 $0xFFFFFFFF  }
0xa5: {  	s26 =	simm.s32 $execute0_lowered;
	[smem:$0x3FD2] =	sst s25  }
0xa6: {  	s4 =	sshll.u32 s26, $0x1;
	_ =	strace $0x80000046;
	[dreg:$0x1] =	wrdreg $0xFFFFFFFF  }
0xa7: {  	s28 =	simm.s32 $_size_execute0_lowered;
	s2 =	sadd.s32 s2, s4;
	[dreg:$0x0] =	wrdreg $0x0  }
0xa8: {  	s4 =	sshll.u32 s28, $0x1;
	[dreg:$0x2] =	wrdreg s2  }
0xa9: {  	[dreg:$0x3] =	wrdreg s4  }
0xaa: {  	[dreg:$0x4] =	wrdreg $0xC0  }
0xab: {  	_ =	task [dreg:s6], $0x5FFFF  }
0xac: {  	[dreg:$0x1] =	wrdreg $0xFFFFFFFF  }
0xad: {  	[dreg:$0x0] =	wrdreg $0x60  }
0xae: {  	[dreg:$0x2] =	wrdreg s24  }
0xaf: {  	[dreg:$0x3] =	wrdreg $0xA  }
0xb0: {  	_ =	task.clear_ibuf [dreg:s6], $0x4FFFF;
	_ =	strace $0x90000046  }
0xb1: {  	s29 =	simm.s32 $0xA;
	_ =	strace $0x80000048  }
0xb2: {  	_ =	swait.ge [sflag:s29], $0x1  }
0xb3: {  	[sflag:s29] =	ssyncadd.s32 $0xFFFFFFFF  }
0xb4: {  	_ =	strace $0x90000048  }
0xb5: {  	_ =	sfence  }
0xb6: {  	s30 =	sld [smem:$0x0];
	_ =	sdelay $0x2  }
0xb7: {  	s31 =	sshll.u32 s1, $0xD;
	s1 =	sshrl.u32 s1, $0x2  }
0xb8: {  	s3 =	sand.u32 $0x4000, s31;
	s1 =	sadd.s32 s1, s30  }
0xb9: {  	s0 =	sor.u32 s3, s0;
	s1 =	sshll.u32 s1, $0x11  }
0xba: {  	s0 =	sor.u32 s1, s0  }
0xbb: {  	s0 =	sadd.s32 $0x8F2B, s0  }
0xbc: {  	[sflag:s0] =	ssyncadd.remote.s32 $0x1  }
0xbd: {  	_ =	sfence.sel $0xFFFF  }
0xbe: {  	[dreg:$0x0] =	wrdreg $0xFFFFFFFF;
	(pc) =	sbr.abs _section_cstart, $3  }
0xbf: {  	[dreg:$0x1] =	wrdreg $0xFFFFFFFF  }
0xc0: {  	_ =	task.clear_ibuf [dreg:s6], $0x2FFFF;
	_ =	strace $0x9FFFFFFF  }
0xc1: {  	(tm) =	ssettm $0x7FFFFFFF  }
tec
execute0_lowered:
.L_overlay_start_1:
0x0: {  	(tag) =	ssettag $0x1  }
0x1: {  	s0 =	srdreg.scid  }
0x2: {  	s16 =	sand.u32 $0x1, s0  }
0x3: {  	s0 =	stileid.u32;
	s1 =	sshll.u32 s16, $0x4  }
0x4: {  	s17 =	sor.u32 s0, s1  }
0x5: {  	s18 =	rddreg [dreg:$0x0];
	s2 =	simm.s32 $0x0;
	s3 =	smul.u32 $0x50, s17  }
0x6: {  	[smem:$0x7FF] =	sst s2  }
0x7: {  	s1 =	rddreg [dreg:$0x1];
	s3 =	sadd.s32 s3, s18  }
0x8: {  	_ =	strace $0x80000047;
	s4 =	sadd.s32 $0x7000, s3;
	s3 =	simm.s32 $0x2  }
0x9: {  	[tilespmem:s2], [sflag:$0x2] =	stream.linear.gather [hbm4b:s4+s2], $0x280, $0x38;
	[tilespmem:$0x2A80] =	vst v63  }
0xa: {  	_ =	swait.ge [sflag:s3], $0x280  }
0xb: {  	s6 =	simm.s32 $0x80;
	[sflag:s3] =	ssyncset.done $0x0  }
0xc: {  	s7 =	simm.s32 $0x280;
	s5 =	sadd.s32 $0x3000, s18;
	[sflag:s3] =	ssyncadd.s32 $0xFFFFFD80  }
0xd: {  	[tilespmem:s7], [sflag:$0x1] =	stream.indirect.gather [hbm4b:s5+s6], $0x10, s2, s6, $0xb8;
	[tilespmem:$0x2A80] =	vst v63  }
0xe: {  	s8 =	simm.s32 $0xA80  }
0xf: {  	[tilespmem:s8], [sflag:$0x1] =	stream.indirect.gather [hbm4b:s5+s6], $0x10, s6, s6, $0xb8;
	[tilespmem:$0x2A80] =	vst v63  }
0x10: {  	s9 =	simm.s32 $0x100;
	s10 =	simm.s32 $0x1280  }
0x11: {  	[tilespmem:s10], [sflag:$0x1] =	stream.indirect.gather [hbm4b:s5+s6], $0x10, s9, s6, $0xb8;
	[tilespmem:$0x2A80] =	vst v63  }
0x12: {  	s11 =	simm.s32 $0x180;
	s12 =	simm.s32 $0x1A80  }
0x13: {  	[tilespmem:s12], [sflag:$0x1] =	stream.indirect.gather [hbm4b:s5+s6], $0x10, s11, s6, $0xb8;
	[tilespmem:$0x2A80] =	vst v63  }
0x14: {  	s13 =	simm.s32 $0x200;
	s14 =	simm.s32 $0x2280;
	s15 =	simm.s32 $0x1  }
0x15: {  	[tilespmem:s14], [sflag:$0x1] =	stream.indirect.gather [hbm4b:s5+s6], $0x10, s13, s6, $0xb8;
	[tilespmem:$0x2A80] =	vst v63  }
0x16: {  	_ =	swait.ge [sflag:s15], $0x800  }
0x17: {  	[sflag:s15] =	ssyncset.done $0x0  }
0x18: {  	[sflag:s15] =	ssyncadd.s32 $0xFFFFF800  }
0x19: {  	_ =	swait.ge [sflag:s15], $0x800  }
0x1a: {  	[sflag:s15] =	ssyncset.done $0x0  }
0x1b: {  	[sflag:s15] =	ssyncadd.s32 $0xFFFFF800  }
0x1c: {  	_ =	swait.ge [sflag:s15], $0x800  }
0x1d: {  	[sflag:s15] =	ssyncset.done $0x0  }
0x1e: {  	s16 =	ssub.s32 $0x2, s16;
	[sflag:s15] =	ssyncadd.s32 $0xFFFFF800  }
0x1f: {  	s19 =	sshrl.u32 s16, $0x1;
	_ =	swait.ge [sflag:s15], $0x800  }
0x20: {  	s30 =	ssub.s32 s16, s19;
	[sflag:s15] =	ssyncset.done $0x0  }
0x21: {  	s17 =	smul.u32 $0x500, s17;
	s31 =	smax.u32 s30, $0x1;
	[sflag:s15] =	ssyncadd.s32 $0xFFFFF800  }
0x22: {  	p0 =	sne.s32 s31, $0x1;
	_ =	swait.ge [sflag:s15], $0x800  }
.Ltmp0:
0x23: {  	s17 =	sadd.s32 s17, s18;
	[sflag:s15] =	ssyncset.done $0x0;
	(pc) =	sbr.rel @!p0 .LBB2_2-.Ltmp0, $4  }
0x24: {  	s16 =	sadd.s32 $0x7A00, s17;
	[sflag:s15] =	ssyncadd.s32 $0xFFFFF800  }
0x25: {  	[hbm4b:s16+s2] =	stream.linear.scatter [tilespmem:s7], [sflag:$0x2], $0x2800, $0x38;
	[tilespmem:$0x2A80] =	vst v63  }
0x26: {  	_ =	swait.ge [sflag:s3], $0x2800  }
0x27: {  	s17 =	sadd.s32 $0xFFFFFFFF, s31;
	[sflag:s3] =	ssyncset.done $0x0  }
.LBB2_1:
0x28: {  	p0 =	sne.s32 s17, $0x1;
	s17 =	sadd.s32 $0xFFFFFFFF, s17;
	[sflag:s3] =	ssyncadd.s32 $0xFFFFD800  }
0x29: {  	[tilespmem:s2], [sflag:$0x2] =	stream.linear.gather [hbm4b:s4+s2], $0x280, $0x38;
	[tilespmem:$0x2A80] =	vst v63  }
0x2a: {  	_ =	swait.ge [sflag:s3], $0x280  }
0x2b: {  	[sflag:s3] =	ssyncset.done $0x0  }
0x2c: {  	[sflag:s3] =	ssyncadd.s32 $0xFFFFFD80  }
0x2d: {  	[tilespmem:s7], [sflag:$0x1] =	stream.indirect.gather [hbm4b:s5+s6], $0x10, s2, s6, $0xb8;
	[tilespmem:$0x2A80] =	vst v63  }
0x2e: {  	_ = 	snop  }
0x2f: {  	[tilespmem:s8], [sflag:$0x1] =	stream.indirect.gather [hbm4b:s5+s6], $0x10, s6, s6, $0xb8;
	[tilespmem:$0x2A80] =	vst v63  }
0x30: {  	_ = 	snop  }
0x31: {  	[tilespmem:s10], [sflag:$0x1] =	stream.indirect.gather [hbm4b:s5+s6], $0x10, s9, s6, $0xb8;
	[tilespmem:$0x2A80] =	vst v63  }
0x32: {  	_ = 	snop  }
0x33: {  	[tilespmem:s12], [sflag:$0x1] =	stream.indirect.gather [hbm4b:s5+s6], $0x10, s11, s6, $0xb8;
	[tilespmem:$0x2A80] =	vst v63  }
0x34: {  	_ = 	snop  }
0x35: {  	[tilespmem:s14], [sflag:$0x1] =	stream.indirect.gather [hbm4b:s5+s6], $0x10, s13, s6, $0xb8;
	[tilespmem:$0x2A80] =	vst v63  }
0x36: {  	_ =	swait.ge [sflag:s15], $0x800  }
0x37: {  	[sflag:s15] =	ssyncset.done $0x0  }
0x38: {  	[sflag:s15] =	ssyncadd.s32 $0xFFFFF800  }
0x39: {  	_ =	swait.ge [sflag:s15], $0x800  }
0x3a: {  	[sflag:s15] =	ssyncset.done $0x0  }
0x3b: {  	[sflag:s15] =	ssyncadd.s32 $0xFFFFF800  }
0x3c: {  	_ =	swait.ge [sflag:s15], $0x800  }
0x3d: {  	[sflag:s15] =	ssyncset.done $0x0  }
0x3e: {  	[sflag:s15] =	ssyncadd.s32 $0xFFFFF800  }
0x3f: {  	_ =	swait.ge [sflag:s15], $0x800  }
0x40: {  	[sflag:s15] =	ssyncset.done $0x0  }
0x41: {  	[sflag:s15] =	ssyncadd.s32 $0xFFFFF800  }
0x42: {  	_ =	swait.ge [sflag:s15], $0x800  }
.Ltmp1:
0x43: {  	[sflag:s15] =	ssyncset.done $0x0;
	(pc) =	sbr.rel @p0 .LBB2_1-.Ltmp1, $4  }
0x44: {  	[sflag:s15] =	ssyncadd.s32 $0xFFFFF800  }
0x45: {  	[hbm4b:s16+s2] =	stream.linear.scatter [tilespmem:s7], [sflag:$0x2], $0x2800, $0x38;
	[tilespmem:$0x2A80] =	vst v63  }
0x46: {  	_ =	swait.ge [sflag:s3], $0x2800  }
0x47: {  	[sflag:s3] =	ssyncset.done $0x0  }
.LBB2_2:
0x48: {  	[sflag:s3] =	ssyncadd.s32 $0xFFFFD800  }
0x49: {  	_ =	sfence.sel $0x180000  }
0x4a: {  	[bflag:$0x0] =	sbarrier.arrive $0xFFFF  }
0x4b: {  	p0 =	sne.s32 s0, $0x0;
	_ =	strace $0x90000047  }
0x4c: {  	s0 =	sadd.s32 @!p0 $0x100000, s1;
	[bflag:$0x2] =	sbarrier.arrive $0xFFFF  }
0x4d: {  	[sflag:s0] =	ssyncadd.tile.s32 @!p0 $0x1;
	_ =	shalt  }
.Lfunc_end2:
_tile_overlayer_lowered:
.L_overlay_start_2:
0x4e: {  	(tag) =	ssettag $0x2  }
0x4f: {  	s0 =	rddreg [dreg:$0x0];
	s2 =	stileid.u32  }
0x50: {  	s1 =	rddreg [dreg:$0x1];
	p0 =	sne.s32 s2, $0x0  }
0x51: {  	s3 =	rddreg [dreg:$0x2];
	[bflag:$0x3] =	sbarrier.arrive $0xFFFF;
	s2 =	simm.s32 @!p0 $0x1C02  }
0x52: {  	[timem:s3], [sflag:s2] =	dma.local @!p0 [hbm:s0], s1  }
0x53: {  	s0 =	simm.s32 @!p0 $0x2  }
0x54: {  	_ =	swait.ge @!p0 [sflag:s0], s1  }
0x55: {  	s1 =	ssub.s32 @!p0 $0x0, s1;
	[sflag:s0] =	ssyncset.done @!p0 $0x0  }
0x56: {  	[sflag:s0] =	ssyncadd.s32 @!p0 s1  }
0x57: {  	[bflag:$0x3] =	sbarrier.arrive $0xFFFF  }
0x58: {  	_ =	shalt  }

</sc_bundles>
